<compile_context>
chip_gen: v7x
topology: tpu7x:2x2x1
jax: 0.10.2.dev20260603
libtpu: 0.0.44.dev20260713+nightly
codegen_flags: <defaults>
</compile_context>

<pallas_src>
import functools

import jax
import jax.numpy as jnp
from jax import lax
from jax.experimental import pallas as pl
from jax.experimental.pallas import tpu as pltpu
from jax.experimental.pallas import tpu_sc as plsc

B, F, V, D, NSEEN = 16384, 26, 1000, 64, 20
T_ROWS = F * NSEEN
NC, NS = 2, 16
LANE = 128
DG = 8
B_PER_SC = B // NC
NCHUNK = B_PER_SC // (2 * LANE)


def _prep_body(xt_ref, emb_ref, w_ref, def_ref, cidxt_ref, t_ref):
    w = w_ref[...]
    t_ref[...] = w * emb_ref[...] + (1.0 - w) * def_ref[...]
    foff = lax.broadcasted_iota(jnp.int32, (F, B), 0) * NSEEN
    cidxt_ref[...] = xt_ref[...] + foff


def _prep(XT, emb20t, w20t, def20t):
    return pl.pallas_call(
        _prep_body,
        out_shape=[
            jax.ShapeDtypeStruct((F, B), jnp.int32),
            jax.ShapeDtypeStruct((D, T_ROWS), jnp.float32),
        ],
    )(XT, emb20t, w20t, def20t)


def _sc_body(t_hbm, cidxt_hbm, out_hbm, t_v, idx0, idx1, mini0, mini1,
             isem0, isem1, osem0, osem1, tsem):
    sid = lax.axis_index("s")
    cid = lax.axis_index("c")
    dgroup = sid % 8
    half = sid // 8
    drow = pl.multiple_of(dgroup * DG, DG)
    pltpu.async_copy(t_hbm, t_v, tsem).wait()

    idxs = (idx0, idx1)
    isems = (isem0, isem1)
    minis = (mini0, mini1)
    osems = (osem0, osem1)

    def b0_of(i):
        return pl.multiple_of(cid * B_PER_SC + (2 * i + half) * LANE, LANE)

    def fire_idx(i, slot):
        return pltpu.async_copy(
            cidxt_hbm.at[:, pl.ds(b0_of(i), LANE)], idxs[slot], isems[slot]
        )

    def wait_idx(i, slot):
        pltpu.make_async_copy(
            cidxt_hbm.at[:, pl.ds(b0_of(i), LANE)], idxs[slot], isems[slot]
        ).wait()

    dbase = drow * T_ROWS

    def compute(slot):
        idxv = idxs[slot]
        mini = minis[slot]
        doffs = [dbase + dd * T_ROWS for dd in range(DG)]

        @plsc.parallel_loop(0, F, 1, unroll=3)
        def f_body(f):
            for jb in range(LANE // 16):
                cvec = idxv[f, pl.ds(jb * 16, 16)]
                for dd in range(DG):
                    g = plsc.load_gather(t_v, [cvec + doffs[dd]])
                    mini[f, dd, pl.ds(jb * 16, 16)] = g

    def fire_out(i, slot):
        return pltpu.async_copy(
            minis[slot],
            out_hbm.at[:, pl.ds(drow, DG), pl.ds(b0_of(i), LANE)],
            osems[slot],
        )

    def wait_out(i, slot):
        pltpu.make_async_copy(
            minis[slot],
            out_hbm.at[:, pl.ds(drow, DG), pl.ds(b0_of(i), LANE)],
            osems[slot],
        ).wait()

    fire_idx(0, 0)

    def pair(p, carry):
        for slot in (0, 1):
            i = 2 * p + slot
            @pl.when(i + 1 < NCHUNK)
            def _():
                fire_idx(i + 1, 1 - slot)

            wait_idx(i, slot)
            @pl.when(i >= 2)
            def _():
                wait_out(i - 2, slot)

            compute(slot)
            fire_out(i, slot)
        return carry

    lax.fori_loop(0, NCHUNK // 2, pair, 0)
    wait_out(NCHUNK - 2, 0)
    wait_out(NCHUNK - 1, 1)


def _sc_gather(t_flat, cidxt):
    mesh = plsc.VectorSubcoreMesh(core_axis_name="c", subcore_axis_name="s")
    k = functools.partial(
        pl.kernel,
        mesh=mesh,
        out_type=jax.ShapeDtypeStruct((F, D, B), jnp.float32),
        scratch_types=[
            pltpu.VMEM((T_ROWS * D,), jnp.float32),
            pltpu.VMEM((F, LANE), jnp.int32),
            pltpu.VMEM((F, LANE), jnp.int32),
            pltpu.VMEM((F, DG, LANE), jnp.float32),
            pltpu.VMEM((F, DG, LANE), jnp.float32),
            pltpu.SemaphoreType.DMA,
            pltpu.SemaphoreType.DMA,
            pltpu.SemaphoreType.DMA,
            pltpu.SemaphoreType.DMA,
            pltpu.SemaphoreType.DMA,
        ],
        compiler_params=pltpu.CompilerParams(
            use_tc_tiling_on_sc=True, needs_layout_passes=False
        ),
    )(_sc_body)
    return k(t_flat, cidxt)


def kernel(X, emb_w, def_w, w_w):
    emb20t = emb_w[:, :NSEEN, :].reshape(T_ROWS, D).T
    w20t = jnp.broadcast_to(
        w_w[:, :NSEEN, :], (F, NSEEN, D)
    ).reshape(T_ROWS, D).T
    def20t = jnp.broadcast_to(
        def_w[:, None, :], (F, NSEEN, D)
    ).reshape(T_ROWS, D).T
    cidxt, table = _prep(X.T, emb20t, w20t, def20t)
    out = _sc_gather(table.reshape(D * T_ROWS), cidxt)
    return out.transpose(2, 0, 1)

# --- scband reference (transcript-rebuilt; emitter-appended) ---
"""Pipeline reference for scband-weighted-cat-embedding-11596411699221 (READ-ONLY COPY).

The authoritative reference and input builder live on the scoring server;
editing this copy changes nothing except your own understanding.
"""

import jax, jax.numpy as jnp
import numpy as np

B = 16384
F = 26
V = 1000
D = 64
NSEEN = 20
ALPHA = 20


def setup_inputs(seed: int = 0) -> dict:
    key = jax.random.key(seed)
    k1, k2, k3 = jax.random.split(key, 3)
    # categorical indices, one column per field; values in [0, NSEEN)
    X = jax.random.randint(k1, (B, F), 0, NSEEN, dtype=jnp.int32)
    # primary embedding tables: torch uses xavier_uniform on each [V, D] table
    bound = float(np.sqrt(6.0 / (V + D)))
    emb_w = jax.random.uniform(k2, (F, V, D), minval=-bound, maxval=bound, dtype=jnp.float32)
    # default embedding per field: nn.Embedding(1, D) default init is N(0, 1)
    def_w = jax.random.normal(k3, (F, D), dtype=jnp.float32)
    # weight tables built exactly like _from_summary: sorted(counts.items()) over
    # string keys, first value "0" != 0.0 so a leading [0] row is prepended, then
    # count/(count+alpha) per seen value (all counts == 100 here)
    w_row = np.concatenate([np.zeros(1), np.full(NSEEN, 100.0 / (100.0 + ALPHA))]).astype(np.float32)
    w_w = jnp.asarray(np.tile(w_row[None, :, None], (F, 1, 1)))  # [F, NSEEN+1, 1]
    return {"X": X, "emb_w": emb_w, "def_w": def_w, "w_w": w_w}


def reference(X, emb_w, def_w, w_w):
    # emb_primary = stack_i emb_layers[i](X[:, i])  -> [B, F, D]
    fidx = jnp.arange(F)[None, :]
    emb_primary = emb_w[fidx, X]            # gather per field -> [B, F, D]
    # tsr_weights = stack_i w_emb_layers[i](X[:, i]) -> [B, F, 1]
    w = w_w[fidx, X]                        # [B, F, 1]
    # emb_default = stack_i def_layers[i](zeros) -> broadcast [1, F, D]
    d = def_w[None, :, :]
    out = w * emb_primary + (1.0 - w) * d   # [B, F, D]; flatten_output=False
    return out

if __name__ == "__main__":
    import jax
    _d = setup_inputs()
    print(jax.jit(kernel)(*tuple(_d.values())))

</pallas_src>

<mosaic_0001>
#map = affine_map<(d0, d1) -> (0)>
#map1 = affine_map<(d0, d1) -> (0, 0)>
#map2 = affine_map<(d0, d1) -> (0, 0, 0)>
module attributes {stable_mosaic.version = 14 : i64} {
  func.func @_sc_body(%arg0: i32, %arg1: i32, %arg2: memref<33280xf32, #tpu.memory_space<hbm>>, %arg3: memref<26x16384xi32, #tpu.memory_space<hbm>>, %arg4: memref<26x64x16384xf32, #tpu.memory_space<hbm>>, %arg5: memref<33280xf32, #tpu.memory_space<vmem>>, %arg6: memref<26x128xi32, #tpu.memory_space<vmem>>, %arg7: memref<26x128xi32, #tpu.memory_space<vmem>>, %arg8: memref<26x8x128xf32, #tpu.memory_space<vmem>>, %arg9: memref<26x8x128xf32, #tpu.memory_space<vmem>>, %arg10: memref<!tpu.dma_semaphore, #tpu.memory_space<semaphore_mem>>, %arg11: memref<!tpu.dma_semaphore, #tpu.memory_space<semaphore_mem>>, %arg12: memref<!tpu.dma_semaphore, #tpu.memory_space<semaphore_mem>>, %arg13: memref<!tpu.dma_semaphore, #tpu.memory_space<semaphore_mem>>, %arg14: memref<!tpu.dma_semaphore, #tpu.memory_space<semaphore_mem>>) attributes {dimension_semantics = [#tpu.dimension_semantics<core_parallel>, #tpu.dimension_semantics<subcore_parallel>], iteration_bounds = array<i64: 2, 16>, scalar_prefetch = 0 : i64, scratch_operands = 10 : i64, tpu.core_type = #tpu.core_type<sc_vector_subcore>, window_params = [{transform_indices = #map}, {transform_indices = #map1}, {transform_indices = #map2}]} {
    %jit3A = arith.constant 8 : i32
    %eq3A = arith.constant 0 : i32
    %eq3A_0 = arith.cmpi eq, %jit3A, %eq3A : i32
    %jit3A_1 = arith.constant 1 : i32
    %select_n3A = arith.select %eq3A_0, %jit3A_1, %jit3A : i32
    %rem3A = arith.remsi %arg1, %select_n3A : i32
    %ne3A = arith.constant 0 : i32
    %ne3A_2 = arith.cmpi ne, %rem3A, %ne3A : i32
    %lt3A = arith.constant 0 : i32
    %lt3A_3 = arith.cmpi slt, %rem3A, %lt3A : i32
    %lt3A_4 = arith.constant 0 : i32
    %lt3A_5 = arith.cmpi slt, %select_n3A, %lt3A_4 : i32
    %ne3A_6 = arith.xori %lt3A_3, %lt3A_5 : i1
    %and3A = arith.andi %ne3A_6, %ne3A_2 : i1
    %add3A = arith.addi %rem3A, %select_n3A : i32
    %select_n3A_7 = arith.select %and3A, %add3A, %rem3A : i32
    %jit3A_8 = arith.constant 8 : i32
    %div3A = arith.divsi %arg1, %jit3A_8 : i32
    %sign3A = arith.constant 0 : i32
    %sign3A_9 = arith.cmpi sgt, %arg1, %sign3A : i32
    %sign3A_10 = arith.extui %sign3A_9 : i1 to i32
    %sign3A_11 = arith.constant 0 : i32
    %sign3A_12 = arith.cmpi slt, %arg1, %sign3A_11 : i32
    %sign3A_13 = arith.extui %sign3A_12 : i1 to i32
    %sign3A_14 = arith.subi %sign3A_10, %sign3A_13 : i32
    %sign3A_15 = arith.constant 0 : i32
    %sign3A_16 = arith.cmpi sgt, %jit3A_8, %sign3A_15 : i32
    %sign3A_17 = arith.extui %sign3A_16 : i1 to i32
    %sign3A_18 = arith.constant 0 : i32
    %sign3A_19 = arith.cmpi slt, %jit3A_8, %sign3A_18 : i32
    %sign3A_20 = arith.extui %sign3A_19 : i1 to i32
    %sign3A_21 = arith.subi %sign3A_17, %sign3A_20 : i32
    %ne3A_22 = arith.cmpi ne, %sign3A_14, %sign3A_21 : i32
    %rem3A_23 = arith.remsi %arg1, %jit3A_8 : i32
    %ne3A_24 = arith.constant 0 : i32
    %ne3A_25 = arith.cmpi ne, %rem3A_23, %ne3A_24 : i32
    %and3A_26 = arith.andi %ne3A_22, %ne3A_25 : i1
    %sub3A = arith.constant 1 : i32
    %sub3A_27 = arith.subi %div3A, %sub3A : i32
    %select_n3A_28 = arith.select %and3A_26, %sub3A_27, %div3A : i32
    %mul3A = arith.constant 8 : i32
    %mul3A_29 = arith.muli %select_n3A_7, %mul3A : i32
    %multiple_of3A = tpu.assume_multiple %mul3A_29, 8 : i32
    tpu.enqueue_dma source(%arg2 : memref<33280xf32, #tpu.memory_space<hbm>>) target(%arg5 : memref<33280xf32, #tpu.memory_space<vmem>>) target_semaphore(%arg14 : memref<!tpu.dma_semaphore, #tpu.memory_space<semaphore_mem>>)
    tpu.wait_dma2 semaphore(%arg14 : memref<!tpu.dma_semaphore, #tpu.memory_space<semaphore_mem>>) src(%arg2 : memref<33280xf32, #tpu.memory_space<hbm>>) dst(%arg5 : memref<33280xf32, #tpu.memory_space<vmem>>)
    %mul3A_30 = arith.constant 520 : i32
    %mul3A_31 = arith.muli %multiple_of3A, %mul3A_30 : i32
    %mul3A_32 = arith.constant 8192 : i32
    %mul3A_33 = arith.muli %arg0, %mul3A_32 : i32
    %add3A_34 = arith.constant 0 : i32
    %add3A_35 = arith.addi %add3A_34, %select_n3A_28 : i32
    %mul3A_36 = arith.constant 128 : i32
    %mul3A_37 = arith.muli %add3A_35, %mul3A_36 : i32
    %add3A_38 = arith.addi %mul3A_33, %mul3A_37 : i32
    %multiple_of3A_39 = tpu.assume_multiple %add3A_38, 128 : i32
    %dma_start3A = arith.constant 0 : i32
    %dma_start3A_40 = tpu.memref_slice %arg3[%dma_start3A, %multiple_of3A_39] : memref<26x16384xi32, #tpu.memory_space<hbm>> -> memref<26x128xi32, #tpu.memory_space<hbm>>
    %dma_start3A_41 = arith.constant 0 : i32
    %dma_start3A_42 = tpu.memref_slice %arg3[%dma_start3A_41, %multiple_of3A_39] : memref<26x16384xi32, #tpu.memory_space<hbm>> -> memref<26x128xi32, #tpu.memory_space<hbm>>
    tpu.enqueue_dma source(%dma_start3A_42 : memref<26x128xi32, #tpu.memory_space<hbm>>) target(%arg6 : memref<26x128xi32, #tpu.memory_space<vmem>>) target_semaphore(%arg10 : memref<!tpu.dma_semaphore, #tpu.memory_space<semaphore_mem>>)
    %scan3A = arith.constant 0 : i32
    %scan3A_43 = arith.constant 0 : i32
    %scan3A_44 = arith.constant 16 : i32
    %scan3A_45 = arith.addi %scan3A_43, %scan3A_44 : i32
    %scan3A_46 = arith.constant 1 : i32
    scf.for %scan3A_71 = %scan3A_43 to %scan3A_45 step %scan3A_46  : i32 {
      %mul3A_72 = arith.constant 2 : i32
      %mul3A_73 = arith.muli %mul3A_72, %scan3A_71 : i32
      %add3A_74 = arith.constant 0 : i32
      %add3A_75 = arith.addi %mul3A_73, %add3A_74 : i32
      %add3A_76 = arith.constant 1 : i32
      %add3A_77 = arith.addi %add3A_75, %add3A_76 : i32
      %lt3A_78 = arith.constant 32 : i32
      %lt3A_79 = arith.cmpi slt, %add3A_77, %lt3A_78 : i32
      %convert_element_type3A = arith.extui %lt3A_79 : i1 to i32
      %cond3A = arith.constant 0 : i32
      %cond3A_80 = arith.cmpi ne, %convert_element_type3A, %cond3A : i32
      scf.if %cond3A_80 {
        %add3A_190 = arith.constant 1 : i32
        %add3A_191 = arith.addi %add3A_75, %add3A_190 : i32
        %mul3A_192 = arith.constant 8192 : i32
        %mul3A_193 = arith.muli %arg0, %mul3A_192 : i32
        %mul3A_194 = arith.constant 2 : i32
        %mul3A_195 = arith.muli %mul3A_194, %add3A_191 : i32
        %add3A_196 = arith.addi %mul3A_195, %select_n3A_28 : i32
        %mul3A_197 = arith.constant 128 : i32
        %mul3A_198 = arith.muli %add3A_196, %mul3A_197 : i32
        %add3A_199 = arith.addi %mul3A_193, %mul3A_198 : i32
        %multiple_of3A_200 = tpu.assume_multiple %add3A_199, 128 : i32
        %dma_start3A_201 = arith.constant 0 : i32
        %dma_start3A_202 = tpu.memref_slice %arg3[%dma_start3A_201, %multiple_of3A_200] : memref<26x16384xi32, #tpu.memory_space<hbm>> -> memref<26x128xi32, #tpu.memory_space<hbm>>
        %dma_start3A_203 = arith.constant 0 : i32
        %dma_start3A_204 = tpu.memref_slice %arg3[%dma_start3A_203, %multiple_of3A_200] : memref<26x16384xi32, #tpu.memory_space<hbm>> -> memref<26x128xi32, #tpu.memory_space<hbm>>
        tpu.enqueue_dma source(%dma_start3A_204 : memref<26x128xi32, #tpu.memory_space<hbm>>) target(%arg7 : memref<26x128xi32, #tpu.memory_space<vmem>>) target_semaphore(%arg11 : memref<!tpu.dma_semaphore, #tpu.memory_space<semaphore_mem>>)
      } else {
      }
      %mul3A_81 = arith.constant 8192 : i32
      %mul3A_82 = arith.muli %arg0, %mul3A_81 : i32
      %mul3A_83 = arith.constant 2 : i32
      %mul3A_84 = arith.muli %mul3A_83, %add3A_75 : i32
      %add3A_85 = arith.addi %mul3A_84, %select_n3A_28 : i32
      %mul3A_86 = arith.constant 128 : i32
      %mul3A_87 = arith.muli %add3A_85, %mul3A_86 : i32
      %add3A_88 = arith.addi %mul3A_82, %mul3A_87 : i32
      %multiple_of3A_89 = tpu.assume_multiple %add3A_88, 128 : i32
      %dma_wait3A_90 = arith.constant 0 : i32
      %dma_wait3A_91 = tpu.memref_slice %arg3[%dma_wait3A_90, %multiple_of3A_89] : memref<26x16384xi32, #tpu.memory_space<hbm>> -> memref<26x128xi32, #tpu.memory_space<hbm>>
      %dma_wait3A_92 = arith.constant 0 : i32
      %dma_wait3A_93 = tpu.memref_slice %arg3[%dma_wait3A_92, %multiple_of3A_89] : memref<26x16384xi32, #tpu.memory_space<hbm>> -> memref<26x128xi32, #tpu.memory_space<hbm>>
      tpu.wait_dma2 semaphore(%arg10 : memref<!tpu.dma_semaphore, #tpu.memory_space<semaphore_mem>>) src(%dma_wait3A_93 : memref<26x128xi32, #tpu.memory_space<hbm>>) dst(%arg6 : memref<26x128xi32, #tpu.memory_space<vmem>>)
      %ge3A = arith.constant 2 : i32
      %ge3A_94 = arith.cmpi sge, %add3A_75, %ge3A : i32
      %convert_element_type3A_95 = arith.extui %ge3A_94 : i1 to i32
      %cond3A_96 = arith.constant 0 : i32
      %cond3A_97 = arith.cmpi ne, %convert_element_type3A_95, %cond3A_96 : i32
      scf.if %cond3A_97 {
        %sub3A_190 = arith.constant 2 : i32
        %sub3A_191 = arith.subi %add3A_75, %sub3A_190 : i32
        %mul3A_192 = arith.constant 8192 : i32
        %mul3A_193 = arith.muli %arg0, %mul3A_192 : i32
        %mul3A_194 = arith.constant 2 : i32
        %mul3A_195 = arith.muli %mul3A_194, %sub3A_191 : i32
        %add3A_196 = arith.addi %mul3A_195, %select_n3A_28 : i32
        %mul3A_197 = arith.constant 128 : i32
        %mul3A_198 = arith.muli %add3A_196, %mul3A_197 : i32
        %add3A_199 = arith.addi %mul3A_193, %mul3A_198 : i32
        %multiple_of3A_200 = tpu.assume_multiple %add3A_199, 128 : i32
        %dma_wait3A_201 = arith.constant 0 : i32
        %dma_wait3A_202 = tpu.memref_slice %arg4[%dma_wait3A_201, %multiple_of3A, %multiple_of3A_200] : memref<26x64x16384xf32, #tpu.memory_space<hbm>> -> memref<26x8x128xf32, #tpu.memory_space<hbm>>
        %dma_wait3A_203 = arith.constant 0 : i32
        %dma_wait3A_204 = tpu.memref_slice %arg4[%dma_wait3A_203, %multiple_of3A, %multiple_of3A_200] : memref<26x64x16384xf32, #tpu.memory_space<hbm>> -> memref<26x8x128xf32, #tpu.memory_space<hbm>>
        tpu.wait_dma2 semaphore(%arg12 : memref<!tpu.dma_semaphore, #tpu.memory_space<semaphore_mem>>) src(%arg8 : memref<26x8x128xf32, #tpu.memory_space<vmem>>) dst(%dma_wait3A_204 : memref<26x8x128xf32, #tpu.memory_space<hbm>>)
      } else {
      }
      %add3A_98 = arith.constant 0 : i32
      %add3A_99 = arith.addi %mul3A_31, %add3A_98 : i32
      %add3A_100 = arith.constant 520 : i32
      %add3A_101 = arith.addi %mul3A_31, %add3A_100 : i32
      %add3A_102 = arith.constant 1040 : i32
      %add3A_103 = arith.addi %mul3A_31, %add3A_102 : i32
      %add3A_104 = arith.constant 1560 : i32
      %add3A_105 = arith.addi %mul3A_31, %add3A_104 : i32
      %add3A_106 = arith.constant 2080 : i32
      %add3A_107 = arith.addi %mul3A_31, %add3A_106 : i32
      %add3A_108 = arith.constant 2600 : i32
      %add3A_109 = arith.addi %mul3A_31, %add3A_108 : i32
      %add3A_110 = arith.constant 3120 : i32
      %add3A_111 = arith.addi %mul3A_31, %add3A_110 : i32
      %add3A_112 = arith.constant 3640 : i32
      %add3A_113 = arith.addi %mul3A_31, %add3A_112 : i32
      %parallel_loop3A = arith.constant 0 : i32
      %parallel_loop3A_114 = arith.constant 26 : i32
      %parallel_loop3A_115 = arith.constant 1 : i32
      scf.for %parallel_loop3A_190 = %parallel_loop3A to %parallel_loop3A_114 step %parallel_loop3A_115  : i32 {
        %parallel_loop3A_191 = arith.index_cast %parallel_loop3A_190 : i32 to index
        %parallel_loop3A_192 = arith.constant 0 : index
        %parallel_loop3A_193 = tpu.vector_load %arg6[%parallel_loop3A_191, %parallel_loop3A_192] {strides = array<i32>} : memref<26x128xi32, #tpu.memory_space<vmem>>, vector<16xi32>,
        %parallel_loop3A_194 = vector.broadcast %add3A_99 : i32 to vector<16xi32>
        %parallel_loop3A_195 = arith.addi %parallel_loop3A_193, %parallel_loop3A_194 : vector<16xi32>
        %parallel_loop3A_196 = tpu.vector_load_idx %arg5[%parallel_loop3A_195] : memref<33280xf32, #tpu.memory_space<vmem>>[vector<16xi32>], vector<16xf32>,
        %parallel_loop3A_197 = arith.constant 0 : i32
        %parallel_loop3A_198 = arith.index_cast %parallel_loop3A_190 : i32 to index
        %parallel_loop3A_199 = arith.index_cast %parallel_loop3A_197 : i32 to index
        %parallel_loop3A_200 = arith.constant 0 : index
        %parallel_loop3A_201 = tpu.vector_load %arg8[%parallel_loop3A_198, %parallel_loop3A_199, %parallel_loop3A_200] {strides = array<i32>} : memref<26x8x128xf32, #tpu.memory_space<vmem>>, vector<16xf32>,
        tpu.vector_store %arg8[%parallel_loop3A_198, %parallel_loop3A_199, %parallel_loop3A_200], %parallel_loop3A_196 {strides = array<i32>} : memref<26x8x128xf32, #tpu.memory_space<vmem>>, vector<16xf32>,
        %parallel_loop3A_202 = vector.broadcast %add3A_101 : i32 to vector<16xi32>
        %parallel_loop3A_203 = arith.addi %parallel_loop3A_193, %parallel_loop3A_202 : vector<16xi32>
        %parallel_loop3A_204 = tpu.vector_load_idx %arg5[%parallel_loop3A_203] : memref<33280xf32, #tpu.memory_space<vmem>>[vector<16xi32>], vector<16xf32>,
        %parallel_loop3A_205 = arith.constant 1 : i32
        %parallel_loop3A_206 = arith.index_cast %parallel_loop3A_190 : i32 to index
        %parallel_loop3A_207 = arith.index_cast %parallel_loop3A_205 : i32 to index
        %parallel_loop3A_208 = arith.constant 0 : index
        %parallel_loop3A_209 = tpu.vector_load %arg8[%parallel_loop3A_206, %parallel_loop3A_207, %parallel_loop3A_208] {strides = array<i32>} : memref<26x8x128xf32, #tpu.memory_space<vmem>>, vector<16xf32>,
        tpu.vector_store %arg8[%parallel_loop3A_206, %parallel_loop3A_207, %parallel_loop3A_208], %parallel_loop3A_204 {strides = array<i32>} : memref<26x8x128xf32, #tpu.memory_space<vmem>>, vector<16xf32>,
        %parallel_loop3A_210 = vector.broadcast %add3A_103 : i32 to vector<16xi32>
        %parallel_loop3A_211 = arith.addi %parallel_loop3A_193, %parallel_loop3A_210 : vector<16xi32>
        %parallel_loop3A_212 = tpu.vector_load_idx %arg5[%parallel_loop3A_211] : memref<33280xf32, #tpu.memory_space<vmem>>[vector<16xi32>], vector<16xf32>,
        %parallel_loop3A_213 = arith.constant 2 : i32
        %parallel_loop3A_214 = arith.index_cast %parallel_loop3A_190 : i32 to index
        %parallel_loop3A_215 = arith.index_cast %parallel_loop3A_213 : i32 to index
        %parallel_loop3A_216 = arith.constant 0 : index
        %parallel_loop3A_217 = tpu.vector_load %arg8[%parallel_loop3A_214, %parallel_loop3A_215, %parallel_loop3A_216] {strides = array<i32>} : memref<26x8x128xf32, #tpu.memory_space<vmem>>, vector<16xf32>,
        tpu.vector_store %arg8[%parallel_loop3A_214, %parallel_loop3A_215, %parallel_loop3A_216], %parallel_loop3A_212 {strides = array<i32>} : memref<26x8x128xf32, #tpu.memory_space<vmem>>, vector<16xf32>,
        %parallel_loop3A_218 = vector.broadcast %add3A_105 : i32 to vector<16xi32>
        %parallel_loop3A_219 = arith.addi %parallel_loop3A_193, %parallel_loop3A_218 : vector<16xi32>
        %parallel_loop3A_220 = tpu.vector_load_idx %arg5[%parallel_loop3A_219] : memref<33280xf32, #tpu.memory_space<vmem>>[vector<16xi32>], vector<16xf32>,
        %parallel_loop3A_221 = arith.constant 3 : i32
        %parallel_loop3A_222 = arith.index_cast %parallel_loop3A_190 : i32 to index
        %parallel_loop3A_223 = arith.index_cast %parallel_loop3A_221 : i32 to index
        %parallel_loop3A_224 = arith.constant 0 : index
        %parallel_loop3A_225 = tpu.vector_load %arg8[%parallel_loop3A_222, %parallel_loop3A_223, %parallel_loop3A_224] {strides = array<i32>} : memref<26x8x128xf32, #tpu.memory_space<vmem>>, vector<16xf32>,
        tpu.vector_store %arg8[%parallel_loop3A_222, %parallel_loop3A_223, %parallel_loop3A_224], %parallel_loop3A_220 {strides = array<i32>} : memref<26x8x128xf32, #tpu.memory_space<vmem>>, vector<16xf32>,
        %parallel_loop3A_226 = vector.broadcast %add3A_107 : i32 to vector<16xi32>
        %parallel_loop3A_227 = arith.addi %parallel_loop3A_193, %parallel_loop3A_226 : vector<16xi32>
        %parallel_loop3A_228 = tpu.vector_load_idx %arg5[%parallel_loop3A_227] : memref<33280xf32, #tpu.memory_space<vmem>>[vector<16xi32>], vector<16xf32>,
        %parallel_loop3A_229 = arith.constant 4 : i32
        %parallel_loop3A_230 = arith.index_cast %parallel_loop3A_190 : i32 to index
        %parallel_loop3A_231 = arith.index_cast %parallel_loop3A_229 : i32 to index
        %parallel_loop3A_232 = arith.constant 0 : index
        %parallel_loop3A_233 = tpu.vector_load %arg8[%parallel_loop3A_230, %parallel_loop3A_231, %parallel_loop3A_232] {strides = array<i32>} : memref<26x8x128xf32, #tpu.memory_space<vmem>>, vector<16xf32>,
        tpu.vector_store %arg8[%parallel_loop3A_230, %parallel_loop3A_231, %parallel_loop3A_232], %parallel_loop3A_228 {strides = array<i32>} : memref<26x8x128xf32, #tpu.memory_space<vmem>>, vector<16xf32>,
        %parallel_loop3A_234 = vector.broadcast %add3A_109 : i32 to vector<16xi32>
        %parallel_loop3A_235 = arith.addi %parallel_loop3A_193, %parallel_loop3A_234 : vector<16xi32>
        %parallel_loop3A_236 = tpu.vector_load_idx %arg5[%parallel_loop3A_235] : memref<33280xf32, #tpu.memory_space<vmem>>[vector<16xi32>], vector<16xf32>,
        %parallel_loop3A_237 = arith.constant 5 : i32
        %parallel_loop3A_238 = arith.index_cast %parallel_loop3A_190 : i32 to index
        %parallel_loop3A_239 = arith.index_cast %parallel_loop3A_237 : i32 to index
        %parallel_loop3A_240 = arith.constant 0 : index
        %parallel_loop3A_241 = tpu.vector_load %arg8[%parallel_loop3A_238, %parallel_loop3A_239, %parallel_loop3A_240] {strides = array<i32>} : memref<26x8x128xf32, #tpu.memory_space<vmem>>, vector<16xf32>,
        tpu.vector_store %arg8[%parallel_loop3A_238, %parallel_loop3A_239, %parallel_loop3A_240], %parallel_loop3A_236 {strides = array<i32>} : memref<26x8x128xf32, #tpu.memory_space<vmem>>, vector<16xf32>,
        %parallel_loop3A_242 = vector.broadcast %add3A_111 : i32 to vector<16xi32>
        %parallel_loop3A_243 = arith.addi %parallel_loop3A_193, %parallel_loop3A_242 : vector<16xi32>
        %parallel_loop3A_244 = tpu.vector_load_idx %arg5[%parallel_loop3A_243] : memref<33280xf32, #tpu.memory_space<vmem>>[vector<16xi32>], vector<16xf32>,
        %parallel_loop3A_245 = arith.constant 6 : i32
        %parallel_loop3A_246 = arith.index_cast %parallel_loop3A_190 : i32 to index
        %parallel_loop3A_247 = arith.index_cast %parallel_loop3A_245 : i32 to index
        %parallel_loop3A_248 = arith.constant 0 : index
        %parallel_loop3A_249 = tpu.vector_load %arg8[%parallel_loop3A_246, %parallel_loop3A_247, %parallel_loop3A_248] {strides = array<i32>} : memref<26x8x128xf32, #tpu.memory_space<vmem>>, vector<16xf32>,
        tpu.vector_store %arg8[%parallel_loop3A_246, %parallel_loop3A_247, %parallel_loop3A_248], %parallel_loop3A_244 {strides = array<i32>} : memref<26x8x128xf32, #tpu.memory_space<vmem>>, vector<16xf32>,
        %parallel_loop3A_250 = vector.broadcast %add3A_113 : i32 to vector<16xi32>
        %parallel_loop3A_251 = arith.addi %parallel_loop3A_193, %parallel_loop3A_250 : vector<16xi32>
        %parallel_loop3A_252 = tpu.vector_load_idx %arg5[%parallel_loop3A_251] : memref<33280xf32, #tpu.memory_space<vmem>>[vector<16xi32>], vector<16xf32>,
        %parallel_loop3A_253 = arith.constant 7 : i32
        %parallel_loop3A_254 = arith.index_cast %parallel_loop3A_190 : i32 to index
        %parallel_loop3A_255 = arith.index_cast %parallel_loop3A_253 : i32 to index
        %parallel_loop3A_256 = arith.constant 0 : index
        %parallel_loop3A_257 = tpu.vector_load %arg8[%parallel_loop3A_254, %parallel_loop3A_255, %parallel_loop3A_256] {strides = array<i32>} : memref<26x8x128xf32, #tpu.memory_space<vmem>>, vector<16xf32>,
        tpu.vector_store %arg8[%parallel_loop3A_254, %parallel_loop3A_255, %parallel_loop3A_256], %parallel_loop3A_252 {strides = array<i32>} : memref<26x8x128xf32, #tpu.memory_space<vmem>>, vector<16xf32>,
        %parallel_loop3A_258 = arith.index_cast %parallel_loop3A_190 : i32 to index
        %parallel_loop3A_259 = arith.constant 16 : index
        %parallel_loop3A_260 = tpu.vector_load %arg6[%parallel_loop3A_258, %parallel_loop3A_259] {strides = array<i32>} : memref<26x128xi32, #tpu.memory_space<vmem>>, vector<16xi32>,
        %parallel_loop3A_261 = vector.broadcast %add3A_99 : i32 to vector<16xi32>
        %parallel_loop3A_262 = arith.addi %parallel_loop3A_260, %parallel_loop3A_261 : vector<16xi32>
        %parallel_loop3A_263 = tpu.vector_load_idx %arg5[%parallel_loop3A_262] : memref<33280xf32, #tpu.memory_space<vmem>>[vector<16xi32>], vector<16xf32>,
        %parallel_loop3A_264 = arith.constant 0 : i32
        %parallel_loop3A_265 = arith.index_cast %parallel_loop3A_190 : i32 to index
        %parallel_loop3A_266 = arith.index_cast %parallel_loop3A_264 : i32 to index
        %parallel_loop3A_267 = arith.constant 16 : index
        %parallel_loop3A_268 = tpu.vector_load %arg8[%parallel_loop3A_265, %parallel_loop3A_266, %parallel_loop3A_267] {strides = array<i32>} : memref<26x8x128xf32, #tpu.memory_space<vmem>>, vector<16xf32>,
        tpu.vector_store %arg8[%parallel_loop3A_265, %parallel_loop3A_266, %parallel_loop3A_267], %parallel_loop3A_263 {strides = array<i32>} : memref<26x8x128xf32, #tpu.memory_space<vmem>>, vector<16xf32>,
        %parallel_loop3A_269 = vector.broadcast %add3A_101 : i32 to vector<16xi32>
        %parallel_loop3A_270 = arith.addi %parallel_loop3A_260, %parallel_loop3A_269 : vector<16xi32>
        %parallel_loop3A_271 = tpu.vector_load_idx %arg5[%parallel_loop3A_270] : memref<33280xf32, #tpu.memory_space<vmem>>[vector<16xi32>], vector<16xf32>,
        %parallel_loop3A_272 = arith.constant 1 : i32
        %parallel_loop3A_273 = arith.index_cast %parallel_loop3A_190 : i32 to index
        %parallel_loop3A_274 = arith.index_cast %parallel_loop3A_272 : i32 to index
        %parallel_loop3A_275 = arith.constant 16 : index
        %parallel_loop3A_276 = tpu.vector_load %arg8[%parallel_loop3A_273, %parallel_loop3A_274, %parallel_loop3A_275] {strides = array<i32>} : memref<26x8x128xf32, #tpu.memory_space<vmem>>, vector<16xf32>,
        tpu.vector_store %arg8[%parallel_loop3A_273, %parallel_loop3A_274, %parallel_loop3A_275], %parallel_loop3A_271 {strides = array<i32>} : memref<26x8x128xf32, #tpu.memory_space<vmem>>, vector<16xf32>,
        %parallel_loop3A_277 = vector.broadcast %add3A_103 : i32 to vector<16xi32>
        %parallel_loop3A_278 = arith.addi %parallel_loop3A_260, %parallel_loop3A_277 : vector<16xi32>
        %parallel_loop3A_279 = tpu.vector_load_idx %arg5[%parallel_loop3A_278] : memref<33280xf32, #tpu.memory_space<vmem>>[vector<16xi32>], vector<16xf32>,
        %parallel_loop3A_280 = arith.constant 2 : i32
        %parallel_loop3A_281 = arith.index_cast %parallel_loop3A_190 : i32 to index
        %parallel_loop3A_282 = arith.index_cast %parallel_loop3A_280 : i32 to index
        %parallel_loop3A_283 = arith.constant 16 : index
        %parallel_loop3A_284 = tpu.vector_load %arg8[%parallel_loop3A_281, %parallel_loop3A_282, %parallel_loop3A_283] {strides = array<i32>} : memref<26x8x128xf32, #tpu.memory_space<vmem>>, vector<16xf32>,
        tpu.vector_store %arg8[%parallel_loop3A_281, %parallel_loop3A_282, %parallel_loop3A_283], %parallel_loop3A_279 {strides = array<i32>} : memref<26x8x128xf32, #tpu.memory_space<vmem>>, vector<16xf32>,
        %parallel_loop3A_285 = vector.broadcast %add3A_105 : i32 to vector<16xi32>
        %parallel_loop3A_286 = arith.addi %parallel_loop3A_260, %parallel_loop3A_285 : vector<16xi32>
        %parallel_loop3A_287 = tpu.vector_load_idx %arg5[%parallel_loop3A_286] : memref<33280xf32, #tpu.memory_space<vmem>>[vector<16xi32>], vector<16xf32>,
        %parallel_loop3A_288 = arith.constant 3 : i32
        %parallel_loop3A_289 = arith.index_cast %parallel_loop3A_190 : i32 to index
        %parallel_loop3A_290 = arith.index_cast %parallel_loop3A_288 : i32 to index
        %parallel_loop3A_291 = arith.constant 16 : index
        %parallel_loop3A_292 = tpu.vector_load %arg8[%parallel_loop3A_289, %parallel_loop3A_290, %parallel_loop3A_291] {strides = array<i32>} : memref<26x8x128xf32, #tpu.memory_space<vmem>>, vector<16xf32>,
        tpu.vector_store %arg8[%parallel_loop3A_289, %parallel_loop3A_290, %parallel_loop3A_291], %parallel_loop3A_287 {strides = array<i32>} : memref<26x8x128xf32, #tpu.memory_space<vmem>>, vector<16xf32>,
        %parallel_loop3A_293 = vector.broadcast %add3A_107 : i32 to vector<16xi32>
        %parallel_loop3A_294 = arith.addi %parallel_loop3A_260, %parallel_loop3A_293 : vector<16xi32>
        %parallel_loop3A_295 = tpu.vector_load_idx %arg5[%parallel_loop3A_294] : memref<33280xf32, #tpu.memory_space<vmem>>[vector<16xi32>], vector<16xf32>,
        %parallel_loop3A_296 = arith.constant 4 : i32
        %parallel_loop3A_297 = arith.index_cast %parallel_loop3A_190 : i32 to index
        %parallel_loop3A_298 = arith.index_cast %parallel_loop3A_296 : i32 to index
        %parallel_loop3A_299 = arith.constant 16 : index
        %parallel_loop3A_300 = tpu.vector_load %arg8[%parallel_loop3A_297, %parallel_loop3A_298, %parallel_loop3A_299] {strides = array<i32>} : memref<26x8x128xf32, #tpu.memory_space<vmem>>, vector<16xf32>,
        tpu.vector_store %arg8[%parallel_loop3A_297, %parallel_loop3A_298, %parallel_loop3A_299], %parallel_loop3A_295 {strides = array<i32>} : memref<26x8x128xf32, #tpu.memory_space<vmem>>, vector<16xf32>,
        %parallel_loop3A_301 = vector.broadcast %add3A_109 : i32 to vector<16xi32>
        %parallel_loop3A_302 = arith.addi %parallel_loop3A_260, %parallel_loop3A_301 : vector<16xi32>
        %parallel_loop3A_303 = tpu.vector_load_idx %arg5[%parallel_loop3A_302] : memref<33280xf32, #tpu.memory_space<vmem>>[vector<16xi32>], vector<16xf32>,
        %parallel_loop3A_304 = arith.constant 5 : i32
        %parallel_loop3A_305 = arith.index_cast %parallel_loop3A_190 : i32 to index
        %parallel_loop3A_306 = arith.index_cast %parallel_loop3A_304 : i32 to index
        %parallel_loop3A_307 = arith.constant 16 : index
        %parallel_loop3A_308 = tpu.vector_load %arg8[%parallel_loop3A_305, %parallel_loop3A_306, %parallel_loop3A_307] {strides = array<i32>} : memref<26x8x128xf32, #tpu.memory_space<vmem>>, vector<16xf32>,
        tpu.vector_store %arg8[%parallel_loop3A_305, %parallel_loop3A_306, %parallel_loop3A_307], %parallel_loop3A_303 {strides = array<i32>} : memref<26x8x128xf32, #tpu.memory_space<vmem>>, vector<16xf32>,
        %parallel_loop3A_309 = vector.broadcast %add3A_111 : i32 to vector<16xi32>
        %parallel_loop3A_310 = arith.addi %parallel_loop3A_260, %parallel_loop3A_309 : vector<16xi32>
        %parallel_loop3A_311 = tpu.vector_load_idx %arg5[%parallel_loop3A_310] : memref<33280xf32, #tpu.memory_space<vmem>>[vector<16xi32>], vector<16xf32>,
        %parallel_loop3A_312 = arith.constant 6 : i32
        %parallel_loop3A_313 = arith.index_cast %parallel_loop3A_190 : i32 to index
        %parallel_loop3A_314 = arith.index_cast %parallel_loop3A_312 : i32 to index
        %parallel_loop3A_315 = arith.constant 16 : index
        %parallel_loop3A_316 = tpu.vector_load %arg8[%parallel_loop3A_313, %parallel_loop3A_314, %parallel_loop3A_315] {strides = array<i32>} : memref<26x8x128xf32, #tpu.memory_space<vmem>>, vector<16xf32>,
        tpu.vector_store %arg8[%parallel_loop3A_313, %parallel_loop3A_314, %parallel_loop3A_315], %parallel_loop3A_311 {strides = array<i32>} : memref<26x8x128xf32, #tpu.memory_space<vmem>>, vector<16xf32>,
        %parallel_loop3A_317 = vector.broadcast %add3A_113 : i32 to vector<16xi32>
        %parallel_loop3A_318 = arith.addi %parallel_loop3A_260, %parallel_loop3A_317 : vector<16xi32>
        %parallel_loop3A_319 = tpu.vector_load_idx %arg5[%parallel_loop3A_318] : memref<33280xf32, #tpu.memory_space<vmem>>[vector<16xi32>], vector<16xf32>,
        %parallel_loop3A_320 = arith.constant 7 : i32
        %parallel_loop3A_321 = arith.index_cast %parallel_loop3A_190 : i32 to index
        %parallel_loop3A_322 = arith.index_cast %parallel_loop3A_320 : i32 to index
        %parallel_loop3A_323 = arith.constant 16 : index
        %parallel_loop3A_324 = tpu.vector_load %arg8[%parallel_loop3A_321, %parallel_loop3A_322, %parallel_loop3A_323] {strides = array<i32>} : memref<26x8x128xf32, #tpu.memory_space<vmem>>, vector<16xf32>,
        tpu.vector_store %arg8[%parallel_loop3A_321, %parallel_loop3A_322, %parallel_loop3A_323], %parallel_loop3A_319 {strides = array<i32>} : memref<26x8x128xf32, #tpu.memory_space<vmem>>, vector<16xf32>,
        %parallel_loop3A_325 = arith.index_cast %parallel_loop3A_190 : i32 to index
        %parallel_loop3A_326 = arith.constant 32 : index
        %parallel_loop3A_327 = tpu.vector_load %arg6[%parallel_loop3A_325, %parallel_loop3A_326] {strides = array<i32>} : memref<26x128xi32, #tpu.memory_space<vmem>>, vector<16xi32>,
        %parallel_loop3A_328 = vector.broadcast %add3A_99 : i32 to vector<16xi32>
        %parallel_loop3A_329 = arith.addi %parallel_loop3A_327, %parallel_loop3A_328 : vector<16xi32>
        %parallel_loop3A_330 = tpu.vector_load_idx %arg5[%parallel_loop3A_329] : memref<33280xf32, #tpu.memory_space<vmem>>[vector<16xi32>], vector<16xf32>,
        %parallel_loop3A_331 = arith.constant 0 : i32
        %parallel_loop3A_332 = arith.index_cast %parallel_loop3A_190 : i32 to index
        %parallel_loop3A_333 = arith.index_cast %parallel_loop3A_331 : i32 to index
        %parallel_loop3A_334 = arith.constant 32 : index
        %parallel_loop3A_335 = tpu.vector_load %arg8[%parallel_loop3A_332, %parallel_loop3A_333, %parallel_loop3A_334] {strides = array<i32>} : memref<26x8x128xf32, #tpu.memory_space<vmem>>, vector<16xf32>,
        tpu.vector_store %arg8[%parallel_loop3A_332, %parallel_loop3A_333, %parallel_loop3A_334], %parallel_loop3A_330 {strides = array<i32>} : memref<26x8x128xf32, #tpu.memory_space<vmem>>, vector<16xf32>,
        %parallel_loop3A_336 = vector.broadcast %add3A_101 : i32 to vector<16xi32>
        %parallel_loop3A_337 = arith.addi %parallel_loop3A_327, %parallel_loop3A_336 : vector<16xi32>
        %parallel_loop3A_338 = tpu.vector_load_idx %arg5[%parallel_loop3A_337] : memref<33280xf32, #tpu.memory_space<vmem>>[vector<16xi32>], vector<16xf32>,
        %parallel_loop3A_339 = arith.constant 1 : i32
        %parallel_loop3A_340 = arith.index_cast %parallel_loop3A_190 : i32 to index
        %parallel_loop3A_341 = arith.index_cast %parallel_loop3A_339 : i32 to index
        %parallel_loop3A_342 = arith.constant 32 : index
        %parallel_loop3A_343 = tpu.vector_load %arg8[%parallel_loop3A_340, %parallel_loop3A_341, %parallel_loop3A_342] {strides = array<i32>} : memref<26x8x128xf32, #tpu.memory_space<vmem>>, vector<16xf32>,
        tpu.vector_store %arg8[%parallel_loop3A_340, %parallel_loop3A_341, %parallel_loop3A_342], %parallel_loop3A_338 {strides = array<i32>} : memref<26x8x128xf32, #tpu.memory_space<vmem>>, vector<16xf32>,
        %parallel_loop3A_344 = vector.broadcast %add3A_103 : i32 to vector<16xi32>
        %parallel_loop3A_345 = arith.addi %parallel_loop3A_327, %parallel_loop3A_344 : vector<16xi32>
        %parallel_loop3A_346 = tpu.vector_load_idx %arg5[%parallel_loop3A_345] : memref<33280xf32, #tpu.memory_space<vmem>>[vector<16xi32>], vector<16xf32>,
        %parallel_loop3A_347 = arith.constant 2 : i32
        %parallel_loop3A_348 = arith.index_cast %parallel_loop3A_190 : i32 to index
        %parallel_loop3A_349 = arith.index_cast %parallel_loop3A_347 : i32 to index
        %parallel_loop3A_350 = arith.constant 32 : index
        %parallel_loop3A_351 = tpu.vector_load %arg8[%parallel_loop3A_348, %parallel_loop3A_349, %parallel_loop3A_350] {strides = array<i32>} : memref<26x8x128xf32, #tpu.memory_space<vmem>>, vector<16xf32>,
        tpu.vector_store %arg8[%parallel_loop3A_348, %parallel_loop3A_349, %parallel_loop3A_350], %parallel_loop3A_346 {strides = array<i32>} : memref<26x8x128xf32, #tpu.memory_space<vmem>>, vector<16xf32>,
        %parallel_loop3A_352 = vector.broadcast %add3A_105 : i32 to vector<16xi32>
        %parallel_loop3A_353 = arith.addi %parallel_loop3A_327, %parallel_loop3A_352 : vector<16xi32>
        %parallel_loop3A_354 = tpu.vector_load_idx %arg5[%parallel_loop3A_353] : memref<33280xf32, #tpu.memory_space<vmem>>[vector<16xi32>], vector<16xf32>,
        %parallel_loop3A_355 = arith.constant 3 : i32
        %parallel_loop3A_356 = arith.index_cast %parallel_loop3A_190 : i32 to index
        %parallel_loop3A_357 = arith.index_cast %parallel_loop3A_355 : i32 to index
        %parallel_loop3A_358 = arith.constant 32 : index
        %parallel_loop3A_359 = tpu.vector_load %arg8[%parallel_loop3A_356, %parallel_loop3A_357, %parallel_loop3A_358] {strides = array<i32>} : memref<26x8x128xf32, #tpu.memory_space<vmem>>, vector<16xf32>,
        tpu.vector_store %arg8[%parallel_loop3A_356, %parallel_loop3A_357, %parallel_loop3A_358], %parallel_loop3A_354 {strides = array<i32>} : memref<26x8x128xf32, #tpu.memory_space<vmem>>, vector<16xf32>,
        %parallel_loop3A_360 = vector.broadcast %add3A_107 : i32 to vector<16xi32>
        %parallel_loop3A_361 = arith.addi %parallel_loop3A_327, %parallel_loop3A_360 : vector<16xi32>
        %parallel_loop3A_362 = tpu.vector_load_idx %arg5[%parallel_loop3A_361] : memref<33280xf32, #tpu.memory_space<vmem>>[vector<16xi32>], vector<16xf32>,
        %parallel_loop3A_363 = arith.constant 4 : i32
        %parallel_loop3A_364 = arith.index_cast %parallel_loop3A_190 : i32 to index
        %parallel_loop3A_365 = arith.index_cast %parallel_loop3A_363 : i32 to index
        %parallel_loop3A_366 = arith.constant 32 : index
        %parallel_loop3A_367 = tpu.vector_load %arg8[%parallel_loop3A_364, %parallel_loop3A_365, %parallel_loop3A_366] {strides = array<i32>} : memref<26x8x128xf32, #tpu.memory_space<vmem>>, vector<16xf32>,
        tpu.vector_store %arg8[%parallel_loop3A_364, %parallel_loop3A_365, %parallel_loop3A_366], %parallel_loop3A_362 {strides = array<i32>} : memref<26x8x128xf32, #tpu.memory_space<vmem>>, vector<16xf32>,
        %parallel_loop3A_368 = vector.broadcast %add3A_109 : i32 to vector<16xi32>
        %parallel_loop3A_369 = arith.addi %parallel_loop3A_327, %parallel_loop3A_368 : vector<16xi32>
        %parallel_loop3A_370 = tpu.vector_load_idx %arg5[%parallel_loop3A_369] : memref<33280xf32, #tpu.memory_space<vmem>>[vector<16xi32>], vector<16xf32>,
        %parallel_loop3A_371 = arith.constant 5 : i32
        %parallel_loop3A_372 = arith.index_cast %parallel_loop3A_190 : i32 to index
        %parallel_loop3A_373 = arith.index_cast %parallel_loop3A_371 : i32 to index
        %parallel_loop3A_374 = arith.constant 32 : index
        %parallel_loop3A_375 = tpu.vector_load %arg8[%parallel_loop3A_372, %parallel_loop3A_373, %parallel_loop3A_374] {strides = array<i32>} : memref<26x8x128xf32, #tpu.memory_space<vmem>>, vector<16xf32>,
        tpu.vector_store %arg8[%parallel_loop3A_372, %parallel_loop3A_373, %parallel_loop3A_374], %parallel_loop3A_370 {strides = array<i32>} : memref<26x8x128xf32, #tpu.memory_space<vmem>>, vector<16xf32>,
        %parallel_loop3A_376 = vector.broadcast %add3A_111 : i32 to vector<16xi32>
        %parallel_loop3A_377 = arith.addi %parallel_loop3A_327, %parallel_loop3A_376 : vector<16xi32>
        %parallel_loop3A_378 = tpu.vector_load_idx %arg5[%parallel_loop3A_377] : memref<33280xf32, #tpu.memory_space<vmem>>[vector<16xi32>], vector<16xf32>,
        %parallel_loop3A_379 = arith.constant 6 : i32
        %parallel_loop3A_380 = arith.index_cast %parallel_loop3A_190 : i32 to index
        %parallel_loop3A_381 = arith.index_cast %parallel_loop3A_379 : i32 to index
        %parallel_loop3A_382 = arith.constant 32 : index
        %parallel_loop3A_383 = tpu.vector_load %arg8[%parallel_loop3A_380, %parallel_loop3A_381, %parallel_loop3A_382] {strides = array<i32>} : memref<26x8x128xf32, #tpu.memory_space<vmem>>, vector<16xf32>,
        tpu.vector_store %arg8[%parallel_loop3A_380, %parallel_loop3A_381, %parallel_loop3A_382], %parallel_loop3A_378 {strides = array<i32>} : memref<26x8x128xf32, #tpu.memory_space<vmem>>, vector<16xf32>,
        %parallel_loop3A_384 = vector.broadcast %add3A_113 : i32 to vector<16xi32>
        %parallel_loop3A_385 = arith.addi %parallel_loop3A_327, %parallel_loop3A_384 : vector<16xi32>
        %parallel_loop3A_386 = tpu.vector_load_idx %arg5[%parallel_loop3A_385] : memref<33280xf32, #tpu.memory_space<vmem>>[vector<16xi32>], vector<16xf32>,
        %parallel_loop3A_387 = arith.constant 7 : i32
        %parallel_loop3A_388 = arith.index_cast %parallel_loop3A_190 : i32 to index
        %parallel_loop3A_389 = arith.index_cast %parallel_loop3A_387 : i32 to index
        %parallel_loop3A_390 = arith.constant 32 : index
        %parallel_loop3A_391 = tpu.vector_load %arg8[%parallel_loop3A_388, %parallel_loop3A_389, %parallel_loop3A_390] {strides = array<i32>} : memref<26x8x128xf32, #tpu.memory_space<vmem>>, vector<16xf32>,
        tpu.vector_store %arg8[%parallel_loop3A_388, %parallel_loop3A_389, %parallel_loop3A_390], %parallel_loop3A_386 {strides = array<i32>} : memref<26x8x128xf32, #tpu.memory_space<vmem>>, vector<16xf32>,
        %parallel_loop3A_392 = arith.index_cast %parallel_loop3A_190 : i32 to index
        %parallel_loop3A_393 = arith.constant 48 : index
        %parallel_loop3A_394 = tpu.vector_load %arg6[%parallel_loop3A_392, %parallel_loop3A_393] {strides = array<i32>} : memref<26x128xi32, #tpu.memory_space<vmem>>, vector<16xi32>,
        %parallel_loop3A_395 = vector.broadcast %add3A_99 : i32 to vector<16xi32>
        %parallel_loop3A_396 = arith.addi %parallel_loop3A_394, %parallel_loop3A_395 : vector<16xi32>
        %parallel_loop3A_397 = tpu.vector_load_idx %arg5[%parallel_loop3A_396] : memref<33280xf32, #tpu.memory_space<vmem>>[vector<16xi32>], vector<16xf32>,
        %parallel_loop3A_398 = arith.constant 0 : i32
        %parallel_loop3A_399 = arith.index_cast %parallel_loop3A_190 : i32 to index
        %parallel_loop3A_400 = arith.index_cast %parallel_loop3A_398 : i32 to index
        %parallel_loop3A_401 = arith.constant 48 : index
        %parallel_loop3A_402 = tpu.vector_load %arg8[%parallel_loop3A_399, %parallel_loop3A_400, %parallel_loop3A_401] {strides = array<i32>} : memref<26x8x128xf32, #tpu.memory_space<vmem>>, vector<16xf32>,
        tpu.vector_store %arg8[%parallel_loop3A_399, %parallel_loop3A_400, %parallel_loop3A_401], %parallel_loop3A_397 {strides = array<i32>} : memref<26x8x128xf32, #tpu.memory_space<vmem>>, vector<16xf32>,
        %parallel_loop3A_403 = vector.broadcast %add3A_101 : i32 to vector<16xi32>
        %parallel_loop3A_404 = arith.addi %parallel_loop3A_394, %parallel_loop3A_403 : vector<16xi32>
        %parallel_loop3A_405 = tpu.vector_load_idx %arg5[%parallel_loop3A_404] : memref<33280xf32, #tpu.memory_space<vmem>>[vector<16xi32>], vector<16xf32>,
        %parallel_loop3A_406 = arith.constant 1 : i32
        %parallel_loop3A_407 = arith.index_cast %parallel_loop3A_190 : i32 to index
        %parallel_loop3A_408 = arith.index_cast %parallel_loop3A_406 : i32 to index
        %parallel_loop3A_409 = arith.constant 48 : index
        %parallel_loop3A_410 = tpu.vector_load %arg8[%parallel_loop3A_407, %parallel_loop3A_408, %parallel_loop3A_409] {strides = array<i32>} : memref<26x8x128xf32, #tpu.memory_space<vmem>>, vector<16xf32>,
        tpu.vector_store %arg8[%parallel_loop3A_407, %parallel_loop3A_408, %parallel_loop3A_409], %parallel_loop3A_405 {strides = array<i32>} : memref<26x8x128xf32, #tpu.memory_space<vmem>>, vector<16xf32>,
        %parallel_loop3A_411 = vector.broadcast %add3A_103 : i32 to vector<16xi32>
        %parallel_loop3A_412 = arith.addi %parallel_loop3A_394, %parallel_loop3A_411 : vector<16xi32>
        %parallel_loop3A_413 = tpu.vector_load_idx %arg5[%parallel_loop3A_412] : memref<33280xf32, #tpu.memory_space<vmem>>[vector<16xi32>], vector<16xf32>,
        %parallel_loop3A_414 = arith.constant 2 : i32
        %parallel_loop3A_415 = arith.index_cast %parallel_loop3A_190 : i32 to index
        %parallel_loop3A_416 = arith.index_cast %parallel_loop3A_414 : i32 to index
        %parallel_loop3A_417 = arith.constant 48 : index
        %parallel_loop3A_418 = tpu.vector_load %arg8[%parallel_loop3A_415, %parallel_loop3A_416, %parallel_loop3A_417] {strides = array<i32>} : memref<26x8x128xf32, #tpu.memory_space<vmem>>, vector<16xf32>,
        tpu.vector_store %arg8[%parallel_loop3A_415, %parallel_loop3A_416, %parallel_loop3A_417], %parallel_loop3A_413 {strides = array<i32>} : memref<26x8x128xf32, #tpu.memory_space<vmem>>, vector<16xf32>,
        %parallel_loop3A_419 = vector.broadcast %add3A_105 : i32 to vector<16xi32>
        %parallel_loop3A_420 = arith.addi %parallel_loop3A_394, %parallel_loop3A_419 : vector<16xi32>
        %parallel_loop3A_421 = tpu.vector_load_idx %arg5[%parallel_loop3A_420] : memref<33280xf32, #tpu.memory_space<vmem>>[vector<16xi32>], vector<16xf32>,
        %parallel_loop3A_422 = arith.constant 3 : i32
        %parallel_loop3A_423 = arith.index_cast %parallel_loop3A_190 : i32 to index
        %parallel_loop3A_424 = arith.index_cast %parallel_loop3A_422 : i32 to index
        %parallel_loop3A_425 = arith.constant 48 : index
        %parallel_loop3A_426 = tpu.vector_load %arg8[%parallel_loop3A_423, %parallel_loop3A_424, %parallel_loop3A_425] {strides = array<i32>} : memref<26x8x128xf32, #tpu.memory_space<vmem>>, vector<16xf32>,
        tpu.vector_store %arg8[%parallel_loop3A_423, %parallel_loop3A_424, %parallel_loop3A_425], %parallel_loop3A_421 {strides = array<i32>} : memref<26x8x128xf32, #tpu.memory_space<vmem>>, vector<16xf32>,
        %parallel_loop3A_427 = vector.broadcast %add3A_107 : i32 to vector<16xi32>
        %parallel_loop3A_428 = arith.addi %parallel_loop3A_394, %parallel_loop3A_427 : vector<16xi32>
        %parallel_loop3A_429 = tpu.vector_load_idx %arg5[%parallel_loop3A_428] : memref<33280xf32, #tpu.memory_space<vmem>>[vector<16xi32>], vector<16xf32>,
        %parallel_loop3A_430 = arith.constant 4 : i32
        %parallel_loop3A_431 = arith.index_cast %parallel_loop3A_190 : i32 to index
        %parallel_loop3A_432 = arith.index_cast %parallel_loop3A_430 : i32 to index
        %parallel_loop3A_433 = arith.constant 48 : index
        %parallel_loop3A_434 = tpu.vector_load %arg8[%parallel_loop3A_431, %parallel_loop3A_432, %parallel_loop3A_433] {strides = array<i32>} : memref<26x8x128xf32, #tpu.memory_space<vmem>>, vector<16xf32>,
        tpu.vector_store %arg8[%parallel_loop3A_431, %parallel_loop3A_432, %parallel_loop3A_433], %parallel_loop3A_429 {strides = array<i32>} : memref<26x8x128xf32, #tpu.memory_space<vmem>>, vector<16xf32>,
        %parallel_loop3A_435 = vector.broadcast %add3A_109 : i32 to vector<16xi32>
        %parallel_loop3A_436 = arith.addi %parallel_loop3A_394, %parallel_loop3A_435 : vector<16xi32>
        %parallel_loop3A_437 = tpu.vector_load_idx %arg5[%parallel_loop3A_436] : memref<33280xf32, #tpu.memory_space<vmem>>[vector<16xi32>], vector<16xf32>,
        %parallel_loop3A_438 = arith.constant 5 : i32
        %parallel_loop3A_439 = arith.index_cast %parallel_loop3A_190 : i32 to index
        %parallel_loop3A_440 = arith.index_cast %parallel_loop3A_438 : i32 to index
        %parallel_loop3A_441 = arith.constant 48 : index
        %parallel_loop3A_442 = tpu.vector_load %arg8[%parallel_loop3A_439, %parallel_loop3A_440, %parallel_loop3A_441] {strides = array<i32>} : memref<26x8x128xf32, #tpu.memory_space<vmem>>, vector<16xf32>,
        tpu.vector_store %arg8[%parallel_loop3A_439, %parallel_loop3A_440, %parallel_loop3A_441], %parallel_loop3A_437 {strides = array<i32>} : memref<26x8x128xf32, #tpu.memory_space<vmem>>, vector<16xf32>,
        %parallel_loop3A_443 = vector.broadcast %add3A_111 : i32 to vector<16xi32>
        %parallel_loop3A_444 = arith.addi %parallel_loop3A_394, %parallel_loop3A_443 : vector<16xi32>
        %parallel_loop3A_445 = tpu.vector_load_idx %arg5[%parallel_loop3A_444] : memref<33280xf32, #tpu.memory_space<vmem>>[vector<16xi32>], vector<16xf32>,
        %parallel_loop3A_446 = arith.constant 6 : i32
        %parallel_loop3A_447 = arith.index_cast %parallel_loop3A_190 : i32 to index
        %parallel_loop3A_448 = arith.index_cast %parallel_loop3A_446 : i32 to index
        %parallel_loop3A_449 = arith.constant 48 : index
        %parallel_loop3A_450 = tpu.vector_load %arg8[%parallel_loop3A_447, %parallel_loop3A_448, %parallel_loop3A_449] {strides = array<i32>} : memref<26x8x128xf32, #tpu.memory_space<vmem>>, vector<16xf32>,
        tpu.vector_store %arg8[%parallel_loop3A_447, %parallel_loop3A_448, %parallel_loop3A_449], %parallel_loop3A_445 {strides = array<i32>} : memref<26x8x128xf32, #tpu.memory_space<vmem>>, vector<16xf32>,
        %parallel_loop3A_451 = vector.broadcast %add3A_113 : i32 to vector<16xi32>
        %parallel_loop3A_452 = arith.addi %parallel_loop3A_394, %parallel_loop3A_451 : vector<16xi32>
        %parallel_loop3A_453 = tpu.vector_load_idx %arg5[%parallel_loop3A_452] : memref<33280xf32, #tpu.memory_space<vmem>>[vector<16xi32>], vector<16xf32>,
        %parallel_loop3A_454 = arith.constant 7 : i32
        %parallel_loop3A_455 = arith.index_cast %parallel_loop3A_190 : i32 to index
        %parallel_loop3A_456 = arith.index_cast %parallel_loop3A_454 : i32 to index
        %parallel_loop3A_457 = arith.constant 48 : index
        %parallel_loop3A_458 = tpu.vector_load %arg8[%parallel_loop3A_455, %parallel_loop3A_456, %parallel_loop3A_457] {strides = array<i32>} : memref<26x8x128xf32, #tpu.memory_space<vmem>>, vector<16xf32>,
        tpu.vector_store %arg8[%parallel_loop3A_455, %parallel_loop3A_456, %parallel_loop3A_457], %parallel_loop3A_453 {strides = array<i32>} : memref<26x8x128xf32, #tpu.memory_space<vmem>>, vector<16xf32>,
        %parallel_loop3A_459 = arith.index_cast %parallel_loop3A_190 : i32 to index
        %parallel_loop3A_460 = arith.constant 64 : index
        %parallel_loop3A_461 = tpu.vector_load %arg6[%parallel_loop3A_459, %parallel_loop3A_460] {strides = array<i32>} : memref<26x128xi32, #tpu.memory_space<vmem>>, vector<16xi32>,
        %parallel_loop3A_462 = vector.broadcast %add3A_99 : i32 to vector<16xi32>
        %parallel_loop3A_463 = arith.addi %parallel_loop3A_461, %parallel_loop3A_462 : vector<16xi32>
        %parallel_loop3A_464 = tpu.vector_load_idx %arg5[%parallel_loop3A_463] : memref<33280xf32, #tpu.memory_space<vmem>>[vector<16xi32>], vector<16xf32>,
        %parallel_loop3A_465 = arith.constant 0 : i32
        %parallel_loop3A_466 = arith.index_cast %parallel_loop3A_190 : i32 to index
        %parallel_loop3A_467 = arith.index_cast %parallel_loop3A_465 : i32 to index
        %parallel_loop3A_468 = arith.constant 64 : index
        %parallel_loop3A_469 = tpu.vector_load %arg8[%parallel_loop3A_466, %parallel_loop3A_467, %parallel_loop3A_468] {strides = array<i32>} : memref<26x8x128xf32, #tpu.memory_space<vmem>>, vector<16xf32>,
        tpu.vector_store %arg8[%parallel_loop3A_466, %parallel_loop3A_467, %parallel_loop3A_468], %parallel_loop3A_464 {strides = array<i32>} : memref<26x8x128xf32, #tpu.memory_space<vmem>>, vector<16xf32>,
        %parallel_loop3A_470 = vector.broadcast %add3A_101 : i32 to vector<16xi32>
        %parallel_loop3A_471 = arith.addi %parallel_loop3A_461, %parallel_loop3A_470 : vector<16xi32>
        %parallel_loop3A_472 = tpu.vector_load_idx %arg5[%parallel_loop3A_471] : memref<33280xf32, #tpu.memory_space<vmem>>[vector<16xi32>], vector<16xf32>,
        %parallel_loop3A_473 = arith.constant 1 : i32
        %parallel_loop3A_474 = arith.index_cast %parallel_loop3A_190 : i32 to index
        %parallel_loop3A_475 = arith.index_cast %parallel_loop3A_473 : i32 to index
        %parallel_loop3A_476 = arith.constant 64 : index
        %parallel_loop3A_477 = tpu.vector_load %arg8[%parallel_loop3A_474, %parallel_loop3A_475, %parallel_loop3A_476] {strides = array<i32>} : memref<26x8x128xf32, #tpu.memory_space<vmem>>, vector<16xf32>,
        tpu.vector_store %arg8[%parallel_loop3A_474, %parallel_loop3A_475, %parallel_loop3A_476], %parallel_loop3A_472 {strides = array<i32>} : memref<26x8x128xf32, #tpu.memory_space<vmem>>, vector<16xf32>,
        %parallel_loop3A_478 = vector.broadcast %add3A_103 : i32 to vector<16xi32>
        %parallel_loop3A_479 = arith.addi %parallel_loop3A_461, %parallel_loop3A_478 : vector<16xi32>
        %parallel_loop3A_480 = tpu.vector_load_idx %arg5[%parallel_loop3A_479] : memref<33280xf32, #tpu.memory_space<vmem>>[vector<16xi32>], vector<16xf32>,
        %parallel_loop3A_481 = arith.constant 2 : i32
        %parallel_loop3A_482 = arith.index_cast %parallel_loop3A_190 : i32 to index
        %parallel_loop3A_483 = arith.index_cast %parallel_loop3A_481 : i32 to index
        %parallel_loop3A_484 = arith.constant 64 : index
        %parallel_loop3A_485 = tpu.vector_load %arg8[%parallel_loop3A_482, %parallel_loop3A_483, %parallel_loop3A_484] {strides = array<i32>} : memref<26x8x128xf32, #tpu.memory_space<vmem>>, vector<16xf32>,
        tpu.vector_store %arg8[%parallel_loop3A_482, %parallel_loop3A_483, %parallel_loop3A_484], %parallel_loop3A_480 {strides = array<i32>} : memref<26x8x128xf32, #tpu.memory_space<vmem>>, vector<16xf32>,
        %parallel_loop3A_486 = vector.broadcast %add3A_105 : i32 to vector<16xi32>
        %parallel_loop3A_487 = arith.addi %parallel_loop3A_461, %parallel_loop3A_486 : vector<16xi32>
        %parallel_loop3A_488 = tpu.vector_load_idx %arg5[%parallel_loop3A_487] : memref<33280xf32, #tpu.memory_space<vmem>>[vector<16xi32>], vector<16xf32>,
        %parallel_loop3A_489 = arith.constant 3 : i32
        %parallel_loop3A_490 = arith.index_cast %parallel_loop3A_190 : i32 to index
        %parallel_loop3A_491 = arith.index_cast %parallel_loop3A_489 : i32 to index
        %parallel_loop3A_492 = arith.constant 64 : index
        %parallel_loop3A_493 = tpu.vector_load %arg8[%parallel_loop3A_490, %parallel_loop3A_491, %parallel_loop3A_492] {strides = array<i32>} : memref<26x8x128xf32, #tpu.memory_space<vmem>>, vector<16xf32>,
        tpu.vector_store %arg8[%parallel_loop3A_490, %parallel_loop3A_491, %parallel_loop3A_492], %parallel_loop3A_488 {strides = array<i32>} : memref<26x8x128xf32, #tpu.memory_space<vmem>>, vector<16xf32>,
        %parallel_loop3A_494 = vector.broadcast %add3A_107 : i32 to vector<16xi32>
        %parallel_loop3A_495 = arith.addi %parallel_loop3A_461, %parallel_loop3A_494 : vector<16xi32>
        %parallel_loop3A_496 = tpu.vector_load_idx %arg5[%parallel_loop3A_495] : memref<33280xf32, #tpu.memory_space<vmem>>[vector<16xi32>], vector<16xf32>,
        %parallel_loop3A_497 = arith.constant 4 : i32
        %parallel_loop3A_498 = arith.index_cast %parallel_loop3A_190 : i32 to index
        %parallel_loop3A_499 = arith.index_cast %parallel_loop3A_497 : i32 to index
        %parallel_loop3A_500 = arith.constant 64 : index
        %parallel_loop3A_501 = tpu.vector_load %arg8[%parallel_loop3A_498, %parallel_loop3A_499, %parallel_loop3A_500] {strides = array<i32>} : memref<26x8x128xf32, #tpu.memory_space<vmem>>, vector<16xf32>,
        tpu.vector_store %arg8[%parallel_loop3A_498, %parallel_loop3A_499, %parallel_loop3A_500], %parallel_loop3A_496 {strides = array<i32>} : memref<26x8x128xf32, #tpu.memory_space<vmem>>, vector<16xf32>,
        %parallel_loop3A_502 = vector.broadcast %add3A_109 : i32 to vector<16xi32>
        %parallel_loop3A_503 = arith.addi %parallel_loop3A_461, %parallel_loop3A_502 : vector<16xi32>
        %parallel_loop3A_504 = tpu.vector_load_idx %arg5[%parallel_loop3A_503] : memref<33280xf32, #tpu.memory_space<vmem>>[vector<16xi32>], vector<16xf32>,
        %parallel_loop3A_505 = arith.constant 5 : i32
        %parallel_loop3A_506 = arith.index_cast %parallel_loop3A_190 : i32 to index
        %parallel_loop3A_507 = arith.index_cast %parallel_loop3A_505 : i32 to index
        %parallel_loop3A_508 = arith.constant 64 : index
        %parallel_loop3A_509 = tpu.vector_load %arg8[%parallel_loop3A_506, %parallel_loop3A_507, %parallel_loop3A_508] {strides = array<i32>} : memref<26x8x128xf32, #tpu.memory_space<vmem>>, vector<16xf32>,
        tpu.vector_store %arg8[%parallel_loop3A_506, %parallel_loop3A_507, %parallel_loop3A_508], %parallel_loop3A_504 {strides = array<i32>} : memref<26x8x128xf32, #tpu.memory_space<vmem>>, vector<16xf32>,
        %parallel_loop3A_510 = vector.broadcast %add3A_111 : i32 to vector<16xi32>
        %parallel_loop3A_511 = arith.addi %parallel_loop3A_461, %parallel_loop3A_510 : vector<16xi32>
        %parallel_loop3A_512 = tpu.vector_load_idx %arg5[%parallel_loop3A_511] : memref<33280xf32, #tpu.memory_space<vmem>>[vector<16xi32>], vector<16xf32>,
        %parallel_loop3A_513 = arith.constant 6 : i32
        %parallel_loop3A_514 = arith.index_cast %parallel_loop3A_190 : i32 to index
        %parallel_loop3A_515 = arith.index_cast %parallel_loop3A_513 : i32 to index
        %parallel_loop3A_516 = arith.constant 64 : index
        %parallel_loop3A_517 = tpu.vector_load %arg8[%parallel_loop3A_514, %parallel_loop3A_515, %parallel_loop3A_516] {strides = array<i32>} : memref<26x8x128xf32, #tpu.memory_space<vmem>>, vector<16xf32>,
        tpu.vector_store %arg8[%parallel_loop3A_514, %parallel_loop3A_515, %parallel_loop3A_516], %parallel_loop3A_512 {strides = array<i32>} : memref<26x8x128xf32, #tpu.memory_space<vmem>>, vector<16xf32>,
        %parallel_loop3A_518 = vector.broadcast %add3A_113 : i32 to vector<16xi32>
        %parallel_loop3A_519 = arith.addi %parallel_loop3A_461, %parallel_loop3A_518 : vector<16xi32>
        %parallel_loop3A_520 = tpu.vector_load_idx %arg5[%parallel_loop3A_519] : memref<33280xf32, #tpu.memory_space<vmem>>[vector<16xi32>], vector<16xf32>,
        %parallel_loop3A_521 = arith.constant 7 : i32
        %parallel_loop3A_522 = arith.index_cast %parallel_loop3A_190 : i32 to index
        %parallel_loop3A_523 = arith.index_cast %parallel_loop3A_521 : i32 to index
        %parallel_loop3A_524 = arith.constant 64 : index
        %parallel_loop3A_525 = tpu.vector_load %arg8[%parallel_loop3A_522, %parallel_loop3A_523, %parallel_loop3A_524] {strides = array<i32>} : memref<26x8x128xf32, #tpu.memory_space<vmem>>, vector<16xf32>,
        tpu.vector_store %arg8[%parallel_loop3A_522, %parallel_loop3A_523, %parallel_loop3A_524], %parallel_loop3A_520 {strides = array<i32>} : memref<26x8x128xf32, #tpu.memory_space<vmem>>, vector<16xf32>,
        %parallel_loop3A_526 = arith.index_cast %parallel_loop3A_190 : i32 to index
        %parallel_loop3A_527 = arith.constant 80 : index
        %parallel_loop3A_528 = tpu.vector_load %arg6[%parallel_loop3A_526, %parallel_loop3A_527] {strides = array<i32>} : memref<26x128xi32, #tpu.memory_space<vmem>>, vector<16xi32>,
        %parallel_loop3A_529 = vector.broadcast %add3A_99 : i32 to vector<16xi32>
        %parallel_loop3A_530 = arith.addi %parallel_loop3A_528, %parallel_loop3A_529 : vector<16xi32>
        %parallel_loop3A_531 = tpu.vector_load_idx %arg5[%parallel_loop3A_530] : memref<33280xf32, #tpu.memory_space<vmem>>[vector<16xi32>], vector<16xf32>,
        %parallel_loop3A_532 = arith.constant 0 : i32
        %parallel_loop3A_533 = arith.index_cast %parallel_loop3A_190 : i32 to index
        %parallel_loop3A_534 = arith.index_cast %parallel_loop3A_532 : i32 to index
        %parallel_loop3A_535 = arith.constant 80 : index
        %parallel_loop3A_536 = tpu.vector_load %arg8[%parallel_loop3A_533, %parallel_loop3A_534, %parallel_loop3A_535] {strides = array<i32>} : memref<26x8x128xf32, #tpu.memory_space<vmem>>, vector<16xf32>,
        tpu.vector_store %arg8[%parallel_loop3A_533, %parallel_loop3A_534, %parallel_loop3A_535], %parallel_loop3A_531 {strides = array<i32>} : memref<26x8x128xf32, #tpu.memory_space<vmem>>, vector<16xf32>,
        %parallel_loop3A_537 = vector.broadcast %add3A_101 : i32 to vector<16xi32>
        %parallel_loop3A_538 = arith.addi %parallel_loop3A_528, %parallel_loop3A_537 : vector<16xi32>
        %parallel_loop3A_539 = tpu.vector_load_idx %arg5[%parallel_loop3A_538] : memref<33280xf32, #tpu.memory_space<vmem>>[vector<16xi32>], vector<16xf32>,
        %parallel_loop3A_540 = arith.constant 1 : i32
        %parallel_loop3A_541 = arith.index_cast %parallel_loop3A_190 : i32 to index
        %parallel_loop3A_542 = arith.index_cast %parallel_loop3A_540 : i32 to index
        %parallel_loop3A_543 = arith.constant 80 : index
        %parallel_loop3A_544 = tpu.vector_load %arg8[%parallel_loop3A_541, %parallel_loop3A_542, %parallel_loop3A_543] {strides = array<i32>} : memref<26x8x128xf32, #tpu.memory_space<vmem>>, vector<16xf32>,
        tpu.vector_store %arg8[%parallel_loop3A_541, %parallel_loop3A_542, %parallel_loop3A_543], %parallel_loop3A_539 {strides = array<i32>} : memref<26x8x128xf32, #tpu.memory_space<vmem>>, vector<16xf32>,
        %parallel_loop3A_545 = vector.broadcast %add3A_103 : i32 to vector<16xi32>
        %parallel_loop3A_546 = arith.addi %parallel_loop3A_528, %parallel_loop3A_545 : vector<16xi32>
        %parallel_loop3A_547 = tpu.vector_load_idx %arg5[%parallel_loop3A_546] : memref<33280xf32, #tpu.memory_space<vmem>>[vector<16xi32>], vector<16xf32>,
        %parallel_loop3A_548 = arith.constant 2 : i32
        %parallel_loop3A_549 = arith.index_cast %parallel_loop3A_190 : i32 to index
        %parallel_loop3A_550 = arith.index_cast %parallel_loop3A_548 : i32 to index
        %parallel_loop3A_551 = arith.constant 80 : index
        %parallel_loop3A_552 = tpu.vector_load %arg8[%parallel_loop3A_549, %parallel_loop3A_550, %parallel_loop3A_551] {strides = array<i32>} : memref<26x8x128xf32, #tpu.memory_space<vmem>>, vector<16xf32>,
        tpu.vector_store %arg8[%parallel_loop3A_549, %parallel_loop3A_550, %parallel_loop3A_551], %parallel_loop3A_547 {strides = array<i32>} : memref<26x8x128xf32, #tpu.memory_space<vmem>>, vector<16xf32>,
        %parallel_loop3A_553 = vector.broadcast %add3A_105 : i32 to vector<16xi32>
        %parallel_loop3A_554 = arith.addi %parallel_loop3A_528, %parallel_loop3A_553 : vector<16xi32>
        %parallel_loop3A_555 = tpu.vector_load_idx %arg5[%parallel_loop3A_554] : memref<33280xf32, #tpu.memory_space<vmem>>[vector<16xi32>], vector<16xf32>,
        %parallel_loop3A_556 = arith.constant 3 : i32
        %parallel_loop3A_557 = arith.index_cast %parallel_loop3A_190 : i32 to index
        %parallel_loop3A_558 = arith.index_cast %parallel_loop3A_556 : i32 to index
        %parallel_loop3A_559 = arith.constant 80 : index
        %parallel_loop3A_560 = tpu.vector_load %arg8[%parallel_loop3A_557, %parallel_loop3A_558, %parallel_loop3A_559] {strides = array<i32>} : memref<26x8x128xf32, #tpu.memory_space<vmem>>, vector<16xf32>,
        tpu.vector_store %arg8[%parallel_loop3A_557, %parallel_loop3A_558, %parallel_loop3A_559], %parallel_loop3A_555 {strides = array<i32>} : memref<26x8x128xf32, #tpu.memory_space<vmem>>, vector<16xf32>,
        %parallel_loop3A_561 = vector.broadcast %add3A_107 : i32 to vector<16xi32>
        %parallel_loop3A_562 = arith.addi %parallel_loop3A_528, %parallel_loop3A_561 : vector<16xi32>
        %parallel_loop3A_563 = tpu.vector_load_idx %arg5[%parallel_loop3A_562] : memref<33280xf32, #tpu.memory_space<vmem>>[vector<16xi32>], vector<16xf32>,
        %parallel_loop3A_564 = arith.constant 4 : i32
        %parallel_loop3A_565 = arith.index_cast %parallel_loop3A_190 : i32 to index
        %parallel_loop3A_566 = arith.index_cast %parallel_loop3A_564 : i32 to index
        %parallel_loop3A_567 = arith.constant 80 : index
        %parallel_loop3A_568 = tpu.vector_load %arg8[%parallel_loop3A_565, %parallel_loop3A_566, %parallel_loop3A_567] {strides = array<i32>} : memref<26x8x128xf32, #tpu.memory_space<vmem>>, vector<16xf32>,
        tpu.vector_store %arg8[%parallel_loop3A_565, %parallel_loop3A_566, %parallel_loop3A_567], %parallel_loop3A_563 {strides = array<i32>} : memref<26x8x128xf32, #tpu.memory_space<vmem>>, vector<16xf32>,
        %parallel_loop3A_569 = vector.broadcast %add3A_109 : i32 to vector<16xi32>
        %parallel_loop3A_570 = arith.addi %parallel_loop3A_528, %parallel_loop3A_569 : vector<16xi32>
        %parallel_loop3A_571 = tpu.vector_load_idx %arg5[%parallel_loop3A_570] : memref<33280xf32, #tpu.memory_space<vmem>>[vector<16xi32>], vector<16xf32>,
        %parallel_loop3A_572 = arith.constant 5 : i32
        %parallel_loop3A_573 = arith.index_cast %parallel_loop3A_190 : i32 to index
        %parallel_loop3A_574 = arith.index_cast %parallel_loop3A_572 : i32 to index
        %parallel_loop3A_575 = arith.constant 80 : index
        %parallel_loop3A_576 = tpu.vector_load %arg8[%parallel_loop3A_573, %parallel_loop3A_574, %parallel_loop3A_575] {strides = array<i32>} : memref<26x8x128xf32, #tpu.memory_space<vmem>>, vector<16xf32>,
        tpu.vector_store %arg8[%parallel_loop3A_573, %parallel_loop3A_574, %parallel_loop3A_575], %parallel_loop3A_571 {strides = array<i32>} : memref<26x8x128xf32, #tpu.memory_space<vmem>>, vector<16xf32>,
        %parallel_loop3A_577 = vector.broadcast %add3A_111 : i32 to vector<16xi32>
        %parallel_loop3A_578 = arith.addi %parallel_loop3A_528, %parallel_loop3A_577 : vector<16xi32>
        %parallel_loop3A_579 = tpu.vector_load_idx %arg5[%parallel_loop3A_578] : memref<33280xf32, #tpu.memory_space<vmem>>[vector<16xi32>], vector<16xf32>,
        %parallel_loop3A_580 = arith.constant 6 : i32
        %parallel_loop3A_581 = arith.index_cast %parallel_loop3A_190 : i32 to index
        %parallel_loop3A_582 = arith.index_cast %parallel_loop3A_580 : i32 to index
        %parallel_loop3A_583 = arith.constant 80 : index
        %parallel_loop3A_584 = tpu.vector_load %arg8[%parallel_loop3A_581, %parallel_loop3A_582, %parallel_loop3A_583] {strides = array<i32>} : memref<26x8x128xf32, #tpu.memory_space<vmem>>, vector<16xf32>,
        tpu.vector_store %arg8[%parallel_loop3A_581, %parallel_loop3A_582, %parallel_loop3A_583], %parallel_loop3A_579 {strides = array<i32>} : memref<26x8x128xf32, #tpu.memory_space<vmem>>, vector<16xf32>,
        %parallel_loop3A_585 = vector.broadcast %add3A_113 : i32 to vector<16xi32>
        %parallel_loop3A_586 = arith.addi %parallel_loop3A_528, %parallel_loop3A_585 : vector<16xi32>
        %parallel_loop3A_587 = tpu.vector_load_idx %arg5[%parallel_loop3A_586] : memref<33280xf32, #tpu.memory_space<vmem>>[vector<16xi32>], vector<16xf32>,
        %parallel_loop3A_588 = arith.constant 7 : i32
        %parallel_loop3A_589 = arith.index_cast %parallel_loop3A_190 : i32 to index
        %parallel_loop3A_590 = arith.index_cast %parallel_loop3A_588 : i32 to index
        %parallel_loop3A_591 = arith.constant 80 : index
        %parallel_loop3A_592 = tpu.vector_load %arg8[%parallel_loop3A_589, %parallel_loop3A_590, %parallel_loop3A_591] {strides = array<i32>} : memref<26x8x128xf32, #tpu.memory_space<vmem>>, vector<16xf32>,
        tpu.vector_store %arg8[%parallel_loop3A_589, %parallel_loop3A_590, %parallel_loop3A_591], %parallel_loop3A_587 {strides = array<i32>} : memref<26x8x128xf32, #tpu.memory_space<vmem>>, vector<16xf32>,
        %parallel_loop3A_593 = arith.index_cast %parallel_loop3A_190 : i32 to index
        %parallel_loop3A_594 = arith.constant 96 : index
        %parallel_loop3A_595 = tpu.vector_load %arg6[%parallel_loop3A_593, %parallel_loop3A_594] {strides = array<i32>} : memref<26x128xi32, #tpu.memory_space<vmem>>, vector<16xi32>,
        %parallel_loop3A_596 = vector.broadcast %add3A_99 : i32 to vector<16xi32>
        %parallel_loop3A_597 = arith.addi %parallel_loop3A_595, %parallel_loop3A_596 : vector<16xi32>
        %parallel_loop3A_598 = tpu.vector_load_idx %arg5[%parallel_loop3A_597] : memref<33280xf32, #tpu.memory_space<vmem>>[vector<16xi32>], vector<16xf32>,
        %parallel_loop3A_599 = arith.constant 0 : i32
        %parallel_loop3A_600 = arith.index_cast %parallel_loop3A_190 : i32 to index
        %parallel_loop3A_601 = arith.index_cast %parallel_loop3A_599 : i32 to index
        %parallel_loop3A_602 = arith.constant 96 : index
        %parallel_loop3A_603 = tpu.vector_load %arg8[%parallel_loop3A_600, %parallel_loop3A_601, %parallel_loop3A_602] {strides = array<i32>} : memref<26x8x128xf32, #tpu.memory_space<vmem>>, vector<16xf32>,
        tpu.vector_store %arg8[%parallel_loop3A_600, %parallel_loop3A_601, %parallel_loop3A_602], %parallel_loop3A_598 {strides = array<i32>} : memref<26x8x128xf32, #tpu.memory_space<vmem>>, vector<16xf32>,
        %parallel_loop3A_604 = vector.broadcast %add3A_101 : i32 to vector<16xi32>
        %parallel_loop3A_605 = arith.addi %parallel_loop3A_595, %parallel_loop3A_604 : vector<16xi32>
        %parallel_loop3A_606 = tpu.vector_load_idx %arg5[%parallel_loop3A_605] : memref<33280xf32, #tpu.memory_space<vmem>>[vector<16xi32>], vector<16xf32>,
        %parallel_loop3A_607 = arith.constant 1 : i32
        %parallel_loop3A_608 = arith.index_cast %parallel_loop3A_190 : i32 to index
        %parallel_loop3A_609 = arith.index_cast %parallel_loop3A_607 : i32 to index
        %parallel_loop3A_610 = arith.constant 96 : index
        %parallel_loop3A_611 = tpu.vector_load %arg8[%parallel_loop3A_608, %parallel_loop3A_609, %parallel_loop3A_610] {strides = array<i32>} : memref<26x8x128xf32, #tpu.memory_space<vmem>>, vector<16xf32>,
        tpu.vector_store %arg8[%parallel_loop3A_608, %parallel_loop3A_609, %parallel_loop3A_610], %parallel_loop3A_606 {strides = array<i32>} : memref<26x8x128xf32, #tpu.memory_space<vmem>>, vector<16xf32>,
        %parallel_loop3A_612 = vector.broadcast %add3A_103 : i32 to vector<16xi32>
        %parallel_loop3A_613 = arith.addi %parallel_loop3A_595, %parallel_loop3A_612 : vector<16xi32>
        %parallel_loop3A_614 = tpu.vector_load_idx %arg5[%parallel_loop3A_613] : memref<33280xf32, #tpu.memory_space<vmem>>[vector<16xi32>], vector<16xf32>,
        %parallel_loop3A_615 = arith.constant 2 : i32
        %parallel_loop3A_616 = arith.index_cast %parallel_loop3A_190 : i32 to index
        %parallel_loop3A_617 = arith.index_cast %parallel_loop3A_615 : i32 to index
        %parallel_loop3A_618 = arith.constant 96 : index
        %parallel_loop3A_619 = tpu.vector_load %arg8[%parallel_loop3A_616, %parallel_loop3A_617, %parallel_loop3A_618] {strides = array<i32>} : memref<26x8x128xf32, #tpu.memory_space<vmem>>, vector<16xf32>,
        tpu.vector_store %arg8[%parallel_loop3A_616, %parallel_loop3A_617, %parallel_loop3A_618], %parallel_loop3A_614 {strides = array<i32>} : memref<26x8x128xf32, #tpu.memory_space<vmem>>, vector<16xf32>,
        %parallel_loop3A_620 = vector.broadcast %add3A_105 : i32 to vector<16xi32>
        %parallel_loop3A_621 = arith.addi %parallel_loop3A_595, %parallel_loop3A_620 : vector<16xi32>
        %parallel_loop3A_622 = tpu.vector_load_idx %arg5[%parallel_loop3A_621] : memref<33280xf32, #tpu.memory_space<vmem>>[vector<16xi32>], vector<16xf32>,
        %parallel_loop3A_623 = arith.constant 3 : i32
        %parallel_loop3A_624 = arith.index_cast %parallel_loop3A_190 : i32 to index
        %parallel_loop3A_625 = arith.index_cast %parallel_loop3A_623 : i32 to index
        %parallel_loop3A_626 = arith.constant 96 : index
        %parallel_loop3A_627 = tpu.vector_load %arg8[%parallel_loop3A_624, %parallel_loop3A_625, %parallel_loop3A_626] {strides = array<i32>} : memref<26x8x128xf32, #tpu.memory_space<vmem>>, vector<16xf32>,
        tpu.vector_store %arg8[%parallel_loop3A_624, %parallel_loop3A_625, %parallel_loop3A_626], %parallel_loop3A_622 {strides = array<i32>} : memref<26x8x128xf32, #tpu.memory_space<vmem>>, vector<16xf32>,
        %parallel_loop3A_628 = vector.broadcast %add3A_107 : i32 to vector<16xi32>
        %parallel_loop3A_629 = arith.addi %parallel_loop3A_595, %parallel_loop3A_628 : vector<16xi32>
        %parallel_loop3A_630 = tpu.vector_load_idx %arg5[%parallel_loop3A_629] : memref<33280xf32, #tpu.memory_space<vmem>>[vector<16xi32>], vector<16xf32>,
        %parallel_loop3A_631 = arith.constant 4 : i32
        %parallel_loop3A_632 = arith.index_cast %parallel_loop3A_190 : i32 to index
        %parallel_loop3A_633 = arith.index_cast %parallel_loop3A_631 : i32 to index
        %parallel_loop3A_634 = arith.constant 96 : index
        %parallel_loop3A_635 = tpu.vector_load %arg8[%parallel_loop3A_632, %parallel_loop3A_633, %parallel_loop3A_634] {strides = array<i32>} : memref<26x8x128xf32, #tpu.memory_space<vmem>>, vector<16xf32>,
        tpu.vector_store %arg8[%parallel_loop3A_632, %parallel_loop3A_633, %parallel_loop3A_634], %parallel_loop3A_630 {strides = array<i32>} : memref<26x8x128xf32, #tpu.memory_space<vmem>>, vector<16xf32>,
        %parallel_loop3A_636 = vector.broadcast %add3A_109 : i32 to vector<16xi32>
        %parallel_loop3A_637 = arith.addi %parallel_loop3A_595, %parallel_loop3A_636 : vector<16xi32>
        %parallel_loop3A_638 = tpu.vector_load_idx %arg5[%parallel_loop3A_637] : memref<33280xf32, #tpu.memory_space<vmem>>[vector<16xi32>], vector<16xf32>,
        %parallel_loop3A_639 = arith.constant 5 : i32
        %parallel_loop3A_640 = arith.index_cast %parallel_loop3A_190 : i32 to index
        %parallel_loop3A_641 = arith.index_cast %parallel_loop3A_639 : i32 to index
        %parallel_loop3A_642 = arith.constant 96 : index
        %parallel_loop3A_643 = tpu.vector_load %arg8[%parallel_loop3A_640, %parallel_loop3A_641, %parallel_loop3A_642] {strides = array<i32>} : memref<26x8x128xf32, #tpu.memory_space<vmem>>, vector<16xf32>,
        tpu.vector_store %arg8[%parallel_loop3A_640, %parallel_loop3A_641, %parallel_loop3A_642], %parallel_loop3A_638 {strides = array<i32>} : memref<26x8x128xf32, #tpu.memory_space<vmem>>, vector<16xf32>,
        %parallel_loop3A_644 = vector.broadcast %add3A_111 : i32 to vector<16xi32>
        %parallel_loop3A_645 = arith.addi %parallel_loop3A_595, %parallel_loop3A_644 : vector<16xi32>
        %parallel_loop3A_646 = tpu.vector_load_idx %arg5[%parallel_loop3A_645] : memref<33280xf32, #tpu.memory_space<vmem>>[vector<16xi32>], vector<16xf32>,
        %parallel_loop3A_647 = arith.constant 6 : i32
        %parallel_loop3A_648 = arith.index_cast %parallel_loop3A_190 : i32 to index
        %parallel_loop3A_649 = arith.index_cast %parallel_loop3A_647 : i32 to index
        %parallel_loop3A_650 = arith.constant 96 : index
        %parallel_loop3A_651 = tpu.vector_load %arg8[%parallel_loop3A_648, %parallel_loop3A_649, %parallel_loop3A_650] {strides = array<i32>} : memref<26x8x128xf32, #tpu.memory_space<vmem>>, vector<16xf32>,
        tpu.vector_store %arg8[%parallel_loop3A_648, %parallel_loop3A_649, %parallel_loop3A_650], %parallel_loop3A_646 {strides = array<i32>} : memref<26x8x128xf32, #tpu.memory_space<vmem>>, vector<16xf32>,
        %parallel_loop3A_652 = vector.broadcast %add3A_113 : i32 to vector<16xi32>
        %parallel_loop3A_653 = arith.addi %parallel_loop3A_595, %parallel_loop3A_652 : vector<16xi32>
        %parallel_loop3A_654 = tpu.vector_load_idx %arg5[%parallel_loop3A_653] : memref<33280xf32, #tpu.memory_space<vmem>>[vector<16xi32>], vector<16xf32>,
        %parallel_loop3A_655 = arith.constant 7 : i32
        %parallel_loop3A_656 = arith.index_cast %parallel_loop3A_190 : i32 to index
        %parallel_loop3A_657 = arith.index_cast %parallel_loop3A_655 : i32 to index
        %parallel_loop3A_658 = arith.constant 96 : index
        %parallel_loop3A_659 = tpu.vector_load %arg8[%parallel_loop3A_656, %parallel_loop3A_657, %parallel_loop3A_658] {strides = array<i32>} : memref<26x8x128xf32, #tpu.memory_space<vmem>>, vector<16xf32>,
        tpu.vector_store %arg8[%parallel_loop3A_656, %parallel_loop3A_657, %parallel_loop3A_658], %parallel_loop3A_654 {strides = array<i32>} : memref<26x8x128xf32, #tpu.memory_space<vmem>>, vector<16xf32>,
        %parallel_loop3A_660 = arith.index_cast %parallel_loop3A_190 : i32 to index
        %parallel_loop3A_661 = arith.constant 112 : index
        %parallel_loop3A_662 = tpu.vector_load %arg6[%parallel_loop3A_660, %parallel_loop3A_661] {strides = array<i32>} : memref<26x128xi32, #tpu.memory_space<vmem>>, vector<16xi32>,
        %parallel_loop3A_663 = vector.broadcast %add3A_99 : i32 to vector<16xi32>
        %parallel_loop3A_664 = arith.addi %parallel_loop3A_662, %parallel_loop3A_663 : vector<16xi32>
        %parallel_loop3A_665 = tpu.vector_load_idx %arg5[%parallel_loop3A_664] : memref<33280xf32, #tpu.memory_space<vmem>>[vector<16xi32>], vector<16xf32>,
        %parallel_loop3A_666 = arith.constant 0 : i32
        %parallel_loop3A_667 = arith.index_cast %parallel_loop3A_190 : i32 to index
        %parallel_loop3A_668 = arith.index_cast %parallel_loop3A_666 : i32 to index
        %parallel_loop3A_669 = arith.constant 112 : index
        %parallel_loop3A_670 = tpu.vector_load %arg8[%parallel_loop3A_667, %parallel_loop3A_668, %parallel_loop3A_669] {strides = array<i32>} : memref<26x8x128xf32, #tpu.memory_space<vmem>>, vector<16xf32>,
        tpu.vector_store %arg8[%parallel_loop3A_667, %parallel_loop3A_668, %parallel_loop3A_669], %parallel_loop3A_665 {strides = array<i32>} : memref<26x8x128xf32, #tpu.memory_space<vmem>>, vector<16xf32>,
        %parallel_loop3A_671 = vector.broadcast %add3A_101 : i32 to vector<16xi32>
        %parallel_loop3A_672 = arith.addi %parallel_loop3A_662, %parallel_loop3A_671 : vector<16xi32>
        %parallel_loop3A_673 = tpu.vector_load_idx %arg5[%parallel_loop3A_672] : memref<33280xf32, #tpu.memory_space<vmem>>[vector<16xi32>], vector<16xf32>,
        %parallel_loop3A_674 = arith.constant 1 : i32
        %parallel_loop3A_675 = arith.index_cast %parallel_loop3A_190 : i32 to index
        %parallel_loop3A_676 = arith.index_cast %parallel_loop3A_674 : i32 to index
        %parallel_loop3A_677 = arith.constant 112 : index
        %parallel_loop3A_678 = tpu.vector_load %arg8[%parallel_loop3A_675, %parallel_loop3A_676, %parallel_loop3A_677] {strides = array<i32>} : memref<26x8x128xf32, #tpu.memory_space<vmem>>, vector<16xf32>,
        tpu.vector_store %arg8[%parallel_loop3A_675, %parallel_loop3A_676, %parallel_loop3A_677], %parallel_loop3A_673 {strides = array<i32>} : memref<26x8x128xf32, #tpu.memory_space<vmem>>, vector<16xf32>,
        %parallel_loop3A_679 = vector.broadcast %add3A_103 : i32 to vector<16xi32>
        %parallel_loop3A_680 = arith.addi %parallel_loop3A_662, %parallel_loop3A_679 : vector<16xi32>
        %parallel_loop3A_681 = tpu.vector_load_idx %arg5[%parallel_loop3A_680] : memref<33280xf32, #tpu.memory_space<vmem>>[vector<16xi32>], vector<16xf32>,
        %parallel_loop3A_682 = arith.constant 2 : i32
        %parallel_loop3A_683 = arith.index_cast %parallel_loop3A_190 : i32 to index
        %parallel_loop3A_684 = arith.index_cast %parallel_loop3A_682 : i32 to index
        %parallel_loop3A_685 = arith.constant 112 : index
        %parallel_loop3A_686 = tpu.vector_load %arg8[%parallel_loop3A_683, %parallel_loop3A_684, %parallel_loop3A_685] {strides = array<i32>} : memref<26x8x128xf32, #tpu.memory_space<vmem>>, vector<16xf32>,
        tpu.vector_store %arg8[%parallel_loop3A_683, %parallel_loop3A_684, %parallel_loop3A_685], %parallel_loop3A_681 {strides = array<i32>} : memref<26x8x128xf32, #tpu.memory_space<vmem>>, vector<16xf32>,
        %parallel_loop3A_687 = vector.broadcast %add3A_105 : i32 to vector<16xi32>
        %parallel_loop3A_688 = arith.addi %parallel_loop3A_662, %parallel_loop3A_687 : vector<16xi32>
        %parallel_loop3A_689 = tpu.vector_load_idx %arg5[%parallel_loop3A_688] : memref<33280xf32, #tpu.memory_space<vmem>>[vector<16xi32>], vector<16xf32>,
        %parallel_loop3A_690 = arith.constant 3 : i32
        %parallel_loop3A_691 = arith.index_cast %parallel_loop3A_190 : i32 to index
        %parallel_loop3A_692 = arith.index_cast %parallel_loop3A_690 : i32 to index
        %parallel_loop3A_693 = arith.constant 112 : index
        %parallel_loop3A_694 = tpu.vector_load %arg8[%parallel_loop3A_691, %parallel_loop3A_692, %parallel_loop3A_693] {strides = array<i32>} : memref<26x8x128xf32, #tpu.memory_space<vmem>>, vector<16xf32>,
        tpu.vector_store %arg8[%parallel_loop3A_691, %parallel_loop3A_692, %parallel_loop3A_693], %parallel_loop3A_689 {strides = array<i32>} : memref<26x8x128xf32, #tpu.memory_space<vmem>>, vector<16xf32>,
        %parallel_loop3A_695 = vector.broadcast %add3A_107 : i32 to vector<16xi32>
        %parallel_loop3A_696 = arith.addi %parallel_loop3A_662, %parallel_loop3A_695 : vector<16xi32>
        %parallel_loop3A_697 = tpu.vector_load_idx %arg5[%parallel_loop3A_696] : memref<33280xf32, #tpu.memory_space<vmem>>[vector<16xi32>], vector<16xf32>,
        %parallel_loop3A_698 = arith.constant 4 : i32
        %parallel_loop3A_699 = arith.index_cast %parallel_loop3A_190 : i32 to index
        %parallel_loop3A_700 = arith.index_cast %parallel_loop3A_698 : i32 to index
        %parallel_loop3A_701 = arith.constant 112 : index
        %parallel_loop3A_702 = tpu.vector_load %arg8[%parallel_loop3A_699, %parallel_loop3A_700, %parallel_loop3A_701] {strides = array<i32>} : memref<26x8x128xf32, #tpu.memory_space<vmem>>, vector<16xf32>,
        tpu.vector_store %arg8[%parallel_loop3A_699, %parallel_loop3A_700, %parallel_loop3A_701], %parallel_loop3A_697 {strides = array<i32>} : memref<26x8x128xf32, #tpu.memory_space<vmem>>, vector<16xf32>,
        %parallel_loop3A_703 = vector.broadcast %add3A_109 : i32 to vector<16xi32>
        %parallel_loop3A_704 = arith.addi %parallel_loop3A_662, %parallel_loop3A_703 : vector<16xi32>
        %parallel_loop3A_705 = tpu.vector_load_idx %arg5[%parallel_loop3A_704] : memref<33280xf32, #tpu.memory_space<vmem>>[vector<16xi32>], vector<16xf32>,
        %parallel_loop3A_706 = arith.constant 5 : i32
        %parallel_loop3A_707 = arith.index_cast %parallel_loop3A_190 : i32 to index
        %parallel_loop3A_708 = arith.index_cast %parallel_loop3A_706 : i32 to index
        %parallel_loop3A_709 = arith.constant 112 : index
        %parallel_loop3A_710 = tpu.vector_load %arg8[%parallel_loop3A_707, %parallel_loop3A_708, %parallel_loop3A_709] {strides = array<i32>} : memref<26x8x128xf32, #tpu.memory_space<vmem>>, vector<16xf32>,
        tpu.vector_store %arg8[%parallel_loop3A_707, %parallel_loop3A_708, %parallel_loop3A_709], %parallel_loop3A_705 {strides = array<i32>} : memref<26x8x128xf32, #tpu.memory_space<vmem>>, vector<16xf32>,
        %parallel_loop3A_711 = vector.broadcast %add3A_111 : i32 to vector<16xi32>
        %parallel_loop3A_712 = arith.addi %parallel_loop3A_662, %parallel_loop3A_711 : vector<16xi32>
        %parallel_loop3A_713 = tpu.vector_load_idx %arg5[%parallel_loop3A_712] : memref<33280xf32, #tpu.memory_space<vmem>>[vector<16xi32>], vector<16xf32>,
        %parallel_loop3A_714 = arith.constant 6 : i32
        %parallel_loop3A_715 = arith.index_cast %parallel_loop3A_190 : i32 to index
        %parallel_loop3A_716 = arith.index_cast %parallel_loop3A_714 : i32 to index
        %parallel_loop3A_717 = arith.constant 112 : index
        %parallel_loop3A_718 = tpu.vector_load %arg8[%parallel_loop3A_715, %parallel_loop3A_716, %parallel_loop3A_717] {strides = array<i32>} : memref<26x8x128xf32, #tpu.memory_space<vmem>>, vector<16xf32>,
        tpu.vector_store %arg8[%parallel_loop3A_715, %parallel_loop3A_716, %parallel_loop3A_717], %parallel_loop3A_713 {strides = array<i32>} : memref<26x8x128xf32, #tpu.memory_space<vmem>>, vector<16xf32>,
        %parallel_loop3A_719 = vector.broadcast %add3A_113 : i32 to vector<16xi32>
        %parallel_loop3A_720 = arith.addi %parallel_loop3A_662, %parallel_loop3A_719 : vector<16xi32>
        %parallel_loop3A_721 = tpu.vector_load_idx %arg5[%parallel_loop3A_720] : memref<33280xf32, #tpu.memory_space<vmem>>[vector<16xi32>], vector<16xf32>,
        %parallel_loop3A_722 = arith.constant 7 : i32
        %parallel_loop3A_723 = arith.index_cast %parallel_loop3A_190 : i32 to index
        %parallel_loop3A_724 = arith.index_cast %parallel_loop3A_722 : i32 to index
        %parallel_loop3A_725 = arith.constant 112 : index
        %parallel_loop3A_726 = tpu.vector_load %arg8[%parallel_loop3A_723, %parallel_loop3A_724, %parallel_loop3A_725] {strides = array<i32>} : memref<26x8x128xf32, #tpu.memory_space<vmem>>, vector<16xf32>,
        tpu.vector_store %arg8[%parallel_loop3A_723, %parallel_loop3A_724, %parallel_loop3A_725], %parallel_loop3A_721 {strides = array<i32>} : memref<26x8x128xf32, #tpu.memory_space<vmem>>, vector<16xf32>,
      } {sc.loop_unroll_factor = 3 : i64, sc.parallel_access}
      %mul3A_116 = arith.constant 8192 : i32
      %mul3A_117 = arith.muli %arg0, %mul3A_116 : i32
      %mul3A_118 = arith.constant 2 : i32
      %mul3A_119 = arith.muli %mul3A_118, %add3A_75 : i32
      %add3A_120 = arith.addi %mul3A_119, %select_n3A_28 : i32
      %mul3A_121 = arith.constant 128 : i32
      %mul3A_122 = arith.muli %add3A_120, %mul3A_121 : i32
      %add3A_123 = arith.addi %mul3A_117, %mul3A_122 : i32
      %multiple_of3A_124 = tpu.assume_multiple %add3A_123, 128 : i32
      %dma_start3A_125 = arith.constant 0 : i32
      %dma_start3A_126 = tpu.memref_slice %arg4[%dma_start3A_125, %multiple_of3A, %multiple_of3A_124] : memref<26x64x16384xf32, #tpu.memory_space<hbm>> -> memref<26x8x128xf32, #tpu.memory_space<hbm>>
      %dma_start3A_127 = arith.constant 0 : i32
      %dma_start3A_128 = tpu.memref_slice %arg4[%dma_start3A_127, %multiple_of3A, %multiple_of3A_124] : memref<26x64x16384xf32, #tpu.memory_space<hbm>> -> memref<26x8x128xf32, #tpu.memory_space<hbm>>
      tpu.enqueue_dma source(%arg8 : memref<26x8x128xf32, #tpu.memory_space<vmem>>) target(%dma_start3A_128 : memref<26x8x128xf32, #tpu.memory_space<hbm>>) target_semaphore(%arg12 : memref<!tpu.dma_semaphore, #tpu.memory_space<semaphore_mem>>)
      %mul3A_129 = arith.constant 2 : i32
      %mul3A_130 = arith.muli %mul3A_129, %scan3A_71 : i32
      %add3A_131 = arith.constant 1 : i32
      %add3A_132 = arith.addi %mul3A_130, %add3A_131 : i32
      %add3A_133 = arith.constant 1 : i32
      %add3A_134 = arith.addi %add3A_132, %add3A_133 : i32
      %lt3A_135 = arith.constant 32 : i32
      %lt3A_136 = arith.cmpi slt, %add3A_134, %lt3A_135 : i32
      %convert_element_type3A_137 = arith.extui %lt3A_136 : i1 to i32
      %cond3A_138 = arith.constant 0 : i32
      %cond3A_139 = arith.cmpi ne, %convert_element_type3A_137, %cond3A_138 : i32
      scf.if %cond3A_139 {
        %add3A_190 = arith.constant 1 : i32
        %add3A_191 = arith.addi %add3A_132, %add3A_190 : i32
        %mul3A_192 = arith.constant 8192 : i32
        %mul3A_193 = arith.muli %arg0, %mul3A_192 : i32
        %mul3A_194 = arith.constant 2 : i32
        %mul3A_195 = arith.muli %mul3A_194, %add3A_191 : i32
        %add3A_196 = arith.addi %mul3A_195, %select_n3A_28 : i32
        %mul3A_197 = arith.constant 128 : i32
        %mul3A_198 = arith.muli %add3A_196, %mul3A_197 : i32
        %add3A_199 = arith.addi %mul3A_193, %mul3A_198 : i32
        %multiple_of3A_200 = tpu.assume_multiple %add3A_199, 128 : i32
        %dma_start3A_201 = arith.constant 0 : i32
        %dma_start3A_202 = tpu.memref_slice %arg3[%dma_start3A_201, %multiple_of3A_200] : memref<26x16384xi32, #tpu.memory_space<hbm>> -> memref<26x128xi32, #tpu.memory_space<hbm>>
        %dma_start3A_203 = arith.constant 0 : i32
        %dma_start3A_204 = tpu.memref_slice %arg3[%dma_start3A_203, %multiple_of3A_200] : memref<26x16384xi32, #tpu.memory_space<hbm>> -> memref<26x128xi32, #tpu.memory_space<hbm>>
        tpu.enqueue_dma source(%dma_start3A_204 : memref<26x128xi32, #tpu.memory_space<hbm>>) target(%arg6 : memref<26x128xi32, #tpu.memory_space<vmem>>) target_semaphore(%arg10 : memref<!tpu.dma_semaphore, #tpu.memory_space<semaphore_mem>>)
      } else {
      }
      %mul3A_140 = arith.constant 8192 : i32
      %mul3A_141 = arith.muli %arg0, %mul3A_140 : i32
      %mul3A_142 = arith.constant 2 : i32
      %mul3A_143 = arith.muli %mul3A_142, %add3A_132 : i32
      %add3A_144 = arith.addi %mul3A_143, %select_n3A_28 : i32
      %mul3A_145 = arith.constant 128 : i32
      %mul3A_146 = arith.muli %add3A_144, %mul3A_145 : i32
      %add3A_147 = arith.addi %mul3A_141, %mul3A_146 : i32
      %multiple_of3A_148 = tpu.assume_multiple %add3A_147, 128 : i32
      %dma_wait3A_149 = arith.constant 0 : i32
      %dma_wait3A_150 = tpu.memref_slice %arg3[%dma_wait3A_149, %multiple_of3A_148] : memref<26x16384xi32, #tpu.memory_space<hbm>> -> memref<26x128xi32, #tpu.memory_space<hbm>>
      %dma_wait3A_151 = arith.constant 0 : i32
      %dma_wait3A_152 = tpu.memref_slice %arg3[%dma_wait3A_151, %multiple_of3A_148] : memref<26x16384xi32, #tpu.memory_space<hbm>> -> memref<26x128xi32, #tpu.memory_space<hbm>>
      tpu.wait_dma2 semaphore(%arg11 : memref<!tpu.dma_semaphore, #tpu.memory_space<semaphore_mem>>) src(%dma_wait3A_152 : memref<26x128xi32, #tpu.memory_space<hbm>>) dst(%arg7 : memref<26x128xi32, #tpu.memory_space<vmem>>)
      %ge3A_153 = arith.constant 2 : i32
      %ge3A_154 = arith.cmpi sge, %add3A_132, %ge3A_153 : i32
      %convert_element_type3A_155 = arith.extui %ge3A_154 : i1 to i32
      %cond3A_156 = arith.constant 0 : i32
      %cond3A_157 = arith.cmpi ne, %convert_element_type3A_155, %cond3A_156 : i32
      scf.if %cond3A_157 {
        %sub3A_190 = arith.constant 2 : i32
        %sub3A_191 = arith.subi %add3A_132, %sub3A_190 : i32
        %mul3A_192 = arith.constant 8192 : i32
        %mul3A_193 = arith.muli %arg0, %mul3A_192 : i32
        %mul3A_194 = arith.constant 2 : i32
        %mul3A_195 = arith.muli %mul3A_194, %sub3A_191 : i32
        %add3A_196 = arith.addi %mul3A_195, %select_n3A_28 : i32
        %mul3A_197 = arith.constant 128 : i32
        %mul3A_198 = arith.muli %add3A_196, %mul3A_197 : i32
        %add3A_199 = arith.addi %mul3A_193, %mul3A_198 : i32
        %multiple_of3A_200 = tpu.assume_multiple %add3A_199, 128 : i32
        %dma_wait3A_201 = arith.constant 0 : i32
        %dma_wait3A_202 = tpu.memref_slice %arg4[%dma_wait3A_201, %multiple_of3A, %multiple_of3A_200] : memref<26x64x16384xf32, #tpu.memory_space<hbm>> -> memref<26x8x128xf32, #tpu.memory_space<hbm>>
        %dma_wait3A_203 = arith.constant 0 : i32
        %dma_wait3A_204 = tpu.memref_slice %arg4[%dma_wait3A_203, %multiple_of3A, %multiple_of3A_200] : memref<26x64x16384xf32, #tpu.memory_space<hbm>> -> memref<26x8x128xf32, #tpu.memory_space<hbm>>
        tpu.wait_dma2 semaphore(%arg13 : memref<!tpu.dma_semaphore, #tpu.memory_space<semaphore_mem>>) src(%arg9 : memref<26x8x128xf32, #tpu.memory_space<vmem>>) dst(%dma_wait3A_204 : memref<26x8x128xf32, #tpu.memory_space<hbm>>)
      } else {
      }
      %add3A_158 = arith.constant 0 : i32
      %add3A_159 = arith.addi %mul3A_31, %add3A_158 : i32
      %add3A_160 = arith.constant 520 : i32
      %add3A_161 = arith.addi %mul3A_31, %add3A_160 : i32
      %add3A_162 = arith.constant 1040 : i32
      %add3A_163 = arith.addi %mul3A_31, %add3A_162 : i32
      %add3A_164 = arith.constant 1560 : i32
      %add3A_165 = arith.addi %mul3A_31, %add3A_164 : i32
      %add3A_166 = arith.constant 2080 : i32
      %add3A_167 = arith.addi %mul3A_31, %add3A_166 : i32
      %add3A_168 = arith.constant 2600 : i32
      %add3A_169 = arith.addi %mul3A_31, %add3A_168 : i32
      %add3A_170 = arith.constant 3120 : i32
      %add3A_171 = arith.addi %mul3A_31, %add3A_170 : i32
      %add3A_172 = arith.constant 3640 : i32
      %add3A_173 = arith.addi %mul3A_31, %add3A_172 : i32
      %parallel_loop3A_174 = arith.constant 0 : i32
      %parallel_loop3A_175 = arith.constant 26 : i32
      %parallel_loop3A_176 = arith.constant 1 : i32
      scf.for %parallel_loop3A_190 = %parallel_loop3A_174 to %parallel_loop3A_175 step %parallel_loop3A_176  : i32 {
        %parallel_loop3A_191 = arith.index_cast %parallel_loop3A_190 : i32 to index
        %parallel_loop3A_192 = arith.constant 0 : index
        %parallel_loop3A_193 = tpu.vector_load %arg7[%parallel_loop3A_191, %parallel_loop3A_192] {strides = array<i32>} : memref<26x128xi32, #tpu.memory_space<vmem>>, vector<16xi32>,
        %parallel_loop3A_194 = vector.broadcast %add3A_159 : i32 to vector<16xi32>
        %parallel_loop3A_195 = arith.addi %parallel_loop3A_193, %parallel_loop3A_194 : vector<16xi32>
        %parallel_loop3A_196 = tpu.vector_load_idx %arg5[%parallel_loop3A_195] : memref<33280xf32, #tpu.memory_space<vmem>>[vector<16xi32>], vector<16xf32>,
        %parallel_loop3A_197 = arith.constant 0 : i32
        %parallel_loop3A_198 = arith.index_cast %parallel_loop3A_190 : i32 to index
        %parallel_loop3A_199 = arith.index_cast %parallel_loop3A_197 : i32 to index
        %parallel_loop3A_200 = arith.constant 0 : index
        %parallel_loop3A_201 = tpu.vector_load %arg9[%parallel_loop3A_198, %parallel_loop3A_199, %parallel_loop3A_200] {strides = array<i32>} : memref<26x8x128xf32, #tpu.memory_space<vmem>>, vector<16xf32>,
        tpu.vector_store %arg9[%parallel_loop3A_198, %parallel_loop3A_199, %parallel_loop3A_200], %parallel_loop3A_196 {strides = array<i32>} : memref<26x8x128xf32, #tpu.memory_space<vmem>>, vector<16xf32>,
        %parallel_loop3A_202 = vector.broadcast %add3A_161 : i32 to vector<16xi32>
        %parallel_loop3A_203 = arith.addi %parallel_loop3A_193, %parallel_loop3A_202 : vector<16xi32>
        %parallel_loop3A_204 = tpu.vector_load_idx %arg5[%parallel_loop3A_203] : memref<33280xf32, #tpu.memory_space<vmem>>[vector<16xi32>], vector<16xf32>,
        %parallel_loop3A_205 = arith.constant 1 : i32
        %parallel_loop3A_206 = arith.index_cast %parallel_loop3A_190 : i32 to index
        %parallel_loop3A_207 = arith.index_cast %parallel_loop3A_205 : i32 to index
        %parallel_loop3A_208 = arith.constant 0 : index
        %parallel_loop3A_209 = tpu.vector_load %arg9[%parallel_loop3A_206, %parallel_loop3A_207, %parallel_loop3A_208] {strides = array<i32>} : memref<26x8x128xf32, #tpu.memory_space<vmem>>, vector<16xf32>,
        tpu.vector_store %arg9[%parallel_loop3A_206, %parallel_loop3A_207, %parallel_loop3A_208], %parallel_loop3A_204 {strides = array<i32>} : memref<26x8x128xf32, #tpu.memory_space<vmem>>, vector<16xf32>,
        %parallel_loop3A_210 = vector.broadcast %add3A_163 : i32 to vector<16xi32>
        %parallel_loop3A_211 = arith.addi %parallel_loop3A_193, %parallel_loop3A_210 : vector<16xi32>
        %parallel_loop3A_212 = tpu.vector_load_idx %arg5[%parallel_loop3A_211] : memref<33280xf32, #tpu.memory_space<vmem>>[vector<16xi32>], vector<16xf32>,
        %parallel_loop3A_213 = arith.constant 2 : i32
        %parallel_loop3A_214 = arith.index_cast %parallel_loop3A_190 : i32 to index
        %parallel_loop3A_215 = arith.index_cast %parallel_loop3A_213 : i32 to index
        %parallel_loop3A_216 = arith.constant 0 : index
        %parallel_loop3A_217 = tpu.vector_load %arg9[%parallel_loop3A_214, %parallel_loop3A_215, %parallel_loop3A_216] {strides = array<i32>} : memref<26x8x128xf32, #tpu.memory_space<vmem>>, vector<16xf32>,
        tpu.vector_store %arg9[%parallel_loop3A_214, %parallel_loop3A_215, %parallel_loop3A_216], %parallel_loop3A_212 {strides = array<i32>} : memref<26x8x128xf32, #tpu.memory_space<vmem>>, vector<16xf32>,
        %parallel_loop3A_218 = vector.broadcast %add3A_165 : i32 to vector<16xi32>
        %parallel_loop3A_219 = arith.addi %parallel_loop3A_193, %parallel_loop3A_218 : vector<16xi32>
        %parallel_loop3A_220 = tpu.vector_load_idx %arg5[%parallel_loop3A_219] : memref<33280xf32, #tpu.memory_space<vmem>>[vector<16xi32>], vector<16xf32>,
        %parallel_loop3A_221 = arith.constant 3 : i32
        %parallel_loop3A_222 = arith.index_cast %parallel_loop3A_190 : i32 to index
        %parallel_loop3A_223 = arith.index_cast %parallel_loop3A_221 : i32 to index
        %parallel_loop3A_224 = arith.constant 0 : index
        %parallel_loop3A_225 = tpu.vector_load %arg9[%parallel_loop3A_222, %parallel_loop3A_223, %parallel_loop3A_224] {strides = array<i32>} : memref<26x8x128xf32, #tpu.memory_space<vmem>>, vector<16xf32>,
        tpu.vector_store %arg9[%parallel_loop3A_222, %parallel_loop3A_223, %parallel_loop3A_224], %parallel_loop3A_220 {strides = array<i32>} : memref<26x8x128xf32, #tpu.memory_space<vmem>>, vector<16xf32>,
        %parallel_loop3A_226 = vector.broadcast %add3A_167 : i32 to vector<16xi32>
        %parallel_loop3A_227 = arith.addi %parallel_loop3A_193, %parallel_loop3A_226 : vector<16xi32>
        %parallel_loop3A_228 = tpu.vector_load_idx %arg5[%parallel_loop3A_227] : memref<33280xf32, #tpu.memory_space<vmem>>[vector<16xi32>], vector<16xf32>,
        %parallel_loop3A_229 = arith.constant 4 : i32
        %parallel_loop3A_230 = arith.index_cast %parallel_loop3A_190 : i32 to index
        %parallel_loop3A_231 = arith.index_cast %parallel_loop3A_229 : i32 to index
        %parallel_loop3A_232 = arith.constant 0 : index
        %parallel_loop3A_233 = tpu.vector_load %arg9[%parallel_loop3A_230, %parallel_loop3A_231, %parallel_loop3A_232] {strides = array<i32>} : memref<26x8x128xf32, #tpu.memory_space<vmem>>, vector<16xf32>,
        tpu.vector_store %arg9[%parallel_loop3A_230, %parallel_loop3A_231, %parallel_loop3A_232], %parallel_loop3A_228 {strides = array<i32>} : memref<26x8x128xf32, #tpu.memory_space<vmem>>, vector<16xf32>,
        %parallel_loop3A_234 = vector.broadcast %add3A_169 : i32 to vector<16xi32>
        %parallel_loop3A_235 = arith.addi %parallel_loop3A_193, %parallel_loop3A_234 : vector<16xi32>
        %parallel_loop3A_236 = tpu.vector_load_idx %arg5[%parallel_loop3A_235] : memref<33280xf32, #tpu.memory_space<vmem>>[vector<16xi32>], vector<16xf32>,
        %parallel_loop3A_237 = arith.constant 5 : i32
        %parallel_loop3A_238 = arith.index_cast %parallel_loop3A_190 : i32 to index
        %parallel_loop3A_239 = arith.index_cast %parallel_loop3A_237 : i32 to index
        %parallel_loop3A_240 = arith.constant 0 : index
        %parallel_loop3A_241 = tpu.vector_load %arg9[%parallel_loop3A_238, %parallel_loop3A_239, %parallel_loop3A_240] {strides = array<i32>} : memref<26x8x128xf32, #tpu.memory_space<vmem>>, vector<16xf32>,
        tpu.vector_store %arg9[%parallel_loop3A_238, %parallel_loop3A_239, %parallel_loop3A_240], %parallel_loop3A_236 {strides = array<i32>} : memref<26x8x128xf32, #tpu.memory_space<vmem>>, vector<16xf32>,
        %parallel_loop3A_242 = vector.broadcast %add3A_171 : i32 to vector<16xi32>
        %parallel_loop3A_243 = arith.addi %parallel_loop3A_193, %parallel_loop3A_242 : vector<16xi32>
        %parallel_loop3A_244 = tpu.vector_load_idx %arg5[%parallel_loop3A_243] : memref<33280xf32, #tpu.memory_space<vmem>>[vector<16xi32>], vector<16xf32>,
        %parallel_loop3A_245 = arith.constant 6 : i32
        %parallel_loop3A_246 = arith.index_cast %parallel_loop3A_190 : i32 to index
        %parallel_loop3A_247 = arith.index_cast %parallel_loop3A_245 : i32 to index
        %parallel_loop3A_248 = arith.constant 0 : index
        %parallel_loop3A_249 = tpu.vector_load %arg9[%parallel_loop3A_246, %parallel_loop3A_247, %parallel_loop3A_248] {strides = array<i32>} : memref<26x8x128xf32, #tpu.memory_space<vmem>>, vector<16xf32>,
        tpu.vector_store %arg9[%parallel_loop3A_246, %parallel_loop3A_247, %parallel_loop3A_248], %parallel_loop3A_244 {strides = array<i32>} : memref<26x8x128xf32, #tpu.memory_space<vmem>>, vector<16xf32>,
        %parallel_loop3A_250 = vector.broadcast %add3A_173 : i32 to vector<16xi32>
        %parallel_loop3A_251 = arith.addi %parallel_loop3A_193, %parallel_loop3A_250 : vector<16xi32>
        %parallel_loop3A_252 = tpu.vector_load_idx %arg5[%parallel_loop3A_251] : memref<33280xf32, #tpu.memory_space<vmem>>[vector<16xi32>], vector<16xf32>,
        %parallel_loop3A_253 = arith.constant 7 : i32
        %parallel_loop3A_254 = arith.index_cast %parallel_loop3A_190 : i32 to index
        %parallel_loop3A_255 = arith.index_cast %parallel_loop3A_253 : i32 to index
        %parallel_loop3A_256 = arith.constant 0 : index
        %parallel_loop3A_257 = tpu.vector_load %arg9[%parallel_loop3A_254, %parallel_loop3A_255, %parallel_loop3A_256] {strides = array<i32>} : memref<26x8x128xf32, #tpu.memory_space<vmem>>, vector<16xf32>,
        tpu.vector_store %arg9[%parallel_loop3A_254, %parallel_loop3A_255, %parallel_loop3A_256], %parallel_loop3A_252 {strides = array<i32>} : memref<26x8x128xf32, #tpu.memory_space<vmem>>, vector<16xf32>,
        %parallel_loop3A_258 = arith.index_cast %parallel_loop3A_190 : i32 to index
        %parallel_loop3A_259 = arith.constant 16 : index
        %parallel_loop3A_260 = tpu.vector_load %arg7[%parallel_loop3A_258, %parallel_loop3A_259] {strides = array<i32>} : memref<26x128xi32, #tpu.memory_space<vmem>>, vector<16xi32>,
        %parallel_loop3A_261 = vector.broadcast %add3A_159 : i32 to vector<16xi32>
        %parallel_loop3A_262 = arith.addi %parallel_loop3A_260, %parallel_loop3A_261 : vector<16xi32>
        %parallel_loop3A_263 = tpu.vector_load_idx %arg5[%parallel_loop3A_262] : memref<33280xf32, #tpu.memory_space<vmem>>[vector<16xi32>], vector<16xf32>,
        %parallel_loop3A_264 = arith.constant 0 : i32
        %parallel_loop3A_265 = arith.index_cast %parallel_loop3A_190 : i32 to index
        %parallel_loop3A_266 = arith.index_cast %parallel_loop3A_264 : i32 to index
        %parallel_loop3A_267 = arith.constant 16 : index
        %parallel_loop3A_268 = tpu.vector_load %arg9[%parallel_loop3A_265, %parallel_loop3A_266, %parallel_loop3A_267] {strides = array<i32>} : memref<26x8x128xf32, #tpu.memory_space<vmem>>, vector<16xf32>,
        tpu.vector_store %arg9[%parallel_loop3A_265, %parallel_loop3A_266, %parallel_loop3A_267], %parallel_loop3A_263 {strides = array<i32>} : memref<26x8x128xf32, #tpu.memory_space<vmem>>, vector<16xf32>,
        %parallel_loop3A_269 = vector.broadcast %add3A_161 : i32 to vector<16xi32>
        %parallel_loop3A_270 = arith.addi %parallel_loop3A_260, %parallel_loop3A_269 : vector<16xi32>
        %parallel_loop3A_271 = tpu.vector_load_idx %arg5[%parallel_loop3A_270] : memref<33280xf32, #tpu.memory_space<vmem>>[vector<16xi32>], vector<16xf32>,
        %parallel_loop3A_272 = arith.constant 1 : i32
        %parallel_loop3A_273 = arith.index_cast %parallel_loop3A_190 : i32 to index
        %parallel_loop3A_274 = arith.index_cast %parallel_loop3A_272 : i32 to index
        %parallel_loop3A_275 = arith.constant 16 : index
        %parallel_loop3A_276 = tpu.vector_load %arg9[%parallel_loop3A_273, %parallel_loop3A_274, %parallel_loop3A_275] {strides = array<i32>} : memref<26x8x128xf32, #tpu.memory_space<vmem>>, vector<16xf32>,
        tpu.vector_store %arg9[%parallel_loop3A_273, %parallel_loop3A_274, %parallel_loop3A_275], %parallel_loop3A_271 {strides = array<i32>} : memref<26x8x128xf32, #tpu.memory_space<vmem>>, vector<16xf32>,
        %parallel_loop3A_277 = vector.broadcast %add3A_163 : i32 to vector<16xi32>
        %parallel_loop3A_278 = arith.addi %parallel_loop3A_260, %parallel_loop3A_277 : vector<16xi32>
        %parallel_loop3A_279 = tpu.vector_load_idx %arg5[%parallel_loop3A_278] : memref<33280xf32, #tpu.memory_space<vmem>>[vector<16xi32>], vector<16xf32>,
        %parallel_loop3A_280 = arith.constant 2 : i32
        %parallel_loop3A_281 = arith.index_cast %parallel_loop3A_190 : i32 to index
        %parallel_loop3A_282 = arith.index_cast %parallel_loop3A_280 : i32 to index
        %parallel_loop3A_283 = arith.constant 16 : index
        %parallel_loop3A_284 = tpu.vector_load %arg9[%parallel_loop3A_281, %parallel_loop3A_282, %parallel_loop3A_283] {strides = array<i32>} : memref<26x8x128xf32, #tpu.memory_space<vmem>>, vector<16xf32>,
        tpu.vector_store %arg9[%parallel_loop3A_281, %parallel_loop3A_282, %parallel_loop3A_283], %parallel_loop3A_279 {strides = array<i32>} : memref<26x8x128xf32, #tpu.memory_space<vmem>>, vector<16xf32>,
        %parallel_loop3A_285 = vector.broadcast %add3A_165 : i32 to vector<16xi32>
        %parallel_loop3A_286 = arith.addi %parallel_loop3A_260, %parallel_loop3A_285 : vector<16xi32>
        %parallel_loop3A_287 = tpu.vector_load_idx %arg5[%parallel_loop3A_286] : memref<33280xf32, #tpu.memory_space<vmem>>[vector<16xi32>], vector<16xf32>,
        %parallel_loop3A_288 = arith.constant 3 : i32
        %parallel_loop3A_289 = arith.index_cast %parallel_loop3A_190 : i32 to index
        %parallel_loop3A_290 = arith.index_cast %parallel_loop3A_288 : i32 to index
        %parallel_loop3A_291 = arith.constant 16 : index
        %parallel_loop3A_292 = tpu.vector_load %arg9[%parallel_loop3A_289, %parallel_loop3A_290, %parallel_loop3A_291] {strides = array<i32>} : memref<26x8x128xf32, #tpu.memory_space<vmem>>, vector<16xf32>,
        tpu.vector_store %arg9[%parallel_loop3A_289, %parallel_loop3A_290, %parallel_loop3A_291], %parallel_loop3A_287 {strides = array<i32>} : memref<26x8x128xf32, #tpu.memory_space<vmem>>, vector<16xf32>,
        %parallel_loop3A_293 = vector.broadcast %add3A_167 : i32 to vector<16xi32>
        %parallel_loop3A_294 = arith.addi %parallel_loop3A_260, %parallel_loop3A_293 : vector<16xi32>
        %parallel_loop3A_295 = tpu.vector_load_idx %arg5[%parallel_loop3A_294] : memref<33280xf32, #tpu.memory_space<vmem>>[vector<16xi32>], vector<16xf32>,
        %parallel_loop3A_296 = arith.constant 4 : i32
        %parallel_loop3A_297 = arith.index_cast %parallel_loop3A_190 : i32 to index
        %parallel_loop3A_298 = arith.index_cast %parallel_loop3A_296 : i32 to index
        %parallel_loop3A_299 = arith.constant 16 : index
        %parallel_loop3A_300 = tpu.vector_load %arg9[%parallel_loop3A_297, %parallel_loop3A_298, %parallel_loop3A_299] {strides = array<i32>} : memref<26x8x128xf32, #tpu.memory_space<vmem>>, vector<16xf32>,
        tpu.vector_store %arg9[%parallel_loop3A_297, %parallel_loop3A_298, %parallel_loop3A_299], %parallel_loop3A_295 {strides = array<i32>} : memref<26x8x128xf32, #tpu.memory_space<vmem>>, vector<16xf32>,
        %parallel_loop3A_301 = vector.broadcast %add3A_169 : i32 to vector<16xi32>
        %parallel_loop3A_302 = arith.addi %parallel_loop3A_260, %parallel_loop3A_301 : vector<16xi32>
        %parallel_loop3A_303 = tpu.vector_load_idx %arg5[%parallel_loop3A_302] : memref<33280xf32, #tpu.memory_space<vmem>>[vector<16xi32>], vector<16xf32>,
        %parallel_loop3A_304 = arith.constant 5 : i32
        %parallel_loop3A_305 = arith.index_cast %parallel_loop3A_190 : i32 to index
        %parallel_loop3A_306 = arith.index_cast %parallel_loop3A_304 : i32 to index
        %parallel_loop3A_307 = arith.constant 16 : index
        %parallel_loop3A_308 = tpu.vector_load %arg9[%parallel_loop3A_305, %parallel_loop3A_306, %parallel_loop3A_307] {strides = array<i32>} : memref<26x8x128xf32, #tpu.memory_space<vmem>>, vector<16xf32>,
        tpu.vector_store %arg9[%parallel_loop3A_305, %parallel_loop3A_306, %parallel_loop3A_307], %parallel_loop3A_303 {strides = array<i32>} : memref<26x8x128xf32, #tpu.memory_space<vmem>>, vector<16xf32>,
        %parallel_loop3A_309 = vector.broadcast %add3A_171 : i32 to vector<16xi32>
        %parallel_loop3A_310 = arith.addi %parallel_loop3A_260, %parallel_loop3A_309 : vector<16xi32>
        %parallel_loop3A_311 = tpu.vector_load_idx %arg5[%parallel_loop3A_310] : memref<33280xf32, #tpu.memory_space<vmem>>[vector<16xi32>], vector<16xf32>,
        %parallel_loop3A_312 = arith.constant 6 : i32
        %parallel_loop3A_313 = arith.index_cast %parallel_loop3A_190 : i32 to index
        %parallel_loop3A_314 = arith.index_cast %parallel_loop3A_312 : i32 to index
        %parallel_loop3A_315 = arith.constant 16 : index
        %parallel_loop3A_316 = tpu.vector_load %arg9[%parallel_loop3A_313, %parallel_loop3A_314, %parallel_loop3A_315] {strides = array<i32>} : memref<26x8x128xf32, #tpu.memory_space<vmem>>, vector<16xf32>,
        tpu.vector_store %arg9[%parallel_loop3A_313, %parallel_loop3A_314, %parallel_loop3A_315], %parallel_loop3A_311 {strides = array<i32>} : memref<26x8x128xf32, #tpu.memory_space<vmem>>, vector<16xf32>,
        %parallel_loop3A_317 = vector.broadcast %add3A_173 : i32 to vector<16xi32>
        %parallel_loop3A_318 = arith.addi %parallel_loop3A_260, %parallel_loop3A_317 : vector<16xi32>
        %parallel_loop3A_319 = tpu.vector_load_idx %arg5[%parallel_loop3A_318] : memref<33280xf32, #tpu.memory_space<vmem>>[vector<16xi32>], vector<16xf32>,
        %parallel_loop3A_320 = arith.constant 7 : i32
        %parallel_loop3A_321 = arith.index_cast %parallel_loop3A_190 : i32 to index
        %parallel_loop3A_322 = arith.index_cast %parallel_loop3A_320 : i32 to index
        %parallel_loop3A_323 = arith.constant 16 : index
        %parallel_loop3A_324 = tpu.vector_load %arg9[%parallel_loop3A_321, %parallel_loop3A_322, %parallel_loop3A_323] {strides = array<i32>} : memref<26x8x128xf32, #tpu.memory_space<vmem>>, vector<16xf32>,
        tpu.vector_store %arg9[%parallel_loop3A_321, %parallel_loop3A_322, %parallel_loop3A_323], %parallel_loop3A_319 {strides = array<i32>} : memref<26x8x128xf32, #tpu.memory_space<vmem>>, vector<16xf32>,
        %parallel_loop3A_325 = arith.index_cast %parallel_loop3A_190 : i32 to index
        %parallel_loop3A_326 = arith.constant 32 : index
        %parallel_loop3A_327 = tpu.vector_load %arg7[%parallel_loop3A_325, %parallel_loop3A_326] {strides = array<i32>} : memref<26x128xi32, #tpu.memory_space<vmem>>, vector<16xi32>,
        %parallel_loop3A_328 = vector.broadcast %add3A_159 : i32 to vector<16xi32>
        %parallel_loop3A_329 = arith.addi %parallel_loop3A_327, %parallel_loop3A_328 : vector<16xi32>
        %parallel_loop3A_330 = tpu.vector_load_idx %arg5[%parallel_loop3A_329] : memref<33280xf32, #tpu.memory_space<vmem>>[vector<16xi32>], vector<16xf32>,
        %parallel_loop3A_331 = arith.constant 0 : i32
        %parallel_loop3A_332 = arith.index_cast %parallel_loop3A_190 : i32 to index
        %parallel_loop3A_333 = arith.index_cast %parallel_loop3A_331 : i32 to index
        %parallel_loop3A_334 = arith.constant 32 : index
        %parallel_loop3A_335 = tpu.vector_load %arg9[%parallel_loop3A_332, %parallel_loop3A_333, %parallel_loop3A_334] {strides = array<i32>} : memref<26x8x128xf32, #tpu.memory_space<vmem>>, vector<16xf32>,
        tpu.vector_store %arg9[%parallel_loop3A_332, %parallel_loop3A_333, %parallel_loop3A_334], %parallel_loop3A_330 {strides = array<i32>} : memref<26x8x128xf32, #tpu.memory_space<vmem>>, vector<16xf32>,
        %parallel_loop3A_336 = vector.broadcast %add3A_161 : i32 to vector<16xi32>
        %parallel_loop3A_337 = arith.addi %parallel_loop3A_327, %parallel_loop3A_336 : vector<16xi32>
        %parallel_loop3A_338 = tpu.vector_load_idx %arg5[%parallel_loop3A_337] : memref<33280xf32, #tpu.memory_space<vmem>>[vector<16xi32>], vector<16xf32>,
        %parallel_loop3A_339 = arith.constant 1 : i32
        %parallel_loop3A_340 = arith.index_cast %parallel_loop3A_190 : i32 to index
        %parallel_loop3A_341 = arith.index_cast %parallel_loop3A_339 : i32 to index
        %parallel_loop3A_342 = arith.constant 32 : index
        %parallel_loop3A_343 = tpu.vector_load %arg9[%parallel_loop3A_340, %parallel_loop3A_341, %parallel_loop3A_342] {strides = array<i32>} : memref<26x8x128xf32, #tpu.memory_space<vmem>>, vector<16xf32>,
        tpu.vector_store %arg9[%parallel_loop3A_340, %parallel_loop3A_341, %parallel_loop3A_342], %parallel_loop3A_338 {strides = array<i32>} : memref<26x8x128xf32, #tpu.memory_space<vmem>>, vector<16xf32>,
        %parallel_loop3A_344 = vector.broadcast %add3A_163 : i32 to vector<16xi32>
        %parallel_loop3A_345 = arith.addi %parallel_loop3A_327, %parallel_loop3A_344 : vector<16xi32>
        %parallel_loop3A_346 = tpu.vector_load_idx %arg5[%parallel_loop3A_345] : memref<33280xf32, #tpu.memory_space<vmem>>[vector<16xi32>], vector<16xf32>,
        %parallel_loop3A_347 = arith.constant 2 : i32
        %parallel_loop3A_348 = arith.index_cast %parallel_loop3A_190 : i32 to index
        %parallel_loop3A_349 = arith.index_cast %parallel_loop3A_347 : i32 to index
        %parallel_loop3A_350 = arith.constant 32 : index
        %parallel_loop3A_351 = tpu.vector_load %arg9[%parallel_loop3A_348, %parallel_loop3A_349, %parallel_loop3A_350] {strides = array<i32>} : memref<26x8x128xf32, #tpu.memory_space<vmem>>, vector<16xf32>,
        tpu.vector_store %arg9[%parallel_loop3A_348, %parallel_loop3A_349, %parallel_loop3A_350], %parallel_loop3A_346 {strides = array<i32>} : memref<26x8x128xf32, #tpu.memory_space<vmem>>, vector<16xf32>,
        %parallel_loop3A_352 = vector.broadcast %add3A_165 : i32 to vector<16xi32>
        %parallel_loop3A_353 = arith.addi %parallel_loop3A_327, %parallel_loop3A_352 : vector<16xi32>
        %parallel_loop3A_354 = tpu.vector_load_idx %arg5[%parallel_loop3A_353] : memref<33280xf32, #tpu.memory_space<vmem>>[vector<16xi32>], vector<16xf32>,
        %parallel_loop3A_355 = arith.constant 3 : i32
        %parallel_loop3A_356 = arith.index_cast %parallel_loop3A_190 : i32 to index
        %parallel_loop3A_357 = arith.index_cast %parallel_loop3A_355 : i32 to index
        %parallel_loop3A_358 = arith.constant 32 : index
        %parallel_loop3A_359 = tpu.vector_load %arg9[%parallel_loop3A_356, %parallel_loop3A_357, %parallel_loop3A_358] {strides = array<i32>} : memref<26x8x128xf32, #tpu.memory_space<vmem>>, vector<16xf32>,
        tpu.vector_store %arg9[%parallel_loop3A_356, %parallel_loop3A_357, %parallel_loop3A_358], %parallel_loop3A_354 {strides = array<i32>} : memref<26x8x128xf32, #tpu.memory_space<vmem>>, vector<16xf32>,
        %parallel_loop3A_360 = vector.broadcast %add3A_167 : i32 to vector<16xi32>
        %parallel_loop3A_361 = arith.addi %parallel_loop3A_327, %parallel_loop3A_360 : vector<16xi32>
        %parallel_loop3A_362 = tpu.vector_load_idx %arg5[%parallel_loop3A_361] : memref<33280xf32, #tpu.memory_space<vmem>>[vector<16xi32>], vector<16xf32>,
        %parallel_loop3A_363 = arith.constant 4 : i32
        %parallel_loop3A_364 = arith.index_cast %parallel_loop3A_190 : i32 to index
        %parallel_loop3A_365 = arith.index_cast %parallel_loop3A_363 : i32 to index
        %parallel_loop3A_366 = arith.constant 32 : index
        %parallel_loop3A_367 = tpu.vector_load %arg9[%parallel_loop3A_364, %parallel_loop3A_365, %parallel_loop3A_366] {strides = array<i32>} : memref<26x8x128xf32, #tpu.memory_space<vmem>>, vector<16xf32>,
        tpu.vector_store %arg9[%parallel_loop3A_364, %parallel_loop3A_365, %parallel_loop3A_366], %parallel_loop3A_362 {strides = array<i32>} : memref<26x8x128xf32, #tpu.memory_space<vmem>>, vector<16xf32>,
        %parallel_loop3A_368 = vector.broadcast %add3A_169 : i32 to vector<16xi32>
        %parallel_loop3A_369 = arith.addi %parallel_loop3A_327, %parallel_loop3A_368 : vector<16xi32>
        %parallel_loop3A_370 = tpu.vector_load_idx %arg5[%parallel_loop3A_369] : memref<33280xf32, #tpu.memory_space<vmem>>[vector<16xi32>], vector<16xf32>,
        %parallel_loop3A_371 = arith.constant 5 : i32
        %parallel_loop3A_372 = arith.index_cast %parallel_loop3A_190 : i32 to index
        %parallel_loop3A_373 = arith.index_cast %parallel_loop3A_371 : i32 to index
        %parallel_loop3A_374 = arith.constant 32 : index
        %parallel_loop3A_375 = tpu.vector_load %arg9[%parallel_loop3A_372, %parallel_loop3A_373, %parallel_loop3A_374] {strides = array<i32>} : memref<26x8x128xf32, #tpu.memory_space<vmem>>, vector<16xf32>,
        tpu.vector_store %arg9[%parallel_loop3A_372, %parallel_loop3A_373, %parallel_loop3A_374], %parallel_loop3A_370 {strides = array<i32>} : memref<26x8x128xf32, #tpu.memory_space<vmem>>, vector<16xf32>,
        %parallel_loop3A_376 = vector.broadcast %add3A_171 : i32 to vector<16xi32>
        %parallel_loop3A_377 = arith.addi %parallel_loop3A_327, %parallel_loop3A_376 : vector<16xi32>
        %parallel_loop3A_378 = tpu.vector_load_idx %arg5[%parallel_loop3A_377] : memref<33280xf32, #tpu.memory_space<vmem>>[vector<16xi32>], vector<16xf32>,
        %parallel_loop3A_379 = arith.constant 6 : i32
        %parallel_loop3A_380 = arith.index_cast %parallel_loop3A_190 : i32 to index
        %parallel_loop3A_381 = arith.index_cast %parallel_loop3A_379 : i32 to index
        %parallel_loop3A_382 = arith.constant 32 : index
        %parallel_loop3A_383 = tpu.vector_load %arg9[%parallel_loop3A_380, %parallel_loop3A_381, %parallel_loop3A_382] {strides = array<i32>} : memref<26x8x128xf32, #tpu.memory_space<vmem>>, vector<16xf32>,
        tpu.vector_store %arg9[%parallel_loop3A_380, %parallel_loop3A_381, %parallel_loop3A_382], %parallel_loop3A_378 {strides = array<i32>} : memref<26x8x128xf32, #tpu.memory_space<vmem>>, vector<16xf32>,
        %parallel_loop3A_384 = vector.broadcast %add3A_173 : i32 to vector<16xi32>
        %parallel_loop3A_385 = arith.addi %parallel_loop3A_327, %parallel_loop3A_384 : vector<16xi32>
        %parallel_loop3A_386 = tpu.vector_load_idx %arg5[%parallel_loop3A_385] : memref<33280xf32, #tpu.memory_space<vmem>>[vector<16xi32>], vector<16xf32>,
        %parallel_loop3A_387 = arith.constant 7 : i32
        %parallel_loop3A_388 = arith.index_cast %parallel_loop3A_190 : i32 to index
        %parallel_loop3A_389 = arith.index_cast %parallel_loop3A_387 : i32 to index
        %parallel_loop3A_390 = arith.constant 32 : index
        %parallel_loop3A_391 = tpu.vector_load %arg9[%parallel_loop3A_388, %parallel_loop3A_389, %parallel_loop3A_390] {strides = array<i32>} : memref<26x8x128xf32, #tpu.memory_space<vmem>>, vector<16xf32>,
        tpu.vector_store %arg9[%parallel_loop3A_388, %parallel_loop3A_389, %parallel_loop3A_390], %parallel_loop3A_386 {strides = array<i32>} : memref<26x8x128xf32, #tpu.memory_space<vmem>>, vector<16xf32>,
        %parallel_loop3A_392 = arith.index_cast %parallel_loop3A_190 : i32 to index
        %parallel_loop3A_393 = arith.constant 48 : index
        %parallel_loop3A_394 = tpu.vector_load %arg7[%parallel_loop3A_392, %parallel_loop3A_393] {strides = array<i32>} : memref<26x128xi32, #tpu.memory_space<vmem>>, vector<16xi32>,
        %parallel_loop3A_395 = vector.broadcast %add3A_159 : i32 to vector<16xi32>
        %parallel_loop3A_396 = arith.addi %parallel_loop3A_394, %parallel_loop3A_395 : vector<16xi32>
        %parallel_loop3A_397 = tpu.vector_load_idx %arg5[%parallel_loop3A_396] : memref<33280xf32, #tpu.memory_space<vmem>>[vector<16xi32>], vector<16xf32>,
        %parallel_loop3A_398 = arith.constant 0 : i32
        %parallel_loop3A_399 = arith.index_cast %parallel_loop3A_190 : i32 to index
        %parallel_loop3A_400 = arith.index_cast %parallel_loop3A_398 : i32 to index
        %parallel_loop3A_401 = arith.constant 48 : index
        %parallel_loop3A_402 = tpu.vector_load %arg9[%parallel_loop3A_399, %parallel_loop3A_400, %parallel_loop3A_401] {strides = array<i32>} : memref<26x8x128xf32, #tpu.memory_space<vmem>>, vector<16xf32>,
        tpu.vector_store %arg9[%parallel_loop3A_399, %parallel_loop3A_400, %parallel_loop3A_401], %parallel_loop3A_397 {strides = array<i32>} : memref<26x8x128xf32, #tpu.memory_space<vmem>>, vector<16xf32>,
        %parallel_loop3A_403 = vector.broadcast %add3A_161 : i32 to vector<16xi32>
        %parallel_loop3A_404 = arith.addi %parallel_loop3A_394, %parallel_loop3A_403 : vector<16xi32>
        %parallel_loop3A_405 = tpu.vector_load_idx %arg5[%parallel_loop3A_404] : memref<33280xf32, #tpu.memory_space<vmem>>[vector<16xi32>], vector<16xf32>,
        %parallel_loop3A_406 = arith.constant 1 : i32
        %parallel_loop3A_407 = arith.index_cast %parallel_loop3A_190 : i32 to index
        %parallel_loop3A_408 = arith.index_cast %parallel_loop3A_406 : i32 to index
        %parallel_loop3A_409 = arith.constant 48 : index
        %parallel_loop3A_410 = tpu.vector_load %arg9[%parallel_loop3A_407, %parallel_loop3A_408, %parallel_loop3A_409] {strides = array<i32>} : memref<26x8x128xf32, #tpu.memory_space<vmem>>, vector<16xf32>,
        tpu.vector_store %arg9[%parallel_loop3A_407, %parallel_loop3A_408, %parallel_loop3A_409], %parallel_loop3A_405 {strides = array<i32>} : memref<26x8x128xf32, #tpu.memory_space<vmem>>, vector<16xf32>,
        %parallel_loop3A_411 = vector.broadcast %add3A_163 : i32 to vector<16xi32>
        %parallel_loop3A_412 = arith.addi %parallel_loop3A_394, %parallel_loop3A_411 : vector<16xi32>
        %parallel_loop3A_413 = tpu.vector_load_idx %arg5[%parallel_loop3A_412] : memref<33280xf32, #tpu.memory_space<vmem>>[vector<16xi32>], vector<16xf32>,
        %parallel_loop3A_414 = arith.constant 2 : i32
        %parallel_loop3A_415 = arith.index_cast %parallel_loop3A_190 : i32 to index
        %parallel_loop3A_416 = arith.index_cast %parallel_loop3A_414 : i32 to index
        %parallel_loop3A_417 = arith.constant 48 : index
        %parallel_loop3A_418 = tpu.vector_load %arg9[%parallel_loop3A_415, %parallel_loop3A_416, %parallel_loop3A_417] {strides = array<i32>} : memref<26x8x128xf32, #tpu.memory_space<vmem>>, vector<16xf32>,
        tpu.vector_store %arg9[%parallel_loop3A_415, %parallel_loop3A_416, %parallel_loop3A_417], %parallel_loop3A_413 {strides = array<i32>} : memref<26x8x128xf32, #tpu.memory_space<vmem>>, vector<16xf32>,
        %parallel_loop3A_419 = vector.broadcast %add3A_165 : i32 to vector<16xi32>
        %parallel_loop3A_420 = arith.addi %parallel_loop3A_394, %parallel_loop3A_419 : vector<16xi32>
        %parallel_loop3A_421 = tpu.vector_load_idx %arg5[%parallel_loop3A_420] : memref<33280xf32, #tpu.memory_space<vmem>>[vector<16xi32>], vector<16xf32>,
        %parallel_loop3A_422 = arith.constant 3 : i32
        %parallel_loop3A_423 = arith.index_cast %parallel_loop3A_190 : i32 to index
        %parallel_loop3A_424 = arith.index_cast %parallel_loop3A_422 : i32 to index
        %parallel_loop3A_425 = arith.constant 48 : index
        %parallel_loop3A_426 = tpu.vector_load %arg9[%parallel_loop3A_423, %parallel_loop3A_424, %parallel_loop3A_425] {strides = array<i32>} : memref<26x8x128xf32, #tpu.memory_space<vmem>>, vector<16xf32>,
        tpu.vector_store %arg9[%parallel_loop3A_423, %parallel_loop3A_424, %parallel_loop3A_425], %parallel_loop3A_421 {strides = array<i32>} : memref<26x8x128xf32, #tpu.memory_space<vmem>>, vector<16xf32>,
        %parallel_loop3A_427 = vector.broadcast %add3A_167 : i32 to vector<16xi32>
        %parallel_loop3A_428 = arith.addi %parallel_loop3A_394, %parallel_loop3A_427 : vector<16xi32>
        %parallel_loop3A_429 = tpu.vector_load_idx %arg5[%parallel_loop3A_428] : memref<33280xf32, #tpu.memory_space<vmem>>[vector<16xi32>], vector<16xf32>,
        %parallel_loop3A_430 = arith.constant 4 : i32
        %parallel_loop3A_431 = arith.index_cast %parallel_loop3A_190 : i32 to index
        %parallel_loop3A_432 = arith.index_cast %parallel_loop3A_430 : i32 to index
        %parallel_loop3A_433 = arith.constant 48 : index
        %parallel_loop3A_434 = tpu.vector_load %arg9[%parallel_loop3A_431, %parallel_loop3A_432, %parallel_loop3A_433] {strides = array<i32>} : memref<26x8x128xf32, #tpu.memory_space<vmem>>, vector<16xf32>,
        tpu.vector_store %arg9[%parallel_loop3A_431, %parallel_loop3A_432, %parallel_loop3A_433], %parallel_loop3A_429 {strides = array<i32>} : memref<26x8x128xf32, #tpu.memory_space<vmem>>, vector<16xf32>,
        %parallel_loop3A_435 = vector.broadcast %add3A_169 : i32 to vector<16xi32>
        %parallel_loop3A_436 = arith.addi %parallel_loop3A_394, %parallel_loop3A_435 : vector<16xi32>
        %parallel_loop3A_437 = tpu.vector_load_idx %arg5[%parallel_loop3A_436] : memref<33280xf32, #tpu.memory_space<vmem>>[vector<16xi32>], vector<16xf32>,
        %parallel_loop3A_438 = arith.constant 5 : i32
        %parallel_loop3A_439 = arith.index_cast %parallel_loop3A_190 : i32 to index
        %parallel_loop3A_440 = arith.index_cast %parallel_loop3A_438 : i32 to index
        %parallel_loop3A_441 = arith.constant 48 : index
        %parallel_loop3A_442 = tpu.vector_load %arg9[%parallel_loop3A_439, %parallel_loop3A_440, %parallel_loop3A_441] {strides = array<i32>} : memref<26x8x128xf32, #tpu.memory_space<vmem>>, vector<16xf32>,
        tpu.vector_store %arg9[%parallel_loop3A_439, %parallel_loop3A_440, %parallel_loop3A_441], %parallel_loop3A_437 {strides = array<i32>} : memref<26x8x128xf32, #tpu.memory_space<vmem>>, vector<16xf32>,
        %parallel_loop3A_443 = vector.broadcast %add3A_171 : i32 to vector<16xi32>
        %parallel_loop3A_444 = arith.addi %parallel_loop3A_394, %parallel_loop3A_443 : vector<16xi32>
        %parallel_loop3A_445 = tpu.vector_load_idx %arg5[%parallel_loop3A_444] : memref<33280xf32, #tpu.memory_space<vmem>>[vector<16xi32>], vector<16xf32>,
        %parallel_loop3A_446 = arith.constant 6 : i32
        %parallel_loop3A_447 = arith.index_cast %parallel_loop3A_190 : i32 to index
        %parallel_loop3A_448 = arith.index_cast %parallel_loop3A_446 : i32 to index
        %parallel_loop3A_449 = arith.constant 48 : index
        %parallel_loop3A_450 = tpu.vector_load %arg9[%parallel_loop3A_447, %parallel_loop3A_448, %parallel_loop3A_449] {strides = array<i32>} : memref<26x8x128xf32, #tpu.memory_space<vmem>>, vector<16xf32>,
        tpu.vector_store %arg9[%parallel_loop3A_447, %parallel_loop3A_448, %parallel_loop3A_449], %parallel_loop3A_445 {strides = array<i32>} : memref<26x8x128xf32, #tpu.memory_space<vmem>>, vector<16xf32>,
        %parallel_loop3A_451 = vector.broadcast %add3A_173 : i32 to vector<16xi32>
        %parallel_loop3A_452 = arith.addi %parallel_loop3A_394, %parallel_loop3A_451 : vector<16xi32>
        %parallel_loop3A_453 = tpu.vector_load_idx %arg5[%parallel_loop3A_452] : memref<33280xf32, #tpu.memory_space<vmem>>[vector<16xi32>], vector<16xf32>,
        %parallel_loop3A_454 = arith.constant 7 : i32
        %parallel_loop3A_455 = arith.index_cast %parallel_loop3A_190 : i32 to index
        %parallel_loop3A_456 = arith.index_cast %parallel_loop3A_454 : i32 to index
        %parallel_loop3A_457 = arith.constant 48 : index
        %parallel_loop3A_458 = tpu.vector_load %arg9[%parallel_loop3A_455, %parallel_loop3A_456, %parallel_loop3A_457] {strides = array<i32>} : memref<26x8x128xf32, #tpu.memory_space<vmem>>, vector<16xf32>,
        tpu.vector_store %arg9[%parallel_loop3A_455, %parallel_loop3A_456, %parallel_loop3A_457], %parallel_loop3A_453 {strides = array<i32>} : memref<26x8x128xf32, #tpu.memory_space<vmem>>, vector<16xf32>,
        %parallel_loop3A_459 = arith.index_cast %parallel_loop3A_190 : i32 to index
        %parallel_loop3A_460 = arith.constant 64 : index
        %parallel_loop3A_461 = tpu.vector_load %arg7[%parallel_loop3A_459, %parallel_loop3A_460] {strides = array<i32>} : memref<26x128xi32, #tpu.memory_space<vmem>>, vector<16xi32>,
        %parallel_loop3A_462 = vector.broadcast %add3A_159 : i32 to vector<16xi32>
        %parallel_loop3A_463 = arith.addi %parallel_loop3A_461, %parallel_loop3A_462 : vector<16xi32>
        %parallel_loop3A_464 = tpu.vector_load_idx %arg5[%parallel_loop3A_463] : memref<33280xf32, #tpu.memory_space<vmem>>[vector<16xi32>], vector<16xf32>,
        %parallel_loop3A_465 = arith.constant 0 : i32
        %parallel_loop3A_466 = arith.index_cast %parallel_loop3A_190 : i32 to index
        %parallel_loop3A_467 = arith.index_cast %parallel_loop3A_465 : i32 to index
        %parallel_loop3A_468 = arith.constant 64 : index
        %parallel_loop3A_469 = tpu.vector_load %arg9[%parallel_loop3A_466, %parallel_loop3A_467, %parallel_loop3A_468] {strides = array<i32>} : memref<26x8x128xf32, #tpu.memory_space<vmem>>, vector<16xf32>,
        tpu.vector_store %arg9[%parallel_loop3A_466, %parallel_loop3A_467, %parallel_loop3A_468], %parallel_loop3A_464 {strides = array<i32>} : memref<26x8x128xf32, #tpu.memory_space<vmem>>, vector<16xf32>,
        %parallel_loop3A_470 = vector.broadcast %add3A_161 : i32 to vector<16xi32>
        %parallel_loop3A_471 = arith.addi %parallel_loop3A_461, %parallel_loop3A_470 : vector<16xi32>
        %parallel_loop3A_472 = tpu.vector_load_idx %arg5[%parallel_loop3A_471] : memref<33280xf32, #tpu.memory_space<vmem>>[vector<16xi32>], vector<16xf32>,
        %parallel_loop3A_473 = arith.constant 1 : i32
        %parallel_loop3A_474 = arith.index_cast %parallel_loop3A_190 : i32 to index
        %parallel_loop3A_475 = arith.index_cast %parallel_loop3A_473 : i32 to index
        %parallel_loop3A_476 = arith.constant 64 : index
        %parallel_loop3A_477 = tpu.vector_load %arg9[%parallel_loop3A_474, %parallel_loop3A_475, %parallel_loop3A_476] {strides = array<i32>} : memref<26x8x128xf32, #tpu.memory_space<vmem>>, vector<16xf32>,
        tpu.vector_store %arg9[%parallel_loop3A_474, %parallel_loop3A_475, %parallel_loop3A_476], %parallel_loop3A_472 {strides = array<i32>} : memref<26x8x128xf32, #tpu.memory_space<vmem>>, vector<16xf32>,
        %parallel_loop3A_478 = vector.broadcast %add3A_163 : i32 to vector<16xi32>
        %parallel_loop3A_479 = arith.addi %parallel_loop3A_461, %parallel_loop3A_478 : vector<16xi32>
        %parallel_loop3A_480 = tpu.vector_load_idx %arg5[%parallel_loop3A_479] : memref<33280xf32, #tpu.memory_space<vmem>>[vector<16xi32>], vector<16xf32>,
        %parallel_loop3A_481 = arith.constant 2 : i32
        %parallel_loop3A_482 = arith.index_cast %parallel_loop3A_190 : i32 to index
        %parallel_loop3A_483 = arith.index_cast %parallel_loop3A_481 : i32 to index
        %parallel_loop3A_484 = arith.constant 64 : index
        %parallel_loop3A_485 = tpu.vector_load %arg9[%parallel_loop3A_482, %parallel_loop3A_483, %parallel_loop3A_484] {strides = array<i32>} : memref<26x8x128xf32, #tpu.memory_space<vmem>>, vector<16xf32>,
        tpu.vector_store %arg9[%parallel_loop3A_482, %parallel_loop3A_483, %parallel_loop3A_484], %parallel_loop3A_480 {strides = array<i32>} : memref<26x8x128xf32, #tpu.memory_space<vmem>>, vector<16xf32>,
        %parallel_loop3A_486 = vector.broadcast %add3A_165 : i32 to vector<16xi32>
        %parallel_loop3A_487 = arith.addi %parallel_loop3A_461, %parallel_loop3A_486 : vector<16xi32>
        %parallel_loop3A_488 = tpu.vector_load_idx %arg5[%parallel_loop3A_487] : memref<33280xf32, #tpu.memory_space<vmem>>[vector<16xi32>], vector<16xf32>,
        %parallel_loop3A_489 = arith.constant 3 : i32
        %parallel_loop3A_490 = arith.index_cast %parallel_loop3A_190 : i32 to index
        %parallel_loop3A_491 = arith.index_cast %parallel_loop3A_489 : i32 to index
        %parallel_loop3A_492 = arith.constant 64 : index
        %parallel_loop3A_493 = tpu.vector_load %arg9[%parallel_loop3A_490, %parallel_loop3A_491, %parallel_loop3A_492] {strides = array<i32>} : memref<26x8x128xf32, #tpu.memory_space<vmem>>, vector<16xf32>,
        tpu.vector_store %arg9[%parallel_loop3A_490, %parallel_loop3A_491, %parallel_loop3A_492], %parallel_loop3A_488 {strides = array<i32>} : memref<26x8x128xf32, #tpu.memory_space<vmem>>, vector<16xf32>,
        %parallel_loop3A_494 = vector.broadcast %add3A_167 : i32 to vector<16xi32>
        %parallel_loop3A_495 = arith.addi %parallel_loop3A_461, %parallel_loop3A_494 : vector<16xi32>
        %parallel_loop3A_496 = tpu.vector_load_idx %arg5[%parallel_loop3A_495] : memref<33280xf32, #tpu.memory_space<vmem>>[vector<16xi32>], vector<16xf32>,
        %parallel_loop3A_497 = arith.constant 4 : i32
        %parallel_loop3A_498 = arith.index_cast %parallel_loop3A_190 : i32 to index
        %parallel_loop3A_499 = arith.index_cast %parallel_loop3A_497 : i32 to index
        %parallel_loop3A_500 = arith.constant 64 : index
        %parallel_loop3A_501 = tpu.vector_load %arg9[%parallel_loop3A_498, %parallel_loop3A_499, %parallel_loop3A_500] {strides = array<i32>} : memref<26x8x128xf32, #tpu.memory_space<vmem>>, vector<16xf32>,
        tpu.vector_store %arg9[%parallel_loop3A_498, %parallel_loop3A_499, %parallel_loop3A_500], %parallel_loop3A_496 {strides = array<i32>} : memref<26x8x128xf32, #tpu.memory_space<vmem>>, vector<16xf32>,
        %parallel_loop3A_502 = vector.broadcast %add3A_169 : i32 to vector<16xi32>
        %parallel_loop3A_503 = arith.addi %parallel_loop3A_461, %parallel_loop3A_502 : vector<16xi32>
        %parallel_loop3A_504 = tpu.vector_load_idx %arg5[%parallel_loop3A_503] : memref<33280xf32, #tpu.memory_space<vmem>>[vector<16xi32>], vector<16xf32>,
        %parallel_loop3A_505 = arith.constant 5 : i32
        %parallel_loop3A_506 = arith.index_cast %parallel_loop3A_190 : i32 to index
        %parallel_loop3A_507 = arith.index_cast %parallel_loop3A_505 : i32 to index
        %parallel_loop3A_508 = arith.constant 64 : index
        %parallel_loop3A_509 = tpu.vector_load %arg9[%parallel_loop3A_506, %parallel_loop3A_507, %parallel_loop3A_508] {strides = array<i32>} : memref<26x8x128xf32, #tpu.memory_space<vmem>>, vector<16xf32>,
        tpu.vector_store %arg9[%parallel_loop3A_506, %parallel_loop3A_507, %parallel_loop3A_508], %parallel_loop3A_504 {strides = array<i32>} : memref<26x8x128xf32, #tpu.memory_space<vmem>>, vector<16xf32>,
        %parallel_loop3A_510 = vector.broadcast %add3A_171 : i32 to vector<16xi32>
        %parallel_loop3A_511 = arith.addi %parallel_loop3A_461, %parallel_loop3A_510 : vector<16xi32>
        %parallel_loop3A_512 = tpu.vector_load_idx %arg5[%parallel_loop3A_511] : memref<33280xf32, #tpu.memory_space<vmem>>[vector<16xi32>], vector<16xf32>,
        %parallel_loop3A_513 = arith.constant 6 : i32
        %parallel_loop3A_514 = arith.index_cast %parallel_loop3A_190 : i32 to index
        %parallel_loop3A_515 = arith.index_cast %parallel_loop3A_513 : i32 to index
        %parallel_loop3A_516 = arith.constant 64 : index
        %parallel_loop3A_517 = tpu.vector_load %arg9[%parallel_loop3A_514, %parallel_loop3A_515, %parallel_loop3A_516] {strides = array<i32>} : memref<26x8x128xf32, #tpu.memory_space<vmem>>, vector<16xf32>,
        tpu.vector_store %arg9[%parallel_loop3A_514, %parallel_loop3A_515, %parallel_loop3A_516], %parallel_loop3A_512 {strides = array<i32>} : memref<26x8x128xf32, #tpu.memory_space<vmem>>, vector<16xf32>,
        %parallel_loop3A_518 = vector.broadcast %add3A_173 : i32 to vector<16xi32>
        %parallel_loop3A_519 = arith.addi %parallel_loop3A_461, %parallel_loop3A_518 : vector<16xi32>
        %parallel_loop3A_520 = tpu.vector_load_idx %arg5[%parallel_loop3A_519] : memref<33280xf32, #tpu.memory_space<vmem>>[vector<16xi32>], vector<16xf32>,
        %parallel_loop3A_521 = arith.constant 7 : i32
        %parallel_loop3A_522 = arith.index_cast %parallel_loop3A_190 : i32 to index
        %parallel_loop3A_523 = arith.index_cast %parallel_loop3A_521 : i32 to index
        %parallel_loop3A_524 = arith.constant 64 : index
        %parallel_loop3A_525 = tpu.vector_load %arg9[%parallel_loop3A_522, %parallel_loop3A_523, %parallel_loop3A_524] {strides = array<i32>} : memref<26x8x128xf32, #tpu.memory_space<vmem>>, vector<16xf32>,
        tpu.vector_store %arg9[%parallel_loop3A_522, %parallel_loop3A_523, %parallel_loop3A_524], %parallel_loop3A_520 {strides = array<i32>} : memref<26x8x128xf32, #tpu.memory_space<vmem>>, vector<16xf32>,
        %parallel_loop3A_526 = arith.index_cast %parallel_loop3A_190 : i32 to index
        %parallel_loop3A_527 = arith.constant 80 : index
        %parallel_loop3A_528 = tpu.vector_load %arg7[%parallel_loop3A_526, %parallel_loop3A_527] {strides = array<i32>} : memref<26x128xi32, #tpu.memory_space<vmem>>, vector<16xi32>,
        %parallel_loop3A_529 = vector.broadcast %add3A_159 : i32 to vector<16xi32>
        %parallel_loop3A_530 = arith.addi %parallel_loop3A_528, %parallel_loop3A_529 : vector<16xi32>
        %parallel_loop3A_531 = tpu.vector_load_idx %arg5[%parallel_loop3A_530] : memref<33280xf32, #tpu.memory_space<vmem>>[vector<16xi32>], vector<16xf32>,
        %parallel_loop3A_532 = arith.constant 0 : i32
        %parallel_loop3A_533 = arith.index_cast %parallel_loop3A_190 : i32 to index
        %parallel_loop3A_534 = arith.index_cast %parallel_loop3A_532 : i32 to index
        %parallel_loop3A_535 = arith.constant 80 : index
        %parallel_loop3A_536 = tpu.vector_load %arg9[%parallel_loop3A_533, %parallel_loop3A_534, %parallel_loop3A_535] {strides = array<i32>} : memref<26x8x128xf32, #tpu.memory_space<vmem>>, vector<16xf32>,
        tpu.vector_store %arg9[%parallel_loop3A_533, %parallel_loop3A_534, %parallel_loop3A_535], %parallel_loop3A_531 {strides = array<i32>} : memref<26x8x128xf32, #tpu.memory_space<vmem>>, vector<16xf32>,
        %parallel_loop3A_537 = vector.broadcast %add3A_161 : i32 to vector<16xi32>
        %parallel_loop3A_538 = arith.addi %parallel_loop3A_528, %parallel_loop3A_537 : vector<16xi32>
        %parallel_loop3A_539 = tpu.vector_load_idx %arg5[%parallel_loop3A_538] : memref<33280xf32, #tpu.memory_space<vmem>>[vector<16xi32>], vector<16xf32>,
        %parallel_loop3A_540 = arith.constant 1 : i32
        %parallel_loop3A_541 = arith.index_cast %parallel_loop3A_190 : i32 to index
        %parallel_loop3A_542 = arith.index_cast %parallel_loop3A_540 : i32 to index
        %parallel_loop3A_543 = arith.constant 80 : index
        %parallel_loop3A_544 = tpu.vector_load %arg9[%parallel_loop3A_541, %parallel_loop3A_542, %parallel_loop3A_543] {strides = array<i32>} : memref<26x8x128xf32, #tpu.memory_space<vmem>>, vector<16xf32>,
        tpu.vector_store %arg9[%parallel_loop3A_541, %parallel_loop3A_542, %parallel_loop3A_543], %parallel_loop3A_539 {strides = array<i32>} : memref<26x8x128xf32, #tpu.memory_space<vmem>>, vector<16xf32>,
        %parallel_loop3A_545 = vector.broadcast %add3A_163 : i32 to vector<16xi32>
        %parallel_loop3A_546 = arith.addi %parallel_loop3A_528, %parallel_loop3A_545 : vector<16xi32>
        %parallel_loop3A_547 = tpu.vector_load_idx %arg5[%parallel_loop3A_546] : memref<33280xf32, #tpu.memory_space<vmem>>[vector<16xi32>], vector<16xf32>,
        %parallel_loop3A_548 = arith.constant 2 : i32
        %parallel_loop3A_549 = arith.index_cast %parallel_loop3A_190 : i32 to index
        %parallel_loop3A_550 = arith.index_cast %parallel_loop3A_548 : i32 to index
        %parallel_loop3A_551 = arith.constant 80 : index
        %parallel_loop3A_552 = tpu.vector_load %arg9[%parallel_loop3A_549, %parallel_loop3A_550, %parallel_loop3A_551] {strides = array<i32>} : memref<26x8x128xf32, #tpu.memory_space<vmem>>, vector<16xf32>,
        tpu.vector_store %arg9[%parallel_loop3A_549, %parallel_loop3A_550, %parallel_loop3A_551], %parallel_loop3A_547 {strides = array<i32>} : memref<26x8x128xf32, #tpu.memory_space<vmem>>, vector<16xf32>,
        %parallel_loop3A_553 = vector.broadcast %add3A_165 : i32 to vector<16xi32>
        %parallel_loop3A_554 = arith.addi %parallel_loop3A_528, %parallel_loop3A_553 : vector<16xi32>
        %parallel_loop3A_555 = tpu.vector_load_idx %arg5[%parallel_loop3A_554] : memref<33280xf32, #tpu.memory_space<vmem>>[vector<16xi32>], vector<16xf32>,
        %parallel_loop3A_556 = arith.constant 3 : i32
        %parallel_loop3A_557 = arith.index_cast %parallel_loop3A_190 : i32 to index
        %parallel_loop3A_558 = arith.index_cast %parallel_loop3A_556 : i32 to index
        %parallel_loop3A_559 = arith.constant 80 : index
        %parallel_loop3A_560 = tpu.vector_load %arg9[%parallel_loop3A_557, %parallel_loop3A_558, %parallel_loop3A_559] {strides = array<i32>} : memref<26x8x128xf32, #tpu.memory_space<vmem>>, vector<16xf32>,
        tpu.vector_store %arg9[%parallel_loop3A_557, %parallel_loop3A_558, %parallel_loop3A_559], %parallel_loop3A_555 {strides = array<i32>} : memref<26x8x128xf32, #tpu.memory_space<vmem>>, vector<16xf32>,
        %parallel_loop3A_561 = vector.broadcast %add3A_167 : i32 to vector<16xi32>
        %parallel_loop3A_562 = arith.addi %parallel_loop3A_528, %parallel_loop3A_561 : vector<16xi32>
        %parallel_loop3A_563 = tpu.vector_load_idx %arg5[%parallel_loop3A_562] : memref<33280xf32, #tpu.memory_space<vmem>>[vector<16xi32>], vector<16xf32>,
        %parallel_loop3A_564 = arith.constant 4 : i32
        %parallel_loop3A_565 = arith.index_cast %parallel_loop3A_190 : i32 to index
        %parallel_loop3A_566 = arith.index_cast %parallel_loop3A_564 : i32 to index
        %parallel_loop3A_567 = arith.constant 80 : index
        %parallel_loop3A_568 = tpu.vector_load %arg9[%parallel_loop3A_565, %parallel_loop3A_566, %parallel_loop3A_567] {strides = array<i32>} : memref<26x8x128xf32, #tpu.memory_space<vmem>>, vector<16xf32>,
        tpu.vector_store %arg9[%parallel_loop3A_565, %parallel_loop3A_566, %parallel_loop3A_567], %parallel_loop3A_563 {strides = array<i32>} : memref<26x8x128xf32, #tpu.memory_space<vmem>>, vector<16xf32>,
        %parallel_loop3A_569 = vector.broadcast %add3A_169 : i32 to vector<16xi32>
        %parallel_loop3A_570 = arith.addi %parallel_loop3A_528, %parallel_loop3A_569 : vector<16xi32>
        %parallel_loop3A_571 = tpu.vector_load_idx %arg5[%parallel_loop3A_570] : memref<33280xf32, #tpu.memory_space<vmem>>[vector<16xi32>], vector<16xf32>,
        %parallel_loop3A_572 = arith.constant 5 : i32
        %parallel_loop3A_573 = arith.index_cast %parallel_loop3A_190 : i32 to index
        %parallel_loop3A_574 = arith.index_cast %parallel_loop3A_572 : i32 to index
        %parallel_loop3A_575 = arith.constant 80 : index
        %parallel_loop3A_576 = tpu.vector_load %arg9[%parallel_loop3A_573, %parallel_loop3A_574, %parallel_loop3A_575] {strides = array<i32>} : memref<26x8x128xf32, #tpu.memory_space<vmem>>, vector<16xf32>,
        tpu.vector_store %arg9[%parallel_loop3A_573, %parallel_loop3A_574, %parallel_loop3A_575], %parallel_loop3A_571 {strides = array<i32>} : memref<26x8x128xf32, #tpu.memory_space<vmem>>, vector<16xf32>,
        %parallel_loop3A_577 = vector.broadcast %add3A_171 : i32 to vector<16xi32>
        %parallel_loop3A_578 = arith.addi %parallel_loop3A_528, %parallel_loop3A_577 : vector<16xi32>
        %parallel_loop3A_579 = tpu.vector_load_idx %arg5[%parallel_loop3A_578] : memref<33280xf32, #tpu.memory_space<vmem>>[vector<16xi32>], vector<16xf32>,
        %parallel_loop3A_580 = arith.constant 6 : i32
        %parallel_loop3A_581 = arith.index_cast %parallel_loop3A_190 : i32 to index
        %parallel_loop3A_582 = arith.index_cast %parallel_loop3A_580 : i32 to index
        %parallel_loop3A_583 = arith.constant 80 : index
        %parallel_loop3A_584 = tpu.vector_load %arg9[%parallel_loop3A_581, %parallel_loop3A_582, %parallel_loop3A_583] {strides = array<i32>} : memref<26x8x128xf32, #tpu.memory_space<vmem>>, vector<16xf32>,
        tpu.vector_store %arg9[%parallel_loop3A_581, %parallel_loop3A_582, %parallel_loop3A_583], %parallel_loop3A_579 {strides = array<i32>} : memref<26x8x128xf32, #tpu.memory_space<vmem>>, vector<16xf32>,
        %parallel_loop3A_585 = vector.broadcast %add3A_173 : i32 to vector<16xi32>
        %parallel_loop3A_586 = arith.addi %parallel_loop3A_528, %parallel_loop3A_585 : vector<16xi32>
        %parallel_loop3A_587 = tpu.vector_load_idx %arg5[%parallel_loop3A_586] : memref<33280xf32, #tpu.memory_space<vmem>>[vector<16xi32>], vector<16xf32>,
        %parallel_loop3A_588 = arith.constant 7 : i32
        %parallel_loop3A_589 = arith.index_cast %parallel_loop3A_190 : i32 to index
        %parallel_loop3A_590 = arith.index_cast %parallel_loop3A_588 : i32 to index
        %parallel_loop3A_591 = arith.constant 80 : index
        %parallel_loop3A_592 = tpu.vector_load %arg9[%parallel_loop3A_589, %parallel_loop3A_590, %parallel_loop3A_591] {strides = array<i32>} : memref<26x8x128xf32, #tpu.memory_space<vmem>>, vector<16xf32>,
        tpu.vector_store %arg9[%parallel_loop3A_589, %parallel_loop3A_590, %parallel_loop3A_591], %parallel_loop3A_587 {strides = array<i32>} : memref<26x8x128xf32, #tpu.memory_space<vmem>>, vector<16xf32>,
        %parallel_loop3A_593 = arith.index_cast %parallel_loop3A_190 : i32 to index
        %parallel_loop3A_594 = arith.constant 96 : index
        %parallel_loop3A_595 = tpu.vector_load %arg7[%parallel_loop3A_593, %parallel_loop3A_594] {strides = array<i32>} : memref<26x128xi32, #tpu.memory_space<vmem>>, vector<16xi32>,
        %parallel_loop3A_596 = vector.broadcast %add3A_159 : i32 to vector<16xi32>
        %parallel_loop3A_597 = arith.addi %parallel_loop3A_595, %parallel_loop3A_596 : vector<16xi32>
        %parallel_loop3A_598 = tpu.vector_load_idx %arg5[%parallel_loop3A_597] : memref<33280xf32, #tpu.memory_space<vmem>>[vector<16xi32>], vector<16xf32>,
        %parallel_loop3A_599 = arith.constant 0 : i32
        %parallel_loop3A_600 = arith.index_cast %parallel_loop3A_190 : i32 to index
        %parallel_loop3A_601 = arith.index_cast %parallel_loop3A_599 : i32 to index
        %parallel_loop3A_602 = arith.constant 96 : index
        %parallel_loop3A_603 = tpu.vector_load %arg9[%parallel_loop3A_600, %parallel_loop3A_601, %parallel_loop3A_602] {strides = array<i32>} : memref<26x8x128xf32, #tpu.memory_space<vmem>>, vector<16xf32>,
        tpu.vector_store %arg9[%parallel_loop3A_600, %parallel_loop3A_601, %parallel_loop3A_602], %parallel_loop3A_598 {strides = array<i32>} : memref<26x8x128xf32, #tpu.memory_space<vmem>>, vector<16xf32>,
        %parallel_loop3A_604 = vector.broadcast %add3A_161 : i32 to vector<16xi32>
        %parallel_loop3A_605 = arith.addi %parallel_loop3A_595, %parallel_loop3A_604 : vector<16xi32>
        %parallel_loop3A_606 = tpu.vector_load_idx %arg5[%parallel_loop3A_605] : memref<33280xf32, #tpu.memory_space<vmem>>[vector<16xi32>], vector<16xf32>,
        %parallel_loop3A_607 = arith.constant 1 : i32
        %parallel_loop3A_608 = arith.index_cast %parallel_loop3A_190 : i32 to index
        %parallel_loop3A_609 = arith.index_cast %parallel_loop3A_607 : i32 to index
        %parallel_loop3A_610 = arith.constant 96 : index
        %parallel_loop3A_611 = tpu.vector_load %arg9[%parallel_loop3A_608, %parallel_loop3A_609, %parallel_loop3A_610] {strides = array<i32>} : memref<26x8x128xf32, #tpu.memory_space<vmem>>, vector<16xf32>,
        tpu.vector_store %arg9[%parallel_loop3A_608, %parallel_loop3A_609, %parallel_loop3A_610], %parallel_loop3A_606 {strides = array<i32>} : memref<26x8x128xf32, #tpu.memory_space<vmem>>, vector<16xf32>,
        %parallel_loop3A_612 = vector.broadcast %add3A_163 : i32 to vector<16xi32>
        %parallel_loop3A_613 = arith.addi %parallel_loop3A_595, %parallel_loop3A_612 : vector<16xi32>
        %parallel_loop3A_614 = tpu.vector_load_idx %arg5[%parallel_loop3A_613] : memref<33280xf32, #tpu.memory_space<vmem>>[vector<16xi32>], vector<16xf32>,
        %parallel_loop3A_615 = arith.constant 2 : i32
        %parallel_loop3A_616 = arith.index_cast %parallel_loop3A_190 : i32 to index
        %parallel_loop3A_617 = arith.index_cast %parallel_loop3A_615 : i32 to index
        %parallel_loop3A_618 = arith.constant 96 : index
        %parallel_loop3A_619 = tpu.vector_load %arg9[%parallel_loop3A_616, %parallel_loop3A_617, %parallel_loop3A_618] {strides = array<i32>} : memref<26x8x128xf32, #tpu.memory_space<vmem>>, vector<16xf32>,
        tpu.vector_store %arg9[%parallel_loop3A_616, %parallel_loop3A_617, %parallel_loop3A_618], %parallel_loop3A_614 {strides = array<i32>} : memref<26x8x128xf32, #tpu.memory_space<vmem>>, vector<16xf32>,
        %parallel_loop3A_620 = vector.broadcast %add3A_165 : i32 to vector<16xi32>
        %parallel_loop3A_621 = arith.addi %parallel_loop3A_595, %parallel_loop3A_620 : vector<16xi32>
        %parallel_loop3A_622 = tpu.vector_load_idx %arg5[%parallel_loop3A_621] : memref<33280xf32, #tpu.memory_space<vmem>>[vector<16xi32>], vector<16xf32>,
        %parallel_loop3A_623 = arith.constant 3 : i32
        %parallel_loop3A_624 = arith.index_cast %parallel_loop3A_190 : i32 to index
        %parallel_loop3A_625 = arith.index_cast %parallel_loop3A_623 : i32 to index
        %parallel_loop3A_626 = arith.constant 96 : index
        %parallel_loop3A_627 = tpu.vector_load %arg9[%parallel_loop3A_624, %parallel_loop3A_625, %parallel_loop3A_626] {strides = array<i32>} : memref<26x8x128xf32, #tpu.memory_space<vmem>>, vector<16xf32>,
        tpu.vector_store %arg9[%parallel_loop3A_624, %parallel_loop3A_625, %parallel_loop3A_626], %parallel_loop3A_622 {strides = array<i32>} : memref<26x8x128xf32, #tpu.memory_space<vmem>>, vector<16xf32>,
        %parallel_loop3A_628 = vector.broadcast %add3A_167 : i32 to vector<16xi32>
        %parallel_loop3A_629 = arith.addi %parallel_loop3A_595, %parallel_loop3A_628 : vector<16xi32>
        %parallel_loop3A_630 = tpu.vector_load_idx %arg5[%parallel_loop3A_629] : memref<33280xf32, #tpu.memory_space<vmem>>[vector<16xi32>], vector<16xf32>,
        %parallel_loop3A_631 = arith.constant 4 : i32
        %parallel_loop3A_632 = arith.index_cast %parallel_loop3A_190 : i32 to index
        %parallel_loop3A_633 = arith.index_cast %parallel_loop3A_631 : i32 to index
        %parallel_loop3A_634 = arith.constant 96 : index
        %parallel_loop3A_635 = tpu.vector_load %arg9[%parallel_loop3A_632, %parallel_loop3A_633, %parallel_loop3A_634] {strides = array<i32>} : memref<26x8x128xf32, #tpu.memory_space<vmem>>, vector<16xf32>,
        tpu.vector_store %arg9[%parallel_loop3A_632, %parallel_loop3A_633, %parallel_loop3A_634], %parallel_loop3A_630 {strides = array<i32>} : memref<26x8x128xf32, #tpu.memory_space<vmem>>, vector<16xf32>,
        %parallel_loop3A_636 = vector.broadcast %add3A_169 : i32 to vector<16xi32>
        %parallel_loop3A_637 = arith.addi %parallel_loop3A_595, %parallel_loop3A_636 : vector<16xi32>
        %parallel_loop3A_638 = tpu.vector_load_idx %arg5[%parallel_loop3A_637] : memref<33280xf32, #tpu.memory_space<vmem>>[vector<16xi32>], vector<16xf32>,
        %parallel_loop3A_639 = arith.constant 5 : i32
        %parallel_loop3A_640 = arith.index_cast %parallel_loop3A_190 : i32 to index
        %parallel_loop3A_641 = arith.index_cast %parallel_loop3A_639 : i32 to index
        %parallel_loop3A_642 = arith.constant 96 : index
        %parallel_loop3A_643 = tpu.vector_load %arg9[%parallel_loop3A_640, %parallel_loop3A_641, %parallel_loop3A_642] {strides = array<i32>} : memref<26x8x128xf32, #tpu.memory_space<vmem>>, vector<16xf32>,
        tpu.vector_store %arg9[%parallel_loop3A_640, %parallel_loop3A_641, %parallel_loop3A_642], %parallel_loop3A_638 {strides = array<i32>} : memref<26x8x128xf32, #tpu.memory_space<vmem>>, vector<16xf32>,
        %parallel_loop3A_644 = vector.broadcast %add3A_171 : i32 to vector<16xi32>
        %parallel_loop3A_645 = arith.addi %parallel_loop3A_595, %parallel_loop3A_644 : vector<16xi32>
        %parallel_loop3A_646 = tpu.vector_load_idx %arg5[%parallel_loop3A_645] : memref<33280xf32, #tpu.memory_space<vmem>>[vector<16xi32>], vector<16xf32>,
        %parallel_loop3A_647 = arith.constant 6 : i32
        %parallel_loop3A_648 = arith.index_cast %parallel_loop3A_190 : i32 to index
        %parallel_loop3A_649 = arith.index_cast %parallel_loop3A_647 : i32 to index
        %parallel_loop3A_650 = arith.constant 96 : index
        %parallel_loop3A_651 = tpu.vector_load %arg9[%parallel_loop3A_648, %parallel_loop3A_649, %parallel_loop3A_650] {strides = array<i32>} : memref<26x8x128xf32, #tpu.memory_space<vmem>>, vector<16xf32>,
        tpu.vector_store %arg9[%parallel_loop3A_648, %parallel_loop3A_649, %parallel_loop3A_650], %parallel_loop3A_646 {strides = array<i32>} : memref<26x8x128xf32, #tpu.memory_space<vmem>>, vector<16xf32>,
        %parallel_loop3A_652 = vector.broadcast %add3A_173 : i32 to vector<16xi32>
        %parallel_loop3A_653 = arith.addi %parallel_loop3A_595, %parallel_loop3A_652 : vector<16xi32>
        %parallel_loop3A_654 = tpu.vector_load_idx %arg5[%parallel_loop3A_653] : memref<33280xf32, #tpu.memory_space<vmem>>[vector<16xi32>], vector<16xf32>,
        %parallel_loop3A_655 = arith.constant 7 : i32
        %parallel_loop3A_656 = arith.index_cast %parallel_loop3A_190 : i32 to index
        %parallel_loop3A_657 = arith.index_cast %parallel_loop3A_655 : i32 to index
        %parallel_loop3A_658 = arith.constant 96 : index
        %parallel_loop3A_659 = tpu.vector_load %arg9[%parallel_loop3A_656, %parallel_loop3A_657, %parallel_loop3A_658] {strides = array<i32>} : memref<26x8x128xf32, #tpu.memory_space<vmem>>, vector<16xf32>,
        tpu.vector_store %arg9[%parallel_loop3A_656, %parallel_loop3A_657, %parallel_loop3A_658], %parallel_loop3A_654 {strides = array<i32>} : memref<26x8x128xf32, #tpu.memory_space<vmem>>, vector<16xf32>,
        %parallel_loop3A_660 = arith.index_cast %parallel_loop3A_190 : i32 to index
        %parallel_loop3A_661 = arith.constant 112 : index
        %parallel_loop3A_662 = tpu.vector_load %arg7[%parallel_loop3A_660, %parallel_loop3A_661] {strides = array<i32>} : memref<26x128xi32, #tpu.memory_space<vmem>>, vector<16xi32>,
        %parallel_loop3A_663 = vector.broadcast %add3A_159 : i32 to vector<16xi32>
        %parallel_loop3A_664 = arith.addi %parallel_loop3A_662, %parallel_loop3A_663 : vector<16xi32>
        %parallel_loop3A_665 = tpu.vector_load_idx %arg5[%parallel_loop3A_664] : memref<33280xf32, #tpu.memory_space<vmem>>[vector<16xi32>], vector<16xf32>,
        %parallel_loop3A_666 = arith.constant 0 : i32
        %parallel_loop3A_667 = arith.index_cast %parallel_loop3A_190 : i32 to index
        %parallel_loop3A_668 = arith.index_cast %parallel_loop3A_666 : i32 to index
        %parallel_loop3A_669 = arith.constant 112 : index
        %parallel_loop3A_670 = tpu.vector_load %arg9[%parallel_loop3A_667, %parallel_loop3A_668, %parallel_loop3A_669] {strides = array<i32>} : memref<26x8x128xf32, #tpu.memory_space<vmem>>, vector<16xf32>,
        tpu.vector_store %arg9[%parallel_loop3A_667, %parallel_loop3A_668, %parallel_loop3A_669], %parallel_loop3A_665 {strides = array<i32>} : memref<26x8x128xf32, #tpu.memory_space<vmem>>, vector<16xf32>,
        %parallel_loop3A_671 = vector.broadcast %add3A_161 : i32 to vector<16xi32>
        %parallel_loop3A_672 = arith.addi %parallel_loop3A_662, %parallel_loop3A_671 : vector<16xi32>
        %parallel_loop3A_673 = tpu.vector_load_idx %arg5[%parallel_loop3A_672] : memref<33280xf32, #tpu.memory_space<vmem>>[vector<16xi32>], vector<16xf32>,
        %parallel_loop3A_674 = arith.constant 1 : i32
        %parallel_loop3A_675 = arith.index_cast %parallel_loop3A_190 : i32 to index
        %parallel_loop3A_676 = arith.index_cast %parallel_loop3A_674 : i32 to index
        %parallel_loop3A_677 = arith.constant 112 : index
        %parallel_loop3A_678 = tpu.vector_load %arg9[%parallel_loop3A_675, %parallel_loop3A_676, %parallel_loop3A_677] {strides = array<i32>} : memref<26x8x128xf32, #tpu.memory_space<vmem>>, vector<16xf32>,
        tpu.vector_store %arg9[%parallel_loop3A_675, %parallel_loop3A_676, %parallel_loop3A_677], %parallel_loop3A_673 {strides = array<i32>} : memref<26x8x128xf32, #tpu.memory_space<vmem>>, vector<16xf32>,
        %parallel_loop3A_679 = vector.broadcast %add3A_163 : i32 to vector<16xi32>
        %parallel_loop3A_680 = arith.addi %parallel_loop3A_662, %parallel_loop3A_679 : vector<16xi32>
        %parallel_loop3A_681 = tpu.vector_load_idx %arg5[%parallel_loop3A_680] : memref<33280xf32, #tpu.memory_space<vmem>>[vector<16xi32>], vector<16xf32>,
        %parallel_loop3A_682 = arith.constant 2 : i32
        %parallel_loop3A_683 = arith.index_cast %parallel_loop3A_190 : i32 to index
        %parallel_loop3A_684 = arith.index_cast %parallel_loop3A_682 : i32 to index
        %parallel_loop3A_685 = arith.constant 112 : index
        %parallel_loop3A_686 = tpu.vector_load %arg9[%parallel_loop3A_683, %parallel_loop3A_684, %parallel_loop3A_685] {strides = array<i32>} : memref<26x8x128xf32, #tpu.memory_space<vmem>>, vector<16xf32>,
        tpu.vector_store %arg9[%parallel_loop3A_683, %parallel_loop3A_684, %parallel_loop3A_685], %parallel_loop3A_681 {strides = array<i32>} : memref<26x8x128xf32, #tpu.memory_space<vmem>>, vector<16xf32>,
        %parallel_loop3A_687 = vector.broadcast %add3A_165 : i32 to vector<16xi32>
        %parallel_loop3A_688 = arith.addi %parallel_loop3A_662, %parallel_loop3A_687 : vector<16xi32>
        %parallel_loop3A_689 = tpu.vector_load_idx %arg5[%parallel_loop3A_688] : memref<33280xf32, #tpu.memory_space<vmem>>[vector<16xi32>], vector<16xf32>,
        %parallel_loop3A_690 = arith.constant 3 : i32
        %parallel_loop3A_691 = arith.index_cast %parallel_loop3A_190 : i32 to index
        %parallel_loop3A_692 = arith.index_cast %parallel_loop3A_690 : i32 to index
        %parallel_loop3A_693 = arith.constant 112 : index
        %parallel_loop3A_694 = tpu.vector_load %arg9[%parallel_loop3A_691, %parallel_loop3A_692, %parallel_loop3A_693] {strides = array<i32>} : memref<26x8x128xf32, #tpu.memory_space<vmem>>, vector<16xf32>,
        tpu.vector_store %arg9[%parallel_loop3A_691, %parallel_loop3A_692, %parallel_loop3A_693], %parallel_loop3A_689 {strides = array<i32>} : memref<26x8x128xf32, #tpu.memory_space<vmem>>, vector<16xf32>,
        %parallel_loop3A_695 = vector.broadcast %add3A_167 : i32 to vector<16xi32>
        %parallel_loop3A_696 = arith.addi %parallel_loop3A_662, %parallel_loop3A_695 : vector<16xi32>
        %parallel_loop3A_697 = tpu.vector_load_idx %arg5[%parallel_loop3A_696] : memref<33280xf32, #tpu.memory_space<vmem>>[vector<16xi32>], vector<16xf32>,
        %parallel_loop3A_698 = arith.constant 4 : i32
        %parallel_loop3A_699 = arith.index_cast %parallel_loop3A_190 : i32 to index
        %parallel_loop3A_700 = arith.index_cast %parallel_loop3A_698 : i32 to index
        %parallel_loop3A_701 = arith.constant 112 : index
        %parallel_loop3A_702 = tpu.vector_load %arg9[%parallel_loop3A_699, %parallel_loop3A_700, %parallel_loop3A_701] {strides = array<i32>} : memref<26x8x128xf32, #tpu.memory_space<vmem>>, vector<16xf32>,
        tpu.vector_store %arg9[%parallel_loop3A_699, %parallel_loop3A_700, %parallel_loop3A_701], %parallel_loop3A_697 {strides = array<i32>} : memref<26x8x128xf32, #tpu.memory_space<vmem>>, vector<16xf32>,
        %parallel_loop3A_703 = vector.broadcast %add3A_169 : i32 to vector<16xi32>
        %parallel_loop3A_704 = arith.addi %parallel_loop3A_662, %parallel_loop3A_703 : vector<16xi32>
        %parallel_loop3A_705 = tpu.vector_load_idx %arg5[%parallel_loop3A_704] : memref<33280xf32, #tpu.memory_space<vmem>>[vector<16xi32>], vector<16xf32>,
        %parallel_loop3A_706 = arith.constant 5 : i32
        %parallel_loop3A_707 = arith.index_cast %parallel_loop3A_190 : i32 to index
        %parallel_loop3A_708 = arith.index_cast %parallel_loop3A_706 : i32 to index
        %parallel_loop3A_709 = arith.constant 112 : index
        %parallel_loop3A_710 = tpu.vector_load %arg9[%parallel_loop3A_707, %parallel_loop3A_708, %parallel_loop3A_709] {strides = array<i32>} : memref<26x8x128xf32, #tpu.memory_space<vmem>>, vector<16xf32>,
        tpu.vector_store %arg9[%parallel_loop3A_707, %parallel_loop3A_708, %parallel_loop3A_709], %parallel_loop3A_705 {strides = array<i32>} : memref<26x8x128xf32, #tpu.memory_space<vmem>>, vector<16xf32>,
        %parallel_loop3A_711 = vector.broadcast %add3A_171 : i32 to vector<16xi32>
        %parallel_loop3A_712 = arith.addi %parallel_loop3A_662, %parallel_loop3A_711 : vector<16xi32>
        %parallel_loop3A_713 = tpu.vector_load_idx %arg5[%parallel_loop3A_712] : memref<33280xf32, #tpu.memory_space<vmem>>[vector<16xi32>], vector<16xf32>,
        %parallel_loop3A_714 = arith.constant 6 : i32
        %parallel_loop3A_715 = arith.index_cast %parallel_loop3A_190 : i32 to index
        %parallel_loop3A_716 = arith.index_cast %parallel_loop3A_714 : i32 to index
        %parallel_loop3A_717 = arith.constant 112 : index
        %parallel_loop3A_718 = tpu.vector_load %arg9[%parallel_loop3A_715, %parallel_loop3A_716, %parallel_loop3A_717] {strides = array<i32>} : memref<26x8x128xf32, #tpu.memory_space<vmem>>, vector<16xf32>,
        tpu.vector_store %arg9[%parallel_loop3A_715, %parallel_loop3A_716, %parallel_loop3A_717], %parallel_loop3A_713 {strides = array<i32>} : memref<26x8x128xf32, #tpu.memory_space<vmem>>, vector<16xf32>,
        %parallel_loop3A_719 = vector.broadcast %add3A_173 : i32 to vector<16xi32>
        %parallel_loop3A_720 = arith.addi %parallel_loop3A_662, %parallel_loop3A_719 : vector<16xi32>
        %parallel_loop3A_721 = tpu.vector_load_idx %arg5[%parallel_loop3A_720] : memref<33280xf32, #tpu.memory_space<vmem>>[vector<16xi32>], vector<16xf32>,
        %parallel_loop3A_722 = arith.constant 7 : i32
        %parallel_loop3A_723 = arith.index_cast %parallel_loop3A_190 : i32 to index
        %parallel_loop3A_724 = arith.index_cast %parallel_loop3A_722 : i32 to index
        %parallel_loop3A_725 = arith.constant 112 : index
        %parallel_loop3A_726 = tpu.vector_load %arg9[%parallel_loop3A_723, %parallel_loop3A_724, %parallel_loop3A_725] {strides = array<i32>} : memref<26x8x128xf32, #tpu.memory_space<vmem>>, vector<16xf32>,
        tpu.vector_store %arg9[%parallel_loop3A_723, %parallel_loop3A_724, %parallel_loop3A_725], %parallel_loop3A_721 {strides = array<i32>} : memref<26x8x128xf32, #tpu.memory_space<vmem>>, vector<16xf32>,
      } {sc.loop_unroll_factor = 3 : i64, sc.parallel_access}
      %mul3A_177 = arith.constant 8192 : i32
      %mul3A_178 = arith.muli %arg0, %mul3A_177 : i32
      %mul3A_179 = arith.constant 2 : i32
      %mul3A_180 = arith.muli %mul3A_179, %add3A_132 : i32
      %add3A_181 = arith.addi %mul3A_180, %select_n3A_28 : i32
      %mul3A_182 = arith.constant 128 : i32
      %mul3A_183 = arith.muli %add3A_181, %mul3A_182 : i32
      %add3A_184 = arith.addi %mul3A_178, %mul3A_183 : i32
      %multiple_of3A_185 = tpu.assume_multiple %add3A_184, 128 : i32
      %dma_start3A_186 = arith.constant 0 : i32
      %dma_start3A_187 = tpu.memref_slice %arg4[%dma_start3A_186, %multiple_of3A, %multiple_of3A_185] : memref<26x64x16384xf32, #tpu.memory_space<hbm>> -> memref<26x8x128xf32, #tpu.memory_space<hbm>>
      %dma_start3A_188 = arith.constant 0 : i32
      %dma_start3A_189 = tpu.memref_slice %arg4[%dma_start3A_188, %multiple_of3A, %multiple_of3A_185] : memref<26x64x16384xf32, #tpu.memory_space<hbm>> -> memref<26x8x128xf32, #tpu.memory_space<hbm>>
      tpu.enqueue_dma source(%arg9 : memref<26x8x128xf32, #tpu.memory_space<vmem>>) target(%dma_start3A_189 : memref<26x8x128xf32, #tpu.memory_space<hbm>>) target_semaphore(%arg13 : memref<!tpu.dma_semaphore, #tpu.memory_space<semaphore_mem>>)
    }
    %scan3A_47 = arith.constant 16 : i32
    %mul3A_48 = arith.constant 8192 : i32
    %mul3A_49 = arith.muli %arg0, %mul3A_48 : i32
    %add3A_50 = arith.constant 60 : i32
    %add3A_51 = arith.addi %add3A_50, %select_n3A_28 : i32
    %mul3A_52 = arith.constant 128 : i32
    %mul3A_53 = arith.muli %add3A_51, %mul3A_52 : i32
    %add3A_54 = arith.addi %mul3A_49, %mul3A_53 : i32
    %multiple_of3A_55 = tpu.assume_multiple %add3A_54, 128 : i32
    %dma_wait3A = arith.constant 0 : i32
    %dma_wait3A_56 = tpu.memref_slice %arg4[%dma_wait3A, %multiple_of3A, %multiple_of3A_55] : memref<26x64x16384xf32, #tpu.memory_space<hbm>> -> memref<26x8x128xf32, #tpu.memory_space<hbm>>
    %dma_wait3A_57 = arith.constant 0 : i32
    %dma_wait3A_58 = tpu.memref_slice %arg4[%dma_wait3A_57, %multiple_of3A, %multiple_of3A_55] : memref<26x64x16384xf32, #tpu.memory_space<hbm>> -> memref<26x8x128xf32, #tpu.memory_space<hbm>>
    tpu.wait_dma2 semaphore(%arg12 : memref<!tpu.dma_semaphore, #tpu.memory_space<semaphore_mem>>) src(%arg8 : memref<26x8x128xf32, #tpu.memory_space<vmem>>) dst(%dma_wait3A_58 : memref<26x8x128xf32, #tpu.memory_space<hbm>>)
    %mul3A_59 = arith.constant 8192 : i32
    %mul3A_60 = arith.muli %arg0, %mul3A_59 : i32
    %add3A_61 = arith.constant 62 : i32
    %add3A_62 = arith.addi %add3A_61, %select_n3A_28 : i32
    %mul3A_63 = arith.constant 128 : i32
    %mul3A_64 = arith.muli %add3A_62, %mul3A_63 : i32
    %add3A_65 = arith.addi %mul3A_60, %mul3A_64 : i32
    %multiple_of3A_66 = tpu.assume_multiple %add3A_65, 128 : i32
    %dma_wait3A_67 = arith.constant 0 : i32
    %dma_wait3A_68 = tpu.memref_slice %arg4[%dma_wait3A_67, %multiple_of3A, %multiple_of3A_66] : memref<26x64x16384xf32, #tpu.memory_space<hbm>> -> memref<26x8x128xf32, #tpu.memory_space<hbm>>
    %dma_wait3A_69 = arith.constant 0 : i32
    %dma_wait3A_70 = tpu.memref_slice %arg4[%dma_wait3A_69, %multiple_of3A, %multiple_of3A_66] : memref<26x64x16384xf32, #tpu.memory_space<hbm>> -> memref<26x8x128xf32, #tpu.memory_space<hbm>>
    tpu.wait_dma2 semaphore(%arg13 : memref<!tpu.dma_semaphore, #tpu.memory_space<semaphore_mem>>) src(%arg9 : memref<26x8x128xf32, #tpu.memory_space<vmem>>) dst(%dma_wait3A_70 : memref<26x8x128xf32, #tpu.memory_space<hbm>>)
    return
  }
}

module attributes {stable_mosaic.version = 14 : i64} {
  func.func @_prep_body(%arg0: memref<26x16384xi32, #tpu.memory_space<vmem>>, %arg1: memref<64x520xf32, #tpu.memory_space<vmem>>, %arg2: memref<64x520xf32, #tpu.memory_space<vmem>>, %arg3: memref<64x520xf32, #tpu.memory_space<vmem>>, %arg4: memref<26x16384xi32, #tpu.memory_space<vmem>>, %arg5: memref<64x520xf32, #tpu.memory_space<vmem>>) attributes {dimension_semantics = [], scalar_prefetch = 0 : i64, scratch_operands = 0 : i64, tpu.core_type = #tpu.core_type<tc>} {
    %get3A = arith.constant 0 : index
    %get3A_0 = arith.constant 0 : index
    %get3A_1 = vector.load %arg2[%get3A, %get3A_0] : memref<64x520xf32, #tpu.memory_space<vmem>>, vector<64x520xf32>
    %get3A_2 = arith.constant 0 : index
    %get3A_3 = arith.constant 0 : index
    %get3A_4 = vector.load %arg1[%get3A_2, %get3A_3] : memref<64x520xf32, #tpu.memory_space<vmem>>, vector<64x520xf32>
    %mul3A = arith.mulf %get3A_1, %get3A_4 : vector<64x520xf32>
    %sub3A = arith.constant 1.000000e+00 : f32
    %sub3A_5 = vector.broadcast %sub3A : f32 to vector<64x520xf32>
    %sub3A_6 = arith.subf %sub3A_5, %get3A_1 : vector<64x520xf32>
    %get3A_7 = arith.constant 0 : index
    %get3A_8 = arith.constant 0 : index
    %get3A_9 = vector.load %arg3[%get3A_7, %get3A_8] : memref<64x520xf32, #tpu.memory_space<vmem>>, vector<64x520xf32>
    %mul3A_10 = arith.mulf %sub3A_6, %get3A_9 : vector<64x520xf32>
    %add3A = arith.addf %mul3A, %mul3A_10 : vector<64x520xf32>
    %swap3A = arith.constant 0 : index
    %swap3A_11 = arith.constant 0 : index
    %swap3A_12 = vector.load %arg5[%swap3A, %swap3A_11] : memref<64x520xf32, #tpu.memory_space<vmem>>, vector<64x520xf32>
    tpu.vector_store %arg5[%swap3A, %swap3A_11], %add3A {strides = array<i32>} : memref<64x520xf32, #tpu.memory_space<vmem>>, vector<64x520xf32>,
    %iota3A = tpu.iota {dimensions = array<i32: 0>} : vector<26x16384xi32>
    %mul3A_13 = arith.constant 20 : i32
    %mul3A_14 = vector.broadcast %mul3A_13 : i32 to vector<26x16384xi32>
    %mul3A_15 = arith.muli %iota3A, %mul3A_14 : vector<26x16384xi32>
    %get3A_16 = arith.constant 0 : index
    %get3A_17 = arith.constant 0 : index
    %get3A_18 = vector.load %arg0[%get3A_16, %get3A_17] : memref<26x16384xi32, #tpu.memory_space<vmem>>, vector<26x16384xi32>
    %add3A_19 = arith.addi %get3A_18, %mul3A_15 : vector<26x16384xi32>
    %swap3A_20 = arith.constant 0 : index
    %swap3A_21 = arith.constant 0 : index
    %swap3A_22 = vector.load %arg4[%swap3A_20, %swap3A_21] : memref<26x16384xi32, #tpu.memory_space<vmem>>, vector<26x16384xi32>
    tpu.vector_store %arg4[%swap3A_20, %swap3A_21], %add3A_19 {strides = array<i32>} : memref<26x16384xi32, #tpu.memory_space<vmem>>, vector<26x16384xi32>,
    return
  }
}

</mosaic_0001>

<sc_bundles>
// kernel: kernel.4.cloned.1.call-start
scs
__scs_entry_jumppad:
0x0: {  	(pc) =	sbr.rel $0x88, $3  }
0x1: {  	(tag) =	ssettag $0x0;
	lr =	simm.s32 $0x1  }
0x2: {  	[smem:$0x3F9D] =	sst lr;
	_ =	strace $0xD0000000  }
0x3: {  	_ = 	snop  }
0x4: {  	_ = 	snop  }
0x5: {  	_ = 	snop  }
0x6: {  	_ = 	snop  }
0x7: {  	_ = 	snop  }
__scs_overlays_trampoline_lowered:
0x8: {  	[smem:$0x3FAC] =	sst s0  }
0x9: {  	[smem:$0x3FAD] =	sst s1  }
0xa: {  	[smem:$0x3FAE] =	sst s2  }
0xb: {  	[smem:$0x3FAF] =	sst s3  }
0xc: {  	[smem:$0x3FB0] =	sst s4  }
0xd: {  	[smem:$0x3FB1] =	sst s5  }
0xe: {  	[smem:$0x3FB2] =	sst s6  }
0xf: {  	[smem:$0x3FB3] =	sst s7  }
0x10: {  	[smem:$0x3FB4] =	sst s8  }
0x11: {  	[smem:$0x3FB5] =	sst s9;
	s0 =	simm.s32 @!p0 $0x0  }
0x12: {  	s1 =	sld [smem:$0x3F9B];
	s0 =	simm.s32 @p0 $0x1  }
0x13: {  	[smem:$0x3FB6] =	sst s0;
	s0 =	simm.s32 @!p1 $0x0  }
0x14: {  	s2 =	sld [smem:$0x3F9A];
	s0 =	simm.s32 @p1 $0x1  }
0x15: {  	[smem:$0x3FB7] =	sst s0;
	s0 =	simm.s32 @!p2 $0x0  }
0x16: {  	s3 =	sld [smem:$0x3FDB];
	s0 =	simm.s32 @p2 $0x1  }
0x17: {  	s4 =	simm.s32 $0x1BF5;
	[smem:$0x3FB9] =	sst s0  }
0x18: {  	s0 =	sld [smem:$0x3F9C];
	_ =	swait.ge [sflag:s4], $0x0  }
0x19: {  	s7 =	sld [smem:$0x3F9D]  }
0x1a: {  	s8 =	sadd.s32 $0xFFFFE003, lr  }
0x1b: {  	s9 =	sadd.s32 $0xFFFFFEF7, lr;
	s5 =	simm.s32 $0xFFFFFFFF;
	p2 =	slt.u32 s8, $0xFFFFF086  }
0x1c: {  	p1 =	slt.u32 s9, $0xF7A;
	s5 =	simm.s32 @!p2 $0x0  }
0x1d: {  	s5 =	simm.s32 @p1 $0x1;
	p0 =	seq.s32 s7, s2  }
0x1e: {  	s7 =	smul.u32 @!p0 $0xF7A, s2;
	p2 =	seq.s32 @!p0 s5, $0x0  }
0x1f: {  	s9 =	smul.u32 $0xF7A, s1;
	s8 =	simm.s32 @!p0 $0x1BF5;
	p2 =	por !p2, p0  }
0x20: {  	[sflag:s8] =	ssyncset.s32 @!p0 $0xFFFFF086;
	s6 =	sadd.s32 @!p0 s3, s7;
	s7 =	simm.s32 @!p0 $0x108  }
0x21: {  	s3 =	sadd.s32 s3, s9;
	s6 =	sadd.s32 @!p0 $0x88, s6;
	s7 =	simm.s32 @p2 $0x1082  }
0x22: {  	[simem:s7], [sflag:s8] =	dma.local @!p0 [hbm:s6], $0xF7A  }
0x23: {  	s9 =	sor.u32 $0xD0000000, s2;
	s6 =	simm.s32 $0x108;
	_ =	swait.ge @!p0 [sflag:s8], $0x0  }
0x24: {  	s3 =	sadd.s32 $0x88, s3;
	s6 =	simm.s32 @!p1 $0x1082;
	[sflag:s4] =	ssyncset.s32 $0xFFFFF086  }
0x25: {  	[simem:s6], [sflag:s4] =	dma.local [hbm:s3], $0xF7A  }
0x26: {  	[smem:$0x3F9D] =	sst s1;
	(tag) =	ssettag s2;
	_ =	strace s9  }
0x27: {  	s1 =	sld [smem:$0x3FAD]  }
0x28: {  	s2 =	sld [smem:$0x3FAE]  }
0x29: {  	s4 =	sld [smem:$0x3FB0]  }
0x2a: {  	p0 =	seq.s32 s5, $0x0;
	s5 =	sld [smem:$0x3FB1]  }
0x2b: {  	s6 =	sld [smem:$0x3FB2]  }
0x2c: {  	s7 =	sld [smem:$0x3FB3]  }
0x2d: {  	s3 =	simm.s32 $0x108;
	s8 =	sld [smem:$0x3FB4]  }
0x2e: {  	s3 =	simm.s32 @!p0 $0x1082;
	s9 =	sld [smem:$0x3FB5]  }
0x2f: {  	lr =	sadd.s32 s0, s3;
	s0 =	sld [smem:$0x3FAC]  }
0x30: {  	s3 =	sld [smem:$0x3FAF]  }
0x31: {  	[smem:$0x3FB8] =	sst s10  }
0x32: {  	s10 =	sld [smem:$0x3FB6];
	_ =	sdelay $0x3  }
0x33: {  	p0 =	seq.s32 s10, $0x1;
	s10 =	sld [smem:$0x3FB8];
	_ =	sdelay $0x3  }
0x34: {  	[smem:$0x3FB8] =	sst s10  }
0x35: {  	s10 =	sld [smem:$0x3FB7];
	_ =	sdelay $0x3  }
0x36: {  	p1 =	seq.s32 s10, $0x1;
	s10 =	sld [smem:$0x3FB8];
	_ =	sdelay $0x3  }
0x37: {  	[smem:$0x3FB8] =	sst s10  }
0x38: {  	s10 =	sld [smem:$0x3FB9]  }
0x39: {  	_ = 	snop;
	(pc) =	sbr.ind lr, $3  }
0x3a: {  	_ = 	snop  }
0x3b: {  	_ = 	snop  }
0x3c: {  	p2 =	seq.s32 s10, $0x1;
	s10 =	sld [smem:$0x3FB8]  }
0x3d: {  	_ =	shalt  }
0x3e: {  	_ =	shalt  }
0x3f: {  	_ =	shalt  }
0x40: {  	_ =	shalt  }
0x41: {  	_ =	shalt  }
0x42: {  	_ =	shalt  }
0x43: {  	_ =	shalt  }
0x44: {  	_ =	shalt  }
0x45: {  	_ =	shalt  }
0x46: {  	_ =	shalt  }
0x47: {  	_ =	shalt  }
0x48: {  	_ =	shalt  }
0x49: {  	_ =	shalt  }
0x4a: {  	_ =	shalt  }
0x4b: {  	_ =	shalt  }
0x4c: {  	_ =	shalt  }
0x4d: {  	_ =	shalt  }
0x4e: {  	_ =	shalt  }
0x4f: {  	_ =	shalt  }
0x50: {  	_ =	shalt  }
0x51: {  	_ =	shalt  }
0x52: {  	_ =	shalt  }
0x53: {  	_ =	shalt  }
0x54: {  	_ =	shalt  }
0x55: {  	_ =	shalt  }
0x56: {  	_ =	shalt  }
0x57: {  	_ =	shalt  }
0x58: {  	_ =	shalt  }
0x59: {  	_ =	shalt  }
0x5a: {  	_ =	shalt  }
0x5b: {  	_ =	shalt  }
0x5c: {  	_ =	shalt  }
0x5d: {  	_ =	shalt  }
0x5e: {  	_ =	shalt  }
0x5f: {  	_ =	shalt  }
0x60: {  	_ =	shalt  }
0x61: {  	_ =	shalt  }
0x62: {  	_ =	shalt  }
0x63: {  	_ =	shalt  }
0x64: {  	_ =	shalt  }
0x65: {  	_ =	shalt  }
0x66: {  	_ =	shalt  }
0x67: {  	_ =	shalt  }
0x68: {  	_ =	shalt  }
0x69: {  	_ =	shalt  }
0x6a: {  	_ =	shalt  }
0x6b: {  	_ =	shalt  }
0x6c: {  	_ =	shalt  }
0x6d: {  	_ =	shalt  }
0x6e: {  	_ =	shalt  }
0x6f: {  	_ =	shalt  }
0x70: {  	_ =	shalt  }
0x71: {  	_ =	shalt  }
0x72: {  	_ =	shalt  }
0x73: {  	_ =	shalt  }
0x74: {  	_ =	shalt  }
0x75: {  	_ =	shalt  }
0x76: {  	_ =	shalt  }
0x77: {  	_ =	shalt  }
0x78: {  	_ =	shalt  }
0x79: {  	_ =	shalt  }
0x7a: {  	_ =	shalt  }
0x7b: {  	_ =	shalt  }
0x7c: {  	_ =	shalt  }
0x7d: {  	_ =	shalt  }
0x7e: {  	_ =	shalt  }
0x7f: {  	_ =	shalt  }
0x80: {  	_ =	shalt  }
0x81: {  	_ =	shalt  }
0x82: {  	_ =	shalt  }
0x83: {  	_ =	shalt  }
0x84: {  	_ =	shalt  }
0x85: {  	_ =	shalt  }
0x86: {  	_ =	shalt  }
0x87: {  	_ =	shalt  }
.Lfunc_end0:
.L_simem_size_0:
called_computation_lowered:
.L_overlay_start_0:
0x88: {  	s2 =	sld [smem:$0x3FD9]  }
0x89: {  	s3 =	sld [smem:$0x3FFE];
	_ =	sdelay $0x1  }
0x8a: {  	s1 =	srdreg.scid  }
0x8b: {  	s0 =	sand.u32 $0x1, s1  }
0x8c: {  	s17 =	sshll.u32 s0, $0xA;
	s2 =	sadd.s32 s3, s2  }
0x8d: {  	s2 =	sadd.s32 s2, s17  }
0x8e: {  	[smem:$0x3FC4] =	sst s2  }
0x8f: {  	_ = 	snop  }
0x90: {  	s2 =	sld [smem:$0x3FD0];
	(tm) =	ssettm $0x1  }
0x91: {  	s18 =	sld [smem:$0x3FFB];
	_ =	sdelay $0x3  }
0x92: {  	_ =	strace s18  }
0x93: {  	s3 =	sld [smem:$0x3FFC];
	_ =	sdelay $0x3  }
0x94: {  	_ =	strace s3  }
0x95: {  	s3 =	sld [smem:$0x3FFD];
	_ =	sdelay $0x3  }
0x96: {  	_ =	strace s3  }
0x97: {  	_ =	strace $0x8FFFFFFF  }
0x98: {  	s19 =	sld [smem:$0x3FDB];
	_ =	sdelay $0x1  }
0x99: {  	s4 =	simm.s32 $_scs_section_size  }
0x9a: {  	s5 =	simm.s32 $_size__tile_overlayer_lowered;
	s6 =	simm.s32 $_tile_overlayer_lowered  }
0x9b: {  	s22 =	simm.s32 $0x1BFF;
	s21 =	sshll.u32 s6, $0x1;
	s3 =	sadd.s32 s4, s19  }
0x9c: {  	s7 =	simm.s32 $0x0;
	s20 =	sshll.u32 s5, $0x1;
	s5 =	sadd.s32 s21, s3  }
0x9d: {  	[timem:s7], [sflag:s22] =	dma.local [hbm:s5], s20  }
0x9e: {  	_ =	swait.ge [sflag:s22], s20  }
0x9f: {  	s4 =	ssub.s32 $0x0, s20;
	[sflag:s22] =	ssyncset.done $0x0  }
0xa0: {  	[sflag:s22] =	ssyncadd.s32 s4;
	_ =	sdelay $0x1  }
0xa1: {  	s23 =	simm.s32 $0x1B8B  }
0xa2: {  	_ =	swait.ge [sflag:s23], $0x1  }
0xa3: {  	[sflag:s23] =	ssyncset.done $0x0  }
0xa4: {  	s25 =	simm.s32 $0x1B8E;
	s24 =	sld [smem:$0x3FFE];
	[sflag:s23] =	ssyncadd.s32 $0xFFFFFFFF  }
0xa5: {  	s26 =	simm.s32 $execute0_lowered;
	[smem:$0x3FD2] =	sst s25  }
0xa6: {  	s5 =	sshll.u32 s26, $0x1;
	_ =	strace $0x80000046;
	[dreg:$0x1] =	wrdreg $0xFFFFFFFF  }
0xa7: {  	s28 =	simm.s32 $_size_execute0_lowered;
	s3 =	sadd.s32 s3, s5;
	[dreg:$0x0] =	wrdreg $0x0  }
0xa8: {  	s5 =	sshll.u32 s28, $0x1;
	[dreg:$0x2] =	wrdreg s3  }
0xa9: {  	[dreg:$0x3] =	wrdreg s5  }
0xaa: {  	[dreg:$0x4] =	wrdreg $0xC0  }
0xab: {  	_ =	task [dreg:s7], $0x5FFFF  }
0xac: {  	[dreg:$0x1] =	wrdreg $0xFFFFFFFF  }
0xad: {  	[dreg:$0x0] =	wrdreg $0x60  }
0xae: {  	[dreg:$0x2] =	wrdreg s24  }
0xaf: {  	[dreg:$0x3] =	wrdreg s2  }
0xb0: {  	[dreg:$0x4] =	wrdreg $0x9  }
0xb1: {  	_ =	task.clear_ibuf [dreg:s7], $0x5FFFF;
	_ =	strace $0x90000046  }
0xb2: {  	s29 =	simm.s32 $0x9;
	_ =	strace $0x80000048  }
0xb3: {  	_ =	swait.ge [sflag:s29], $0x1  }
0xb4: {  	[sflag:s29] =	ssyncadd.s32 $0xFFFFFFFF  }
0xb5: {  	_ =	strace $0x90000048  }
0xb6: {  	_ =	sfence  }
0xb7: {  	s30 =	sld [smem:$0x0];
	_ =	sdelay $0x2  }
0xb8: {  	s31 =	sshll.u32 s1, $0xD;
	s1 =	sshrl.u32 s1, $0x2  }
0xb9: {  	s3 =	sand.u32 $0x4000, s31;
	s1 =	sadd.s32 s1, s30  }
0xba: {  	s0 =	sor.u32 s3, s0;
	s1 =	sshll.u32 s1, $0x11  }
0xbb: {  	s0 =	sor.u32 s1, s0  }
0xbc: {  	s0 =	sadd.s32 $0x8F2B, s0  }
0xbd: {  	[sflag:s0] =	ssyncadd.remote.s32 $0x1  }
0xbe: {  	_ =	sfence.sel $0xFFFF  }
0xbf: {  	[dreg:$0x0] =	wrdreg $0xFFFFFFFF;
	(pc) =	sbr.abs _section_cstart, $3  }
0xc0: {  	[dreg:$0x1] =	wrdreg $0xFFFFFFFF  }
0xc1: {  	_ =	task.clear_ibuf [dreg:s7], $0x2FFFF;
	_ =	strace $0x9FFFFFFF  }
0xc2: {  	(tm) =	ssettm $0x7FFFFFFF  }
0xc3: {  	_ =	shalt  }
tec
execute0_lowered:
.L_overlay_start_1:
0x0: {  	(tag) =	ssettag $0x1  }
0x1: {  	s0 =	rddreg [dreg:$0x0]  }
0x2: {  	s2 =	rddreg [dreg:$0x1]  }
0x3: {  	s1 =	simm.s32 $0x0;
	s3 =	srdreg.scid;
	s6 =	stileid.u32  }
0x4: {  	s13 =	simm.s32 $0x400;
	s20 =	simm.s32 $0x1;
	[smem:$0x7FF] =	sst s1  }
0x5: {  	s3 =	sand.u32 $0x1, s3;
	s4 =	sadd.s32 $0x10A00, s0;
	s0 =	sadd.s32 $0xA00, s0  }
0x6: {  	s24 =	sshll.u32 s6, $0x4;
	s6 =	sand.u32 $0x7, s6;
	_ =	strace $0x80000047  }
0x7: {  	[dreg:$0x3] =	wrdreg s4;
	s23 =	ssub.s32 $0x2, s3;
	s3 =	sshll.u32 s3, $0xD  }
0x8: {  	s8 =	sshll.u32 s6, $0xE;
	s6 =	smul.u32 $0x1040, s6;
	s5 =	sshrl.u32 s23, $0x1  }
0x9: {  	s7 =	sadd.s32 s0, s3;
	s21 =	smov.u32 s8;
	s9 =	sadd.s32 s2, s3  }
0xa: {  	s2 =	simm.s32 $0x0;
	s4 =	ssub.s32 s23, s5;
	s5 =	sand.u32 $0x80, s24  }
0xb: {  	[dreg:$0x4] =	wrdreg s7;
	s28 =	sadd.s32 $0x208, s6;
	s29 =	sadd.s32 $0x410, s6  }
0xc: {  	s10 =	sadd.s32 $0x618, s6;
	s11 =	sadd.s32 $0x820, s6;
	s25 =	sor.u32 $0x100, s5  }
0xd: {  	s12 =	sadd.s32 $0xA28, s6;
	s26 =	sor.u32 s8, s5;
	[dreg:$0x6] =	wrdreg s25  }
0xe: {  	s14 =	sadd.s32 $0xC30, s6;
	s30 =	smax.u32 s4, $0x1;
	[dreg:$0x7] =	wrdreg s26  }
0xf: {  	s16 =	sadd.s32 s5, s7;
	s5 =	sor.u32 s5, s3;
	[dreg:$0x9] =	wrdreg s30  }
0x10: {  	v0 =	vmov s6;
	v1 =	vmov s28;
	s0 =	sadd.s32 s5, s0;
	[dreg:$0x5] =	wrdreg s16;
	s31 =	sadd.s32 $0xC000, s16  }
0x11: {  	s15 =	sadd.s32 $0xE38, s6;
	v2 =	vmov s29;
	v3 =	vmov s10;
	v4 =	vmov s11;
	s0 =	sadd.s32 $0x200, s0;
	[dreg:$0xa] =	wrdreg s31  }
0x12: {  	s23 =	simm.s32 $0x2;
	s24 =	simm.s32 $0x4;
	v5 =	vmov s12;
	v6 =	vmov s14;
	v7 =	vmov s15;
	[dreg:$0x8] =	wrdreg s0  }
.LBB2_1:
0x13: {  	[dreg:$0xb] =	wrdreg s2  }
0x14: {  	s0 =	rddreg [dreg:$0x3];
	s25 =	simm.s32 $0x5  }
0x15: {  	[tilespmem:s1], [sflag:$0x5] =	stream.linear.gather [hbm4b:s0+s1], $0x8200, $0x38;
	[tilespmem:$0x17200] =	vst v63  }
0x16: {  	_ =	swait.ge [sflag:s25], $0x8200  }
0x17: {  	s28 =	simm.s32 $0x20000;
	[sflag:s25] =	ssyncset.done $0x0  }
0x18: {  	s3 =	simm.s32 $0x8200;
	s26 =	rddreg [dreg:$0x5];
	[sflag:s25] =	ssyncadd.s32 $0xFFFF7E00  }
0x19: {  	[tilespmem:s3], [sflag:$0x1] =	stream.strided.gather [hbm4b:s26+s13], $0xC00, s28, s13, $0x38;
	[tilespmem:$0x17200] =	vst v63  }
0x1a: {  	s31 =	simm.s32 $0x8E00;
	s29 =	simm.s32 $0x0;
	s30 =	rddreg [dreg:$0xa]  }
0x1b: {  	[tilespmem:s31], [sflag:$0x1] =	stream.linear.gather [hbm4b:s30+s1], $0x100, $0x38;
	[tilespmem:$0x17200] =	vst v63  }
.LBB2_2:
0x1c: {  	s31 =	sshll.u32 s29, $0x9;
	s0 =	rddreg [dreg:$0x6]  }
0x1d: {  	s22 =	rddreg [dreg:$0x4];
	s30 =	sor.u32 s0, s31  }
0x1e: {  	s2 =	simm.s32 $0x20000;
	s3 =	simm.s32 $0x9200;
	s0 =	sadd.s32 s30, s22  }
0x1f: {  	[tilespmem:s3], [sflag:$0x2] =	stream.strided.gather [hbm4b:s0+s13], $0xC00, s2, s13, $0x38;
	[tilespmem:$0x17200] =	vst v63  }
0x20: {  	s25 =	simm.s32 $0x9E00;
	s0 =	sadd.s32 $0xC000, s0  }
0x21: {  	[tilespmem:s25], [sflag:$0x2] =	stream.linear.gather [hbm4b:s0+s1], $0x100, $0x38;
	[tilespmem:$0x17200] =	vst v63  }
0x22: {  	_ =	swait.ge [sflag:s20], $0xD00  }
0x23: {  	p0 =	seq.s32 s29, $0x0;
	[sflag:s20] =	ssyncset.done $0x0  }
0x24: {  	s0 =	simm.s32 @!p0 $0x3;
	[sflag:s20] =	ssyncadd.s32 $0xFFFFF300  }
0x25: {  	_ =	swait.ge @!p0 [sflag:s0], $0x6800  }
0x26: {  	s26 =	simm.s32 $0x80;
	[sflag:s0] =	ssyncset.done @!p0 $0x0  }
0x27: {  	s15 =	sand.u32 $0x3FFFFF80, s26;
	s2 =	simm.s32 $0x100;
	[sflag:s0] =	ssyncadd.s32 @!p0 $0xFFFF9800  }
0x28: {  	s14 =	sand.u32 $0x3FFFFF80, s2;
	v8 =	vld [tilespmem:s15+$0x8200]  }
0x29: {  	v9 =	vld [tilespmem:s14+$0x8200];
	_ =	sdelay $0x3  }
0x2a: {  	v10 =	vadd.s32 v0, v8  }
0x2b: {  	v11 =	vadd.s32 v0, v9;
	_ =	sdelay $0x2  }
0x2c: {  	s0 =	simm.s32 $0x0  }
0x2d: {  	v10 =	vld.idx.msk [tilespmem:v10+s0+$0x0], $0xffff  }
0x2e: {  	v12 =	vadd.s32 v1, v8;
	v11 =	vld.idx.msk [tilespmem:v11+s0+$0x0], $0xffff  }
0x2f: {  	v13 =	vadd.s32 v1, v9  }
0x30: {  	s3 =	simm.s32 $0x400  }
0x31: {  	s4 =	simm.s32 $0x800;
	s25 =	sand.u32 $0x3FFFFC00, s3  }
0x32: {  	s2 =	sand.u32 $0x3FFFFC00, s4;
	[tilespmem:s25+$0xA200] =	vst v10  }
0x33: {  	[tilespmem:s2+$0xA200] =	vst v11;
	v10 =	vld.idx.msk [tilespmem:v12+s0+$0x0], $0xffff  }
0x34: {  	v11 =	vadd.s32 v2, v8;
	v12 =	vld.idx.msk [tilespmem:v13+s0+$0x0], $0xffff  }
0x35: {  	s5 =	simm.s32 $0x0;
	v13 =	vadd.s32 v2, v9  }
0x36: {  	s7 =	sand.u32 $0x3FFFFF80, s5  }
0x37: {  	v14 =	vld [tilespmem:s7+$0x8200]  }
0x38: {  	[tilespmem:s25+$0xA280] =	vst v10  }
0x39: {  	[tilespmem:s2+$0xA280] =	vst v12;
	v10 =	vld.idx.msk [tilespmem:v11+s0+$0x0], $0xffff  }
0x3a: {  	v11 =	vadd.s32 v3, v8;
	v12 =	vld.idx.msk [tilespmem:v13+s0+$0x0], $0xffff  }
0x3b: {  	v13 =	vadd.s32 v3, v9  }
0x3c: {  	v15 =	vadd.s32 v0, v14;
	_ =	sdelay $0x1  }
0x3d: {  	[tilespmem:s25+$0xA300] =	vst v10  }
0x3e: {  	[tilespmem:s2+$0xA300] =	vst v12;
	v10 =	vld.idx.msk [tilespmem:v11+s0+$0x0], $0xffff  }
0x3f: {  	v11 =	vadd.s32 v4, v8;
	v12 =	vld.idx.msk [tilespmem:v13+s0+$0x0], $0xffff  }
0x40: {  	v13 =	vld.idx.msk [tilespmem:v15+s0+$0x0], $0xffff;
	v15 =	vadd.s32 v4, v9  }
0x41: {  	v16 =	vadd.s32 v1, v14;
	_ =	sdelay $0x1  }
0x42: {  	s6 =	simm.s32 $0x0;
	[tilespmem:s25+$0xA380] =	vst v10  }
0x43: {  	s22 =	sand.u32 $0x3FFFFC00, s6;
	[tilespmem:s2+$0xA380] =	vst v12;
	v10 =	vld.idx.msk [tilespmem:v11+s0+$0x0], $0xffff  }
0x44: {  	[tilespmem:s22+$0xA200] =	vst v13;
	v11 =	vadd.s32 v5, v8;
	v12 =	vld.idx.msk [tilespmem:v15+s0+$0x0], $0xffff  }
0x45: {  	v13 =	vld.idx.msk [tilespmem:v16+s0+$0x0], $0xffff;
	v15 =	vadd.s32 v5, v9  }
0x46: {  	v16 =	vadd.s32 v2, v14;
	_ =	sdelay $0x1  }
0x47: {  	[tilespmem:s25+$0xA400] =	vst v10  }
0x48: {  	[tilespmem:s2+$0xA400] =	vst v12;
	v10 =	vld.idx.msk [tilespmem:v11+s0+$0x0], $0xffff  }
0x49: {  	[tilespmem:s22+$0xA280] =	vst v13;
	v11 =	vadd.s32 v6, v8;
	v12 =	vld.idx.msk [tilespmem:v15+s0+$0x0], $0xffff  }
0x4a: {  	v13 =	vld.idx.msk [tilespmem:v16+s0+$0x0], $0xffff;
	v15 =	vadd.s32 v6, v9  }
0x4b: {  	v16 =	vadd.s32 v3, v14;
	_ =	sdelay $0x1  }
0x4c: {  	[tilespmem:s25+$0xA480] =	vst v10  }
0x4d: {  	[tilespmem:s2+$0xA480] =	vst v12;
	v10 =	vld.idx.msk [tilespmem:v11+s0+$0x0], $0xffff  }
0x4e: {  	v8 =	vadd.s32 v7, v8;
	[tilespmem:s22+$0xA300] =	vst v13;
	v11 =	vld.idx.msk [tilespmem:v15+s0+$0x0], $0xffff  }
0x4f: {  	v9 =	vadd.s32 v7, v9;
	v12 =	vld.idx.msk [tilespmem:v16+s0+$0x0], $0xffff  }
0x50: {  	v13 =	vadd.s32 v4, v14;
	_ =	sdelay $0x1  }
0x51: {  	[tilespmem:s25+$0xA500] =	vst v10  }
0x52: {  	[tilespmem:s2+$0xA500] =	vst v11;
	v8 =	vld.idx.msk [tilespmem:v8+s0+$0x0], $0xffff  }
0x53: {  	[tilespmem:s22+$0xA380] =	vst v12;
	v9 =	vld.idx.msk [tilespmem:v9+s0+$0x0], $0xffff  }
0x54: {  	v10 =	vld.idx.msk [tilespmem:v13+s0+$0x0], $0xffff  }
0x55: {  	v11 =	vadd.s32 v5, v14;
	_ =	sdelay $0x1  }
0x56: {  	[tilespmem:s25+$0xA580] =	vst v8  }
0x57: {  	[tilespmem:s2+$0xA580] =	vst v9;
	v8 =	vld [tilespmem:s15+$0x8210]  }
0x58: {  	[tilespmem:s22+$0xA400] =	vst v10;
	v9 =	vld [tilespmem:s14+$0x8210]  }
0x59: {  	v10 =	vld.idx.msk [tilespmem:v11+s0+$0x0], $0xffff  }
0x5a: {  	v11 =	vadd.s32 v6, v14;
	_ =	sdelay $0x1  }
0x5b: {  	v12 =	vadd.s32 v0, v8  }
0x5c: {  	v13 =	vadd.s32 v0, v9  }
0x5d: {  	[tilespmem:s22+$0xA480] =	vst v10  }
0x5e: {  	v10 =	vld.idx.msk [tilespmem:v11+s0+$0x0], $0xffff  }
0x5f: {  	v11 =	vadd.s32 v7, v14  }
0x60: {  	v12 =	vld.idx.msk [tilespmem:v12+s0+$0x0], $0xffff  }
0x61: {  	v14 =	vadd.s32 v1, v8;
	v13 =	vld.idx.msk [tilespmem:v13+s0+$0x0], $0xffff  }
0x62: {  	v15 =	vadd.s32 v1, v9  }
0x63: {  	[tilespmem:s22+$0xA500] =	vst v10  }
0x64: {  	v10 =	vld.idx.msk [tilespmem:v11+s0+$0x0], $0xffff  }
0x65: {  	[tilespmem:s25+$0xA210] =	vst v12  }
0x66: {  	[tilespmem:s2+$0xA210] =	vst v13;
	v11 =	vld.idx.msk [tilespmem:v14+s0+$0x0], $0xffff  }
0x67: {  	v12 =	vadd.s32 v2, v8;
	v13 =	vld.idx.msk [tilespmem:v15+s0+$0x0], $0xffff  }
0x68: {  	v14 =	vadd.s32 v2, v9  }
0x69: {  	[tilespmem:s22+$0xA580] =	vst v10  }
0x6a: {  	v10 =	vld [tilespmem:s7+$0x8210]  }
0x6b: {  	[tilespmem:s25+$0xA290] =	vst v11  }
0x6c: {  	[tilespmem:s2+$0xA290] =	vst v13;
	v11 =	vld.idx.msk [tilespmem:v12+s0+$0x0], $0xffff  }
0x6d: {  	v12 =	vadd.s32 v3, v8;
	v13 =	vld.idx.msk [tilespmem:v14+s0+$0x0], $0xffff  }
0x6e: {  	v14 =	vadd.s32 v3, v9  }
0x6f: {  	v15 =	vadd.s32 v0, v10;
	_ =	sdelay $0x1  }
0x70: {  	[tilespmem:s25+$0xA310] =	vst v11  }
0x71: {  	[tilespmem:s2+$0xA310] =	vst v13;
	v11 =	vld.idx.msk [tilespmem:v12+s0+$0x0], $0xffff  }
0x72: {  	v12 =	vadd.s32 v4, v8;
	v13 =	vld.idx.msk [tilespmem:v14+s0+$0x0], $0xffff  }
0x73: {  	v14 =	vld.idx.msk [tilespmem:v15+s0+$0x0], $0xffff;
	v15 =	vadd.s32 v4, v9  }
0x74: {  	v16 =	vadd.s32 v1, v10;
	_ =	sdelay $0x1  }
0x75: {  	[tilespmem:s25+$0xA390] =	vst v11  }
0x76: {  	[tilespmem:s2+$0xA390] =	vst v13;
	v11 =	vld.idx.msk [tilespmem:v12+s0+$0x0], $0xffff  }
0x77: {  	[tilespmem:s22+$0xA210] =	vst v14;
	v12 =	vadd.s32 v5, v8;
	v13 =	vld.idx.msk [tilespmem:v15+s0+$0x0], $0xffff  }
0x78: {  	v14 =	vld.idx.msk [tilespmem:v16+s0+$0x0], $0xffff;
	v15 =	vadd.s32 v5, v9  }
0x79: {  	v16 =	vadd.s32 v2, v10;
	_ =	sdelay $0x1  }
0x7a: {  	[tilespmem:s25+$0xA410] =	vst v11  }
0x7b: {  	[tilespmem:s2+$0xA410] =	vst v13;
	v11 =	vld.idx.msk [tilespmem:v12+s0+$0x0], $0xffff  }
0x7c: {  	[tilespmem:s22+$0xA290] =	vst v14;
	v12 =	vadd.s32 v6, v8;
	v13 =	vld.idx.msk [tilespmem:v15+s0+$0x0], $0xffff  }
0x7d: {  	v14 =	vld.idx.msk [tilespmem:v16+s0+$0x0], $0xffff;
	v15 =	vadd.s32 v6, v9  }
0x7e: {  	v16 =	vadd.s32 v3, v10;
	_ =	sdelay $0x1  }
0x7f: {  	[tilespmem:s25+$0xA490] =	vst v11  }
0x80: {  	[tilespmem:s2+$0xA490] =	vst v13;
	v11 =	vld.idx.msk [tilespmem:v12+s0+$0x0], $0xffff  }
0x81: {  	v8 =	vadd.s32 v7, v8;
	[tilespmem:s22+$0xA310] =	vst v14;
	v12 =	vld.idx.msk [tilespmem:v15+s0+$0x0], $0xffff  }
0x82: {  	v9 =	vadd.s32 v7, v9;
	v13 =	vld.idx.msk [tilespmem:v16+s0+$0x0], $0xffff  }
0x83: {  	v14 =	vadd.s32 v4, v10;
	_ =	sdelay $0x1  }
0x84: {  	[tilespmem:s25+$0xA510] =	vst v11  }
0x85: {  	[tilespmem:s2+$0xA510] =	vst v12;
	v8 =	vld.idx.msk [tilespmem:v8+s0+$0x0], $0xffff  }
0x86: {  	[tilespmem:s22+$0xA390] =	vst v13;
	v9 =	vld.idx.msk [tilespmem:v9+s0+$0x0], $0xffff  }
0x87: {  	v11 =	vld.idx.msk [tilespmem:v14+s0+$0x0], $0xffff  }
0x88: {  	v12 =	vadd.s32 v5, v10;
	_ =	sdelay $0x1  }
0x89: {  	[tilespmem:s25+$0xA590] =	vst v8  }
0x8a: {  	[tilespmem:s2+$0xA590] =	vst v9;
	v8 =	vld [tilespmem:s15+$0x8220]  }
0x8b: {  	[tilespmem:s22+$0xA410] =	vst v11;
	v9 =	vld [tilespmem:s14+$0x8220]  }
0x8c: {  	v11 =	vld.idx.msk [tilespmem:v12+s0+$0x0], $0xffff  }
0x8d: {  	v12 =	vadd.s32 v6, v10;
	_ =	sdelay $0x1  }
0x8e: {  	v13 =	vadd.s32 v0, v8  }
0x8f: {  	v14 =	vadd.s32 v0, v9  }
0x90: {  	[tilespmem:s22+$0xA490] =	vst v11  }
0x91: {  	v11 =	vld.idx.msk [tilespmem:v12+s0+$0x0], $0xffff  }
0x92: {  	v10 =	vadd.s32 v7, v10  }
0x93: {  	v12 =	vld.idx.msk [tilespmem:v13+s0+$0x0], $0xffff  }
0x94: {  	v13 =	vadd.s32 v1, v8;
	v14 =	vld.idx.msk [tilespmem:v14+s0+$0x0], $0xffff  }
0x95: {  	v15 =	vadd.s32 v1, v9  }
0x96: {  	[tilespmem:s22+$0xA510] =	vst v11  }
0x97: {  	v10 =	vld.idx.msk [tilespmem:v10+s0+$0x0], $0xffff  }
0x98: {  	[tilespmem:s25+$0xA220] =	vst v12  }
0x99: {  	[tilespmem:s2+$0xA220] =	vst v14;
	v11 =	vld.idx.msk [tilespmem:v13+s0+$0x0], $0xffff  }
0x9a: {  	v12 =	vadd.s32 v2, v8;
	v13 =	vld.idx.msk [tilespmem:v15+s0+$0x0], $0xffff  }
0x9b: {  	v14 =	vadd.s32 v2, v9  }
0x9c: {  	[tilespmem:s22+$0xA590] =	vst v10  }
0x9d: {  	v10 =	vld [tilespmem:s7+$0x8220]  }
0x9e: {  	[tilespmem:s25+$0xA2A0] =	vst v11  }
0x9f: {  	[tilespmem:s2+$0xA2A0] =	vst v13;
	v11 =	vld.idx.msk [tilespmem:v12+s0+$0x0], $0xffff  }
0xa0: {  	v12 =	vadd.s32 v3, v8;
	v13 =	vld.idx.msk [tilespmem:v14+s0+$0x0], $0xffff  }
0xa1: {  	v14 =	vadd.s32 v3, v9  }
0xa2: {  	v15 =	vadd.s32 v0, v10;
	_ =	sdelay $0x1  }
0xa3: {  	[tilespmem:s25+$0xA320] =	vst v11  }
0xa4: {  	[tilespmem:s2+$0xA320] =	vst v13;
	v11 =	vld.idx.msk [tilespmem:v12+s0+$0x0], $0xffff  }
0xa5: {  	v12 =	vadd.s32 v4, v8;
	v13 =	vld.idx.msk [tilespmem:v14+s0+$0x0], $0xffff  }
0xa6: {  	v14 =	vld.idx.msk [tilespmem:v15+s0+$0x0], $0xffff;
	v15 =	vadd.s32 v4, v9  }
0xa7: {  	v16 =	vadd.s32 v1, v10;
	_ =	sdelay $0x1  }
0xa8: {  	[tilespmem:s25+$0xA3A0] =	vst v11  }
0xa9: {  	[tilespmem:s2+$0xA3A0] =	vst v13;
	v11 =	vld.idx.msk [tilespmem:v12+s0+$0x0], $0xffff  }
0xaa: {  	[tilespmem:s22+$0xA220] =	vst v14;
	v12 =	vadd.s32 v5, v8;
	v13 =	vld.idx.msk [tilespmem:v15+s0+$0x0], $0xffff  }
0xab: {  	v14 =	vld.idx.msk [tilespmem:v16+s0+$0x0], $0xffff;
	v15 =	vadd.s32 v5, v9  }
0xac: {  	v16 =	vadd.s32 v2, v10;
	_ =	sdelay $0x1  }
0xad: {  	[tilespmem:s25+$0xA420] =	vst v11  }
0xae: {  	[tilespmem:s2+$0xA420] =	vst v13;
	v11 =	vld.idx.msk [tilespmem:v12+s0+$0x0], $0xffff  }
0xaf: {  	[tilespmem:s22+$0xA2A0] =	vst v14;
	v12 =	vadd.s32 v6, v8;
	v13 =	vld.idx.msk [tilespmem:v15+s0+$0x0], $0xffff  }
0xb0: {  	v14 =	vld.idx.msk [tilespmem:v16+s0+$0x0], $0xffff;
	v15 =	vadd.s32 v6, v9  }
0xb1: {  	v16 =	vadd.s32 v3, v10;
	_ =	sdelay $0x1  }
0xb2: {  	[tilespmem:s25+$0xA4A0] =	vst v11  }
0xb3: {  	[tilespmem:s2+$0xA4A0] =	vst v13;
	v11 =	vld.idx.msk [tilespmem:v12+s0+$0x0], $0xffff  }
0xb4: {  	v8 =	vadd.s32 v7, v8;
	[tilespmem:s22+$0xA320] =	vst v14;
	v12 =	vld.idx.msk [tilespmem:v15+s0+$0x0], $0xffff  }
0xb5: {  	v9 =	vadd.s32 v7, v9;
	v13 =	vld.idx.msk [tilespmem:v16+s0+$0x0], $0xffff  }
0xb6: {  	v14 =	vadd.s32 v4, v10;
	_ =	sdelay $0x1  }
0xb7: {  	[tilespmem:s25+$0xA520] =	vst v11  }
0xb8: {  	[tilespmem:s2+$0xA520] =	vst v12;
	v8 =	vld.idx.msk [tilespmem:v8+s0+$0x0], $0xffff  }
0xb9: {  	[tilespmem:s22+$0xA3A0] =	vst v13;
	v9 =	vld.idx.msk [tilespmem:v9+s0+$0x0], $0xffff  }
0xba: {  	v11 =	vld.idx.msk [tilespmem:v14+s0+$0x0], $0xffff  }
0xbb: {  	v12 =	vadd.s32 v5, v10;
	_ =	sdelay $0x1  }
0xbc: {  	[tilespmem:s25+$0xA5A0] =	vst v8  }
0xbd: {  	[tilespmem:s2+$0xA5A0] =	vst v9;
	v13 =	vld [tilespmem:s15+$0x8230]  }
0xbe: {  	[tilespmem:s22+$0xA420] =	vst v11;
	v11 =	vld [tilespmem:s14+$0x8230]  }
0xbf: {  	v8 =	vld.idx.msk [tilespmem:v12+s0+$0x0], $0xffff  }
0xc0: {  	v9 =	vadd.s32 v6, v10;
	_ =	sdelay $0x1  }
0xc1: {  	v12 =	vadd.s32 v0, v13  }
0xc2: {  	v14 =	vadd.s32 v0, v11  }
0xc3: {  	[tilespmem:s22+$0xA4A0] =	vst v8  }
0xc4: {  	v8 =	vld.idx.msk [tilespmem:v9+s0+$0x0], $0xffff  }
0xc5: {  	v9 =	vadd.s32 v7, v10  }
0xc6: {  	v10 =	vld.idx.msk [tilespmem:v12+s0+$0x0], $0xffff  }
0xc7: {  	v12 =	vadd.s32 v1, v13;
	v14 =	vld.idx.msk [tilespmem:v14+s0+$0x0], $0xffff  }
0xc8: {  	v15 =	vadd.s32 v1, v11  }
0xc9: {  	[tilespmem:s22+$0xA520] =	vst v8  }
0xca: {  	v8 =	vld.idx.msk [tilespmem:v9+s0+$0x0], $0xffff  }
0xcb: {  	[tilespmem:s25+$0xA230] =	vst v10  }
0xcc: {  	[tilespmem:s2+$0xA230] =	vst v14;
	v9 =	vld.idx.msk [tilespmem:v12+s0+$0x0], $0xffff  }
0xcd: {  	v10 =	vadd.s32 v2, v13;
	v12 =	vld.idx.msk [tilespmem:v15+s0+$0x0], $0xffff  }
0xce: {  	v14 =	vadd.s32 v2, v11  }
0xcf: {  	s8 =	simm.s32 $0x200;
	[tilespmem:s22+$0xA5A0] =	vst v8  }
0xd0: {  	s12 =	sand.u32 $0x3FFFFF80, s8;
	v15 =	vld [tilespmem:s7+$0x8230]  }
0xd1: {  	[tilespmem:s25+$0xA2B0] =	vst v9;
	v9 =	vld [tilespmem:s12+$0x8200]  }
0xd2: {  	s4 =	simm.s32 $0x280;
	[tilespmem:s2+$0xA2B0] =	vst v12;
	v8 =	vld.idx.msk [tilespmem:v10+s0+$0x0], $0xffff  }
0xd3: {  	s6 =	sand.u32 $0x3FFFFF80, s4;
	v16 =	vadd.s32 v3, v13;
	v12 =	vld.idx.msk [tilespmem:v14+s0+$0x0], $0xffff  }
0xd4: {  	v14 =	vadd.s32 v3, v11;
	v10 =	vld [tilespmem:s6+$0x8200]  }
0xd5: {  	s10 =	simm.s32 $0x180  }
0xd6: {  	s26 =	sand.u32 $0x3FFFFF80, s10;
	v17 =	vadd.s32 v0, v15  }
0xd7: {  	[tilespmem:s25+$0xA330] =	vst v8;
	v8 =	vld [tilespmem:s26+$0x8200]  }
0xd8: {  	[tilespmem:s2+$0xA330] =	vst v12;
	v12 =	vadd.s32 v0, v9;
	v16 =	vld.idx.msk [tilespmem:v16+s0+$0x0], $0xffff  }
0xd9: {  	v19 =	vadd.s32 v0, v10;
	v14 =	vld.idx.msk [tilespmem:v14+s0+$0x0], $0xffff  }
0xda: {  	v18 =	vadd.s32 v4, v13  }
0xdb: {  	v20 =	vadd.s32 v4, v11;
	v17 =	vld.idx.msk [tilespmem:v17+s0+$0x0], $0xffff;
	_ =	sdelay $0x1  }
0xdc: {  	v21 =	vadd.s32 v1, v15;
	v12 =	vld.idx.msk [tilespmem:v12+s0+$0x0], $0xffff;
	[tilespmem:s25+$0xA3B0] =	vst v16  }
0xdd: {  	v16 =	vadd.s32 v0, v8;
	[tilespmem:s2+$0xA3B0] =	vst v14;
	v14 =	vld.idx.msk [tilespmem:v19+s0+$0x0], $0xffff  }
0xde: {  	v19 =	vadd.s32 v1, v9;
	v18 =	vld.idx.msk [tilespmem:v18+s0+$0x0], $0xffff  }
0xdf: {  	[tilespmem:s22+$0xA230] =	vst v17;
	v17 =	vld.idx.msk [tilespmem:v20+s0+$0x0], $0xffff;
	v20 =	vadd.s32 v1, v10  }
0xe0: {  	s11 =	simm.s32 $0x1000;
	v22 =	vadd.s32 v5, v13  }
0xe1: {  	s16 =	simm.s32 $0x1400;
	s3 =	sand.u32 $0x3FFFFC00, s11;
	v23 =	vadd.s32 v5, v11;
	v21 =	vld.idx.msk [tilespmem:v21+s0+$0x0], $0xffff  }
0xe2: {  	s11 =	sand.u32 $0x3FFFFC00, s16;
	v24 =	vadd.s32 v2, v15;
	[tilespmem:s3+$0xA200] =	vst v12;
	v16 =	vld.idx.msk [tilespmem:v16+s0+$0x0], $0xffff  }
0xe3: {  	v19 =	vld.idx.msk [tilespmem:v19+s0+$0x0], $0xffff;
	[tilespmem:s11+$0xA200] =	vst v14  }
0xe4: {  	[tilespmem:s25+$0xA430] =	vst v18;
	v18 =	vadd.s32 v1, v8;
	v20 =	vld.idx.msk [tilespmem:v20+s0+$0x0], $0xffff  }
0xe5: {  	s17 =	simm.s32 $0xC00;
	[tilespmem:s2+$0xA430] =	vst v17;
	v17 =	vadd.s32 v2, v9;
	v12 =	vld.idx.msk [tilespmem:v22+s0+$0x0], $0xffff  }
0xe6: {  	s16 =	sand.u32 $0x3FFFFC00, s17;
	[tilespmem:s22+$0xA2B0] =	vst v21;
	v21 =	vld.idx.msk [tilespmem:v23+s0+$0x0], $0xffff;
	v22 =	vadd.s32 v2, v10  }
0xe7: {  	v14 =	vadd.s32 v6, v13;
	v23 =	vld.idx.msk [tilespmem:v24+s0+$0x0], $0xffff;
	[tilespmem:s16+$0xA200] =	vst v16  }
0xe8: {  	v49 =	vadd.s32 v3, v15;
	[tilespmem:s3+$0xA280] =	vst v19  }
0xe9: {  	v16 =	vadd.s32 v6, v11;
	v18 =	vld.idx.msk [tilespmem:v18+s0+$0x0], $0xffff;
	[tilespmem:s11+$0xA280] =	vst v20  }
0xea: {  	v17 =	vld.idx.msk [tilespmem:v17+s0+$0x0], $0xffff;
	[tilespmem:s25+$0xA4B0] =	vst v12;
	v12 =	vadd.s32 v2, v8  }
0xeb: {  	v20 =	vadd.s32 v3, v9;
	v19 =	vld.idx.msk [tilespmem:v22+s0+$0x0], $0xffff;
	[tilespmem:s2+$0xA4B0] =	vst v21  }
0xec: {  	[tilespmem:s22+$0xA330] =	vst v23;
	v21 =	vadd.s32 v3, v10;
	v14 =	vld.idx.msk [tilespmem:v14+s0+$0x0], $0xffff  }
0xed: {  	v13 =	vadd.s32 v7, v13;
	v22 =	vld.idx.msk [tilespmem:v49+s0+$0x0], $0xffff  }
0xee: {  	v16 =	vld.idx.msk [tilespmem:v16+s0+$0x0], $0xffff;
	[tilespmem:s16+$0xA280] =	vst v18  }
0xef: {  	v11 =	vadd.s32 v7, v11;
	[tilespmem:s3+$0xA300] =	vst v17;
	v12 =	vld.idx.msk [tilespmem:v12+s0+$0x0], $0xffff  }
0xf0: {  	v18 =	vadd.s32 v4, v15;
	v17 =	vld.idx.msk [tilespmem:v20+s0+$0x0], $0xffff;
	[tilespmem:s11+$0xA300] =	vst v19  }
0xf1: {  	[tilespmem:s25+$0xA530] =	vst v14;
	v14 =	vadd.s32 v3, v8;
	v19 =	vld.idx.msk [tilespmem:v21+s0+$0x0], $0xffff  }
0xf2: {  	v20 =	vadd.s32 v4, v10;
	v13 =	vld.idx.msk [tilespmem:v13+s0+$0x0], $0xffff  }
0xf3: {  	[tilespmem:s2+$0xA530] =	vst v16  }
0xf4: {  	[tilespmem:s22+$0xA3B0] =	vst v22;
	v16 =	vadd.s32 v4, v9;
	v11 =	vld.idx.msk [tilespmem:v11+s0+$0x0], $0xffff  }
0xf5: {  	v18 =	vld.idx.msk [tilespmem:v18+s0+$0x0], $0xffff;
	[tilespmem:s16+$0xA300] =	vst v12  }
0xf6: {  	v12 =	vadd.s32 v5, v15;
	v14 =	vld.idx.msk [tilespmem:v14+s0+$0x0], $0xffff;
	[tilespmem:s11+$0xA380] =	vst v19  }
0xf7: {  	[tilespmem:s25+$0xA5B0] =	vst v13;
	v19 =	vld.idx.msk [tilespmem:v20+s0+$0x0], $0xffff  }
0xf8: {  	[tilespmem:s3+$0xA380] =	vst v17;
	v17 =	vadd.s32 v4, v8;
	v13 =	vld [tilespmem:s15+$0x8240]  }
0xf9: {  	v16 =	vld.idx.msk [tilespmem:v16+s0+$0x0], $0xffff;
	[tilespmem:s2+$0xA5B0] =	vst v11  }
0xfa: {  	[tilespmem:s22+$0xA430] =	vst v18;
	v11 =	vadd.s32 v5, v9;
	v18 =	vld [tilespmem:s14+$0x8240]  }
0xfb: {  	v20 =	vadd.s32 v5, v10;
	v12 =	vld.idx.msk [tilespmem:v12+s0+$0x0], $0xffff  }
0xfc: {  	v21 =	vadd.s32 v6, v15;
	[tilespmem:s16+$0xA380] =	vst v14  }
0xfd: {  	v14 =	vld.idx.msk [tilespmem:v17+s0+$0x0], $0xffff;
	v17 =	vadd.s32 v0, v13  }
0xfe: {  	v22 =	vadd.s32 v5, v8;
	[tilespmem:s3+$0xA400] =	vst v16  }
0xff: {  	[tilespmem:s11+$0xA400] =	vst v19;
	v11 =	vld.idx.msk [tilespmem:v11+s0+$0x0], $0xffff;
	v16 =	vadd.s32 v0, v18  }
0x100: {  	v19 =	vadd.s32 v6, v9;
	[tilespmem:s22+$0xA4B0] =	vst v12;
	v12 =	vld.idx.msk [tilespmem:v20+s0+$0x0], $0xffff  }
0x101: {  	v20 =	vld.idx.msk [tilespmem:v21+s0+$0x0], $0xffff;
	v21 =	vadd.s32 v6, v10  }
0x102: {  	v15 =	vadd.s32 v7, v15;
	[tilespmem:s16+$0xA400] =	vst v14;
	v17 =	vld.idx.msk [tilespmem:v17+s0+$0x0], $0xffff  }
0x103: {  	v14 =	vld.idx.msk [tilespmem:v22+s0+$0x0], $0xffff;
	v22 =	vadd.s32 v1, v13  }
0x104: {  	v23 =	vadd.s32 v6, v8;
	[tilespmem:s3+$0xA480] =	vst v11;
	v16 =	vld.idx.msk [tilespmem:v16+s0+$0x0], $0xffff  }
0x105: {  	v11 =	vld.idx.msk [tilespmem:v19+s0+$0x0], $0xffff;
	[tilespmem:s11+$0xA480] =	vst v12;
	v12 =	vadd.s32 v1, v18  }
0x106: {  	v9 =	vadd.s32 v7, v9;
	[tilespmem:s22+$0xA530] =	vst v20;
	v19 =	vld.idx.msk [tilespmem:v21+s0+$0x0], $0xffff  }
0x107: {  	v10 =	vadd.s32 v7, v10;
	v15 =	vld.idx.msk [tilespmem:v15+s0+$0x0], $0xffff;
	[tilespmem:s25+$0xA240] =	vst v17  }
0x108: {  	[tilespmem:s16+$0xA480] =	vst v14;
	v17 =	vld.idx.msk [tilespmem:v22+s0+$0x0], $0xffff  }
0x109: {  	v20 =	vadd.s32 v2, v13;
	v14 =	vld.idx.msk [tilespmem:v23+s0+$0x0], $0xffff;
	[tilespmem:s2+$0xA240] =	vst v16  }
0x10a: {  	v8 =	vadd.s32 v7, v8;
	[tilespmem:s3+$0xA500] =	vst v11;
	v12 =	vld.idx.msk [tilespmem:v12+s0+$0x0], $0xffff  }
0x10b: {  	v11 =	vadd.s32 v2, v18;
	v9 =	vld.idx.msk [tilespmem:v9+s0+$0x0], $0xffff;
	[tilespmem:s11+$0xA500] =	vst v19  }
0x10c: {  	[tilespmem:s22+$0xA5B0] =	vst v15;
	v10 =	vld.idx.msk [tilespmem:v10+s0+$0x0], $0xffff  }
0x10d: {  	v15 =	vld [tilespmem:s7+$0x8240];
	[tilespmem:s25+$0xA2C0] =	vst v17  }
0x10e: {  	[tilespmem:s16+$0xA500] =	vst v14;
	v16 =	vld.idx.msk [tilespmem:v20+s0+$0x0], $0xffff  }
0x10f: {  	v14 =	vadd.s32 v3, v13;
	v8 =	vld.idx.msk [tilespmem:v8+s0+$0x0], $0xffff;
	[tilespmem:s2+$0xA2C0] =	vst v12  }
0x110: {  	[tilespmem:s3+$0xA580] =	vst v9;
	v11 =	vld.idx.msk [tilespmem:v11+s0+$0x0], $0xffff  }
0x111: {  	v9 =	vld [tilespmem:s12+$0x8210];
	[tilespmem:s11+$0xA580] =	vst v10  }
0x112: {  	v10 =	vadd.s32 v3, v18;
	v12 =	vld [tilespmem:s6+$0x8210]  }
0x113: {  	v17 =	vadd.s32 v0, v15;
	[tilespmem:s25+$0xA340] =	vst v16  }
0x114: {  	[tilespmem:s16+$0xA580] =	vst v8;
	v14 =	vld.idx.msk [tilespmem:v14+s0+$0x0], $0xffff  }
0x115: {  	v8 =	vadd.s32 v4, v13;
	v16 =	vld [tilespmem:s26+$0x8210]  }
0x116: {  	[tilespmem:s2+$0xA340] =	vst v11;
	v11 =	vadd.s32 v0, v9  }
0x117: {  	v10 =	vld.idx.msk [tilespmem:v10+s0+$0x0], $0xffff;
	v19 =	vadd.s32 v0, v12  }
0x118: {  	v20 =	vadd.s32 v4, v18;
	v17 =	vld.idx.msk [tilespmem:v17+s0+$0x0], $0xffff  }
0x119: {  	v21 =	vadd.s32 v1, v15;
	[tilespmem:s25+$0xA3C0] =	vst v14  }
0x11a: {  	v14 =	vadd.s32 v0, v16;
	v8 =	vld.idx.msk [tilespmem:v8+s0+$0x0], $0xffff  }
0x11b: {  	v22 =	vadd.s32 v5, v13;
	v11 =	vld.idx.msk [tilespmem:v11+s0+$0x0], $0xffff  }
0x11c: {  	v19 =	vld.idx.msk [tilespmem:v19+s0+$0x0], $0xffff;
	[tilespmem:s2+$0xA3C0] =	vst v10;
	v10 =	vadd.s32 v1, v9  }
0x11d: {  	[tilespmem:s22+$0xA240] =	vst v17;
	v17 =	vld.idx.msk [tilespmem:v20+s0+$0x0], $0xffff;
	v20 =	vadd.s32 v1, v12  }
0x11e: {  	v23 =	vadd.s32 v5, v18;
	v21 =	vld.idx.msk [tilespmem:v21+s0+$0x0], $0xffff  }
0x11f: {  	v50 =	vadd.s32 v2, v15;
	v14 =	vld.idx.msk [tilespmem:v14+s0+$0x0], $0xffff;
	[tilespmem:s25+$0xA440] =	vst v8  }
0x120: {  	v8 =	vadd.s32 v1, v16;
	[tilespmem:s3+$0xA210] =	vst v11;
	v11 =	vld.idx.msk [tilespmem:v22+s0+$0x0], $0xffff  }
0x121: {  	v10 =	vld.idx.msk [tilespmem:v10+s0+$0x0], $0xffff;
	[tilespmem:s11+$0xA210] =	vst v19;
	v19 =	vadd.s32 v6, v13  }
0x122: {  	v20 =	vld.idx.msk [tilespmem:v20+s0+$0x0], $0xffff;
	[tilespmem:s2+$0xA440] =	vst v17;
	v17 =	vadd.s32 v2, v9  }
0x123: {  	v22 =	vadd.s32 v2, v12;
	[tilespmem:s22+$0xA2C0] =	vst v21;
	v21 =	vld.idx.msk [tilespmem:v23+s0+$0x0], $0xffff  }
0x124: {  	v23 =	vld.idx.msk [tilespmem:v50+s0+$0x0], $0xffff;
	[tilespmem:s16+$0xA210] =	vst v14;
	v14 =	vadd.s32 v6, v18  }
0x125: {  	v51 =	vadd.s32 v3, v15;
	v8 =	vld.idx.msk [tilespmem:v8+s0+$0x0], $0xffff;
	[tilespmem:s25+$0xA4C0] =	vst v11  }
0x126: {  	v11 =	vadd.s32 v2, v16;
	[tilespmem:s3+$0xA290] =	vst v10;
	v10 =	vld.idx.msk [tilespmem:v19+s0+$0x0], $0xffff  }
0x127: {  	v13 =	vadd.s32 v7, v13;
	v17 =	vld.idx.msk [tilespmem:v17+s0+$0x0], $0xffff;
	[tilespmem:s11+$0xA290] =	vst v20  }
0x128: {  	v20 =	vadd.s32 v3, v9;
	v19 =	vld.idx.msk [tilespmem:v22+s0+$0x0], $0xffff;
	[tilespmem:s2+$0xA4C0] =	vst v21  }
0x129: {  	[tilespmem:s22+$0xA340] =	vst v23;
	v21 =	vadd.s32 v3, v12;
	v14 =	vld.idx.msk [tilespmem:v14+s0+$0x0], $0xffff  }
0x12a: {  	v22 =	vld.idx.msk [tilespmem:v51+s0+$0x0], $0xffff;
	[tilespmem:s16+$0xA290] =	vst v8;
	v8 =	vadd.s32 v7, v18  }
0x12b: {  	v18 =	vadd.s32 v4, v15;
	v11 =	vld.idx.msk [tilespmem:v11+s0+$0x0], $0xffff;
	[tilespmem:s25+$0xA540] =	vst v10  }
0x12c: {  	v10 =	vadd.s32 v3, v16;
	[tilespmem:s3+$0xA310] =	vst v17;
	v13 =	vld.idx.msk [tilespmem:v13+s0+$0x0], $0xffff  }
0x12d: {  	v17 =	vld.idx.msk [tilespmem:v20+s0+$0x0], $0xffff;
	[tilespmem:s11+$0xA310] =	vst v19  }
0x12e: {  	v19 =	vld.idx.msk [tilespmem:v21+s0+$0x0], $0xffff;
	[tilespmem:s2+$0xA540] =	vst v14;
	v14 =	vadd.s32 v4, v9  }
0x12f: {  	v20 =	vadd.s32 v4, v12;
	[tilespmem:s22+$0xA3C0] =	vst v22;
	v8 =	vld.idx.msk [tilespmem:v8+s0+$0x0], $0xffff  }
0x130: {  	v18 =	vld.idx.msk [tilespmem:v18+s0+$0x0], $0xffff;
	[tilespmem:s16+$0xA310] =	vst v11  }
0x131: {  	v10 =	vld.idx.msk [tilespmem:v10+s0+$0x0], $0xffff;
	[tilespmem:s25+$0xA5C0] =	vst v13  }
0x132: {  	v11 =	vadd.s32 v4, v16;
	[tilespmem:s3+$0xA390] =	vst v17;
	v13 =	vld [tilespmem:s15+$0x8250]  }
0x133: {  	v17 =	vadd.s32 v5, v15;
	v14 =	vld.idx.msk [tilespmem:v14+s0+$0x0], $0xffff;
	[tilespmem:s11+$0xA390] =	vst v19  }
0x134: {  	v19 =	vld.idx.msk [tilespmem:v20+s0+$0x0], $0xffff;
	[tilespmem:s2+$0xA5C0] =	vst v8  }
0x135: {  	v20 =	vadd.s32 v5, v9;
	v8 =	vld [tilespmem:s14+$0x8250]  }
0x136: {  	[tilespmem:s16+$0xA390] =	vst v10;
	v10 =	vadd.s32 v5, v12  }
0x137: {  	[tilespmem:s22+$0xA440] =	vst v18;
	v11 =	vld.idx.msk [tilespmem:v11+s0+$0x0], $0xffff;
	v18 =	vadd.s32 v0, v13  }
0x138: {  	v21 =	vadd.s32 v5, v16;
	v17 =	vld.idx.msk [tilespmem:v17+s0+$0x0], $0xffff  }
0x139: {  	v22 =	vadd.s32 v6, v15;
	[tilespmem:s3+$0xA410] =	vst v14  }
0x13a: {  	v14 =	vld.idx.msk [tilespmem:v20+s0+$0x0], $0xffff;
	[tilespmem:s11+$0xA410] =	vst v19;
	v19 =	vadd.s32 v0, v8  }
0x13b: {  	v20 =	vadd.s32 v6, v9;
	v10 =	vld.idx.msk [tilespmem:v10+s0+$0x0], $0xffff  }
0x13c: {  	[tilespmem:s16+$0xA410] =	vst v11;
	v11 =	vadd.s32 v6, v12;
	v18 =	vld.idx.msk [tilespmem:v18+s0+$0x0], $0xffff  }
0x13d: {  	[tilespmem:s22+$0xA4C0] =	vst v17;
	v17 =	vld.idx.msk [tilespmem:v21+s0+$0x0], $0xffff;
	v21 =	vadd.s32 v1, v13  }
0x13e: {  	v23 =	vadd.s32 v6, v16;
	v22 =	vld.idx.msk [tilespmem:v22+s0+$0x0], $0xffff  }
0x13f: {  	v15 =	vadd.s32 v7, v15;
	[tilespmem:s3+$0xA490] =	vst v14;
	v19 =	vld.idx.msk [tilespmem:v19+s0+$0x0], $0xffff  }
0x140: {  	v14 =	vld.idx.msk [tilespmem:v20+s0+$0x0], $0xffff;
	[tilespmem:s11+$0xA490] =	vst v10;
	v10 =	vadd.s32 v1, v8  }
0x141: {  	v9 =	vadd.s32 v7, v9;
	v11 =	vld.idx.msk [tilespmem:v11+s0+$0x0], $0xffff;
	[tilespmem:s25+$0xA250] =	vst v18  }
0x142: {  	v12 =	vadd.s32 v7, v12;
	[tilespmem:s16+$0xA490] =	vst v17;
	v18 =	vld.idx.msk [tilespmem:v21+s0+$0x0], $0xffff  }
0x143: {  	v20 =	vadd.s32 v2, v13;
	[tilespmem:s22+$0xA540] =	vst v22;
	v17 =	vld.idx.msk [tilespmem:v23+s0+$0x0], $0xffff  }
0x144: {  	v16 =	vadd.s32 v7, v16;
	v15 =	vld.idx.msk [tilespmem:v15+s0+$0x0], $0xffff;
	[tilespmem:s2+$0xA250] =	vst v19  }
0x145: {  	[tilespmem:s3+$0xA510] =	vst v14;
	v10 =	vld.idx.msk [tilespmem:v10+s0+$0x0], $0xffff  }
0x146: {  	v14 =	vld.idx.msk [tilespmem:v9+s0+$0x0], $0xffff;
	[tilespmem:s11+$0xA510] =	vst v11;
	v11 =	vadd.s32 v2, v8  }
0x147: {  	v12 =	vld.idx.msk [tilespmem:v12+s0+$0x0], $0xffff;
	[tilespmem:s25+$0xA2D0] =	vst v18  }
0x148: {  	[tilespmem:s16+$0xA510] =	vst v17;
	v18 =	vld.idx.msk [tilespmem:v20+s0+$0x0], $0xffff  }
0x149: {  	[tilespmem:s22+$0xA5C0] =	vst v15;
	v15 =	vld.idx.msk [tilespmem:v16+s0+$0x0], $0xffff;
	v16 =	vadd.s32 v3, v13  }
0x14a: {  	v9 =	vld [tilespmem:s7+$0x8250];
	[tilespmem:s2+$0xA2D0] =	vst v10  }
0x14b: {  	[tilespmem:s3+$0xA590] =	vst v14;
	v10 =	vld.idx.msk [tilespmem:v11+s0+$0x0], $0xffff  }
0x14c: {  	v11 =	vld [tilespmem:s12+$0x8220];
	[tilespmem:s11+$0xA590] =	vst v12  }
0x14d: {  	v12 =	vadd.s32 v3, v8;
	v14 =	vld [tilespmem:s6+$0x8220];
	[tilespmem:s25+$0xA350] =	vst v18  }
0x14e: {  	[tilespmem:s16+$0xA590] =	vst v15;
	v16 =	vld.idx.msk [tilespmem:v16+s0+$0x0], $0xffff  }
0x14f: {  	v15 =	vadd.s32 v0, v9;
	v17 =	vld [tilespmem:s26+$0x8220]  }
0x150: {  	v18 =	vadd.s32 v4, v13  }
0x151: {  	[tilespmem:s2+$0xA350] =	vst v10;
	v10 =	vadd.s32 v0, v11  }
0x152: {  	v12 =	vld.idx.msk [tilespmem:v12+s0+$0x0], $0xffff;
	v19 =	vadd.s32 v0, v14  }
0x153: {  	v20 =	vadd.s32 v4, v8  }
0x154: {  	v15 =	vld.idx.msk [tilespmem:v15+s0+$0x0], $0xffff;
	[tilespmem:s25+$0xA3D0] =	vst v16;
	v16 =	vadd.s32 v0, v17  }
0x155: {  	v21 =	vadd.s32 v1, v9;
	v18 =	vld.idx.msk [tilespmem:v18+s0+$0x0], $0xffff  }
0x156: {  	v22 =	vadd.s32 v5, v13;
	v10 =	vld.idx.msk [tilespmem:v10+s0+$0x0], $0xffff  }
0x157: {  	[tilespmem:s2+$0xA3D0] =	vst v12;
	v12 =	vadd.s32 v1, v11;
	v19 =	vld.idx.msk [tilespmem:v19+s0+$0x0], $0xffff  }
0x158: {  	v23 =	vadd.s32 v1, v14;
	v20 =	vld.idx.msk [tilespmem:v20+s0+$0x0], $0xffff  }
0x159: {  	[tilespmem:s22+$0xA250] =	vst v15;
	v15 =	vld.idx.msk [tilespmem:v16+s0+$0x0], $0xffff;
	v16 =	vadd.s32 v5, v8  }
0x15a: {  	v21 =	vld.idx.msk [tilespmem:v21+s0+$0x0], $0xffff;
	[tilespmem:s25+$0xA450] =	vst v18;
	v18 =	vadd.s32 v1, v17  }
0x15b: {  	[tilespmem:s3+$0xA220] =	vst v10;
	v10 =	vld.idx.msk [tilespmem:v22+s0+$0x0], $0xffff;
	v22 =	vadd.s32 v2, v9  }
0x15c: {  	v12 =	vld.idx.msk [tilespmem:v12+s0+$0x0], $0xffff;
	[tilespmem:s11+$0xA220] =	vst v19;
	v19 =	vadd.s32 v6, v13  }
0x15d: {  	[tilespmem:s2+$0xA450] =	vst v20;
	v20 =	vadd.s32 v2, v11;
	v23 =	vld.idx.msk [tilespmem:v23+s0+$0x0], $0xffff  }
0x15e: {  	v16 =	vld.idx.msk [tilespmem:v16+s0+$0x0], $0xffff;
	[tilespmem:s16+$0xA220] =	vst v15  }
0x15f: {  	v15 =	vadd.s32 v2, v14;
	[tilespmem:s22+$0xA2D0] =	vst v21;
	v18 =	vld.idx.msk [tilespmem:v18+s0+$0x0], $0xffff  }
0x160: {  	v21 =	vadd.s32 v6, v8;
	v22 =	vld.idx.msk [tilespmem:v22+s0+$0x0], $0xffff;
	[tilespmem:s25+$0xA4D0] =	vst v10  }
0x161: {  	v10 =	vadd.s32 v2, v17;
	[tilespmem:s3+$0xA2A0] =	vst v12;
	v12 =	vld.idx.msk [tilespmem:v19+s0+$0x0], $0xffff  }
0x162: {  	v19 =	vld.idx.msk [tilespmem:v20+s0+$0x0], $0xffff;
	[tilespmem:s11+$0xA2A0] =	vst v23  }
0x163: {  	[tilespmem:s2+$0xA4D0] =	vst v16;
	v16 =	vadd.s32 v3, v11  }
0x164: {  	v15 =	vld.idx.msk [tilespmem:v15+s0+$0x0], $0xffff  }
0x165: {  	v20 =	vld.idx.msk [tilespmem:v21+s0+$0x0], $0xffff;
	[tilespmem:s16+$0xA2A0] =	vst v18;
	v18 =	vadd.s32 v3, v14  }
0x166: {  	v13 =	vadd.s32 v7, v13;
	v10 =	vld.idx.msk [tilespmem:v10+s0+$0x0], $0xffff;
	[tilespmem:s22+$0xA350] =	vst v22  }
0x167: {  	v8 =	vadd.s32 v7, v8;
	[tilespmem:s3+$0xA320] =	vst v19  }
0x168: {  	v19 =	vadd.s32 v3, v17;
	v16 =	vld.idx.msk [tilespmem:v16+s0+$0x0], $0xffff  }
0x169: {  	[tilespmem:s11+$0xA320] =	vst v15;
	v15 =	vadd.s32 v4, v11  }
0x16a: {  	v21 =	vadd.s32 v3, v9;
	[tilespmem:s25+$0xA550] =	vst v12;
	v18 =	vld.idx.msk [tilespmem:v18+s0+$0x0], $0xffff  }
0x16b: {  	v12 =	vadd.s32 v4, v14;
	v13 =	vld.idx.msk [tilespmem:v13+s0+$0x0], $0xffff;
	[tilespmem:s2+$0xA550] =	vst v20  }
0x16c: {  	[tilespmem:s16+$0xA320] =	vst v10;
	v8 =	vld.idx.msk [tilespmem:v8+s0+$0x0], $0xffff  }
0x16d: {  	v10 =	vld.idx.msk [tilespmem:v19+s0+$0x0], $0xffff;
	[tilespmem:s3+$0xA3A0] =	vst v16  }
0x16e: {  	v16 =	vadd.s32 v4, v17;
	v15 =	vld.idx.msk [tilespmem:v15+s0+$0x0], $0xffff  }
0x16f: {  	v19 =	vld.idx.msk [tilespmem:v21+s0+$0x0], $0xffff;
	v21 =	vadd.s32 v5, v11;
	[tilespmem:s11+$0xA3A0] =	vst v18  }
0x170: {  	v12 =	vld.idx.msk [tilespmem:v12+s0+$0x0], $0xffff  }
0x171: {  	[tilespmem:s25+$0xA5D0] =	vst v13;
	v13 =	vadd.s32 v5, v14  }
0x172: {  	v22 =	vadd.s32 v4, v9;
	v18 =	vld [tilespmem:s15+$0x8260];
	[tilespmem:s16+$0xA3A0] =	vst v10  }
0x173: {  	v10 =	vld.idx.msk [tilespmem:v16+s0+$0x0], $0xffff;
	[tilespmem:s3+$0xA420] =	vst v15  }
0x174: {  	[tilespmem:s2+$0xA5D0] =	vst v8;
	v15 =	vadd.s32 v5, v17;
	v16 =	vld.idx.msk [tilespmem:v21+s0+$0x0], $0xffff  }
0x175: {  	v8 =	vld [tilespmem:s14+$0x8260];
	[tilespmem:s11+$0xA420] =	vst v12;
	v12 =	vadd.s32 v6, v11  }
0x176: {  	[tilespmem:s22+$0xA3D0] =	vst v19;
	v13 =	vld.idx.msk [tilespmem:v13+s0+$0x0], $0xffff  }
0x177: {  	v20 =	vadd.s32 v6, v14;
	v19 =	vld.idx.msk [tilespmem:v22+s0+$0x0], $0xffff  }
0x178: {  	v21 =	vadd.s32 v5, v9;
	[tilespmem:s16+$0xA420] =	vst v10  }
0x179: {  	v10 =	vld.idx.msk [tilespmem:v15+s0+$0x0], $0xffff;
	v15 =	vadd.s32 v0, v18;
	[tilespmem:s3+$0xA4A0] =	vst v16  }
0x17a: {  	v16 =	vadd.s32 v6, v17;
	v12 =	vld.idx.msk [tilespmem:v12+s0+$0x0], $0xffff  }
0x17b: {  	v11 =	vadd.s32 v7, v11;
	[tilespmem:s11+$0xA4A0] =	vst v13  }
0x17c: {  	[tilespmem:s22+$0xA450] =	vst v19;
	v13 =	vadd.s32 v0, v8;
	v19 =	vld.idx.msk [tilespmem:v20+s0+$0x0], $0xffff  }
0x17d: {  	v14 =	vadd.s32 v7, v14;
	v20 =	vld.idx.msk [tilespmem:v21+s0+$0x0], $0xffff  }
0x17e: {  	v21 =	vadd.s32 v6, v9;
	v15 =	vld.idx.msk [tilespmem:v15+s0+$0x0], $0xffff;
	[tilespmem:s16+$0xA4A0] =	vst v10  }
0x17f: {  	v10 =	vld.idx.msk [tilespmem:v16+s0+$0x0], $0xffff;
	v16 =	vadd.s32 v1, v18;
	[tilespmem:s3+$0xA520] =	vst v12  }
0x180: {  	v12 =	vadd.s32 v7, v17;
	v11 =	vld.idx.msk [tilespmem:v11+s0+$0x0], $0xffff  }
0x181: {  	v13 =	vld.idx.msk [tilespmem:v13+s0+$0x0], $0xffff;
	[tilespmem:s11+$0xA520] =	vst v19  }
0x182: {  	[tilespmem:s22+$0xA4D0] =	vst v20;
	v19 =	vadd.s32 v1, v8;
	v14 =	vld.idx.msk [tilespmem:v14+s0+$0x0], $0xffff  }
0x183: {  	v20 =	vld.idx.msk [tilespmem:v21+s0+$0x0], $0xffff;
	[tilespmem:s25+$0xA260] =	vst v15  }
0x184: {  	v9 =	vadd.s32 v7, v9;
	v15 =	vld.idx.msk [tilespmem:v16+s0+$0x0], $0xffff;
	[tilespmem:s16+$0xA520] =	vst v10  }
0x185: {  	v10 =	vld.idx.msk [tilespmem:v12+s0+$0x0], $0xffff;
	v12 =	vadd.s32 v2, v18;
	[tilespmem:s3+$0xA5A0] =	vst v11  }
0x186: {  	[tilespmem:s2+$0xA260] =	vst v13;
	v17 =	vld [tilespmem:s12+$0x8230]  }
0x187: {  	v11 =	vld.idx.msk [tilespmem:v19+s0+$0x0], $0xffff;
	[tilespmem:s11+$0xA5A0] =	vst v14  }
0x188: {  	v13 =	vadd.s32 v2, v8;
	[tilespmem:s22+$0xA550] =	vst v20;
	v16 =	vld [tilespmem:s6+$0x8230]  }
0x189: {  	v9 =	vld.idx.msk [tilespmem:v9+s0+$0x0], $0xffff;
	[tilespmem:s25+$0xA2E0] =	vst v15  }
0x18a: {  	v14 =	vld.idx.msk [tilespmem:v12+s0+$0x0], $0xffff;
	[tilespmem:s16+$0xA5A0] =	vst v10  }
0x18b: {  	v12 =	vld [tilespmem:s26+$0x8230];
	v10 =	vadd.s32 v0, v17  }
0x18c: {  	v15 =	vadd.s32 v3, v18;
	[tilespmem:s2+$0xA2E0] =	vst v11  }
0x18d: {  	v13 =	vld.idx.msk [tilespmem:v13+s0+$0x0], $0xffff;
	v19 =	vadd.s32 v0, v16  }
0x18e: {  	v20 =	vadd.s32 v3, v8;
	[tilespmem:s22+$0xA5D0] =	vst v9  }
0x18f: {  	v11 =	vld [tilespmem:s7+$0x8260]  }
0x190: {  	[tilespmem:s25+$0xA360] =	vst v14;
	v9 =	vadd.s32 v0, v12;
	v10 =	vld.idx.msk [tilespmem:v10+s0+$0x0], $0xffff  }
0x191: {  	v14 =	vld.idx.msk [tilespmem:v15+s0+$0x0], $0xffff;
	v15 =	vadd.s32 v1, v17  }
0x192: {  	[tilespmem:s2+$0xA360] =	vst v13;
	v13 =	vld.idx.msk [tilespmem:v19+s0+$0x0], $0xffff;
	v19 =	vadd.s32 v4, v18  }
0x193: {  	v21 =	vadd.s32 v1, v16;
	v20 =	vld.idx.msk [tilespmem:v20+s0+$0x0], $0xffff  }
0x194: {  	v23 =	vadd.s32 v0, v11  }
0x195: {  	v22 =	vadd.s32 v4, v8;
	v9 =	vld.idx.msk [tilespmem:v9+s0+$0x0], $0xffff;
	[tilespmem:s3+$0xA230] =	vst v10  }
0x196: {  	[tilespmem:s25+$0xA3E0] =	vst v14;
	v14 =	vadd.s32 v1, v12;
	v15 =	vld.idx.msk [tilespmem:v15+s0+$0x0], $0xffff  }
0x197: {  	v19 =	vld.idx.msk [tilespmem:v19+s0+$0x0], $0xffff;
	[tilespmem:s11+$0xA230] =	vst v13;
	v13 =	vadd.s32 v2, v17  }
0x198: {  	[tilespmem:s2+$0xA3E0] =	vst v20;
	v20 =	vld.idx.msk [tilespmem:v21+s0+$0x0], $0xffff;
	v21 =	vadd.s32 v5, v18  }
0x199: {  	v23 =	vld.idx.msk [tilespmem:v23+s0+$0x0], $0xffff  }
0x19a: {  	v10 =	vld.idx.msk [tilespmem:v22+s0+$0x0], $0xffff;
	v22 =	vadd.s32 v2, v16;
	[tilespmem:s16+$0xA230] =	vst v9  }
0x19b: {  	v9 =	vld.idx.msk [tilespmem:v14+s0+$0x0], $0xffff;
	[tilespmem:s3+$0xA2B0] =	vst v15  }
0x19c: {  	s5 =	simm.s32 $0x400;
	v52 =	vadd.s32 v1, v11;
	[tilespmem:s25+$0xA460] =	vst v19;
	v13 =	vld.idx.msk [tilespmem:v13+s0+$0x0], $0xffff  }
0x19d: {  	s10 =	sand.u32 $0x3FFFFF80, s5;
	v19 =	vadd.s32 v3, v17;
	v21 =	vld.idx.msk [tilespmem:v21+s0+$0x0], $0xffff;
	[tilespmem:s11+$0xA2B0] =	vst v20  }
0x19e: {  	s18 =	simm.s32 $0x380;
	v14 =	vld [tilespmem:s10+$0x8200];
	[tilespmem:s22+$0xA260] =	vst v23;
	v23 =	vadd.s32 v6, v18  }
0x19f: {  	s18 =	sand.u32 $0x3FFFFF80, s18;
	v20 =	vld.idx.msk [tilespmem:v22+s0+$0x0], $0xffff  }
0x1a0: {  	v15 =	vld [tilespmem:s18+$0x8200];
	v22 =	vadd.s32 v3, v16  }
0x1a1: {  	v25 =	vadd.s32 v2, v12;
	v24 =	vld.idx.msk [tilespmem:v52+s0+$0x0], $0xffff;
	[tilespmem:s3+$0xA330] =	vst v13  }
0x1a2: {  	s19 =	simm.s32 $0x300;
	v26 =	vadd.s32 v2, v11;
	[tilespmem:s25+$0xA4E0] =	vst v21;
	v19 =	vld.idx.msk [tilespmem:v19+s0+$0x0], $0xffff  }
0x1a3: {  	s19 =	sand.u32 $0x3FFFFF80, s19;
	[tilespmem:s16+$0xA2B0] =	vst v9;
	v9 =	vld.idx.msk [tilespmem:v23+s0+$0x0], $0xffff;
	v23 =	vadd.s32 v0, v14  }
0x1a4: {  	v13 =	vld [tilespmem:s19+$0x8200];
	[tilespmem:s11+$0xA330] =	vst v20;
	v20 =	vadd.s32 v4, v17  }
0x1a5: {  	v21 =	vld.idx.msk [tilespmem:v22+s0+$0x0], $0xffff;
	v22 =	vadd.s32 v0, v15  }
0x1a6: {  	v18 =	vadd.s32 v7, v18;
	v53 =	vld.idx.msk [tilespmem:v25+s0+$0x0], $0xffff;
	[tilespmem:s22+$0xA2E0] =	vst v24  }
0x1a7: {  	v55 =	vadd.s32 v4, v16;
	v54 =	vld.idx.msk [tilespmem:v26+s0+$0x0], $0xffff;
	[tilespmem:s3+$0xA3B0] =	vst v19  }
0x1a8: {  	v27 =	vadd.s32 v3, v12;
	[tilespmem:s25+$0xA560] =	vst v9;
	v9 =	vld.idx.msk [tilespmem:v23+s0+$0x0], $0xffff  }
0x1a9: {  	v19 =	vadd.s32 v0, v13;
	v20 =	vld.idx.msk [tilespmem:v20+s0+$0x0], $0xffff  }
0x1aa: {  	v23 =	vadd.s32 v5, v17;
	v22 =	vld.idx.msk [tilespmem:v22+s0+$0x0], $0xffff  }
0x1ab: {  	s8 =	simm.s32 $0x2000;
	[tilespmem:s11+$0xA3B0] =	vst v21;
	v21 =	vadd.s32 v1, v15;
	v18 =	vld.idx.msk [tilespmem:v18+s0+$0x0], $0xffff  }
0x1ac: {  	s17 =	sand.u32 $0x3FFFFC00, s8;
	[tilespmem:s16+$0xA330] =	vst v53;
	v26 =	vld.idx.msk [tilespmem:v55+s0+$0x0], $0xffff  }
0x1ad: {  	s5 =	simm.s32 $0x1C00;
	v28 =	vadd.s32 v5, v16;
	v27 =	vld.idx.msk [tilespmem:v27+s0+$0x0], $0xffff;
	[tilespmem:s17+$0xA200] =	vst v9  }
0x1ae: {  	s28 =	sand.u32 $0x3FFFFC00, s5;
	v56 =	vadd.s32 v1, v14;
	v19 =	vld.idx.msk [tilespmem:v19+s0+$0x0], $0xffff;
	[tilespmem:s3+$0xA430] =	vst v20  }
0x1af: {  	v20 =	vadd.s32 v1, v13;
	[tilespmem:s28+$0xA200] =	vst v22;
	v22 =	vld.idx.msk [tilespmem:v23+s0+$0x0], $0xffff  }
0x1b0: {  	[tilespmem:s25+$0xA5E0] =	vst v18;
	v21 =	vld.idx.msk [tilespmem:v21+s0+$0x0], $0xffff;
	v23 =	vadd.s32 v4, v12  }
0x1b1: {  	v18 =	vadd.s32 v6, v17;
	v9 =	vld [tilespmem:s15+$0x8270];
	s15 =	simm.s32 $0x1800;
	[tilespmem:s11+$0xA430] =	vst v26  }
0x1b2: {  	v57 =	vadd.s32 v2, v15;
	[tilespmem:s22+$0xA360] =	vst v54;
	s15 =	sand.u32 $0x3FFFFC00, s15;
	v28 =	vld.idx.msk [tilespmem:v28+s0+$0x0], $0xffff  }
0x1b3: {  	v58 =	vadd.s32 v6, v16;
	v24 =	vld.idx.msk [tilespmem:v56+s0+$0x0], $0xffff;
	[tilespmem:s15+$0xA200] =	vst v19  }
0x1b4: {  	[tilespmem:s16+$0xA3B0] =	vst v27;
	v19 =	vadd.s32 v2, v14;
	v20 =	vld.idx.msk [tilespmem:v20+s0+$0x0], $0xffff  }
0x1b5: {  	v23 =	vld.idx.msk [tilespmem:v23+s0+$0x0], $0xffff;
	[tilespmem:s3+$0xA4B0] =	vst v22;
	v22 =	vadd.s32 v3, v11  }
0x1b6: {  	[tilespmem:s28+$0xA280] =	vst v21;
	v21 =	vadd.s32 v2, v13;
	v18 =	vld.idx.msk [tilespmem:v18+s0+$0x0], $0xffff  }
0x1b7: {  	v59 =	vadd.s32 v5, v12;
	v26 =	vld.idx.msk [tilespmem:v57+s0+$0x0], $0xffff;
	[tilespmem:s11+$0xA4B0] =	vst v28  }
0x1b8: {  	v17 =	vadd.s32 v7, v17;
	[tilespmem:s17+$0xA280] =	vst v24;
	v27 =	vld.idx.msk [tilespmem:v58+s0+$0x0], $0xffff  }
0x1b9: {  	v60 =	vadd.s32 v3, v15;
	v19 =	vld.idx.msk [tilespmem:v19+s0+$0x0], $0xffff;
	[tilespmem:s15+$0xA280] =	vst v20  }
0x1ba: {  	v16 =	vadd.s32 v7, v16;
	v22 =	vld.idx.msk [tilespmem:v22+s0+$0x0], $0xffff;
	[tilespmem:s16+$0xA430] =	vst v23  }
0x1bb: {  	v20 =	vadd.s32 v3, v14;
	v21 =	vld.idx.msk [tilespmem:v21+s0+$0x0], $0xffff;
	[tilespmem:s3+$0xA530] =	vst v18  }
0x1bc: {  	v23 =	vld.idx.msk [tilespmem:v59+s0+$0x0], $0xffff;
	v18 =	vadd.s32 v0, v9;
	[tilespmem:s28+$0xA300] =	vst v26  }
0x1bd: {  	v61 =	vadd.s32 v3, v13;
	v17 =	vld.idx.msk [tilespmem:v17+s0+$0x0], $0xffff;
	[tilespmem:s11+$0xA530] =	vst v27  }
0x1be: {  	v25 =	vld.idx.msk [tilespmem:v60+s0+$0x0], $0xffff;
	[tilespmem:s17+$0xA300] =	vst v19;
	v19 =	vadd.s32 v6, v12  }
0x1bf: {  	v27 =	vld.idx.msk [tilespmem:v16+s0+$0x0], $0xffff  }
0x1c0: {  	v62 =	vadd.s32 v4, v15;
	v20 =	vld.idx.msk [tilespmem:v20+s0+$0x0], $0xffff;
	[tilespmem:s15+$0xA300] =	vst v21  }
0x1c1: {  	[tilespmem:s22+$0xA3E0] =	vst v22;
	v18 =	vld.idx.msk [tilespmem:v18+s0+$0x0], $0xffff  }
0x1c2: {  	v21 =	vadd.s32 v4, v14;
	v24 =	vld.idx.msk [tilespmem:v61+s0+$0x0], $0xffff;
	[tilespmem:s16+$0xA4B0] =	vst v23  }
0x1c3: {  	v23 =	vadd.s32 v1, v9;
	[tilespmem:s3+$0xA5B0] =	vst v17;
	v19 =	vld.idx.msk [tilespmem:v19+s0+$0x0], $0xffff  }
0x1c4: {  	v63 =	vadd.s32 v4, v13;
	[tilespmem:s28+$0xA380] =	vst v25;
	v16 =	vld [tilespmem:s12+$0x8240]  }
0x1c5: {  	v12 =	vadd.s32 v7, v12;
	v25 =	vld.idx.msk [tilespmem:v62+s0+$0x0], $0xffff;
	[tilespmem:s11+$0xA5B0] =	vst v27  }
0x1c6: {  	v31 =	vadd.s32 v5, v15;
	[tilespmem:s17+$0xA380] =	vst v20;
	v17 =	vld [tilespmem:s6+$0x8240]  }
0x1c7: {  	v20 =	vld.idx.msk [tilespmem:v21+s0+$0x0], $0xffff;
	v21 =	vadd.s32 v4, v11;
	[tilespmem:s25+$0xA270] =	vst v18  }
0x1c8: {  	[tilespmem:s15+$0xA380] =	vst v24;
	v18 =	vadd.s32 v5, v14;
	v23 =	vld.idx.msk [tilespmem:v23+s0+$0x0], $0xffff  }
0x1c9: {  	v24 =	vld.idx.msk [tilespmem:v63+s0+$0x0], $0xffff;
	[tilespmem:s16+$0xA530] =	vst v19;
	v19 =	vadd.s32 v0, v16  }
0x1ca: {  	v22 =	vadd.s32 v2, v9;
	[tilespmem:s28+$0xA400] =	vst v25;
	v12 =	vld.idx.msk [tilespmem:v12+s0+$0x0], $0xffff  }
0x1cb: {  	v32 =	vadd.s32 v5, v13;
	v25 =	vld.idx.msk [tilespmem:v31+s0+$0x0], $0xffff  }
0x1cc: {  	v21 =	vld.idx.msk [tilespmem:v21+s0+$0x0], $0xffff;
	[tilespmem:s17+$0xA400] =	vst v20;
	v20 =	vadd.s32 v0, v17  }
0x1cd: {  	v18 =	vld.idx.msk [tilespmem:v18+s0+$0x0], $0xffff  }
0x1ce: {  	v33 =	vadd.s32 v6, v15;
	[tilespmem:s25+$0xA2F0] =	vst v23;
	v19 =	vld.idx.msk [tilespmem:v19+s0+$0x0], $0xffff  }
0x1cf: {  	[tilespmem:s15+$0xA400] =	vst v24;
	v23 =	vadd.s32 v6, v14;
	v22 =	vld.idx.msk [tilespmem:v22+s0+$0x0], $0xffff  }
0x1d0: {  	v34 =	vadd.s32 v5, v11;
	v24 =	vld.idx.msk [tilespmem:v32+s0+$0x0], $0xffff  }
0x1d1: {  	v35 =	vadd.s32 v1, v16;
	[tilespmem:s16+$0xA5B0] =	vst v12;
	v20 =	vld.idx.msk [tilespmem:v20+s0+$0x0], $0xffff  }
0x1d2: {  	v29 =	vadd.s32 v3, v9;
	[tilespmem:s28+$0xA480] =	vst v25;
	v12 =	vld [tilespmem:s26+$0x8240]  }
0x1d3: {  	v25 =	vld.idx.msk [tilespmem:v33+s0+$0x0], $0xffff;
	[tilespmem:s17+$0xA480] =	vst v18;
	v18 =	vadd.s32 v6, v13  }
0x1d4: {  	[tilespmem:s22+$0xA460] =	vst v21;
	v21 =	vadd.s32 v1, v17;
	v23 =	vld.idx.msk [tilespmem:v23+s0+$0x0], $0xffff  }
0x1d5: {  	v15 =	vadd.s32 v7, v15;
	[tilespmem:s3+$0xA240] =	vst v19;
	v19 =	vld.idx.msk [tilespmem:v34+s0+$0x0], $0xffff  }
0x1d6: {  	v14 =	vadd.s32 v7, v14;
	[tilespmem:s25+$0xA370] =	vst v22;
	v36 =	vld.idx.msk [tilespmem:v35+s0+$0x0], $0xffff  }
0x1d7: {  	v22 =	vadd.s32 v6, v11;
	[tilespmem:s15+$0xA480] =	vst v24;
	v37 =	vld.idx.msk [tilespmem:v29+s0+$0x0], $0xffff  }
0x1d8: {  	v38 =	vadd.s32 v2, v16;
	[tilespmem:s11+$0xA240] =	vst v20;
	v18 =	vld.idx.msk [tilespmem:v18+s0+$0x0], $0xffff  }
0x1d9: {  	[tilespmem:s28+$0xA500] =	vst v25;
	v20 =	vld.idx.msk [tilespmem:v21+s0+$0x0], $0xffff;
	v21 =	vadd.s32 v4, v9  }
0x1da: {  	v13 =	vadd.s32 v7, v13;
	v15 =	vld.idx.msk [tilespmem:v15+s0+$0x0], $0xffff;
	[tilespmem:s17+$0xA500] =	vst v23  }
0x1db: {  	[tilespmem:s22+$0xA4E0] =	vst v19;
	v19 =	vadd.s32 v2, v17;
	v23 =	vld.idx.msk [tilespmem:v14+s0+$0x0], $0xffff  }
0x1dc: {  	v14 =	vadd.s32 v0, v12;
	v22 =	vld.idx.msk [tilespmem:v22+s0+$0x0], $0xffff;
	[tilespmem:s3+$0xA2C0] =	vst v36  }
0x1dd: {  	[tilespmem:s25+$0xA3F0] =	vst v37;
	v39 =	vld.idx.msk [tilespmem:v38+s0+$0x0], $0xffff  }
0x1de: {  	[tilespmem:s15+$0xA500] =	vst v18;
	v21 =	vld.idx.msk [tilespmem:v21+s0+$0x0], $0xffff  }
0x1df: {  	v11 =	vadd.s32 v7, v11;
	[tilespmem:s11+$0xA2C0] =	vst v20;
	v13 =	vld.idx.msk [tilespmem:v13+s0+$0x0], $0xffff  }
0x1e0: {  	[tilespmem:s2+$0xA460] =	vst v10;
	v18 =	vadd.s32 v3, v16;
	v19 =	vld.idx.msk [tilespmem:v19+s0+$0x0], $0xffff  }
0x1e1: {  	[tilespmem:s28+$0xA580] =	vst v15;
	v20 =	vld.idx.msk [tilespmem:v14+s0+$0x0], $0xffff  }
0x1e2: {  	v14 =	vld [tilespmem:s18+$0x8210];
	[tilespmem:s17+$0xA580] =	vst v23;
	v23 =	vadd.s32 v5, v8  }
0x1e3: {  	[tilespmem:s22+$0xA560] =	vst v22;
	v22 =	vadd.s32 v3, v17;
	v15 =	vld [tilespmem:s10+$0x8210]  }
0x1e4: {  	v40 =	vadd.s32 v5, v9;
	v11 =	vld.idx.msk [tilespmem:v11+s0+$0x0], $0xffff;
	[tilespmem:s3+$0xA340] =	vst v39  }
0x1e5: {  	v41 =	vadd.s32 v1, v12;
	v25 =	vld.idx.msk [tilespmem:v18+s0+$0x0], $0xffff;
	[tilespmem:s15+$0xA580] =	vst v13  }
0x1e6: {  	v42 =	vadd.s32 v4, v16;
	[tilespmem:s25+$0xA470] =	vst v21;
	v13 =	vld [tilespmem:s19+$0x8210]  }
0x1e7: {  	[tilespmem:s11+$0xA340] =	vst v19;
	v10 =	vadd.s32 v0, v14;
	v18 =	vld.idx.msk [tilespmem:v23+s0+$0x0], $0xffff  }
0x1e8: {  	[tilespmem:s16+$0xA240] =	vst v20;
	v19 =	vld.idx.msk [tilespmem:v22+s0+$0x0], $0xffff;
	v20 =	vadd.s32 v0, v15  }
0x1e9: {  	v21 =	vadd.s32 v4, v17;
	v22 =	vld.idx.msk [tilespmem:v40+s0+$0x0], $0xffff  }
0x1ea: {  	v23 =	vld.idx.msk [tilespmem:v41+s0+$0x0], $0xffff;
	[tilespmem:s3+$0xA3C0] =	vst v25  }
0x1eb: {  	v25 =	vld.idx.msk [tilespmem:v42+s0+$0x0], $0xffff;
	v43 =	vadd.s32 v0, v13  }
0x1ec: {  	v44 =	vadd.s32 v2, v12;
	v10 =	vld.idx.msk [tilespmem:v10+s0+$0x0], $0xffff  }
0x1ed: {  	v45 =	vadd.s32 v5, v16;
	[tilespmem:s11+$0xA3C0] =	vst v19;
	v20 =	vld.idx.msk [tilespmem:v20+s0+$0x0], $0xffff  }
0x1ee: {  	[tilespmem:s22+$0xA5E0] =	vst v11;
	v19 =	vadd.s32 v1, v14;
	v21 =	vld.idx.msk [tilespmem:v21+s0+$0x0], $0xffff  }
0x1ef: {  	v11 =	vld [tilespmem:s7+$0x8270];
	[tilespmem:s16+$0xA2C0] =	vst v23;
	v23 =	vadd.s32 v1, v15  }
0x1f0: {  	v46 =	vadd.s32 v5, v17;
	[tilespmem:s3+$0xA440] =	vst v25;
	v24 =	vld.idx.msk [tilespmem:v43+s0+$0x0], $0xffff  }
0x1f1: {  	v47 =	vadd.s32 v1, v13;
	v26 =	vld.idx.msk [tilespmem:v44+s0+$0x0], $0xffff;
	[tilespmem:s28+$0xA210] =	vst v10  }
0x1f2: {  	v48 =	vadd.s32 v3, v12;
	v10 =	vld.idx.msk [tilespmem:v45+s0+$0x0], $0xffff;
	[tilespmem:s17+$0xA210] =	vst v20  }
0x1f3: {  	v19 =	vld.idx.msk [tilespmem:v19+s0+$0x0], $0xffff;
	[tilespmem:s11+$0xA440] =	vst v21;
	v21 =	vadd.s32 v6, v16  }
0x1f4: {  	[tilespmem:s25+$0xA4F0] =	vst v22;
	v20 =	vadd.s32 v2, v14;
	v23 =	vld.idx.msk [tilespmem:v23+s0+$0x0], $0xffff  }
0x1f5: {  	v50 =	vadd.s32 v2, v15;
	v28 =	vld.idx.msk [tilespmem:v46+s0+$0x0], $0xffff;
	[tilespmem:s15+$0xA210] =	vst v24  }
0x1f6: {  	v49 =	vadd.s32 v6, v17;
	[tilespmem:s16+$0xA340] =	vst v26;
	v25 =	vld.idx.msk [tilespmem:v47+s0+$0x0], $0xffff  }
0x1f7: {  	v27 =	vld.idx.msk [tilespmem:v48+s0+$0x0], $0xffff;
	[tilespmem:s3+$0xA4C0] =	vst v10;
	v10 =	vadd.s32 v2, v13  }
0x1f8: {  	[tilespmem:s28+$0xA290] =	vst v19;
	v19 =	vld.idx.msk [tilespmem:v21+s0+$0x0], $0xffff;
	v21 =	vadd.s32 v4, v12  }
0x1f9: {  	v16 =	vadd.s32 v7, v16;
	v20 =	vld.idx.msk [tilespmem:v20+s0+$0x0], $0xffff;
	[tilespmem:s17+$0xA290] =	vst v23  }
0x1fa: {  	v23 =	vadd.s32 v3, v14;
	[tilespmem:s11+$0xA4C0] =	vst v28;
	v26 =	vld.idx.msk [tilespmem:v50+s0+$0x0], $0xffff  }
0x1fb: {  	v51 =	vadd.s32 v3, v15;
	v24 =	vld.idx.msk [tilespmem:v49+s0+$0x0], $0xffff;
	[tilespmem:s15+$0xA290] =	vst v25  }
0x1fc: {  	v17 =	vadd.s32 v7, v17;
	[tilespmem:s16+$0xA3C0] =	vst v27;
	v10 =	vld.idx.msk [tilespmem:v10+s0+$0x0], $0xffff  }
0x1fd: {  	v21 =	vld.idx.msk [tilespmem:v21+s0+$0x0], $0xffff;
	[tilespmem:s3+$0xA540] =	vst v19;
	v19 =	vadd.s32 v3, v13  }
0x1fe: {  	[tilespmem:s28+$0xA310] =	vst v20;
	v20 =	vadd.s32 v5, v12;
	v16 =	vld.idx.msk [tilespmem:v16+s0+$0x0], $0xffff  }
0x1ff: {  	v23 =	vld.idx.msk [tilespmem:v23+s0+$0x0], $0xffff;
	[tilespmem:s17+$0xA310] =	vst v26  }
0x200: {  	v52 =	vadd.s32 v4, v14;
	[tilespmem:s11+$0xA540] =	vst v24;
	v25 =	vld.idx.msk [tilespmem:v51+s0+$0x0], $0xffff  }
0x201: {  	v54 =	vadd.s32 v4, v15;
	v53 =	vld.idx.msk [tilespmem:v17+s0+$0x0], $0xffff;
	[tilespmem:s15+$0xA310] =	vst v10  }
0x202: {  	[tilespmem:s16+$0xA440] =	vst v21;
	v19 =	vld.idx.msk [tilespmem:v19+s0+$0x0], $0xffff  }
0x203: {  	v21 =	vadd.s32 v6, v9;
	v20 =	vld.idx.msk [tilespmem:v20+s0+$0x0], $0xffff;
	[tilespmem:s3+$0xA5C0] =	vst v16  }
0x204: {  	v16 =	vadd.s32 v4, v13;
	[tilespmem:s28+$0xA390] =	vst v23;
	v17 =	vld [tilespmem:s12+$0x8250]  }
0x205: {  	v55 =	vadd.s32 v6, v12;
	v23 =	vld.idx.msk [tilespmem:v52+s0+$0x0], $0xffff;
	[tilespmem:s17+$0xA390] =	vst v25  }
0x206: {  	v56 =	vadd.s32 v0, v11;
	[tilespmem:s11+$0xA5C0] =	vst v53;
	v22 =	vld.idx.msk [tilespmem:v54+s0+$0x0], $0xffff  }
0x207: {  	v57 =	vadd.s32 v5, v14;
	v10 =	vld [tilespmem:s6+$0x8250]  }
0x208: {  	v21 =	vld.idx.msk [tilespmem:v21+s0+$0x0], $0xffff;
	[tilespmem:s15+$0xA390] =	vst v19;
	v19 =	vadd.s32 v5, v15  }
0x209: {  	[tilespmem:s16+$0xA4C0] =	vst v20;
	v16 =	vld.idx.msk [tilespmem:v16+s0+$0x0], $0xffff;
	v20 =	vadd.s32 v0, v17  }
0x20a: {  	v58 =	vadd.s32 v5, v13;
	v24 =	vld.idx.msk [tilespmem:v55+s0+$0x0], $0xffff  }
0x20b: {  	v12 =	vadd.s32 v7, v12;
	[tilespmem:s28+$0xA410] =	vst v23;
	v23 =	vld.idx.msk [tilespmem:v56+s0+$0x0], $0xffff  }
0x20c: {  	v62 =	vadd.s32 v1, v11;
	v26 =	vld.idx.msk [tilespmem:v57+s0+$0x0], $0xffff;
	[tilespmem:s17+$0xA410] =	vst v22  }
0x20d: {  	v59 =	vadd.s32 v0, v10;
	v19 =	vld.idx.msk [tilespmem:v19+s0+$0x0], $0xffff  }
0x20e: {  	v22 =	vadd.s32 v6, v14;
	v20 =	vld.idx.msk [tilespmem:v20+s0+$0x0], $0xffff;
	[tilespmem:s15+$0xA410] =	vst v16  }
0x20f: {  	v16 =	vadd.s32 v6, v15;
	[tilespmem:s16+$0xA540] =	vst v24;
	v27 =	vld.idx.msk [tilespmem:v58+s0+$0x0], $0xffff  }
0x210: {  	v60 =	vadd.s32 v1, v17;
	[tilespmem:s22+$0xA270] =	vst v23;
	v12 =	vld.idx.msk [tilespmem:v12+s0+$0x0], $0xffff  }
0x211: {  	v63 =	vadd.s32 v6, v13;
	[tilespmem:s2+$0xA4E0] =	vst v18;
	v25 =	vld.idx.msk [tilespmem:v62+s0+$0x0], $0xffff  }
0x212: {  	[tilespmem:s28+$0xA490] =	vst v26;
	v61 =	vld.idx.msk [tilespmem:v59+s0+$0x0], $0xffff  }
0x213: {  	v23 =	vadd.s32 v6, v8;
	v22 =	vld.idx.msk [tilespmem:v22+s0+$0x0], $0xffff;
	[tilespmem:s17+$0xA490] =	vst v19  }
0x214: {  	v19 =	vadd.s32 v1, v10;
	v16 =	vld.idx.msk [tilespmem:v16+s0+$0x0], $0xffff;
	[tilespmem:s3+$0xA250] =	vst v20  }
0x215: {  	v14 =	vadd.s32 v7, v14;
	v20 =	vld.idx.msk [tilespmem:v60+s0+$0x0], $0xffff;
	[tilespmem:s15+$0xA490] =	vst v27  }
0x216: {  	v15 =	vadd.s32 v7, v15;
	[tilespmem:s16+$0xA5C0] =	vst v12;
	v26 =	vld.idx.msk [tilespmem:v63+s0+$0x0], $0xffff  }
0x217: {  	v29 =	vadd.s32 v2, v17;
	[tilespmem:s11+$0xA250] =	vst v61;
	v12 =	vld [tilespmem:s26+$0x8250]  }
0x218: {  	v13 =	vadd.s32 v7, v13;
	[tilespmem:s28+$0xA510] =	vst v22;
	v22 =	vld.idx.msk [tilespmem:v23+s0+$0x0], $0xffff  }
0x219: {  	v8 =	vadd.s32 v7, v8;
	[tilespmem:s22+$0xA2F0] =	vst v25;
	v19 =	vld.idx.msk [tilespmem:v19+s0+$0x0], $0xffff  }
0x21a: {  	v14 =	vld.idx.msk [tilespmem:v14+s0+$0x0], $0xffff;
	[tilespmem:s17+$0xA510] =	vst v16;
	v16 =	vadd.s32 v2, v10  }
0x21b: {  	v15 =	vld.idx.msk [tilespmem:v15+s0+$0x0], $0xffff;
	[tilespmem:s3+$0xA2D0] =	vst v20  }
0x21c: {  	v18 =	vadd.s32 v2, v11;
	v20 =	vld.idx.msk [tilespmem:v29+s0+$0x0], $0xffff;
	[tilespmem:s15+$0xA510] =	vst v26  }
0x21d: {  	[tilespmem:s2+$0xA560] =	vst v22;
	v23 =	vld.idx.msk [tilespmem:v13+s0+$0x0], $0xffff  }
0x21e: {  	v30 =	vadd.s32 v3, v17;
	v8 =	vld.idx.msk [tilespmem:v8+s0+$0x0], $0xffff;
	[tilespmem:s11+$0xA2D0] =	vst v19  }
0x21f: {  	[tilespmem:s28+$0xA590] =	vst v14;
	v16 =	vld.idx.msk [tilespmem:v16+s0+$0x0], $0xffff  }
0x220: {  	v13 =	vld [tilespmem:s18+$0x8220];
	v19 =	vadd.s32 v3, v10;
	[tilespmem:s17+$0xA590] =	vst v15  }
0x221: {  	v18 =	vld.idx.msk [tilespmem:v18+s0+$0x0], $0xffff;
	v22 =	vadd.s32 v7, v9;
	[tilespmem:s3+$0xA350] =	vst v20  }
0x222: {  	v14 =	vld [tilespmem:s10+$0x8220];
	v20 =	vadd.s32 v0, v12;
	[tilespmem:s15+$0xA590] =	vst v23  }
0x223: {  	v24 =	vld.idx.msk [tilespmem:v30+s0+$0x0], $0xffff;
	[tilespmem:s2+$0xA5E0] =	vst v8  }
0x224: {  	v8 =	vadd.s32 v4, v17;
	v9 =	vld [tilespmem:s19+$0x8220];
	[tilespmem:s11+$0xA350] =	vst v16  }
0x225: {  	[tilespmem:s25+$0xA570] =	vst v21;
	v21 =	vadd.s32 v0, v13;
	v19 =	vld.idx.msk [tilespmem:v19+s0+$0x0], $0xffff  }
0x226: {  	v16 =	vld.idx.msk [tilespmem:v22+s0+$0x0], $0xffff;
	v22 =	vadd.s32 v4, v10  }
0x227: {  	[tilespmem:s22+$0xA370] =	vst v18;
	v18 =	vld.idx.msk [tilespmem:v20+s0+$0x0], $0xffff;
	v20 =	vadd.s32 v0, v14  }
0x228: {  	v32 =	vadd.s32 v1, v12;
	v15 =	vld [tilespmem:s14+$0x8270];
	[tilespmem:s3+$0xA3D0] =	vst v24  }
0x229: {  	v31 =	vadd.s32 v0, v9;
	v8 =	vld.idx.msk [tilespmem:v8+s0+$0x0], $0xffff  }
0x22a: {  	v33 =	vadd.s32 v5, v17;
	v21 =	vld.idx.msk [tilespmem:v21+s0+$0x0], $0xffff;
	[tilespmem:s11+$0xA3D0] =	vst v19  }
0x22b: {  	v19 =	vadd.s32 v1, v13;
	v22 =	vld.idx.msk [tilespmem:v22+s0+$0x0], $0xffff  }
0x22c: {  	v34 =	vadd.s32 v5, v10;
	v20 =	vld.idx.msk [tilespmem:v20+s0+$0x0], $0xffff;
	[tilespmem:s16+$0xA250] =	vst v18  }
0x22d: {  	v18 =	vadd.s32 v1, v14;
	v25 =	vld.idx.msk [tilespmem:v32+s0+$0x0], $0xffff  }
0x22e: {  	v35 =	vadd.s32 v2, v12;
	v24 =	vld.idx.msk [tilespmem:v31+s0+$0x0], $0xffff;
	[tilespmem:s3+$0xA450] =	vst v8  }
0x22f: {  	v8 =	vadd.s32 v1, v9;
	[tilespmem:s28+$0xA220] =	vst v21;
	v21 =	vld.idx.msk [tilespmem:v33+s0+$0x0], $0xffff  }
0x230: {  	v23 =	vadd.s32 v3, v11;
	v19 =	vld.idx.msk [tilespmem:v19+s0+$0x0], $0xffff;
	[tilespmem:s11+$0xA450] =	vst v22  }
0x231: {  	v36 =	vadd.s32 v6, v17;
	[tilespmem:s17+$0xA220] =	vst v20;
	v22 =	vld.idx.msk [tilespmem:v34+s0+$0x0], $0xffff  }
0x232: {  	v20 =	vadd.s32 v2, v13;
	v18 =	vld.idx.msk [tilespmem:v18+s0+$0x0], $0xffff;
	[tilespmem:s16+$0xA2D0] =	vst v25  }
0x233: {  	v37 =	vadd.s32 v6, v10;
	[tilespmem:s15+$0xA220] =	vst v24;
	v25 =	vld.idx.msk [tilespmem:v35+s0+$0x0], $0xffff  }
0x234: {  	v38 =	vadd.s32 v2, v14;
	v8 =	vld.idx.msk [tilespmem:v8+s0+$0x0], $0xffff;
	[tilespmem:s3+$0xA4D0] =	vst v21  }
0x235: {  	v39 =	vadd.s32 v3, v12;
	v23 =	vld.idx.msk [tilespmem:v23+s0+$0x0], $0xffff;
	[tilespmem:s28+$0xA2A0] =	vst v19  }
0x236: {  	v21 =	vadd.s32 v2, v9;
	v19 =	vld.idx.msk [tilespmem:v36+s0+$0x0], $0xffff;
	[tilespmem:s11+$0xA4D0] =	vst v22  }
0x237: {  	v17 =	vadd.s32 v7, v17;
	v20 =	vld.idx.msk [tilespmem:v20+s0+$0x0], $0xffff;
	[tilespmem:s17+$0xA2A0] =	vst v18  }
0x238: {  	v18 =	vadd.s32 v3, v13;
	v22 =	vld.idx.msk [tilespmem:v37+s0+$0x0], $0xffff;
	[tilespmem:s16+$0xA350] =	vst v25  }
0x239: {  	v40 =	vld.idx.msk [tilespmem:v38+s0+$0x0], $0xffff;
	[tilespmem:s15+$0xA2A0] =	vst v8;
	v8 =	vadd.s32 v7, v10  }
0x23a: {  	[tilespmem:s22+$0xA3F0] =	vst v23;
	v10 =	vadd.s32 v3, v14;
	v25 =	vld.idx.msk [tilespmem:v39+s0+$0x0], $0xffff  }
0x23b: {  	v23 =	vadd.s32 v4, v12;
	v21 =	vld.idx.msk [tilespmem:v21+s0+$0x0], $0xffff;
	[tilespmem:s3+$0xA550] =	vst v19  }
0x23c: {  	v41 =	vadd.s32 v3, v9;
	[tilespmem:s28+$0xA320] =	vst v20;
	v17 =	vld.idx.msk [tilespmem:v17+s0+$0x0], $0xffff  }
0x23d: {  	v20 =	vadd.s32 v0, v15;
	v18 =	vld.idx.msk [tilespmem:v18+s0+$0x0], $0xffff;
	[tilespmem:s11+$0xA550] =	vst v22  }
0x23e: {  	[tilespmem:s17+$0xA320] =	vst v40;
	v22 =	vadd.s32 v4, v13;
	v8 =	vld.idx.msk [tilespmem:v8+s0+$0x0], $0xffff  }
0x23f: {  	v10 =	vld.idx.msk [tilespmem:v10+s0+$0x0], $0xffff;
	[tilespmem:s16+$0xA3D0] =	vst v25  }
0x240: {  	[tilespmem:s15+$0xA320] =	vst v21;
	v23 =	vld.idx.msk [tilespmem:v23+s0+$0x0], $0xffff  }
0x241: {  	v21 =	vadd.s32 v4, v14;
	v42 =	vld.idx.msk [tilespmem:v41+s0+$0x0], $0xffff;
	[tilespmem:s3+$0xA5D0] =	vst v17  }
0x242: {  	[tilespmem:s28+$0xA3A0] =	vst v18;
	v18 =	vld.idx.msk [tilespmem:v20+s0+$0x0], $0xffff  }
0x243: {  	v43 =	vadd.s32 v4, v9;
	v20 =	vld.idx.msk [tilespmem:v22+s0+$0x0], $0xffff;
	[tilespmem:s11+$0xA5D0] =	vst v8  }
0x244: {  	v17 =	vadd.s32 v5, v12;
	[tilespmem:s17+$0xA3A0] =	vst v10;
	v10 =	vld [tilespmem:s12+$0x8260]  }
0x245: {  	v22 =	vadd.s32 v1, v15;
	v8 =	vld [tilespmem:s6+$0x8260]  }
0x246: {  	v44 =	vadd.s32 v5, v13;
	v21 =	vld.idx.msk [tilespmem:v21+s0+$0x0], $0xffff  }
0x247: {  	v45 =	vadd.s32 v5, v14;
	[tilespmem:s15+$0xA3A0] =	vst v42  }
0x248: {  	v19 =	vadd.s32 v4, v11;
	[tilespmem:s16+$0xA450] =	vst v23;
	v26 =	vld.idx.msk [tilespmem:v43+s0+$0x0], $0xffff  }
0x249: {  	v17 =	vld.idx.msk [tilespmem:v17+s0+$0x0], $0xffff;
	[tilespmem:s2+$0xA270] =	vst v18;
	v18 =	vadd.s32 v5, v9  }
0x24a: {  	[tilespmem:s28+$0xA420] =	vst v20;
	v20 =	vld.idx.msk [tilespmem:v22+s0+$0x0], $0xffff;
	v48 =	vadd.s32 v0, v10  }
0x24b: {  	v25 =	vld.idx.msk [tilespmem:v44+s0+$0x0], $0xffff;
	v22 =	vadd.s32 v0, v8;
	[tilespmem:s17+$0xA420] =	vst v21  }
0x24c: {  	v21 =	vadd.s32 v2, v15;
	v23 =	vld.idx.msk [tilespmem:v45+s0+$0x0], $0xffff  }
0x24d: {  	v46 =	vadd.s32 v6, v13;
	v19 =	vld.idx.msk [tilespmem:v19+s0+$0x0], $0xffff;
	[tilespmem:s15+$0xA420] =	vst v26  }
0x24e: {  	v47 =	vadd.s32 v6, v14;
	[tilespmem:s16+$0xA4D0] =	vst v17;
	v18 =	vld.idx.msk [tilespmem:v18+s0+$0x0], $0xffff  }
0x24f: {  	v49 =	vadd.s32 v6, v12;
	[tilespmem:s2+$0xA2F0] =	vst v20;
	v17 =	vld.idx.msk [tilespmem:v48+s0+$0x0], $0xffff  }
0x250: {  	v20 =	vadd.s32 v6, v9;
	[tilespmem:s28+$0xA4A0] =	vst v25;
	v22 =	vld.idx.msk [tilespmem:v22+s0+$0x0], $0xffff  }
0x251: {  	v21 =	vld.idx.msk [tilespmem:v21+s0+$0x0], $0xffff;
	[tilespmem:s17+$0xA4A0] =	vst v23;
	v23 =	vadd.s32 v1, v8  }
0x252: {  	v51 =	vadd.s32 v3, v15;
	v24 =	vld.idx.msk [tilespmem:v46+s0+$0x0], $0xffff  }
0x253: {  	v13 =	vadd.s32 v7, v13;
	v50 =	vld.idx.msk [tilespmem:v47+s0+$0x0], $0xffff  }
0x254: {  	v14 =	vadd.s32 v7, v14;
	[tilespmem:s15+$0xA4A0] =	vst v18;
	v18 =	vld.idx.msk [tilespmem:v49+s0+$0x0], $0xffff  }
0x255: {  	v52 =	vadd.s32 v1, v10;
	v20 =	vld.idx.msk [tilespmem:v20+s0+$0x0], $0xffff;
	[tilespmem:s11+$0xA260] =	vst v22  }
0x256: {  	v12 =	vadd.s32 v7, v12;
	[tilespmem:s2+$0xA370] =	vst v21;
	v22 =	vld.idx.msk [tilespmem:v23+s0+$0x0], $0xffff  }
0x257: {  	v9 =	vadd.s32 v7, v9;
	[tilespmem:s28+$0xA520] =	vst v24;
	v21 =	vld.idx.msk [tilespmem:v51+s0+$0x0], $0xffff  }
0x258: {  	v13 =	vld.idx.msk [tilespmem:v13+s0+$0x0], $0xffff;
	v23 =	vadd.s32 v2, v8;
	[tilespmem:s17+$0xA520] =	vst v50  }
0x259: {  	[tilespmem:s3+$0xA260] =	vst v17;
	v53 =	vld.idx.msk [tilespmem:v14+s0+$0x0], $0xffff;
	v14 =	vadd.s32 v4, v15  }
0x25a: {  	v17 =	vld.idx.msk [tilespmem:v52+s0+$0x0], $0xffff;
	[tilespmem:s16+$0xA550] =	vst v18  }
0x25b: {  	[tilespmem:s15+$0xA520] =	vst v20;
	v12 =	vld.idx.msk [tilespmem:v12+s0+$0x0], $0xffff  }
0x25c: {  	v18 =	vadd.s32 v5, v11;
	v9 =	vld.idx.msk [tilespmem:v9+s0+$0x0], $0xffff;
	[tilespmem:s11+$0xA2E0] =	vst v22  }
0x25d: {  	v20 =	vadd.s32 v2, v10;
	[tilespmem:s2+$0xA3F0] =	vst v21;
	v22 =	vld.idx.msk [tilespmem:v23+s0+$0x0], $0xffff  }
0x25e: {  	[tilespmem:s28+$0xA5A0] =	vst v13;
	v21 =	vld.idx.msk [tilespmem:v14+s0+$0x0], $0xffff  }
0x25f: {  	v14 =	vld [tilespmem:s18+$0x8230];
	[tilespmem:s17+$0xA5A0] =	vst v53  }
0x260: {  	[tilespmem:s22+$0xA470] =	vst v19;
	v19 =	vadd.s32 v3, v8;
	v13 =	vld [tilespmem:s10+$0x8230]  }
0x261: {  	[tilespmem:s3+$0xA2E0] =	vst v17;
	v17 =	vadd.s32 v5, v15;
	v18 =	vld.idx.msk [tilespmem:v18+s0+$0x0], $0xffff  }
0x262: {  	v23 =	vadd.s32 v6, v11;
	v20 =	vld.idx.msk [tilespmem:v20+s0+$0x0], $0xffff;
	[tilespmem:s16+$0xA5D0] =	vst v12  }
0x263: {  	v54 =	vadd.s32 v3, v10;
	[tilespmem:s15+$0xA5A0] =	vst v9;
	v9 =	vld [tilespmem:s26+$0x8260]  }
0x264: {  	v12 =	vld [tilespmem:s19+$0x8230];
	[tilespmem:s11+$0xA360] =	vst v22;
	v22 =	vadd.s32 v0, v14  }
0x265: {  	v19 =	vld.idx.msk [tilespmem:v19+s0+$0x0], $0xffff;
	[tilespmem:s2+$0xA470] =	vst v21;
	v21 =	vadd.s32 v0, v13  }
0x266: {  	[tilespmem:s22+$0xA4F0] =	vst v18;
	v18 =	vadd.s32 v4, v8;
	v17 =	vld.idx.msk [tilespmem:v17+s0+$0x0], $0xffff  }
0x267: {  	v23 =	vld.idx.msk [tilespmem:v23+s0+$0x0], $0xffff;
	[tilespmem:s3+$0xA360] =	vst v20;
	v20 =	vadd.s32 v6, v15  }
0x268: {  	v24 =	vld.idx.msk [tilespmem:v54+s0+$0x0], $0xffff;
	v56 =	vadd.s32 v0, v9  }
0x269: {  	[tilespmem:s25+$0xA5F0] =	vst v16;
	v55 =	vadd.s32 v0, v12;
	v22 =	vld.idx.msk [tilespmem:v22+s0+$0x0], $0xffff  }
0x26a: {  	v57 =	vadd.s32 v4, v10;
	[tilespmem:s11+$0xA3E0] =	vst v19;
	v21 =	vld.idx.msk [tilespmem:v21+s0+$0x0], $0xffff  }
0x26b: {  	v16 =	vadd.s32 v1, v13;
	v58 =	vld.idx.msk [tilespmem:v18+s0+$0x0], $0xffff;
	[tilespmem:s2+$0xA4F0] =	vst v17  }
0x26c: {  	v19 =	vadd.s32 v1, v14;
	v17 =	vld.idx.msk [tilespmem:v20+s0+$0x0], $0xffff  }
0x26d: {  	v11 =	vadd.s32 v7, v11;
	v20 =	vld.idx.msk [tilespmem:v56+s0+$0x0], $0xffff;
	[tilespmem:s3+$0xA3E0] =	vst v24  }
0x26e: {  	v15 =	vadd.s32 v7, v15;
	v18 =	vld.idx.msk [tilespmem:v55+s0+$0x0], $0xffff;
	[tilespmem:s28+$0xA230] =	vst v22  }
0x26f: {  	v59 =	vadd.s32 v1, v9;
	v22 =	vld.idx.msk [tilespmem:v57+s0+$0x0], $0xffff;
	[tilespmem:s17+$0xA230] =	vst v21  }
0x270: {  	[tilespmem:s22+$0xA570] =	vst v23;
	v23 =	vadd.s32 v1, v12;
	v16 =	vld.idx.msk [tilespmem:v16+s0+$0x0], $0xffff  }
0x271: {  	v60 =	vadd.s32 v5, v10;
	v19 =	vld.idx.msk [tilespmem:v19+s0+$0x0], $0xffff;
	[tilespmem:s2+$0xA570] =	vst v17  }
0x272: {  	v61 =	vadd.s32 v2, v14;
	v62 =	vld.idx.msk [tilespmem:v11+s0+$0x0], $0xffff;
	[tilespmem:s16+$0xA260] =	vst v20  }
0x273: {  	v63 =	vadd.s32 v2, v13;
	[tilespmem:s15+$0xA230] =	vst v18;
	v11 =	vld.idx.msk [tilespmem:v15+s0+$0x0], $0xffff  }
0x274: {  	v17 =	vld.idx.msk [tilespmem:v59+s0+$0x0], $0xffff;
	[tilespmem:s3+$0xA460] =	vst v22  }
0x275: {  	v21 =	vld.idx.msk [tilespmem:v23+s0+$0x0], $0xffff;
	[tilespmem:s17+$0xA2B0] =	vst v16;
	v16 =	vadd.s32 v5, v8  }
0x276: {  	[tilespmem:s28+$0xA2B0] =	vst v19;
	v15 =	vld.idx.msk [tilespmem:v60+s0+$0x0], $0xffff  }
0x277: {  	[tilespmem:s11+$0xA460] =	vst v58;
	v19 =	vld.idx.msk [tilespmem:v61+s0+$0x0], $0xffff  }
0x278: {  	s7 =	simm.s32 $0x9;
	[tilespmem:s22+$0xA5F0] =	vst v62;
	v18 =	vadd.s32 v3, v14;
	v20 =	vld.idx.msk [tilespmem:v63+s0+$0x0], $0xffff  }
.LBB2_3:
0x279: {  	s4 =	sshll.u32 s7, $0x7;
	s8 =	sadd.s32 $0x1, s7;
	s5 =	sadd.s32 $0x2, s7  }
0x27a: {  	v22 =	vld.idx.msk [tilespmem:v16+s0+$0x0], $0xffff;
	[tilespmem:s2+$0xA5F0] =	vst v11;
	s14 =	smov.u32 s7;
	s2 =	smov.u32 s11;
	s11 =	smov.u32 s17  }
0x27b: {  	s25 =	sand.u32 $0x3FFFFF80, s4;
	s4 =	sshll.u32 s8, $0x7;
	s17 =	sshll.u32 s5, $0x7;
	[tilespmem:s15+$0xA2B0] =	vst v21;
	v21 =	vadd.s32 v3, v13  }
0x27c: {  	p1 =	slt.u32 s7, $0x15;
	s7 =	sadd.s32 $0x3, s7;
	v11 =	vld [tilespmem:s25+$0x8200];
	s4 =	sand.u32 $0x3FFFFF80, s4;
	[tilespmem:s16+$0xA2E0] =	vst v17;
	v17 =	vadd.s32 v6, v10  }
0x27d: {  	v23 =	vadd.s32 v2, v12;
	s22 =	sand.u32 $0x3FFFFF80, s17;
	v16 =	vld [tilespmem:s4+$0x8200];
	[tilespmem:s3+$0xA4E0] =	vst v15  }
0x27e: {  	v15 =	vld [tilespmem:s22+$0x8200];
	[tilespmem:s28+$0xA330] =	vst v19;
	v19 =	vadd.s32 v2, v9  }
0x27f: {  	v18 =	vld.idx.msk [tilespmem:v18+s0+$0x0], $0xffff;
	[tilespmem:s11+$0xA330] =	vst v20  }
0x280: {  	v20 =	vld.idx.msk [tilespmem:v21+s0+$0x0], $0xffff;
	[tilespmem:s2+$0xA4E0] =	vst v22  }
0x281: {  	v21 =	vadd.s32 v4, v14;
	v17 =	vld.idx.msk [tilespmem:v17+s0+$0x0], $0xffff  }
0x282: {  	v22 =	vadd.s32 v0, v16;
	v23 =	vld.idx.msk [tilespmem:v23+s0+$0x0], $0xffff  }
0x283: {  	v24 =	vadd.s32 v0, v15;
	v19 =	vld.idx.msk [tilespmem:v19+s0+$0x0], $0xffff  }
0x284: {  	v25 =	vadd.s32 v4, v13  }
0x285: {  	v10 =	vadd.s32 v7, v10;
	[tilespmem:s28+$0xA3B0] =	vst v18  }
0x286: {  	v18 =	vadd.s32 v0, v11;
	v21 =	vld.idx.msk [tilespmem:v21+s0+$0x0], $0xffff;
	[tilespmem:s11+$0xA3B0] =	vst v20  }
0x287: {  	v20 =	vld.idx.msk [tilespmem:v22+s0+$0x0], $0xffff;
	v22 =	vadd.s32 v3, v12;
	[tilespmem:s3+$0xA560] =	vst v17  }
0x288: {  	v17 =	vld.idx.msk [tilespmem:v24+s0+$0x0], $0xffff;
	[tilespmem:s15+$0xA330] =	vst v23;
	v23 =	vadd.s32 v5, v14  }
0x289: {  	v24 =	vadd.s32 v1, v16;
	v25 =	vld.idx.msk [tilespmem:v25+s0+$0x0], $0xffff;
	[tilespmem:s16+$0xA360] =	vst v19  }
0x28a: {  	v19 =	vadd.s32 v1, v15;
	v10 =	vld.idx.msk [tilespmem:v10+s0+$0x0], $0xffff  }
0x28b: {  	v26 =	vadd.s32 v5, v13;
	s8 =	sshll.u32 s8, $0xA;
	v18 =	vld.idx.msk [tilespmem:v18+s0+$0x0], $0xffff  }
0x28c: {  	s5 =	sshll.u32 s5, $0xA;
	s8 =	sand.u32 $0x3FFFFC00, s8;
	v22 =	vld.idx.msk [tilespmem:v22+s0+$0x0], $0xffff;
	[tilespmem:s28+$0xA430] =	vst v21  }
0x28d: {  	s17 =	sand.u32 $0x3FFFFC00, s5;
	v21 =	vadd.s32 v1, v11;
	[tilespmem:s8+$0xA200] =	vst v20;
	v20 =	vld.idx.msk [tilespmem:v23+s0+$0x0], $0xffff  }
0x28e: {  	v23 =	vld.idx.msk [tilespmem:v24+s0+$0x0], $0xffff;
	[tilespmem:s17+$0xA200] =	vst v17;
	v17 =	vadd.s32 v4, v12  }
0x28f: {  	s5 =	sshll.u32 s14, $0xA;
	v24 =	vadd.s32 v6, v14;
	v19 =	vld.idx.msk [tilespmem:v19+s0+$0x0], $0xffff;
	[tilespmem:s11+$0xA430] =	vst v25  }
0x290: {  	s14 =	sand.u32 $0x3FFFFC00, s5;
	v25 =	vadd.s32 v2, v16;
	v26 =	vld.idx.msk [tilespmem:v26+s0+$0x0], $0xffff;
	[tilespmem:s3+$0xA5E0] =	vst v10  }
0x291: {  	[tilespmem:s14+$0xA200] =	vst v18;
	v18 =	vadd.s32 v2, v15;
	v10 =	vld [tilespmem:s12+$0x8270];
	s12 =	smov.u32 s18;
	s18 =	smov.u32 s4  }
0x292: {  	v21 =	vld.idx.msk [tilespmem:v21+s0+$0x0], $0xffff;
	[tilespmem:s15+$0xA3B0] =	vst v22;
	v22 =	vadd.s32 v6, v13  }
0x293: {  	v17 =	vld.idx.msk [tilespmem:v17+s0+$0x0], $0xffff;
	[tilespmem:s28+$0xA4B0] =	vst v20;
	v20 =	vadd.s32 v3, v9  }
0x294: {  	v27 =	vadd.s32 v2, v11;
	[tilespmem:s8+$0xA280] =	vst v23;
	v23 =	vld.idx.msk [tilespmem:v24+s0+$0x0], $0xffff  }
0x295: {  	v24 =	vld.idx.msk [tilespmem:v25+s0+$0x0], $0xffff;
	[tilespmem:s17+$0xA280] =	vst v19;
	v19 =	vadd.s32 v5, v12  }
0x296: {  	v14 =	vadd.s32 v7, v14;
	v18 =	vld.idx.msk [tilespmem:v18+s0+$0x0], $0xffff;
	[tilespmem:s11+$0xA4B0] =	vst v26  }
0x297: {  	v25 =	vadd.s32 v3, v16;
	v22 =	vld.idx.msk [tilespmem:v22+s0+$0x0], $0xffff  }
0x298: {  	[tilespmem:s14+$0xA280] =	vst v21;
	v21 =	vadd.s32 v3, v15;
	v20 =	vld.idx.msk [tilespmem:v20+s0+$0x0], $0xffff  }
0x299: {  	v13 =	vadd.s32 v7, v13;
	v26 =	vld.idx.msk [tilespmem:v27+s0+$0x0], $0xffff;
	[tilespmem:s15+$0xA430] =	vst v17  }
0x29a: {  	v17 =	vld.idx.msk [tilespmem:v19+s0+$0x0], $0xffff;
	[tilespmem:s28+$0xA530] =	vst v23;
	v19 =	vadd.s32 v0, v10  }
0x29b: {  	v23 =	vadd.s32 v3, v11;
	[tilespmem:s8+$0xA300] =	vst v24;
	v14 =	vld.idx.msk [tilespmem:v14+s0+$0x0], $0xffff  }
0x29c: {  	v24 =	vld.idx.msk [tilespmem:v25+s0+$0x0], $0xffff;
	[tilespmem:s17+$0xA300] =	vst v18;
	v18 =	vadd.s32 v6, v12  }
0x29d: {  	v21 =	vld.idx.msk [tilespmem:v21+s0+$0x0], $0xffff;
	[tilespmem:s11+$0xA530] =	vst v22  }
0x29e: {  	v22 =	vadd.s32 v4, v16;
	v13 =	vld.idx.msk [tilespmem:v13+s0+$0x0], $0xffff;
	[tilespmem:s16+$0xA3E0] =	vst v20  }
0x29f: {  	v20 =	vadd.s32 v4, v15;
	[tilespmem:s14+$0xA300] =	vst v26;
	v19 =	vld.idx.msk [tilespmem:v19+s0+$0x0], $0xffff  }
0x2a0: {  	v23 =	vld.idx.msk [tilespmem:v23+s0+$0x0], $0xffff;
	[tilespmem:s15+$0xA4B0] =	vst v17  }
0x2a1: {  	v18 =	vld.idx.msk [tilespmem:v18+s0+$0x0], $0xffff;
	[tilespmem:s28+$0xA5B0] =	vst v14;
	v14 =	vadd.s32 v1, v10  }
0x2a2: {  	v25 =	vadd.s32 v4, v11;
	[tilespmem:s8+$0xA380] =	vst v24;
	v17 =	vld [tilespmem:s12+$0x8240]  }
0x2a3: {  	v12 =	vadd.s32 v7, v12;
	v22 =	vld.idx.msk [tilespmem:v22+s0+$0x0], $0xffff;
	[tilespmem:s17+$0xA380] =	vst v21  }
0x2a4: {  	v21 =	vadd.s32 v4, v9;
	v20 =	vld.idx.msk [tilespmem:v20+s0+$0x0], $0xffff;
	[tilespmem:s11+$0xA5B0] =	vst v13  }
0x2a5: {  	v24 =	vadd.s32 v5, v16;
	v13 =	vld [tilespmem:s10+$0x8240];
	[tilespmem:s3+$0xA270] =	vst v19  }
0x2a6: {  	v19 =	vadd.s32 v5, v15;
	[tilespmem:s14+$0xA380] =	vst v23;
	v14 =	vld.idx.msk [tilespmem:v14+s0+$0x0], $0xffff  }
0x2a7: {  	v23 =	vld.idx.msk [tilespmem:v25+s0+$0x0], $0xffff;
	[tilespmem:s15+$0xA530] =	vst v18;
	v18 =	vadd.s32 v0, v17  }
0x2a8: {  	v25 =	vadd.s32 v2, v10;
	v12 =	vld.idx.msk [tilespmem:v12+s0+$0x0], $0xffff  }
0x2a9: {  	v26 =	vadd.s32 v5, v11;
	[tilespmem:s8+$0xA400] =	vst v22;
	v21 =	vld.idx.msk [tilespmem:v21+s0+$0x0], $0xffff  }
0x2aa: {  	v22 =	vld.idx.msk [tilespmem:v24+s0+$0x0], $0xffff;
	[tilespmem:s17+$0xA400] =	vst v20;
	v20 =	vadd.s32 v0, v13  }
0x2ab: {  	v19 =	vld.idx.msk [tilespmem:v19+s0+$0x0], $0xffff  }
0x2ac: {  	v24 =	vadd.s32 v6, v16;
	v18 =	vld.idx.msk [tilespmem:v18+s0+$0x0], $0xffff;
	[tilespmem:s3+$0xA2F0] =	vst v14  }
0x2ad: {  	v14 =	vadd.s32 v6, v15;
	[tilespmem:s14+$0xA400] =	vst v23;
	v23 =	vld.idx.msk [tilespmem:v25+s0+$0x0], $0xffff  }
0x2ae: {  	v25 =	vld.idx.msk [tilespmem:v26+s0+$0x0], $0xffff;
	[tilespmem:s15+$0xA5B0] =	vst v12;
	v26 =	vadd.s32 v1, v17  }
0x2af: {  	v20 =	vld.idx.msk [tilespmem:v20+s0+$0x0], $0xffff;
	[tilespmem:s16+$0xA460] =	vst v21;
	v21 =	vadd.s32 v3, v10  }
0x2b0: {  	v27 =	vadd.s32 v6, v11;
	[tilespmem:s8+$0xA480] =	vst v22;
	v12 =	vld [tilespmem:s19+$0x8240]  }
0x2b1: {  	v22 =	vld.idx.msk [tilespmem:v24+s0+$0x0], $0xffff;
	[tilespmem:s17+$0xA480] =	vst v19;
	v19 =	vadd.s32 v1, v13  }
0x2b2: {  	v14 =	vld.idx.msk [tilespmem:v14+s0+$0x0], $0xffff;
	[tilespmem:s28+$0xA240] =	vst v18;
	v18 =	vadd.s32 v5, v9  }
0x2b3: {  	v16 =	vadd.s32 v7, v16;
	v24 =	vld.idx.msk [tilespmem:v26+s0+$0x0], $0xffff;
	[tilespmem:s3+$0xA370] =	vst v23  }
0x2b4: {  	v15 =	vadd.s32 v7, v15;
	[tilespmem:s14+$0xA480] =	vst v25;
	v21 =	vld.idx.msk [tilespmem:v21+s0+$0x0], $0xffff  }
0x2b5: {  	v25 =	vadd.s32 v2, v17;
	v23 =	vld.idx.msk [tilespmem:v27+s0+$0x0], $0xffff;
	[tilespmem:s11+$0xA240] =	vst v20  }
0x2b6: {  	v20 =	vadd.s32 v4, v10;
	v19 =	vld.idx.msk [tilespmem:v19+s0+$0x0], $0xffff  }
0x2b7: {  	v11 =	vadd.s32 v7, v11;
	[tilespmem:s8+$0xA500] =	vst v22;
	v18 =	vld.idx.msk [tilespmem:v18+s0+$0x0], $0xffff  }
0x2b8: {  	v16 =	vld.idx.msk [tilespmem:v16+s0+$0x0], $0xffff;
	[tilespmem:s17+$0xA500] =	vst v14;
	v14 =	vadd.s32 v2, v13  }
0x2b9: {  	v22 =	vld.idx.msk [tilespmem:v15+s0+$0x0], $0xffff;
	v15 =	vadd.s32 v0, v12;
	[tilespmem:s28+$0xA2C0] =	vst v24  }
0x2ba: {  	v24 =	vld.idx.msk [tilespmem:v25+s0+$0x0], $0xffff;
	[tilespmem:s3+$0xA3F0] =	vst v21  }
0x2bb: {  	[tilespmem:s14+$0xA500] =	vst v23;
	v20 =	vld.idx.msk [tilespmem:v20+s0+$0x0], $0xffff  }
0x2bc: {  	v21 =	vadd.s32 v3, v17;
	v11 =	vld.idx.msk [tilespmem:v11+s0+$0x0], $0xffff;
	[tilespmem:s11+$0xA2C0] =	vst v19  }
0x2bd: {  	v19 =	vld.idx.msk [tilespmem:v14+s0+$0x0], $0xffff;
	[tilespmem:s16+$0xA4E0] =	vst v18;
	v14 =	vadd.s32 v5, v10  }
0x2be: {  	[tilespmem:s8+$0xA580] =	vst v16;
	v18 =	vld.idx.msk [tilespmem:v15+s0+$0x0], $0xffff  }
0x2bf: {  	v15 =	vld [tilespmem:s18+$0x8210];
	[tilespmem:s17+$0xA580] =	vst v22;
	v22 =	vadd.s32 v3, v13  }
0x2c0: {  	v23 =	vadd.s32 v1, v12;
	v16 =	vld [tilespmem:s22+$0x8210];
	[tilespmem:s28+$0xA340] =	vst v24  }
0x2c1: {  	v24 =	vadd.s32 v6, v9;
	v21 =	vld.idx.msk [tilespmem:v21+s0+$0x0], $0xffff;
	[tilespmem:s3+$0xA470] =	vst v20  }
0x2c2: {  	[tilespmem:s14+$0xA580] =	vst v11;
	v11 =	vld.idx.msk [tilespmem:v14+s0+$0x0], $0xffff  }
0x2c3: {  	v20 =	vadd.s32 v4, v17;
	v14 =	vld [tilespmem:s25+$0x8210];
	[tilespmem:s11+$0xA340] =	vst v19  }
0x2c4: {  	v19 =	vadd.s32 v0, v15;
	[tilespmem:s15+$0xA240] =	vst v18;
	v18 =	vld.idx.msk [tilespmem:v22+s0+$0x0], $0xffff  }
0x2c5: {  	v22 =	vadd.s32 v0, v16;
	v23 =	vld.idx.msk [tilespmem:v23+s0+$0x0], $0xffff  }
0x2c6: {  	v25 =	vadd.s32 v4, v13;
	v24 =	vld.idx.msk [tilespmem:v24+s0+$0x0], $0xffff  }
0x2c7: {  	[tilespmem:s28+$0xA3C0] =	vst v21;
	v21 =	vadd.s32 v6, v10  }
0x2c8: {  	v26 =	vadd.s32 v0, v14;
	v20 =	vld.idx.msk [tilespmem:v20+s0+$0x0], $0xffff;
	[tilespmem:s3+$0xA4F0] =	vst v11  }
0x2c9: {  	v11 =	vld.idx.msk [tilespmem:v19+s0+$0x0], $0xffff;
	v19 =	vadd.s32 v2, v12  }
0x2ca: {  	v27 =	vadd.s32 v5, v17;
	v22 =	vld.idx.msk [tilespmem:v22+s0+$0x0], $0xffff;
	[tilespmem:s11+$0xA3C0] =	vst v18  }
0x2cb: {  	v18 =	vadd.s32 v1, v15;
	[tilespmem:s15+$0xA2C0] =	vst v23;
	v23 =	vld.idx.msk [tilespmem:v25+s0+$0x0], $0xffff  }
0x2cc: {  	v25 =	vadd.s32 v1, v16;
	[tilespmem:s16+$0xA560] =	vst v24;
	v21 =	vld.idx.msk [tilespmem:v21+s0+$0x0], $0xffff  }
0x2cd: {  	v24 =	vld.idx.msk [tilespmem:v26+s0+$0x0], $0xffff;
	v26 =	vadd.s32 v5, v13  }
0x2ce: {  	v10 =	vadd.s32 v7, v10;
	v19 =	vld.idx.msk [tilespmem:v19+s0+$0x0], $0xffff;
	[tilespmem:s28+$0xA440] =	vst v20  }
0x2cf: {  	v20 =	vadd.s32 v1, v14;
	[tilespmem:s8+$0xA210] =	vst v11;
	v11 =	vld.idx.msk [tilespmem:v27+s0+$0x0], $0xffff  }
0x2d0: {  	v18 =	vld.idx.msk [tilespmem:v18+s0+$0x0], $0xffff;
	[tilespmem:s17+$0xA210] =	vst v22;
	v22 =	vadd.s32 v3, v12  }
0x2d1: {  	v27 =	vadd.s32 v6, v17;
	v25 =	vld.idx.msk [tilespmem:v25+s0+$0x0], $0xffff;
	[tilespmem:s11+$0xA440] =	vst v23  }
0x2d2: {  	v23 =	vadd.s32 v2, v15;
	v26 =	vld.idx.msk [tilespmem:v26+s0+$0x0], $0xffff;
	[tilespmem:s3+$0xA570] =	vst v21  }
0x2d3: {  	v21 =	vadd.s32 v2, v16;
	[tilespmem:s14+$0xA210] =	vst v24;
	v10 =	vld.idx.msk [tilespmem:v10+s0+$0x0], $0xffff  }
0x2d4: {  	v20 =	vld.idx.msk [tilespmem:v20+s0+$0x0], $0xffff;
	[tilespmem:s15+$0xA340] =	vst v19;
	v19 =	vadd.s32 v6, v13  }
0x2d5: {  	v9 =	vadd.s32 v7, v9;
	v22 =	vld.idx.msk [tilespmem:v22+s0+$0x0], $0xffff;
	[tilespmem:s28+$0xA4C0] =	vst v11  }
0x2d6: {  	v11 =	vadd.s32 v2, v14;
	[tilespmem:s8+$0xA290] =	vst v18;
	v18 =	vld.idx.msk [tilespmem:v27+s0+$0x0], $0xffff  }
0x2d7: {  	v24 =	vadd.s32 v4, v12;
	v23 =	vld.idx.msk [tilespmem:v23+s0+$0x0], $0xffff;
	[tilespmem:s17+$0xA290] =	vst v25  }
0x2d8: {  	v17 =	vadd.s32 v7, v17;
	v21 =	vld.idx.msk [tilespmem:v21+s0+$0x0], $0xffff;
	[tilespmem:s11+$0xA4C0] =	vst v26  }
0x2d9: {  	v25 =	vadd.s32 v3, v15;
	v19 =	vld.idx.msk [tilespmem:v19+s0+$0x0], $0xffff;
	[tilespmem:s3+$0xA5F0] =	vst v10;
	s3 =	smov.u32 s28;
	s28 =	smov.u32 s8  }
0x2da: {  	v10 =	vadd.s32 v3, v16;
	[tilespmem:s14+$0xA290] =	vst v20;
	v9 =	vld.idx.msk [tilespmem:v9+s0+$0x0], $0xffff  }
0x2db: {  	v13 =	vadd.s32 v7, v13;
	v11 =	vld.idx.msk [tilespmem:v11+s0+$0x0], $0xffff;
	[tilespmem:s15+$0xA3C0] =	vst v22  }
0x2dc: {  	v20 =	vld.idx.msk [tilespmem:v24+s0+$0x0], $0xffff;
	[tilespmem:s3+$0xA540] =	vst v18  }
0x2dd: {  	v18 =	vadd.s32 v3, v14;
	[tilespmem:s28+$0xA310] =	vst v23;
	v17 =	vld.idx.msk [tilespmem:v17+s0+$0x0], $0xffff  }
0x2de: {  	v22 =	vld.idx.msk [tilespmem:v25+s0+$0x0], $0xffff;
	[tilespmem:s17+$0xA310] =	vst v21;
	v21 =	vadd.s32 v5, v12  }
0x2df: {  	v10 =	vld.idx.msk [tilespmem:v10+s0+$0x0], $0xffff;
	[tilespmem:s11+$0xA540] =	vst v19  }
0x2e0: {  	v19 =	vadd.s32 v4, v15;
	v13 =	vld.idx.msk [tilespmem:v13+s0+$0x0], $0xffff;
	[tilespmem:s16+$0xA5E0] =	vst v9  }
0x2e1: {  	v9 =	vadd.s32 v4, v16;
	[tilespmem:s14+$0xA310] =	vst v11;
	v11 =	vld [tilespmem:s26+$0x8270];
	s26 =	smov.u32 s19;
	s19 =	smov.u32 s25  }
0x2e2: {  	v18 =	vld.idx.msk [tilespmem:v18+s0+$0x0], $0xffff;
	[tilespmem:s15+$0xA440] =	vst v20  }
0x2e3: {  	v20 =	vld.idx.msk [tilespmem:v21+s0+$0x0], $0xffff;
	[tilespmem:s3+$0xA5C0] =	vst v17  }
0x2e4: {  	v21 =	vadd.s32 v4, v14;
	[tilespmem:s28+$0xA390] =	vst v22;
	v17 =	vld [tilespmem:s12+$0x8250]  }
0x2e5: {  	v22 =	vadd.s32 v6, v12;
	v19 =	vld.idx.msk [tilespmem:v19+s0+$0x0], $0xffff;
	[tilespmem:s17+$0xA390] =	vst v10  }
0x2e6: {  	v9 =	vld.idx.msk [tilespmem:v9+s0+$0x0], $0xffff;
	[tilespmem:s11+$0xA5C0] =	vst v13;
	v13 =	vadd.s32 v0, v11  }
0x2e7: {  	v23 =	vadd.s32 v5, v15;
	v10 =	vld [tilespmem:s10+$0x8250]  }
0x2e8: {  	[tilespmem:s14+$0xA390] =	vst v18;
	v18 =	vadd.s32 v5, v16  }
0x2e9: {  	v21 =	vld.idx.msk [tilespmem:v21+s0+$0x0], $0xffff;
	[tilespmem:s15+$0xA4C0] =	vst v20;
	v20 =	vadd.s32 v0, v17  }
0x2ea: {  	v22 =	vld.idx.msk [tilespmem:v22+s0+$0x0], $0xffff  }
0x2eb: {  	v24 =	vadd.s32 v5, v14;
	[tilespmem:s28+$0xA410] =	vst v19;
	v13 =	vld.idx.msk [tilespmem:v13+s0+$0x0], $0xffff  }
0x2ec: {  	v19 =	vld.idx.msk [tilespmem:v23+s0+$0x0], $0xffff;
	[tilespmem:s17+$0xA410] =	vst v9;
	v9 =	vadd.s32 v0, v10  }
0x2ed: {  	v12 =	vadd.s32 v7, v12;
	v18 =	vld.idx.msk [tilespmem:v18+s0+$0x0], $0xffff  }
0x2ee: {  	v23 =	vadd.s32 v6, v15;
	v20 =	vld.idx.msk [tilespmem:v20+s0+$0x0], $0xffff  }
0x2ef: {  	[tilespmem:s14+$0xA410] =	vst v21;
	v21 =	vadd.s32 v6, v16  }
0x2f0: {  	v24 =	vld.idx.msk [tilespmem:v24+s0+$0x0], $0xffff;
	[tilespmem:s15+$0xA540] =	vst v22;
	v22 =	vadd.s32 v1, v17  }
0x2f1: {  	v9 =	vld.idx.msk [tilespmem:v9+s0+$0x0], $0xffff;
	[tilespmem:s16+$0xA270] =	vst v13;
	v13 =	vadd.s32 v1, v11  }
0x2f2: {  	v25 =	vadd.s32 v6, v14;
	[tilespmem:s28+$0xA490] =	vst v19;
	v12 =	vld.idx.msk [tilespmem:v12+s0+$0x0], $0xffff  }
0x2f3: {  	v19 =	vld.idx.msk [tilespmem:v23+s0+$0x0], $0xffff;
	[tilespmem:s17+$0xA490] =	vst v18;
	v18 =	vadd.s32 v1, v10  }
0x2f4: {  	v21 =	vld.idx.msk [tilespmem:v21+s0+$0x0], $0xffff;
	[tilespmem:s3+$0xA250] =	vst v20  }
0x2f5: {  	v15 =	vadd.s32 v7, v15;
	v20 =	vld.idx.msk [tilespmem:v22+s0+$0x0], $0xffff  }
0x2f6: {  	v16 =	vadd.s32 v7, v16;
	[tilespmem:s14+$0xA490] =	vst v24;
	v13 =	vld.idx.msk [tilespmem:v13+s0+$0x0], $0xffff  }
0x2f7: {  	v23 =	vadd.s32 v2, v17;
	v22 =	vld.idx.msk [tilespmem:v25+s0+$0x0], $0xffff;
	[tilespmem:s11+$0xA250] =	vst v9  }
0x2f8: {  	[tilespmem:s15+$0xA5C0] =	vst v12;
	v12 =	vld.idx.msk [tilespmem:v18+s0+$0x0], $0xffff;
	v18 =	vadd.s32 v2, v11  }
0x2f9: {  	v14 =	vadd.s32 v7, v14;
	[tilespmem:s28+$0xA510] =	vst v19;
	v9 =	vld [tilespmem:s26+$0x8250]  }
0x2fa: {  	v19 =	vadd.s32 v2, v10;
	v15 =	vld.idx.msk [tilespmem:v15+s0+$0x0], $0xffff;
	[tilespmem:s17+$0xA510] =	vst v21  }
0x2fb: {  	v16 =	vld.idx.msk [tilespmem:v16+s0+$0x0], $0xffff;
	[tilespmem:s3+$0xA2D0] =	vst v20  }
0x2fc: {  	v20 =	vld.idx.msk [tilespmem:v23+s0+$0x0], $0xffff;
	[tilespmem:s16+$0xA2F0] =	vst v13  }
0x2fd: {  	[tilespmem:s14+$0xA510] =	vst v22;
	v18 =	vld.idx.msk [tilespmem:v18+s0+$0x0], $0xffff  }
0x2fe: {  	v22 =	vadd.s32 v3, v17;
	v21 =	vld.idx.msk [tilespmem:v14+s0+$0x0], $0xffff;
	[tilespmem:s11+$0xA2D0] =	vst v12  }
0x2ff: {  	v12 =	vadd.s32 v0, v9;
	v19 =	vld.idx.msk [tilespmem:v19+s0+$0x0], $0xffff  }
0x300: {  	[tilespmem:s28+$0xA590] =	vst v15  }
0x301: {  	v15 =	vadd.s32 v3, v10;
	v13 =	vld [tilespmem:s18+$0x8220];
	[tilespmem:s17+$0xA590] =	vst v16  }
0x302: {  	v16 =	vadd.s32 v3, v11;
	v14 =	vld [tilespmem:s22+$0x8220];
	[tilespmem:s3+$0xA350] =	vst v20  }
0x303: {  	v20 =	vld.idx.msk [tilespmem:v22+s0+$0x0], $0xffff;
	[tilespmem:s16+$0xA370] =	vst v18  }
0x304: {  	[tilespmem:s14+$0xA590] =	vst v21;
	v18 =	vld.idx.msk [tilespmem:v12+s0+$0x0], $0xffff  }
0x305: {  	v21 =	vadd.s32 v4, v17;
	v12 =	vld [tilespmem:s19+$0x8220];
	[tilespmem:s11+$0xA350] =	vst v19  }
0x306: {  	v19 =	vadd.s32 v0, v13;
	v15 =	vld.idx.msk [tilespmem:v15+s0+$0x0], $0xffff  }
0x307: {  	v22 =	vadd.s32 v0, v14;
	v16 =	vld.idx.msk [tilespmem:v16+s0+$0x0], $0xffff  }
0x308: {  	v23 =	vadd.s32 v4, v10  }
0x309: {  	[tilespmem:s3+$0xA3D0] =	vst v20;
	v20 =	vadd.s32 v6, v8  }
0x30a: {  	v24 =	vadd.s32 v0, v12;
	[tilespmem:s15+$0xA250] =	vst v18;
	v18 =	vld.idx.msk [tilespmem:v21+s0+$0x0], $0xffff  }
0x30b: {  	v21 =	vadd.s32 v1, v9;
	v19 =	vld.idx.msk [tilespmem:v19+s0+$0x0], $0xffff  }
0x30c: {  	v25 =	vadd.s32 v5, v17;
	v22 =	vld.idx.msk [tilespmem:v22+s0+$0x0], $0xffff;
	[tilespmem:s11+$0xA3D0] =	vst v15  }
0x30d: {  	v15 =	vadd.s32 v1, v13;
	v23 =	vld.idx.msk [tilespmem:v23+s0+$0x0], $0xffff;
	[tilespmem:s16+$0xA3F0] =	vst v16  }
0x30e: {  	v16 =	vadd.s32 v1, v14;
	v20 =	vld.idx.msk [tilespmem:v20+s0+$0x0], $0xffff  }
0x30f: {  	v26 =	vadd.s32 v5, v10;
	v24 =	vld.idx.msk [tilespmem:v24+s0+$0x0], $0xffff  }
0x310: {  	v8 =	vadd.s32 v7, v8;
	v21 =	vld.idx.msk [tilespmem:v21+s0+$0x0], $0xffff;
	[tilespmem:s3+$0xA450] =	vst v18  }
0x311: {  	v18 =	vadd.s32 v1, v12;
	[tilespmem:s28+$0xA220] =	vst v19;
	v19 =	vld.idx.msk [tilespmem:v25+s0+$0x0], $0xffff  }
0x312: {  	v15 =	vld.idx.msk [tilespmem:v15+s0+$0x0], $0xffff;
	[tilespmem:s17+$0xA220] =	vst v22;
	v22 =	vadd.s32 v2, v9  }
0x313: {  	v25 =	vadd.s32 v6, v17;
	v16 =	vld.idx.msk [tilespmem:v16+s0+$0x0], $0xffff;
	[tilespmem:s11+$0xA450] =	vst v23  }
0x314: {  	v23 =	vadd.s32 v2, v13;
	v26 =	vld.idx.msk [tilespmem:v26+s0+$0x0], $0xffff;
	[tilespmem:s2+$0xA560] =	vst v20  }
0x315: {  	v20 =	vadd.s32 v2, v14;
	[tilespmem:s14+$0xA220] =	vst v24;
	v8 =	vld.idx.msk [tilespmem:v8+s0+$0x0], $0xffff  }
0x316: {  	v18 =	vld.idx.msk [tilespmem:v18+s0+$0x0], $0xffff;
	[tilespmem:s15+$0xA2D0] =	vst v21;
	v21 =	vadd.s32 v6, v10  }
0x317: {  	v22 =	vld.idx.msk [tilespmem:v22+s0+$0x0], $0xffff;
	[tilespmem:s3+$0xA4D0] =	vst v19  }
0x318: {  	v19 =	vadd.s32 v2, v12;
	[tilespmem:s28+$0xA2A0] =	vst v15;
	v24 =	vld.idx.msk [tilespmem:v25+s0+$0x0], $0xffff  }
0x319: {  	v23 =	vld.idx.msk [tilespmem:v23+s0+$0x0], $0xffff;
	[tilespmem:s17+$0xA2A0] =	vst v16;
	v16 =	vadd.s32 v3, v9  }
0x31a: {  	v17 =	vadd.s32 v7, v17;
	v20 =	vld.idx.msk [tilespmem:v20+s0+$0x0], $0xffff;
	[tilespmem:s11+$0xA4D0] =	vst v26  }
0x31b: {  	v25 =	vadd.s32 v3, v13;
	v21 =	vld.idx.msk [tilespmem:v21+s0+$0x0], $0xffff;
	[tilespmem:s2+$0xA5E0] =	vst v8  }
0x31c: {  	v8 =	vadd.s32 v3, v14;
	[tilespmem:s14+$0xA2A0] =	vst v18;
	v15 =	vld [tilespmem:s6+$0x8270];
	s6 =	smov.u32 s10;
	s10 =	smov.u32 s22  }
0x31d: {  	v10 =	vadd.s32 v7, v10;
	v18 =	vld.idx.msk [tilespmem:v19+s0+$0x0], $0xffff;
	[tilespmem:s15+$0xA350] =	vst v22  }
0x31e: {  	v19 =	vadd.s32 v4, v11;
	v16 =	vld.idx.msk [tilespmem:v16+s0+$0x0], $0xffff;
	[tilespmem:s3+$0xA550] =	vst v24  }
0x31f: {  	v22 =	vadd.s32 v3, v12;
	[tilespmem:s28+$0xA320] =	vst v23;
	v17 =	vld.idx.msk [tilespmem:v17+s0+$0x0], $0xffff  }
0x320: {  	v23 =	vld.idx.msk [tilespmem:v25+s0+$0x0], $0xffff;
	[tilespmem:s17+$0xA320] =	vst v20;
	v20 =	vadd.s32 v4, v9  }
0x321: {  	v8 =	vld.idx.msk [tilespmem:v8+s0+$0x0], $0xffff;
	[tilespmem:s11+$0xA550] =	vst v21;
	v21 =	vadd.s32 v0, v15  }
0x322: {  	v24 =	vadd.s32 v4, v13;
	v10 =	vld.idx.msk [tilespmem:v10+s0+$0x0], $0xffff  }
0x323: {  	[tilespmem:s14+$0xA320] =	vst v18;
	v18 =	vadd.s32 v4, v14;
	v19 =	vld.idx.msk [tilespmem:v19+s0+$0x0], $0xffff  }
0x324: {  	v22 =	vld.idx.msk [tilespmem:v22+s0+$0x0], $0xffff;
	[tilespmem:s15+$0xA3D0] =	vst v16  }
0x325: {  	v16 =	vld.idx.msk [tilespmem:v20+s0+$0x0], $0xffff;
	[tilespmem:s3+$0xA5D0] =	vst v17  }
0x326: {  	v17 =	vadd.s32 v4, v12;
	[tilespmem:s28+$0xA3A0] =	vst v23;
	v20 =	vld.idx.msk [tilespmem:v21+s0+$0x0], $0xffff  }
0x327: {  	v23 =	vadd.s32 v5, v9;
	v21 =	vld.idx.msk [tilespmem:v24+s0+$0x0], $0xffff;
	[tilespmem:s17+$0xA3A0] =	vst v8  }
0x328: {  	v24 =	vadd.s32 v1, v15;
	v18 =	vld.idx.msk [tilespmem:v18+s0+$0x0], $0xffff;
	[tilespmem:s11+$0xA5D0] =	vst v10  }
0x329: {  	v25 =	vadd.s32 v5, v13;
	v8 =	vld [tilespmem:s6+$0x8260];
	[tilespmem:s16+$0xA470] =	vst v19  }
0x32a: {  	v19 =	vadd.s32 v5, v14;
	[tilespmem:s14+$0xA3A0] =	vst v22;
	v10 =	vld [tilespmem:s12+$0x8260]  }
0x32b: {  	v17 =	vld.idx.msk [tilespmem:v17+s0+$0x0], $0xffff;
	[tilespmem:s15+$0xA450] =	vst v16;
	v16 =	vadd.s32 v5, v11  }
0x32c: {  	v22 =	vld.idx.msk [tilespmem:v23+s0+$0x0], $0xffff;
	[tilespmem:s2+$0xA270] =	vst v20  }
0x32d: {  	v20 =	vadd.s32 v5, v12;
	[tilespmem:s28+$0xA420] =	vst v21;
	v21 =	vld.idx.msk [tilespmem:v24+s0+$0x0], $0xffff  }
0x32e: {  	v23 =	vld.idx.msk [tilespmem:v25+s0+$0x0], $0xffff;
	[tilespmem:s17+$0xA420] =	vst v18;
	v18 =	vadd.s32 v0, v8  }
0x32f: {  	v24 =	vadd.s32 v2, v15;
	v19 =	vld.idx.msk [tilespmem:v19+s0+$0x0], $0xffff  }
0x330: {  	v25 =	vadd.s32 v6, v13;
	v16 =	vld.idx.msk [tilespmem:v16+s0+$0x0], $0xffff  }
0x331: {  	[tilespmem:s14+$0xA420] =	vst v17;
	v17 =	vadd.s32 v6, v14  }
0x332: {  	v20 =	vld.idx.msk [tilespmem:v20+s0+$0x0], $0xffff;
	[tilespmem:s15+$0xA4D0] =	vst v22;
	v22 =	vadd.s32 v0, v10  }
0x333: {  	v26 =	vadd.s32 v6, v9;
	v18 =	vld.idx.msk [tilespmem:v18+s0+$0x0], $0xffff;
	[tilespmem:s2+$0xA2F0] =	vst v21  }
0x334: {  	v21 =	vadd.s32 v6, v12;
	[tilespmem:s28+$0xA4A0] =	vst v23;
	v23 =	vld.idx.msk [tilespmem:v24+s0+$0x0], $0xffff  }
0x335: {  	v24 =	vld.idx.msk [tilespmem:v25+s0+$0x0], $0xffff;
	[tilespmem:s17+$0xA4A0] =	vst v19;
	v19 =	vadd.s32 v1, v8  }
0x336: {  	v17 =	vld.idx.msk [tilespmem:v17+s0+$0x0], $0xffff;
	[tilespmem:s16+$0xA4F0] =	vst v16;
	v16 =	vadd.s32 v3, v15  }
0x337: {  	v13 =	vadd.s32 v7, v13;
	v22 =	vld.idx.msk [tilespmem:v22+s0+$0x0], $0xffff  }
0x338: {  	v14 =	vadd.s32 v7, v14;
	[tilespmem:s14+$0xA4A0] =	vst v20;
	v20 =	vld.idx.msk [tilespmem:v26+s0+$0x0], $0xffff  }
0x339: {  	v25 =	vadd.s32 v1, v10;
	v21 =	vld.idx.msk [tilespmem:v21+s0+$0x0], $0xffff;
	[tilespmem:s11+$0xA260] =	vst v18  }
0x33a: {  	v9 =	vadd.s32 v7, v9;
	v18 =	vld.idx.msk [tilespmem:v19+s0+$0x0], $0xffff;
	[tilespmem:s2+$0xA370] =	vst v23  }
0x33b: {  	v12 =	vadd.s32 v7, v12;
	[tilespmem:s28+$0xA520] =	vst v24;
	v16 =	vld.idx.msk [tilespmem:v16+s0+$0x0], $0xffff  }
0x33c: {  	v13 =	vld.idx.msk [tilespmem:v13+s0+$0x0], $0xffff;
	[tilespmem:s17+$0xA520] =	vst v17;
	v17 =	vadd.s32 v2, v8  }
0x33d: {  	v19 =	vld.idx.msk [tilespmem:v14+s0+$0x0], $0xffff;
	[tilespmem:s3+$0xA260] =	vst v22;
	v14 =	vadd.s32 v4, v15  }
0x33e: {  	[tilespmem:s15+$0xA550] =	vst v20;
	v20 =	vld.idx.msk [tilespmem:v25+s0+$0x0], $0xffff  }
0x33f: {  	[tilespmem:s14+$0xA520] =	vst v21;
	v9 =	vld.idx.msk [tilespmem:v9+s0+$0x0], $0xffff  }
0x340: {  	v21 =	vadd.s32 v2, v10;
	v12 =	vld.idx.msk [tilespmem:v12+s0+$0x0], $0xffff;
	[tilespmem:s11+$0xA2E0] =	vst v18  }
0x341: {  	v17 =	vld.idx.msk [tilespmem:v17+s0+$0x0], $0xffff;
	[tilespmem:s2+$0xA3F0] =	vst v16  }
0x342: {  	[tilespmem:s28+$0xA5A0] =	vst v13;
	v16 =	vld.idx.msk [tilespmem:v14+s0+$0x0], $0xffff  }
0x343: {  	v14 =	vld [tilespmem:s18+$0x8230];
	[tilespmem:s17+$0xA5A0] =	vst v19;
	v19 =	vadd.s32 v3, v8  }
0x344: {  	v13 =	vld [tilespmem:s10+$0x8230];
	[tilespmem:s3+$0xA2E0] =	vst v20;
	v20 =	vadd.s32 v5, v15  }
0x345: {  	v22 =	vadd.s32 v6, v11;
	[tilespmem:s15+$0xA5D0] =	vst v9;
	v21 =	vld.idx.msk [tilespmem:v21+s0+$0x0], $0xffff  }
0x346: {  	[tilespmem:s14+$0xA5A0] =	vst v12;
	v9 =	vld [tilespmem:s26+$0x8260]  }
0x347: {  	v23 =	vadd.s32 v3, v10;
	v12 =	vld [tilespmem:s19+$0x8230];
	[tilespmem:s11+$0xA360] =	vst v17  }
0x348: {  	v17 =	vadd.s32 v0, v14;
	v18 =	vadd.s32 v3, v14;
	v19 =	vld.idx.msk [tilespmem:v19+s0+$0x0], $0xffff;
	[tilespmem:s2+$0xA470] =	vst v16  }
0x349: {  	v16 =	vadd.s32 v0, v13;
	v20 =	vld.idx.msk [tilespmem:v20+s0+$0x0], $0xffff  }
0x34a: {  	v24 =	vadd.s32 v4, v8;
	v22 =	vld.idx.msk [tilespmem:v22+s0+$0x0], $0xffff  }
0x34b: {  	[tilespmem:s3+$0xA360] =	vst v21;
	v21 =	vadd.s32 v6, v15  }
0x34c: {  	v25 =	vadd.s32 v0, v12;
	v23 =	vld.idx.msk [tilespmem:v23+s0+$0x0], $0xffff  }
0x34d: {  	v26 =	vadd.s32 v0, v9;
	v17 =	vld.idx.msk [tilespmem:v17+s0+$0x0], $0xffff  }
0x34e: {  	v28 =	vadd.s32 v4, v10;
	v27 =	vld.idx.msk [tilespmem:v16+s0+$0x0], $0xffff;
	[tilespmem:s11+$0xA3E0] =	vst v19  }
0x34f: {  	v19 =	vadd.s32 v1, v14;
	v24 =	vld.idx.msk [tilespmem:v24+s0+$0x0], $0xffff;
	[tilespmem:s2+$0xA4F0] =	vst v20  }
0x350: {  	v20 =	vadd.s32 v1, v13;
	[tilespmem:s16+$0xA570] =	vst v22;
	v21 =	vld.idx.msk [tilespmem:v21+s0+$0x0], $0xffff  }
0x351: {  	v11 =	vadd.s32 v7, v11;
	v16 =	vadd.s32 v5, v8;
	v22 =	vld.idx.msk [tilespmem:v25+s0+$0x0], $0xffff  }
0x352: {  	v15 =	vadd.s32 v7, v15;
	v25 =	vld.idx.msk [tilespmem:v26+s0+$0x0], $0xffff;
	[tilespmem:s3+$0xA3E0] =	vst v23  }
0x353: {  	v23 =	vadd.s32 v1, v12;
	[tilespmem:s28+$0xA230] =	vst v17;
	v26 =	vld.idx.msk [tilespmem:v28+s0+$0x0], $0xffff  }
0x354: {  	v17 =	vadd.s32 v1, v9;
	v19 =	vld.idx.msk [tilespmem:v19+s0+$0x0], $0xffff;
	[tilespmem:s17+$0xA230] =	vst v27  }
0x355: {  	v27 =	vadd.s32 v5, v10;
	v20 =	vld.idx.msk [tilespmem:v20+s0+$0x0], $0xffff;
	[tilespmem:s11+$0xA460] =	vst v24  }
0x356: {  	v24 =	vadd.s32 v2, v14;
	v28 =	vld.idx.msk [tilespmem:v11+s0+$0x0], $0xffff;
	[tilespmem:s2+$0xA570] =	vst v21  }
0x357: {  	[tilespmem:s14+$0xA230] =	vst v22;
	v22 =	vadd.s32 v2, v13;
	v11 =	vld.idx.msk [tilespmem:v15+s0+$0x0], $0xffff  }
.Ltmp0:
0x358: {  	v21 =	vld.idx.msk [tilespmem:v23+s0+$0x0], $0xffff;
	[tilespmem:s15+$0xA260] =	vst v25;
	(pc) =	sbr.rel @p1 .LBB2_3-.Ltmp0, $4  }
0x359: {  	v17 =	vld.idx.msk [tilespmem:v17+s0+$0x0], $0xffff;
	[tilespmem:s3+$0xA460] =	vst v26  }
0x35a: {  	[tilespmem:s28+$0xA2B0] =	vst v19;
	v15 =	vld.idx.msk [tilespmem:v27+s0+$0x0], $0xffff  }
0x35b: {  	v19 =	vld.idx.msk [tilespmem:v24+s0+$0x0], $0xffff;
	[tilespmem:s17+$0xA2B0] =	vst v20  }
0x35c: {  	v20 =	vld.idx.msk [tilespmem:v22+s0+$0x0], $0xffff;
	[tilespmem:s16+$0xA5F0] =	vst v28;
	s16 =	smov.u32 s15;
	s15 =	smov.u32 s14  }
0x35d: {  	v22 =	vadd.s32 v2, v12;
	_ =	sdelay $0x3  }
0x35e: {  	[tilespmem:s15+$0xA2B0] =	vst v21  }
0x35f: {  	v23 =	vadd.s32 v3, v13;
	v21 =	vld.idx.msk [tilespmem:v22+s0+$0x0], $0xffff  }
0x360: {  	v29 =	vadd.s32 v3, v12;
	_ =	sdelay $0x1  }
0x361: {  	[tilespmem:s28+$0xA330] =	vst v19  }
0x362: {  	v18 =	vld.idx.msk [tilespmem:v18+s0+$0x0], $0xffff;
	[tilespmem:s17+$0xA330] =	vst v20  }
0x363: {  	v30 =	vadd.s32 v4, v14;
	v32 =	vld.idx.msk [tilespmem:v23+s0+$0x0], $0xffff;
	[tilespmem:s15+$0xA330] =	vst v21  }
0x364: {  	v34 =	vadd.s32 v4, v13;
	v31 =	vld.idx.msk [tilespmem:v29+s0+$0x0], $0xffff  }
0x365: {  	v33 =	vadd.s32 v4, v12;
	_ =	sdelay $0x1  }
0x366: {  	[tilespmem:s28+$0xA3B0] =	vst v18  }
0x367: {  	v18 =	vld.idx.msk [tilespmem:v30+s0+$0x0], $0xffff;
	[tilespmem:s17+$0xA3B0] =	vst v32  }
0x368: {  	v35 =	vadd.s32 v5, v14;
	v21 =	vld.idx.msk [tilespmem:v34+s0+$0x0], $0xffff;
	[tilespmem:s15+$0xA3B0] =	vst v31  }
0x369: {  	v37 =	vadd.s32 v5, v13;
	v20 =	vld.idx.msk [tilespmem:v33+s0+$0x0], $0xffff  }
0x36a: {  	v36 =	vadd.s32 v5, v12;
	_ =	sdelay $0x1  }
0x36b: {  	[tilespmem:s28+$0xA430] =	vst v18  }
0x36c: {  	v18 =	vld.idx.msk [tilespmem:v35+s0+$0x0], $0xffff;
	[tilespmem:s17+$0xA430] =	vst v21  }
0x36d: {  	v38 =	vadd.s32 v6, v14;
	v21 =	vld.idx.msk [tilespmem:v37+s0+$0x0], $0xffff;
	[tilespmem:s15+$0xA430] =	vst v20  }
0x36e: {  	v40 =	vadd.s32 v6, v13;
	v20 =	vld.idx.msk [tilespmem:v36+s0+$0x0], $0xffff  }
0x36f: {  	v39 =	vadd.s32 v6, v12;
	_ =	sdelay $0x1  }
0x370: {  	[tilespmem:s28+$0xA4B0] =	vst v18  }
0x371: {  	v18 =	vld.idx.msk [tilespmem:v38+s0+$0x0], $0xffff;
	[tilespmem:s17+$0xA4B0] =	vst v21  }
0x372: {  	v41 =	vadd.s32 v7, v14;
	v43 =	vld.idx.msk [tilespmem:v40+s0+$0x0], $0xffff;
	[tilespmem:s15+$0xA4B0] =	vst v20  }
0x373: {  	v45 =	vadd.s32 v7, v13;
	v42 =	vld.idx.msk [tilespmem:v39+s0+$0x0], $0xffff  }
0x374: {  	v44 =	vadd.s32 v7, v12;
	_ =	sdelay $0x1  }
0x375: {  	[tilespmem:s28+$0xA530] =	vst v18  }
0x376: {  	v14 =	vld.idx.msk [tilespmem:v41+s0+$0x0], $0xffff;
	[tilespmem:s17+$0xA530] =	vst v43  }
0x377: {  	v13 =	vld.idx.msk [tilespmem:v45+s0+$0x0], $0xffff;
	[tilespmem:s15+$0xA530] =	vst v42  }
0x378: {  	v12 =	vld.idx.msk [tilespmem:v44+s0+$0x0], $0xffff;
	_ =	sdelay $0x2  }
0x379: {  	[tilespmem:s28+$0xA5B0] =	vst v14  }
0x37a: {  	v14 =	vld [tilespmem:s18+$0x8240];
	[tilespmem:s17+$0xA5B0] =	vst v13  }
0x37b: {  	v13 =	vld [tilespmem:s10+$0x8240];
	[tilespmem:s15+$0xA5B0] =	vst v12  }
0x37c: {  	v12 =	vld [tilespmem:s19+$0x8240];
	_ =	sdelay $0x2  }
0x37d: {  	v46 =	vadd.s32 v0, v14  }
0x37e: {  	v48 =	vadd.s32 v0, v13  }
0x37f: {  	v47 =	vadd.s32 v0, v12;
	_ =	sdelay $0x2  }
0x380: {  	v18 =	vld.idx.msk [tilespmem:v46+s0+$0x0], $0xffff  }
0x381: {  	v49 =	vadd.s32 v1, v14;
	v20 =	vld.idx.msk [tilespmem:v48+s0+$0x0], $0xffff  }
0x382: {  	v51 =	vadd.s32 v1, v13;
	v19 =	vld.idx.msk [tilespmem:v47+s0+$0x0], $0xffff  }
0x383: {  	v50 =	vadd.s32 v1, v12;
	_ =	sdelay $0x1  }
0x384: {  	[tilespmem:s28+$0xA240] =	vst v18  }
0x385: {  	v18 =	vld.idx.msk [tilespmem:v49+s0+$0x0], $0xffff;
	[tilespmem:s17+$0xA240] =	vst v20  }
0x386: {  	v52 =	vadd.s32 v2, v14;
	v54 =	vld.idx.msk [tilespmem:v51+s0+$0x0], $0xffff;
	[tilespmem:s15+$0xA240] =	vst v19  }
0x387: {  	v56 =	vadd.s32 v2, v13;
	v53 =	vld.idx.msk [tilespmem:v50+s0+$0x0], $0xffff  }
0x388: {  	v55 =	vadd.s32 v2, v12;
	_ =	sdelay $0x1  }
0x389: {  	[tilespmem:s28+$0xA2C0] =	vst v18  }
0x38a: {  	v18 =	vld.idx.msk [tilespmem:v52+s0+$0x0], $0xffff;
	[tilespmem:s17+$0xA2C0] =	vst v54  }
0x38b: {  	v57 =	vadd.s32 v3, v14;
	v21 =	vld.idx.msk [tilespmem:v56+s0+$0x0], $0xffff;
	[tilespmem:s15+$0xA2C0] =	vst v53  }
0x38c: {  	v59 =	vadd.s32 v3, v13;
	v20 =	vld.idx.msk [tilespmem:v55+s0+$0x0], $0xffff  }
0x38d: {  	v58 =	vadd.s32 v3, v12;
	_ =	sdelay $0x1  }
0x38e: {  	[tilespmem:s28+$0xA340] =	vst v18  }
0x38f: {  	v18 =	vld.idx.msk [tilespmem:v57+s0+$0x0], $0xffff;
	[tilespmem:s17+$0xA340] =	vst v21  }
0x390: {  	v60 =	vadd.s32 v4, v14;
	v21 =	vld.idx.msk [tilespmem:v59+s0+$0x0], $0xffff;
	[tilespmem:s15+$0xA340] =	vst v20  }
0x391: {  	v62 =	vadd.s32 v4, v13;
	v20 =	vld.idx.msk [tilespmem:v58+s0+$0x0], $0xffff  }
0x392: {  	v61 =	vadd.s32 v4, v12;
	_ =	sdelay $0x1  }
0x393: {  	[tilespmem:s28+$0xA3C0] =	vst v18  }
0x394: {  	v18 =	vld.idx.msk [tilespmem:v60+s0+$0x0], $0xffff;
	[tilespmem:s17+$0xA3C0] =	vst v21  }
0x395: {  	v63 =	vadd.s32 v5, v14;
	v21 =	vld.idx.msk [tilespmem:v62+s0+$0x0], $0xffff;
	[tilespmem:s15+$0xA3C0] =	vst v20  }
0x396: {  	v25 =	vadd.s32 v5, v13;
	v20 =	vld.idx.msk [tilespmem:v61+s0+$0x0], $0xffff  }
0x397: {  	v24 =	vadd.s32 v5, v12;
	_ =	sdelay $0x1  }
0x398: {  	[tilespmem:s28+$0xA440] =	vst v18  }
0x399: {  	v18 =	vld.idx.msk [tilespmem:v63+s0+$0x0], $0xffff;
	[tilespmem:s17+$0xA440] =	vst v21  }
0x39a: {  	v26 =	vadd.s32 v6, v14;
	v21 =	vld.idx.msk [tilespmem:v25+s0+$0x0], $0xffff;
	[tilespmem:s15+$0xA440] =	vst v20  }
0x39b: {  	v28 =	vadd.s32 v6, v13;
	v20 =	vld.idx.msk [tilespmem:v24+s0+$0x0], $0xffff  }
0x39c: {  	v27 =	vadd.s32 v6, v12;
	_ =	sdelay $0x1  }
0x39d: {  	[tilespmem:s28+$0xA4C0] =	vst v18  }
0x39e: {  	v18 =	vld.idx.msk [tilespmem:v26+s0+$0x0], $0xffff;
	[tilespmem:s17+$0xA4C0] =	vst v21  }
0x39f: {  	v14 =	vadd.s32 v7, v14;
	v30 =	vld.idx.msk [tilespmem:v28+s0+$0x0], $0xffff;
	[tilespmem:s15+$0xA4C0] =	vst v20  }
0x3a0: {  	v13 =	vadd.s32 v7, v13;
	v29 =	vld.idx.msk [tilespmem:v27+s0+$0x0], $0xffff  }
0x3a1: {  	v12 =	vadd.s32 v7, v12;
	_ =	sdelay $0x1  }
0x3a2: {  	[tilespmem:s28+$0xA540] =	vst v18  }
0x3a3: {  	v14 =	vld.idx.msk [tilespmem:v14+s0+$0x0], $0xffff;
	[tilespmem:s17+$0xA540] =	vst v30  }
0x3a4: {  	v13 =	vld.idx.msk [tilespmem:v13+s0+$0x0], $0xffff;
	[tilespmem:s15+$0xA540] =	vst v29  }
0x3a5: {  	v12 =	vld.idx.msk [tilespmem:v12+s0+$0x0], $0xffff;
	_ =	sdelay $0x2  }
0x3a6: {  	[tilespmem:s28+$0xA5C0] =	vst v14  }
0x3a7: {  	v14 =	vld [tilespmem:s18+$0x8250];
	[tilespmem:s17+$0xA5C0] =	vst v13  }
0x3a8: {  	v13 =	vld [tilespmem:s10+$0x8250];
	[tilespmem:s15+$0xA5C0] =	vst v12  }
0x3a9: {  	v12 =	vld [tilespmem:s19+$0x8250];
	_ =	sdelay $0x2  }
0x3aa: {  	v31 =	vadd.s32 v0, v14  }
0x3ab: {  	v33 =	vadd.s32 v0, v13  }
0x3ac: {  	v32 =	vadd.s32 v0, v12;
	_ =	sdelay $0x2  }
0x3ad: {  	v18 =	vld.idx.msk [tilespmem:v31+s0+$0x0], $0xffff  }
0x3ae: {  	v34 =	vadd.s32 v1, v14;
	v20 =	vld.idx.msk [tilespmem:v33+s0+$0x0], $0xffff  }
0x3af: {  	v36 =	vadd.s32 v1, v13;
	v19 =	vld.idx.msk [tilespmem:v32+s0+$0x0], $0xffff  }
0x3b0: {  	v35 =	vadd.s32 v1, v12;
	_ =	sdelay $0x1  }
0x3b1: {  	[tilespmem:s28+$0xA250] =	vst v18  }
0x3b2: {  	v18 =	vld.idx.msk [tilespmem:v34+s0+$0x0], $0xffff;
	[tilespmem:s17+$0xA250] =	vst v20  }
0x3b3: {  	v37 =	vadd.s32 v2, v14;
	v39 =	vld.idx.msk [tilespmem:v36+s0+$0x0], $0xffff;
	[tilespmem:s15+$0xA250] =	vst v19  }
0x3b4: {  	v41 =	vadd.s32 v2, v13;
	v38 =	vld.idx.msk [tilespmem:v35+s0+$0x0], $0xffff  }
0x3b5: {  	v40 =	vadd.s32 v2, v12;
	_ =	sdelay $0x1  }
0x3b6: {  	[tilespmem:s28+$0xA2D0] =	vst v18  }
0x3b7: {  	v18 =	vld.idx.msk [tilespmem:v37+s0+$0x0], $0xffff;
	[tilespmem:s17+$0xA2D0] =	vst v39  }
0x3b8: {  	v42 =	vadd.s32 v3, v14;
	v21 =	vld.idx.msk [tilespmem:v41+s0+$0x0], $0xffff;
	[tilespmem:s15+$0xA2D0] =	vst v38  }
0x3b9: {  	v44 =	vadd.s32 v3, v13;
	v20 =	vld.idx.msk [tilespmem:v40+s0+$0x0], $0xffff  }
0x3ba: {  	v43 =	vadd.s32 v3, v12;
	_ =	sdelay $0x1  }
0x3bb: {  	[tilespmem:s28+$0xA350] =	vst v18  }
0x3bc: {  	v18 =	vld.idx.msk [tilespmem:v42+s0+$0x0], $0xffff;
	[tilespmem:s17+$0xA350] =	vst v21  }
0x3bd: {  	v45 =	vadd.s32 v4, v14;
	v21 =	vld.idx.msk [tilespmem:v44+s0+$0x0], $0xffff;
	[tilespmem:s15+$0xA350] =	vst v20  }
0x3be: {  	v47 =	vadd.s32 v4, v13;
	v20 =	vld.idx.msk [tilespmem:v43+s0+$0x0], $0xffff  }
0x3bf: {  	v46 =	vadd.s32 v4, v12;
	_ =	sdelay $0x1  }
0x3c0: {  	[tilespmem:s28+$0xA3D0] =	vst v18  }
0x3c1: {  	v18 =	vld.idx.msk [tilespmem:v45+s0+$0x0], $0xffff;
	[tilespmem:s17+$0xA3D0] =	vst v21  }
0x3c2: {  	v48 =	vadd.s32 v5, v14;
	v21 =	vld.idx.msk [tilespmem:v47+s0+$0x0], $0xffff;
	[tilespmem:s15+$0xA3D0] =	vst v20  }
0x3c3: {  	v50 =	vadd.s32 v5, v13;
	v20 =	vld.idx.msk [tilespmem:v46+s0+$0x0], $0xffff  }
0x3c4: {  	v49 =	vadd.s32 v5, v12;
	_ =	sdelay $0x1  }
0x3c5: {  	[tilespmem:s28+$0xA450] =	vst v18  }
0x3c6: {  	v18 =	vld.idx.msk [tilespmem:v48+s0+$0x0], $0xffff;
	[tilespmem:s17+$0xA450] =	vst v21  }
0x3c7: {  	v51 =	vadd.s32 v6, v14;
	v21 =	vld.idx.msk [tilespmem:v50+s0+$0x0], $0xffff;
	[tilespmem:s15+$0xA450] =	vst v20  }
0x3c8: {  	v53 =	vadd.s32 v6, v13;
	v20 =	vld.idx.msk [tilespmem:v49+s0+$0x0], $0xffff  }
0x3c9: {  	v52 =	vadd.s32 v6, v12;
	_ =	sdelay $0x1  }
0x3ca: {  	[tilespmem:s28+$0xA4D0] =	vst v18  }
0x3cb: {  	v18 =	vld.idx.msk [tilespmem:v51+s0+$0x0], $0xffff;
	[tilespmem:s17+$0xA4D0] =	vst v21  }
0x3cc: {  	v14 =	vadd.s32 v7, v14;
	v55 =	vld.idx.msk [tilespmem:v53+s0+$0x0], $0xffff;
	[tilespmem:s15+$0xA4D0] =	vst v20  }
0x3cd: {  	v13 =	vadd.s32 v7, v13;
	v54 =	vld.idx.msk [tilespmem:v52+s0+$0x0], $0xffff  }
0x3ce: {  	v12 =	vadd.s32 v7, v12;
	_ =	sdelay $0x1  }
0x3cf: {  	[tilespmem:s28+$0xA550] =	vst v18  }
0x3d0: {  	v14 =	vld.idx.msk [tilespmem:v14+s0+$0x0], $0xffff;
	[tilespmem:s17+$0xA550] =	vst v55  }
0x3d1: {  	v13 =	vld.idx.msk [tilespmem:v13+s0+$0x0], $0xffff;
	[tilespmem:s15+$0xA550] =	vst v54  }
0x3d2: {  	v12 =	vld.idx.msk [tilespmem:v12+s0+$0x0], $0xffff;
	_ =	sdelay $0x2  }
0x3d3: {  	[tilespmem:s28+$0xA5D0] =	vst v14  }
0x3d4: {  	v14 =	vld [tilespmem:s18+$0x8260];
	[tilespmem:s17+$0xA5D0] =	vst v13  }
0x3d5: {  	v13 =	vld [tilespmem:s10+$0x8260];
	[tilespmem:s15+$0xA5D0] =	vst v12  }
0x3d6: {  	v12 =	vld [tilespmem:s19+$0x8260];
	_ =	sdelay $0x2  }
0x3d7: {  	v56 =	vadd.s32 v0, v14  }
0x3d8: {  	v58 =	vadd.s32 v0, v13  }
0x3d9: {  	v57 =	vadd.s32 v0, v12;
	_ =	sdelay $0x2  }
0x3da: {  	v18 =	vld.idx.msk [tilespmem:v56+s0+$0x0], $0xffff  }
0x3db: {  	v59 =	vadd.s32 v1, v14;
	v20 =	vld.idx.msk [tilespmem:v58+s0+$0x0], $0xffff  }
0x3dc: {  	v61 =	vadd.s32 v1, v13;
	v19 =	vld.idx.msk [tilespmem:v57+s0+$0x0], $0xffff  }
0x3dd: {  	v60 =	vadd.s32 v1, v12;
	_ =	sdelay $0x1  }
0x3de: {  	v24 =	vadd.s32 v2, v9;
	[tilespmem:s28+$0xA260] =	vst v18  }
0x3df: {  	v18 =	vld.idx.msk [tilespmem:v59+s0+$0x0], $0xffff;
	[tilespmem:s17+$0xA260] =	vst v20  }
0x3e0: {  	v62 =	vadd.s32 v2, v14;
	v28 =	vld.idx.msk [tilespmem:v61+s0+$0x0], $0xffff;
	[tilespmem:s15+$0xA260] =	vst v19  }
0x3e1: {  	v30 =	vadd.s32 v2, v13;
	v63 =	vld.idx.msk [tilespmem:v60+s0+$0x0], $0xffff  }
0x3e2: {  	[tilespmem:s16+$0xA2E0] =	vst v17;
	v29 =	vadd.s32 v2, v12  }
0x3e3: {  	v31 =	vld.idx.msk [tilespmem:v24+s0+$0x0], $0xffff  }
0x3e4: {  	v32 =	vadd.s32 v3, v9;
	[tilespmem:s28+$0xA2E0] =	vst v18  }
0x3e5: {  	v18 =	vld.idx.msk [tilespmem:v62+s0+$0x0], $0xffff;
	[tilespmem:s17+$0xA2E0] =	vst v28  }
0x3e6: {  	v33 =	vadd.s32 v3, v14;
	v17 =	vld.idx.msk [tilespmem:v30+s0+$0x0], $0xffff;
	[tilespmem:s15+$0xA2E0] =	vst v63  }
0x3e7: {  	v35 =	vadd.s32 v3, v13;
	v20 =	vld.idx.msk [tilespmem:v29+s0+$0x0], $0xffff  }
0x3e8: {  	[tilespmem:s16+$0xA360] =	vst v31;
	v34 =	vadd.s32 v3, v12  }
0x3e9: {  	v23 =	vld.idx.msk [tilespmem:v32+s0+$0x0], $0xffff  }
0x3ea: {  	v36 =	vadd.s32 v4, v9;
	[tilespmem:s28+$0xA360] =	vst v18  }
0x3eb: {  	v18 =	vld.idx.msk [tilespmem:v33+s0+$0x0], $0xffff;
	[tilespmem:s17+$0xA360] =	vst v17  }
0x3ec: {  	v37 =	vadd.s32 v4, v14;
	v39 =	vld.idx.msk [tilespmem:v35+s0+$0x0], $0xffff;
	[tilespmem:s15+$0xA360] =	vst v20  }
0x3ed: {  	v41 =	vadd.s32 v4, v13;
	v38 =	vld.idx.msk [tilespmem:v34+s0+$0x0], $0xffff  }
0x3ee: {  	[tilespmem:s16+$0xA3E0] =	vst v23;
	v40 =	vadd.s32 v4, v12  }
0x3ef: {  	v23 =	vld.idx.msk [tilespmem:v36+s0+$0x0], $0xffff  }
0x3f0: {  	v42 =	vadd.s32 v5, v9;
	[tilespmem:s28+$0xA3E0] =	vst v18  }
0x3f1: {  	v17 =	vld.idx.msk [tilespmem:v37+s0+$0x0], $0xffff;
	[tilespmem:s17+$0xA3E0] =	vst v39  }
0x3f2: {  	v43 =	vadd.s32 v5, v14;
	v20 =	vld.idx.msk [tilespmem:v41+s0+$0x0], $0xffff;
	[tilespmem:s15+$0xA3E0] =	vst v38  }
0x3f3: {  	v45 =	vadd.s32 v5, v13;
	v19 =	vld.idx.msk [tilespmem:v40+s0+$0x0], $0xffff  }
0x3f4: {  	[tilespmem:s16+$0xA460] =	vst v23;
	v44 =	vadd.s32 v5, v12  }
0x3f5: {  	v24 =	vld.idx.msk [tilespmem:v42+s0+$0x0], $0xffff;
	v46 =	vadd.s32 v6, v10  }
0x3f6: {  	v16 =	vld.idx.msk [tilespmem:v16+s0+$0x0], $0xffff;
	v47 =	vadd.s32 v6, v9;
	[tilespmem:s28+$0xA460] =	vst v17  }
0x3f7: {  	v48 =	vadd.s32 v6, v8;
	v18 =	vld.idx.msk [tilespmem:v43+s0+$0x0], $0xffff;
	[tilespmem:s17+$0xA460] =	vst v20  }
0x3f8: {  	v49 =	vadd.s32 v6, v14;
	v50 =	vld.idx.msk [tilespmem:v45+s0+$0x0], $0xffff;
	[tilespmem:s15+$0xA460] =	vst v19  }
0x3f9: {  	[tilespmem:s3+$0xA4E0] =	vst v15;
	v52 =	vadd.s32 v6, v13;
	v21 =	vld.idx.msk [tilespmem:v44+s0+$0x0], $0xffff  }
0x3fa: {  	[tilespmem:s16+$0xA4E0] =	vst v24;
	v23 =	vld.idx.msk [tilespmem:v46+s0+$0x0], $0xffff;
	v51 =	vadd.s32 v6, v12  }
0x3fb: {  	[tilespmem:s11+$0xA4E0] =	vst v16;
	v53 =	vadd.s32 v7, v10;
	v54 =	vld.idx.msk [tilespmem:v47+s0+$0x0], $0xffff  }
0x3fc: {  	v55 =	vadd.s32 v7, v9;
	v56 =	vld.idx.msk [tilespmem:v48+s0+$0x0], $0xffff;
	[tilespmem:s28+$0xA4E0] =	vst v18  }
0x3fd: {  	v8 =	vadd.s32 v7, v8;
	v18 =	vld.idx.msk [tilespmem:v49+s0+$0x0], $0xffff;
	[tilespmem:s17+$0xA4E0] =	vst v50  }
0x3fe: {  	v14 =	vadd.s32 v7, v14;
	v58 =	vld.idx.msk [tilespmem:v52+s0+$0x0], $0xffff;
	[tilespmem:s15+$0xA4E0] =	vst v21  }
0x3ff: {  	[tilespmem:s3+$0xA560] =	vst v23;
	v13 =	vadd.s32 v7, v13;
	v57 =	vld.idx.msk [tilespmem:v51+s0+$0x0], $0xffff  }
0x400: {  	v10 =	vld.idx.msk [tilespmem:v53+s0+$0x0], $0xffff;
	[tilespmem:s16+$0xA560] =	vst v54;
	v12 =	vadd.s32 v7, v12  }
0x401: {  	v9 =	vld.idx.msk [tilespmem:v55+s0+$0x0], $0xffff;
	[tilespmem:s11+$0xA560] =	vst v56  }
0x402: {  	v8 =	vld.idx.msk [tilespmem:v8+s0+$0x0], $0xffff;
	[tilespmem:s28+$0xA560] =	vst v18  }
0x403: {  	v14 =	vld.idx.msk [tilespmem:v14+s0+$0x0], $0xffff;
	[tilespmem:s17+$0xA560] =	vst v58  }
0x404: {  	v59 =	vld.idx.msk [tilespmem:v13+s0+$0x0], $0xffff;
	[tilespmem:s15+$0xA560] =	vst v57  }
0x405: {  	[tilespmem:s3+$0xA5E0] =	vst v10;
	v12 =	vld.idx.msk [tilespmem:v12+s0+$0x0], $0xffff  }
0x406: {  	[tilespmem:s16+$0xA5E0] =	vst v9;
	v13 =	vld [tilespmem:s12+$0x8270]  }
0x407: {  	v15 =	vld [tilespmem:s26+$0x8270];
	[tilespmem:s11+$0xA5E0] =	vst v8  }
0x408: {  	v16 =	vld [tilespmem:s6+$0x8270];
	[tilespmem:s28+$0xA5E0] =	vst v14  }
0x409: {  	v14 =	vld [tilespmem:s18+$0x8270];
	[tilespmem:s17+$0xA5E0] =	vst v59  }
0x40a: {  	v9 =	vld [tilespmem:s10+$0x8270];
	[tilespmem:s15+$0xA5E0] =	vst v12  }
0x40b: {  	v60 =	vadd.s32 v0, v13;
	v8 =	vld [tilespmem:s19+$0x8270]  }
0x40c: {  	v61 =	vadd.s32 v0, v15  }
0x40d: {  	v62 =	vadd.s32 v0, v16  }
0x40e: {  	v63 =	vadd.s32 v0, v14  }
0x40f: {  	v25 =	vadd.s32 v0, v9  }
0x410: {  	v10 =	vld.idx.msk [tilespmem:v60+s0+$0x0], $0xffff;
	v24 =	vadd.s32 v0, v8  }
0x411: {  	v26 =	vadd.s32 v1, v13;
	v12 =	vld.idx.msk [tilespmem:v61+s0+$0x0], $0xffff  }
0x412: {  	v27 =	vadd.s32 v1, v15;
	v17 =	vld.idx.msk [tilespmem:v62+s0+$0x0], $0xffff  }
0x413: {  	v28 =	vadd.s32 v1, v16;
	v18 =	vld.idx.msk [tilespmem:v63+s0+$0x0], $0xffff  }
0x414: {  	[tilespmem:s2+$0xA5F0] =	vst v11;
	v29 =	vadd.s32 v1, v14;
	v20 =	vld.idx.msk [tilespmem:v25+s0+$0x0], $0xffff  }
0x415: {  	v31 =	vadd.s32 v1, v9;
	[tilespmem:s3+$0xA270] =	vst v10;
	v19 =	vld.idx.msk [tilespmem:v24+s0+$0x0], $0xffff  }
0x416: {  	v21 =	vld.idx.msk [tilespmem:v26+s0+$0x0], $0xffff;
	[tilespmem:s16+$0xA270] =	vst v12;
	v30 =	vadd.s32 v1, v8  }
0x417: {  	[tilespmem:s11+$0xA270] =	vst v17;
	v32 =	vadd.s32 v2, v13;
	v22 =	vld.idx.msk [tilespmem:v27+s0+$0x0], $0xffff  }
0x418: {  	v33 =	vadd.s32 v2, v15;
	v23 =	vld.idx.msk [tilespmem:v28+s0+$0x0], $0xffff;
	[tilespmem:s28+$0xA270] =	vst v18  }
0x419: {  	v34 =	vadd.s32 v2, v16;
	v11 =	vld.idx.msk [tilespmem:v29+s0+$0x0], $0xffff;
	[tilespmem:s17+$0xA270] =	vst v20  }
0x41a: {  	v35 =	vadd.s32 v2, v14;
	v12 =	vld.idx.msk [tilespmem:v31+s0+$0x0], $0xffff;
	[tilespmem:s15+$0xA270] =	vst v19  }
0x41b: {  	v37 =	vadd.s32 v2, v9;
	[tilespmem:s3+$0xA2F0] =	vst v21;
	v10 =	vld.idx.msk [tilespmem:v30+s0+$0x0], $0xffff  }
0x41c: {  	v36 =	vadd.s32 v2, v8;
	v17 =	vld.idx.msk [tilespmem:v32+s0+$0x0], $0xffff;
	[tilespmem:s16+$0xA2F0] =	vst v22  }
0x41d: {  	[tilespmem:s11+$0xA2F0] =	vst v23;
	v38 =	vadd.s32 v3, v13;
	v18 =	vld.idx.msk [tilespmem:v33+s0+$0x0], $0xffff  }
0x41e: {  	v39 =	vadd.s32 v3, v15;
	[tilespmem:s28+$0xA2F0] =	vst v11;
	v19 =	vld.idx.msk [tilespmem:v34+s0+$0x0], $0xffff  }
0x41f: {  	v40 =	vadd.s32 v3, v16;
	v20 =	vld.idx.msk [tilespmem:v35+s0+$0x0], $0xffff;
	[tilespmem:s17+$0xA2F0] =	vst v12  }
0x420: {  	v41 =	vadd.s32 v3, v14;
	v22 =	vld.idx.msk [tilespmem:v37+s0+$0x0], $0xffff;
	[tilespmem:s15+$0xA2F0] =	vst v10  }
0x421: {  	v43 =	vadd.s32 v3, v9;
	[tilespmem:s3+$0xA370] =	vst v17;
	v21 =	vld.idx.msk [tilespmem:v36+s0+$0x0], $0xffff  }
0x422: {  	v42 =	vadd.s32 v3, v8;
	v23 =	vld.idx.msk [tilespmem:v38+s0+$0x0], $0xffff;
	[tilespmem:s16+$0xA370] =	vst v18  }
0x423: {  	v44 =	vadd.s32 v4, v13;
	v11 =	vld.idx.msk [tilespmem:v39+s0+$0x0], $0xffff;
	[tilespmem:s11+$0xA370] =	vst v19  }
0x424: {  	v45 =	vadd.s32 v4, v15;
	[tilespmem:s28+$0xA370] =	vst v20;
	v10 =	vld.idx.msk [tilespmem:v40+s0+$0x0], $0xffff  }
0x425: {  	v46 =	vadd.s32 v4, v16;
	v12 =	vld.idx.msk [tilespmem:v41+s0+$0x0], $0xffff;
	[tilespmem:s17+$0xA370] =	vst v22  }
0x426: {  	v47 =	vadd.s32 v4, v14;
	v18 =	vld.idx.msk [tilespmem:v43+s0+$0x0], $0xffff;
	[tilespmem:s15+$0xA370] =	vst v21  }
0x427: {  	v49 =	vadd.s32 v4, v9;
	[tilespmem:s3+$0xA3F0] =	vst v23;
	v17 =	vld.idx.msk [tilespmem:v42+s0+$0x0], $0xffff  }
0x428: {  	v48 =	vadd.s32 v4, v8;
	v19 =	vld.idx.msk [tilespmem:v44+s0+$0x0], $0xffff;
	[tilespmem:s16+$0xA3F0] =	vst v11  }
0x429: {  	v50 =	vadd.s32 v5, v13;
	v20 =	vld.idx.msk [tilespmem:v45+s0+$0x0], $0xffff;
	[tilespmem:s11+$0xA3F0] =	vst v10  }
0x42a: {  	v51 =	vadd.s32 v5, v15;
	[tilespmem:s28+$0xA3F0] =	vst v12;
	v21 =	vld.idx.msk [tilespmem:v46+s0+$0x0], $0xffff  }
0x42b: {  	v52 =	vadd.s32 v5, v16;
	v22 =	vld.idx.msk [tilespmem:v47+s0+$0x0], $0xffff;
	[tilespmem:s17+$0xA3F0] =	vst v18  }
0x42c: {  	v53 =	vadd.s32 v5, v14;
	v11 =	vld.idx.msk [tilespmem:v49+s0+$0x0], $0xffff;
	[tilespmem:s15+$0xA3F0] =	vst v17  }
0x42d: {  	v55 =	vadd.s32 v5, v9;
	[tilespmem:s3+$0xA470] =	vst v19;
	v23 =	vld.idx.msk [tilespmem:v48+s0+$0x0], $0xffff  }
0x42e: {  	v54 =	vadd.s32 v5, v8;
	v10 =	vld.idx.msk [tilespmem:v50+s0+$0x0], $0xffff;
	[tilespmem:s16+$0xA470] =	vst v20  }
0x42f: {  	v56 =	vadd.s32 v6, v13;
	v12 =	vld.idx.msk [tilespmem:v51+s0+$0x0], $0xffff;
	[tilespmem:s11+$0xA470] =	vst v21  }
0x430: {  	v57 =	vadd.s32 v6, v15;
	[tilespmem:s28+$0xA470] =	vst v22;
	v17 =	vld.idx.msk [tilespmem:v52+s0+$0x0], $0xffff  }
0x431: {  	v58 =	vadd.s32 v6, v16;
	v18 =	vld.idx.msk [tilespmem:v53+s0+$0x0], $0xffff;
	[tilespmem:s17+$0xA470] =	vst v11  }
0x432: {  	v59 =	vadd.s32 v6, v14;
	v20 =	vld.idx.msk [tilespmem:v55+s0+$0x0], $0xffff;
	[tilespmem:s15+$0xA470] =	vst v23  }
0x433: {  	v61 =	vadd.s32 v6, v9;
	[tilespmem:s3+$0xA4F0] =	vst v10;
	v19 =	vld.idx.msk [tilespmem:v54+s0+$0x0], $0xffff  }
0x434: {  	v60 =	vadd.s32 v6, v8;
	v21 =	vld.idx.msk [tilespmem:v56+s0+$0x0], $0xffff;
	[tilespmem:s16+$0xA4F0] =	vst v12  }
0x435: {  	v13 =	vadd.s32 v7, v13;
	v62 =	vld.idx.msk [tilespmem:v57+s0+$0x0], $0xffff;
	[tilespmem:s11+$0xA4F0] =	vst v17  }
0x436: {  	v15 =	vadd.s32 v7, v15;
	[tilespmem:s28+$0xA4F0] =	vst v18;
	v63 =	vld.idx.msk [tilespmem:v58+s0+$0x0], $0xffff  }
0x437: {  	v16 =	vadd.s32 v7, v16;
	v11 =	vld.idx.msk [tilespmem:v59+s0+$0x0], $0xffff;
	[tilespmem:s17+$0xA4F0] =	vst v20  }
0x438: {  	v14 =	vadd.s32 v7, v14;
	v12 =	vld.idx.msk [tilespmem:v61+s0+$0x0], $0xffff;
	[tilespmem:s15+$0xA4F0] =	vst v19  }
0x439: {  	v9 =	vadd.s32 v7, v9;
	[tilespmem:s3+$0xA570] =	vst v21;
	v10 =	vld.idx.msk [tilespmem:v60+s0+$0x0], $0xffff  }
0x43a: {  	v8 =	vadd.s32 v7, v8;
	v13 =	vld.idx.msk [tilespmem:v13+s0+$0x0], $0xffff;
	[tilespmem:s16+$0xA570] =	vst v62  }
0x43b: {  	v15 =	vld.idx.msk [tilespmem:v15+s0+$0x0], $0xffff;
	[tilespmem:s11+$0xA570] =	vst v63  }
0x43c: {  	[tilespmem:s28+$0xA570] =	vst v11;
	v16 =	vld.idx.msk [tilespmem:v16+s0+$0x0], $0xffff  }
0x43d: {  	v11 =	vld.idx.msk [tilespmem:v14+s0+$0x0], $0xffff;
	[tilespmem:s17+$0xA570] =	vst v12  }
0x43e: {  	v9 =	vld.idx.msk [tilespmem:v9+s0+$0x0], $0xffff;
	[tilespmem:s15+$0xA570] =	vst v10  }
0x43f: {  	[tilespmem:s3+$0xA5F0] =	vst v13;
	v8 =	vld.idx.msk [tilespmem:v8+s0+$0x0], $0xffff  }
0x440: {  	[tilespmem:s16+$0xA5F0] =	vst v15  }
0x441: {  	[tilespmem:s11+$0xA5F0] =	vst v16  }
0x442: {  	[tilespmem:s28+$0xA5F0] =	vst v11  }
0x443: {  	[tilespmem:s17+$0xA5F0] =	vst v9  }
0x444: {  	s2 =	simm.s32 $0x8E70;
	[tilespmem:s15+$0xA5F0] =	vst v8  }
.LBB2_5:
0x445: {  	v8 =	vld [tilespmem:s2+$0xFFFFFF90];
	_ =	sdelay $0x4  }
0x446: {  	v9 =	vadd.s32 v0, v8;
	_ =	sdelay $0x4  }
0x447: {  	v9 =	vld.idx.msk [tilespmem:v9+s1+$0x0], $0xffff  }
0x448: {  	v10 =	vadd.s32 v1, v8;
	_ =	sdelay $0x2  }
0x449: {  	s3 =	sshra.s32 s0, $0x2  }
0x44a: {  	[tilespmem:s3+$0x10200] =	vst v9  }
0x44b: {  	v9 =	vld.idx.msk [tilespmem:v10+s1+$0x0], $0xffff  }
0x44c: {  	v62 =	vadd.s32 v2, v8;
	_ =	sdelay $0x3  }
0x44d: {  	[tilespmem:s3+$0x10280] =	vst v9  }
0x44e: {  	v9 =	vld.idx.msk [tilespmem:v62+s1+$0x0], $0xffff  }
0x44f: {  	v63 =	vadd.s32 v3, v8;
	_ =	sdelay $0x3  }
0x450: {  	[tilespmem:s3+$0x10300] =	vst v9  }
0x451: {  	v9 =	vld.idx.msk [tilespmem:v63+s1+$0x0], $0xffff  }
0x452: {  	v12 =	vadd.s32 v4, v8;
	_ =	sdelay $0x3  }
0x453: {  	[tilespmem:s3+$0x10380] =	vst v9  }
0x454: {  	v9 =	vld.idx.msk [tilespmem:v12+s1+$0x0], $0xffff  }
0x455: {  	v13 =	vadd.s32 v5, v8;
	_ =	sdelay $0x3  }
0x456: {  	[tilespmem:s3+$0x10400] =	vst v9  }
0x457: {  	v9 =	vld.idx.msk [tilespmem:v13+s1+$0x0], $0xffff  }
0x458: {  	v14 =	vadd.s32 v6, v8;
	_ =	sdelay $0x3  }
0x459: {  	[tilespmem:s3+$0x10480] =	vst v9  }
0x45a: {  	v9 =	vld.idx.msk [tilespmem:v14+s1+$0x0], $0xffff  }
0x45b: {  	v8 =	vadd.s32 v7, v8;
	_ =	sdelay $0x3  }
0x45c: {  	[tilespmem:s3+$0x10500] =	vst v9  }
0x45d: {  	v8 =	vld.idx.msk [tilespmem:v8+s1+$0x0], $0xffff;
	_ =	sdelay $0x4  }
0x45e: {  	[tilespmem:s3+$0x10580] =	vst v8  }
0x45f: {  	v8 =	vld [tilespmem:s2+$0xFFFFFFA0];
	_ =	sdelay $0x4  }
0x460: {  	v15 =	vadd.s32 v0, v8;
	_ =	sdelay $0x4  }
0x461: {  	v9 =	vld.idx.msk [tilespmem:v15+s1+$0x0], $0xffff  }
0x462: {  	v16 =	vadd.s32 v1, v8;
	_ =	sdelay $0x3  }
0x463: {  	[tilespmem:s3+$0x10210] =	vst v9  }
0x464: {  	v9 =	vld.idx.msk [tilespmem:v16+s1+$0x0], $0xffff  }
0x465: {  	v17 =	vadd.s32 v2, v8;
	_ =	sdelay $0x3  }
0x466: {  	[tilespmem:s3+$0x10290] =	vst v9  }
0x467: {  	v9 =	vld.idx.msk [tilespmem:v17+s1+$0x0], $0xffff  }
0x468: {  	v18 =	vadd.s32 v3, v8;
	_ =	sdelay $0x3  }
0x469: {  	[tilespmem:s3+$0x10310] =	vst v9  }
0x46a: {  	v9 =	vld.idx.msk [tilespmem:v18+s1+$0x0], $0xffff  }
0x46b: {  	v19 =	vadd.s32 v4, v8;
	_ =	sdelay $0x3  }
0x46c: {  	[tilespmem:s3+$0x10390] =	vst v9  }
0x46d: {  	v9 =	vld.idx.msk [tilespmem:v19+s1+$0x0], $0xffff  }
0x46e: {  	v20 =	vadd.s32 v5, v8;
	_ =	sdelay $0x3  }
0x46f: {  	[tilespmem:s3+$0x10410] =	vst v9  }
0x470: {  	v9 =	vld.idx.msk [tilespmem:v20+s1+$0x0], $0xffff  }
0x471: {  	v21 =	vadd.s32 v6, v8;
	_ =	sdelay $0x3  }
0x472: {  	[tilespmem:s3+$0x10490] =	vst v9  }
0x473: {  	v9 =	vld.idx.msk [tilespmem:v21+s1+$0x0], $0xffff  }
0x474: {  	v8 =	vadd.s32 v7, v8;
	_ =	sdelay $0x3  }
0x475: {  	[tilespmem:s3+$0x10510] =	vst v9  }
0x476: {  	v8 =	vld.idx.msk [tilespmem:v8+s1+$0x0], $0xffff;
	_ =	sdelay $0x4  }
0x477: {  	[tilespmem:s3+$0x10590] =	vst v8  }
0x478: {  	v8 =	vld [tilespmem:s2+$0xFFFFFFB0];
	_ =	sdelay $0x4  }
0x479: {  	v22 =	vadd.s32 v0, v8;
	_ =	sdelay $0x4  }
0x47a: {  	v9 =	vld.idx.msk [tilespmem:v22+s1+$0x0], $0xffff  }
0x47b: {  	v23 =	vadd.s32 v1, v8;
	_ =	sdelay $0x3  }
0x47c: {  	[tilespmem:s3+$0x10220] =	vst v9  }
0x47d: {  	v9 =	vld.idx.msk [tilespmem:v23+s1+$0x0], $0xffff  }
0x47e: {  	v24 =	vadd.s32 v2, v8;
	_ =	sdelay $0x3  }
0x47f: {  	[tilespmem:s3+$0x102A0] =	vst v9  }
0x480: {  	v9 =	vld.idx.msk [tilespmem:v24+s1+$0x0], $0xffff  }
0x481: {  	v25 =	vadd.s32 v3, v8;
	_ =	sdelay $0x3  }
0x482: {  	[tilespmem:s3+$0x10320] =	vst v9  }
0x483: {  	v9 =	vld.idx.msk [tilespmem:v25+s1+$0x0], $0xffff  }
0x484: {  	v26 =	vadd.s32 v4, v8;
	_ =	sdelay $0x3  }
0x485: {  	[tilespmem:s3+$0x103A0] =	vst v9  }
0x486: {  	v9 =	vld.idx.msk [tilespmem:v26+s1+$0x0], $0xffff  }
0x487: {  	v27 =	vadd.s32 v5, v8;
	_ =	sdelay $0x3  }
0x488: {  	[tilespmem:s3+$0x10420] =	vst v9  }
0x489: {  	v9 =	vld.idx.msk [tilespmem:v27+s1+$0x0], $0xffff  }
0x48a: {  	v28 =	vadd.s32 v6, v8;
	_ =	sdelay $0x3  }
0x48b: {  	[tilespmem:s3+$0x104A0] =	vst v9  }
0x48c: {  	v9 =	vld.idx.msk [tilespmem:v28+s1+$0x0], $0xffff  }
0x48d: {  	v8 =	vadd.s32 v7, v8;
	_ =	sdelay $0x3  }
0x48e: {  	[tilespmem:s3+$0x10520] =	vst v9  }
0x48f: {  	v8 =	vld.idx.msk [tilespmem:v8+s1+$0x0], $0xffff;
	_ =	sdelay $0x4  }
0x490: {  	[tilespmem:s3+$0x105A0] =	vst v8  }
0x491: {  	v8 =	vld [tilespmem:s2+$0xFFFFFFC0];
	_ =	sdelay $0x4  }
0x492: {  	v29 =	vadd.s32 v0, v8;
	_ =	sdelay $0x4  }
0x493: {  	v9 =	vld.idx.msk [tilespmem:v29+s1+$0x0], $0xffff  }
0x494: {  	v30 =	vadd.s32 v1, v8;
	_ =	sdelay $0x3  }
0x495: {  	[tilespmem:s3+$0x10230] =	vst v9  }
0x496: {  	v9 =	vld.idx.msk [tilespmem:v30+s1+$0x0], $0xffff  }
0x497: {  	v31 =	vadd.s32 v2, v8;
	_ =	sdelay $0x3  }
0x498: {  	[tilespmem:s3+$0x102B0] =	vst v9  }
0x499: {  	v9 =	vld.idx.msk [tilespmem:v31+s1+$0x0], $0xffff  }
0x49a: {  	v32 =	vadd.s32 v3, v8;
	_ =	sdelay $0x3  }
0x49b: {  	[tilespmem:s3+$0x10330] =	vst v9  }
0x49c: {  	v9 =	vld.idx.msk [tilespmem:v32+s1+$0x0], $0xffff  }
0x49d: {  	v33 =	vadd.s32 v4, v8;
	_ =	sdelay $0x3  }
0x49e: {  	[tilespmem:s3+$0x103B0] =	vst v9  }
0x49f: {  	v9 =	vld.idx.msk [tilespmem:v33+s1+$0x0], $0xffff  }
0x4a0: {  	v34 =	vadd.s32 v5, v8;
	_ =	sdelay $0x3  }
0x4a1: {  	[tilespmem:s3+$0x10430] =	vst v9  }
0x4a2: {  	v9 =	vld.idx.msk [tilespmem:v34+s1+$0x0], $0xffff  }
0x4a3: {  	v35 =	vadd.s32 v6, v8;
	_ =	sdelay $0x3  }
0x4a4: {  	[tilespmem:s3+$0x104B0] =	vst v9  }
0x4a5: {  	v9 =	vld.idx.msk [tilespmem:v35+s1+$0x0], $0xffff  }
0x4a6: {  	v8 =	vadd.s32 v7, v8;
	_ =	sdelay $0x3  }
0x4a7: {  	[tilespmem:s3+$0x10530] =	vst v9  }
0x4a8: {  	v8 =	vld.idx.msk [tilespmem:v8+s1+$0x0], $0xffff;
	_ =	sdelay $0x4  }
0x4a9: {  	[tilespmem:s3+$0x105B0] =	vst v8  }
0x4aa: {  	v8 =	vld [tilespmem:s2+$0xFFFFFFD0];
	_ =	sdelay $0x4  }
0x4ab: {  	v36 =	vadd.s32 v0, v8;
	_ =	sdelay $0x4  }
0x4ac: {  	v9 =	vld.idx.msk [tilespmem:v36+s1+$0x0], $0xffff  }
0x4ad: {  	v37 =	vadd.s32 v1, v8;
	_ =	sdelay $0x3  }
0x4ae: {  	[tilespmem:s3+$0x10240] =	vst v9  }
0x4af: {  	v9 =	vld.idx.msk [tilespmem:v37+s1+$0x0], $0xffff  }
0x4b0: {  	v38 =	vadd.s32 v2, v8;
	_ =	sdelay $0x3  }
0x4b1: {  	[tilespmem:s3+$0x102C0] =	vst v9  }
0x4b2: {  	v9 =	vld.idx.msk [tilespmem:v38+s1+$0x0], $0xffff  }
0x4b3: {  	v39 =	vadd.s32 v3, v8;
	_ =	sdelay $0x3  }
0x4b4: {  	[tilespmem:s3+$0x10340] =	vst v9  }
0x4b5: {  	v9 =	vld.idx.msk [tilespmem:v39+s1+$0x0], $0xffff  }
0x4b6: {  	v40 =	vadd.s32 v4, v8;
	_ =	sdelay $0x3  }
0x4b7: {  	[tilespmem:s3+$0x103C0] =	vst v9  }
0x4b8: {  	v9 =	vld.idx.msk [tilespmem:v40+s1+$0x0], $0xffff  }
0x4b9: {  	v41 =	vadd.s32 v5, v8;
	_ =	sdelay $0x3  }
0x4ba: {  	[tilespmem:s3+$0x10440] =	vst v9  }
0x4bb: {  	v9 =	vld.idx.msk [tilespmem:v41+s1+$0x0], $0xffff  }
0x4bc: {  	v42 =	vadd.s32 v6, v8;
	_ =	sdelay $0x3  }
0x4bd: {  	[tilespmem:s3+$0x104C0] =	vst v9  }
0x4be: {  	v9 =	vld.idx.msk [tilespmem:v42+s1+$0x0], $0xffff  }
0x4bf: {  	v8 =	vadd.s32 v7, v8;
	_ =	sdelay $0x3  }
0x4c0: {  	[tilespmem:s3+$0x10540] =	vst v9  }
0x4c1: {  	v8 =	vld.idx.msk [tilespmem:v8+s1+$0x0], $0xffff;
	_ =	sdelay $0x4  }
0x4c2: {  	[tilespmem:s3+$0x105C0] =	vst v8  }
0x4c3: {  	v8 =	vld [tilespmem:s2+$0xFFFFFFE0];
	_ =	sdelay $0x4  }
0x4c4: {  	v43 =	vadd.s32 v0, v8;
	_ =	sdelay $0x4  }
0x4c5: {  	v9 =	vld.idx.msk [tilespmem:v43+s1+$0x0], $0xffff  }
0x4c6: {  	v44 =	vadd.s32 v1, v8;
	_ =	sdelay $0x3  }
0x4c7: {  	[tilespmem:s3+$0x10250] =	vst v9  }
0x4c8: {  	v9 =	vld.idx.msk [tilespmem:v44+s1+$0x0], $0xffff  }
0x4c9: {  	v45 =	vadd.s32 v2, v8;
	_ =	sdelay $0x3  }
0x4ca: {  	[tilespmem:s3+$0x102D0] =	vst v9  }
0x4cb: {  	v9 =	vld.idx.msk [tilespmem:v45+s1+$0x0], $0xffff  }
0x4cc: {  	v46 =	vadd.s32 v3, v8;
	_ =	sdelay $0x3  }
0x4cd: {  	[tilespmem:s3+$0x10350] =	vst v9  }
0x4ce: {  	v9 =	vld.idx.msk [tilespmem:v46+s1+$0x0], $0xffff  }
0x4cf: {  	v47 =	vadd.s32 v4, v8;
	_ =	sdelay $0x3  }
0x4d0: {  	[tilespmem:s3+$0x103D0] =	vst v9  }
0x4d1: {  	v9 =	vld.idx.msk [tilespmem:v47+s1+$0x0], $0xffff  }
0x4d2: {  	v48 =	vadd.s32 v5, v8;
	_ =	sdelay $0x3  }
0x4d3: {  	[tilespmem:s3+$0x10450] =	vst v9  }
0x4d4: {  	v9 =	vld.idx.msk [tilespmem:v48+s1+$0x0], $0xffff  }
0x4d5: {  	v49 =	vadd.s32 v6, v8;
	_ =	sdelay $0x3  }
0x4d6: {  	[tilespmem:s3+$0x104D0] =	vst v9  }
0x4d7: {  	v9 =	vld.idx.msk [tilespmem:v49+s1+$0x0], $0xffff  }
0x4d8: {  	v8 =	vadd.s32 v7, v8;
	_ =	sdelay $0x3  }
0x4d9: {  	[tilespmem:s3+$0x10550] =	vst v9  }
0x4da: {  	v8 =	vld.idx.msk [tilespmem:v8+s1+$0x0], $0xffff;
	_ =	sdelay $0x4  }
0x4db: {  	[tilespmem:s3+$0x105D0] =	vst v8  }
0x4dc: {  	v8 =	vld [tilespmem:s2+$0xFFFFFFF0];
	_ =	sdelay $0x4  }
0x4dd: {  	v50 =	vadd.s32 v0, v8;
	_ =	sdelay $0x4  }
0x4de: {  	v9 =	vld.idx.msk [tilespmem:v50+s1+$0x0], $0xffff  }
0x4df: {  	v51 =	vadd.s32 v1, v8;
	_ =	sdelay $0x3  }
0x4e0: {  	[tilespmem:s3+$0x10260] =	vst v9  }
0x4e1: {  	v9 =	vld.idx.msk [tilespmem:v51+s1+$0x0], $0xffff  }
0x4e2: {  	v52 =	vadd.s32 v2, v8;
	_ =	sdelay $0x3  }
0x4e3: {  	[tilespmem:s3+$0x102E0] =	vst v9  }
0x4e4: {  	v9 =	vld.idx.msk [tilespmem:v52+s1+$0x0], $0xffff  }
0x4e5: {  	v53 =	vadd.s32 v3, v8;
	_ =	sdelay $0x3  }
0x4e6: {  	[tilespmem:s3+$0x10360] =	vst v9  }
0x4e7: {  	v9 =	vld.idx.msk [tilespmem:v53+s1+$0x0], $0xffff  }
0x4e8: {  	v54 =	vadd.s32 v4, v8;
	_ =	sdelay $0x3  }
0x4e9: {  	[tilespmem:s3+$0x103E0] =	vst v9  }
0x4ea: {  	v9 =	vld.idx.msk [tilespmem:v54+s1+$0x0], $0xffff  }
0x4eb: {  	v55 =	vadd.s32 v5, v8;
	_ =	sdelay $0x3  }
0x4ec: {  	[tilespmem:s3+$0x10460] =	vst v9  }
0x4ed: {  	v9 =	vld.idx.msk [tilespmem:v55+s1+$0x0], $0xffff  }
0x4ee: {  	v56 =	vadd.s32 v6, v8;
	_ =	sdelay $0x3  }
0x4ef: {  	[tilespmem:s3+$0x104E0] =	vst v9  }
0x4f0: {  	v9 =	vld.idx.msk [tilespmem:v56+s1+$0x0], $0xffff  }
0x4f1: {  	v8 =	vadd.s32 v7, v8;
	_ =	sdelay $0x3  }
0x4f2: {  	[tilespmem:s3+$0x10560] =	vst v9  }
0x4f3: {  	v8 =	vld.idx.msk [tilespmem:v8+s1+$0x0], $0xffff;
	_ =	sdelay $0x4  }
0x4f4: {  	[tilespmem:s3+$0x105E0] =	vst v8  }
0x4f5: {  	v8 =	vld [tilespmem:s2+$0x0];
	_ =	sdelay $0x4  }
0x4f6: {  	v57 =	vadd.s32 v0, v8;
	_ =	sdelay $0x4  }
0x4f7: {  	v9 =	vld.idx.msk [tilespmem:v57+s1+$0x0], $0xffff  }
0x4f8: {  	v58 =	vadd.s32 v1, v8;
	_ =	sdelay $0x3  }
0x4f9: {  	[tilespmem:s3+$0x10270] =	vst v9  }
0x4fa: {  	v9 =	vld.idx.msk [tilespmem:v58+s1+$0x0], $0xffff  }
0x4fb: {  	v59 =	vadd.s32 v2, v8;
	_ =	sdelay $0x3  }
0x4fc: {  	[tilespmem:s3+$0x102F0] =	vst v9  }
0x4fd: {  	v9 =	vld.idx.msk [tilespmem:v59+s1+$0x0], $0xffff  }
0x4fe: {  	v60 =	vadd.s32 v3, v8;
	_ =	sdelay $0x3  }
0x4ff: {  	[tilespmem:s3+$0x10370] =	vst v9  }
0x500: {  	v9 =	vld.idx.msk [tilespmem:v60+s1+$0x0], $0xffff  }
0x501: {  	v61 =	vadd.s32 v4, v8;
	_ =	sdelay $0x3  }
0x502: {  	[tilespmem:s3+$0x103F0] =	vst v9  }
0x503: {  	v9 =	vld.idx.msk [tilespmem:v61+s1+$0x0], $0xffff  }
0x504: {  	v62 =	vadd.s32 v5, v8;
	_ =	sdelay $0x3  }
0x505: {  	[tilespmem:s3+$0x10470] =	vst v9  }
0x506: {  	v9 =	vld.idx.msk [tilespmem:v62+s1+$0x0], $0xffff  }
0x507: {  	v63 =	vadd.s32 v6, v8;
	_ =	sdelay $0x3  }
0x508: {  	[tilespmem:s3+$0x104F0] =	vst v9  }
0x509: {  	v9 =	vld.idx.msk [tilespmem:v63+s1+$0x0], $0xffff  }
0x50a: {  	v8 =	vadd.s32 v7, v8;
	_ =	sdelay $0x3  }
0x50b: {  	[tilespmem:s3+$0x10570] =	vst v9  }
0x50c: {  	p1 =	sne.s32 s0, $0x1000;
	v8 =	vld.idx.msk [tilespmem:v8+s1+$0x0], $0xffff  }
.Ltmp1:
0x50d: {  	_ = 	snop;
	(pc) =	sbr.rel @p1 .LBB2_5-.Ltmp1, $2  }
0x50e: {  	_ =	sdelay $0x2  }
0x50f: {  	s0 =	sadd.s32 $0x1000, s0;
	s2 =	sadd.s32 $0x80, s2;
	[tilespmem:s3+$0x105F0] =	vst v8  }
0x510: {  	p1 =	sne.s32 s29, $0xF  }
.Ltmp2:
0x511: {  	_ = 	snop;
	(pc) =	sbr.rel @p1 .LBB2_8-.Ltmp2, $4  }
0x512: {  	s0 =	rddreg [dreg:$0x7]  }
0x513: {  	s0 =	sor.u32 s0, s31  }
0x514: {  	s2 =	simm.s32 $0x100000;
	s3 =	simm.s32 $0xA200;
	s0 =	sadd.s32 s0, s9  }
0x515: {  	[hbm4b:s0+s13] =	stream.strided.scatter [tilespmem:s3], [sflag:$0x3], $0x6800, s2, s13, $0x38;
	[tilespmem:$0x17200] =	vst v63  }
.Ltmp3:
0x516: {  	(pc) =	sbr.rel .LBB2_9-.Ltmp3, $4  }
0x517: {  	_ = 	snop  }
0x518: {  	_ =	swait.ge [sflag:s23], $0xD00  }
0x519: {  	[sflag:s23] =	ssyncset.done $0x0  }
0x51a: {  	[sflag:s23] =	ssyncadd.s32 $0xFFFFF300  }
.LBB2_8:
0x51b: {  	s0 =	rddreg [dreg:$0x8]  }
0x51c: {  	s2 =	simm.s32 $0x20000;
	s3 =	simm.s32 $0x8200;
	s0 =	sadd.s32 s31, s0  }
0x51d: {  	[tilespmem:s3], [sflag:$0x1] =	stream.strided.gather [hbm4b:s0+s13], $0xC00, s2, s13, $0x38;
	[tilespmem:$0x17200] =	vst v63  }
.Ltmp4:
0x51e: {  	s31 =	simm.s32 $0x8E00;
	s0 =	sadd.s32 $0xC000, s0;
	(pc) =	sbr.rel @p0 .LBB2_10-.Ltmp4, $4  }
0x51f: {  	[tilespmem:s31], [sflag:$0x1] =	stream.linear.gather [hbm4b:s0+s1], $0x100, $0x38;
	[tilespmem:$0x17200] =	vst v63  }
0x520: {  	_ =	swait.ge [sflag:s23], $0xD00  }
0x521: {  	[sflag:s23] =	ssyncset.done $0x0  }
0x522: {  	[sflag:s23] =	ssyncadd.s32 $0xFFFFF300  }
.LBB2_9:
0x523: {  	_ =	swait.ge [sflag:s24], $0x6800  }
0x524: {  	[sflag:s24] =	ssyncset.done $0x0  }
0x525: {  	[sflag:s24] =	ssyncadd.s32 $0xFFFF9800  }
.LBB2_10:
0x526: {  	s0 =	simm.s32 $0x80  }
0x527: {  	s5 =	simm.s32 $0x100;
	s7 =	sand.u32 $0x3FFFFF80, s0  }
0x528: {  	s25 =	sand.u32 $0x3FFFFF80, s5;
	v8 =	vld [tilespmem:s7+$0x9200]  }
0x529: {  	v9 =	vld [tilespmem:s25+$0x9200];
	_ =	sdelay $0x3  }
0x52a: {  	v10 =	vadd.s32 v0, v8  }
0x52b: {  	v11 =	vadd.s32 v0, v9;
	_ =	sdelay $0x2  }
0x52c: {  	s0 =	simm.s32 $0x0  }
0x52d: {  	v10 =	vld.idx.msk [tilespmem:v10+s0+$0x0], $0xffff  }
0x52e: {  	v12 =	vadd.s32 v1, v8;
	v11 =	vld.idx.msk [tilespmem:v11+s0+$0x0], $0xffff  }
0x52f: {  	v13 =	vadd.s32 v1, v9  }
0x530: {  	s2 =	simm.s32 $0x400  }
0x531: {  	s6 =	simm.s32 $0x800;
	s22 =	sand.u32 $0x3FFFFC00, s2  }
0x532: {  	s2 =	sand.u32 $0x3FFFFC00, s6;
	[tilespmem:s22+$0x10A00] =	vst v10  }
0x533: {  	[tilespmem:s2+$0x10A00] =	vst v11;
	v10 =	vld.idx.msk [tilespmem:v12+s0+$0x0], $0xffff  }
0x534: {  	v11 =	vadd.s32 v2, v8;
	v12 =	vld.idx.msk [tilespmem:v13+s0+$0x0], $0xffff  }
0x535: {  	s3 =	simm.s32 $0x0;
	v13 =	vadd.s32 v2, v9  }
0x536: {  	s14 =	sand.u32 $0x3FFFFF80, s3  }
0x537: {  	v14 =	vld [tilespmem:s14+$0x9200]  }
0x538: {  	[tilespmem:s22+$0x10A80] =	vst v10  }
0x539: {  	[tilespmem:s2+$0x10A80] =	vst v12;
	v10 =	vld.idx.msk [tilespmem:v11+s0+$0x0], $0xffff  }
0x53a: {  	v11 =	vadd.s32 v3, v8;
	v12 =	vld.idx.msk [tilespmem:v13+s0+$0x0], $0xffff  }
0x53b: {  	v13 =	vadd.s32 v3, v9  }
0x53c: {  	v15 =	vadd.s32 v0, v14;
	_ =	sdelay $0x1  }
0x53d: {  	[tilespmem:s22+$0x10B00] =	vst v10  }
0x53e: {  	[tilespmem:s2+$0x10B00] =	vst v12;
	v10 =	vld.idx.msk [tilespmem:v11+s0+$0x0], $0xffff  }
0x53f: {  	v11 =	vadd.s32 v4, v8;
	v12 =	vld.idx.msk [tilespmem:v13+s0+$0x0], $0xffff  }
0x540: {  	v13 =	vld.idx.msk [tilespmem:v15+s0+$0x0], $0xffff;
	v15 =	vadd.s32 v4, v9  }
0x541: {  	v16 =	vadd.s32 v1, v14;
	_ =	sdelay $0x1  }
0x542: {  	s8 =	simm.s32 $0x0;
	[tilespmem:s22+$0x10B80] =	vst v10  }
0x543: {  	s19 =	sand.u32 $0x3FFFFC00, s8;
	[tilespmem:s2+$0x10B80] =	vst v12;
	v10 =	vld.idx.msk [tilespmem:v11+s0+$0x0], $0xffff  }
0x544: {  	[tilespmem:s19+$0x10A00] =	vst v13;
	v11 =	vadd.s32 v5, v8;
	v12 =	vld.idx.msk [tilespmem:v15+s0+$0x0], $0xffff  }
0x545: {  	v13 =	vld.idx.msk [tilespmem:v16+s0+$0x0], $0xffff;
	v15 =	vadd.s32 v5, v9  }
0x546: {  	v16 =	vadd.s32 v2, v14;
	_ =	sdelay $0x1  }
0x547: {  	[tilespmem:s22+$0x10C00] =	vst v10  }
0x548: {  	[tilespmem:s2+$0x10C00] =	vst v12;
	v10 =	vld.idx.msk [tilespmem:v11+s0+$0x0], $0xffff  }
0x549: {  	[tilespmem:s19+$0x10A80] =	vst v13;
	v11 =	vadd.s32 v6, v8;
	v12 =	vld.idx.msk [tilespmem:v15+s0+$0x0], $0xffff  }
0x54a: {  	v13 =	vld.idx.msk [tilespmem:v16+s0+$0x0], $0xffff;
	v15 =	vadd.s32 v6, v9  }
0x54b: {  	v16 =	vadd.s32 v3, v14;
	_ =	sdelay $0x1  }
0x54c: {  	[tilespmem:s22+$0x10C80] =	vst v10  }
0x54d: {  	[tilespmem:s2+$0x10C80] =	vst v12;
	v10 =	vld.idx.msk [tilespmem:v11+s0+$0x0], $0xffff  }
0x54e: {  	v8 =	vadd.s32 v7, v8;
	[tilespmem:s19+$0x10B00] =	vst v13;
	v11 =	vld.idx.msk [tilespmem:v15+s0+$0x0], $0xffff  }
0x54f: {  	v9 =	vadd.s32 v7, v9;
	v12 =	vld.idx.msk [tilespmem:v16+s0+$0x0], $0xffff  }
0x550: {  	v13 =	vadd.s32 v4, v14;
	_ =	sdelay $0x1  }
0x551: {  	[tilespmem:s22+$0x10D00] =	vst v10  }
0x552: {  	[tilespmem:s2+$0x10D00] =	vst v11;
	v8 =	vld.idx.msk [tilespmem:v8+s0+$0x0], $0xffff  }
0x553: {  	[tilespmem:s19+$0x10B80] =	vst v12;
	v9 =	vld.idx.msk [tilespmem:v9+s0+$0x0], $0xffff  }
0x554: {  	v10 =	vld.idx.msk [tilespmem:v13+s0+$0x0], $0xffff  }
0x555: {  	v11 =	vadd.s32 v5, v14;
	_ =	sdelay $0x1  }
0x556: {  	[tilespmem:s22+$0x10D80] =	vst v8  }
0x557: {  	[tilespmem:s2+$0x10D80] =	vst v9;
	v8 =	vld [tilespmem:s7+$0x9210]  }
0x558: {  	[tilespmem:s19+$0x10C00] =	vst v10;
	v9 =	vld [tilespmem:s25+$0x9210]  }
0x559: {  	v10 =	vld.idx.msk [tilespmem:v11+s0+$0x0], $0xffff  }
0x55a: {  	v11 =	vadd.s32 v6, v14;
	_ =	sdelay $0x1  }
0x55b: {  	v12 =	vadd.s32 v0, v8  }
0x55c: {  	v13 =	vadd.s32 v0, v9  }
0x55d: {  	[tilespmem:s19+$0x10C80] =	vst v10  }
0x55e: {  	v10 =	vld.idx.msk [tilespmem:v11+s0+$0x0], $0xffff  }
0x55f: {  	v11 =	vadd.s32 v7, v14  }
0x560: {  	v12 =	vld.idx.msk [tilespmem:v12+s0+$0x0], $0xffff  }
0x561: {  	v14 =	vadd.s32 v1, v8;
	v13 =	vld.idx.msk [tilespmem:v13+s0+$0x0], $0xffff  }
0x562: {  	v15 =	vadd.s32 v1, v9  }
0x563: {  	[tilespmem:s19+$0x10D00] =	vst v10  }
0x564: {  	v10 =	vld.idx.msk [tilespmem:v11+s0+$0x0], $0xffff  }
0x565: {  	[tilespmem:s22+$0x10A10] =	vst v12  }
0x566: {  	[tilespmem:s2+$0x10A10] =	vst v13;
	v11 =	vld.idx.msk [tilespmem:v14+s0+$0x0], $0xffff  }
0x567: {  	v12 =	vadd.s32 v2, v8;
	v13 =	vld.idx.msk [tilespmem:v15+s0+$0x0], $0xffff  }
0x568: {  	v14 =	vadd.s32 v2, v9  }
0x569: {  	[tilespmem:s19+$0x10D80] =	vst v10  }
0x56a: {  	v10 =	vld [tilespmem:s14+$0x9210]  }
0x56b: {  	[tilespmem:s22+$0x10A90] =	vst v11  }
0x56c: {  	[tilespmem:s2+$0x10A90] =	vst v13;
	v11 =	vld.idx.msk [tilespmem:v12+s0+$0x0], $0xffff  }
0x56d: {  	v12 =	vadd.s32 v3, v8;
	v13 =	vld.idx.msk [tilespmem:v14+s0+$0x0], $0xffff  }
0x56e: {  	v14 =	vadd.s32 v3, v9  }
0x56f: {  	v15 =	vadd.s32 v0, v10;
	_ =	sdelay $0x1  }
0x570: {  	[tilespmem:s22+$0x10B10] =	vst v11  }
0x571: {  	[tilespmem:s2+$0x10B10] =	vst v13;
	v11 =	vld.idx.msk [tilespmem:v12+s0+$0x0], $0xffff  }
0x572: {  	v12 =	vadd.s32 v4, v8;
	v13 =	vld.idx.msk [tilespmem:v14+s0+$0x0], $0xffff  }
0x573: {  	v14 =	vld.idx.msk [tilespmem:v15+s0+$0x0], $0xffff;
	v15 =	vadd.s32 v4, v9  }
0x574: {  	v16 =	vadd.s32 v1, v10;
	_ =	sdelay $0x1  }
0x575: {  	[tilespmem:s22+$0x10B90] =	vst v11  }
0x576: {  	[tilespmem:s2+$0x10B90] =	vst v13;
	v11 =	vld.idx.msk [tilespmem:v12+s0+$0x0], $0xffff  }
0x577: {  	[tilespmem:s19+$0x10A10] =	vst v14;
	v12 =	vadd.s32 v5, v8;
	v13 =	vld.idx.msk [tilespmem:v15+s0+$0x0], $0xffff  }
0x578: {  	v14 =	vld.idx.msk [tilespmem:v16+s0+$0x0], $0xffff;
	v15 =	vadd.s32 v5, v9  }
0x579: {  	v16 =	vadd.s32 v2, v10;
	_ =	sdelay $0x1  }
0x57a: {  	[tilespmem:s22+$0x10C10] =	vst v11  }
0x57b: {  	[tilespmem:s2+$0x10C10] =	vst v13;
	v11 =	vld.idx.msk [tilespmem:v12+s0+$0x0], $0xffff  }
0x57c: {  	[tilespmem:s19+$0x10A90] =	vst v14;
	v12 =	vadd.s32 v6, v8;
	v13 =	vld.idx.msk [tilespmem:v15+s0+$0x0], $0xffff  }
0x57d: {  	v14 =	vld.idx.msk [tilespmem:v16+s0+$0x0], $0xffff;
	v15 =	vadd.s32 v6, v9  }
0x57e: {  	v16 =	vadd.s32 v3, v10;
	_ =	sdelay $0x1  }
0x57f: {  	[tilespmem:s22+$0x10C90] =	vst v11  }
0x580: {  	[tilespmem:s2+$0x10C90] =	vst v13;
	v11 =	vld.idx.msk [tilespmem:v12+s0+$0x0], $0xffff  }
0x581: {  	v8 =	vadd.s32 v7, v8;
	[tilespmem:s19+$0x10B10] =	vst v14;
	v12 =	vld.idx.msk [tilespmem:v15+s0+$0x0], $0xffff  }
0x582: {  	v9 =	vadd.s32 v7, v9;
	v13 =	vld.idx.msk [tilespmem:v16+s0+$0x0], $0xffff  }
0x583: {  	v14 =	vadd.s32 v4, v10;
	_ =	sdelay $0x1  }
0x584: {  	[tilespmem:s22+$0x10D10] =	vst v11  }
0x585: {  	[tilespmem:s2+$0x10D10] =	vst v12;
	v8 =	vld.idx.msk [tilespmem:v8+s0+$0x0], $0xffff  }
0x586: {  	[tilespmem:s19+$0x10B90] =	vst v13;
	v9 =	vld.idx.msk [tilespmem:v9+s0+$0x0], $0xffff  }
0x587: {  	v11 =	vld.idx.msk [tilespmem:v14+s0+$0x0], $0xffff  }
0x588: {  	v12 =	vadd.s32 v5, v10;
	_ =	sdelay $0x1  }
0x589: {  	[tilespmem:s22+$0x10D90] =	vst v8  }
0x58a: {  	[tilespmem:s2+$0x10D90] =	vst v9;
	v8 =	vld [tilespmem:s7+$0x9220]  }
0x58b: {  	[tilespmem:s19+$0x10C10] =	vst v11;
	v9 =	vld [tilespmem:s25+$0x9220]  }
0x58c: {  	v11 =	vld.idx.msk [tilespmem:v12+s0+$0x0], $0xffff  }
0x58d: {  	v12 =	vadd.s32 v6, v10;
	_ =	sdelay $0x1  }
0x58e: {  	v13 =	vadd.s32 v0, v8  }
0x58f: {  	v14 =	vadd.s32 v0, v9  }
0x590: {  	[tilespmem:s19+$0x10C90] =	vst v11  }
0x591: {  	v11 =	vld.idx.msk [tilespmem:v12+s0+$0x0], $0xffff  }
0x592: {  	v10 =	vadd.s32 v7, v10  }
0x593: {  	v12 =	vld.idx.msk [tilespmem:v13+s0+$0x0], $0xffff  }
0x594: {  	v13 =	vadd.s32 v1, v8;
	v14 =	vld.idx.msk [tilespmem:v14+s0+$0x0], $0xffff  }
0x595: {  	v15 =	vadd.s32 v1, v9  }
0x596: {  	[tilespmem:s19+$0x10D10] =	vst v11  }
0x597: {  	v10 =	vld.idx.msk [tilespmem:v10+s0+$0x0], $0xffff  }
0x598: {  	[tilespmem:s22+$0x10A20] =	vst v12  }
0x599: {  	[tilespmem:s2+$0x10A20] =	vst v14;
	v11 =	vld.idx.msk [tilespmem:v13+s0+$0x0], $0xffff  }
0x59a: {  	v12 =	vadd.s32 v2, v8;
	v13 =	vld.idx.msk [tilespmem:v15+s0+$0x0], $0xffff  }
0x59b: {  	v14 =	vadd.s32 v2, v9  }
0x59c: {  	[tilespmem:s19+$0x10D90] =	vst v10  }
0x59d: {  	v10 =	vld [tilespmem:s14+$0x9220]  }
0x59e: {  	[tilespmem:s22+$0x10AA0] =	vst v11  }
0x59f: {  	[tilespmem:s2+$0x10AA0] =	vst v13;
	v11 =	vld.idx.msk [tilespmem:v12+s0+$0x0], $0xffff  }
0x5a0: {  	v12 =	vadd.s32 v3, v8;
	v13 =	vld.idx.msk [tilespmem:v14+s0+$0x0], $0xffff  }
0x5a1: {  	v14 =	vadd.s32 v3, v9  }
0x5a2: {  	v15 =	vadd.s32 v0, v10;
	_ =	sdelay $0x1  }
0x5a3: {  	[tilespmem:s22+$0x10B20] =	vst v11  }
0x5a4: {  	[tilespmem:s2+$0x10B20] =	vst v13;
	v11 =	vld.idx.msk [tilespmem:v12+s0+$0x0], $0xffff  }
0x5a5: {  	v12 =	vadd.s32 v4, v8;
	v13 =	vld.idx.msk [tilespmem:v14+s0+$0x0], $0xffff  }
0x5a6: {  	v14 =	vld.idx.msk [tilespmem:v15+s0+$0x0], $0xffff;
	v15 =	vadd.s32 v4, v9  }
0x5a7: {  	v16 =	vadd.s32 v1, v10;
	_ =	sdelay $0x1  }
0x5a8: {  	[tilespmem:s22+$0x10BA0] =	vst v11  }
0x5a9: {  	[tilespmem:s2+$0x10BA0] =	vst v13;
	v11 =	vld.idx.msk [tilespmem:v12+s0+$0x0], $0xffff  }
0x5aa: {  	[tilespmem:s19+$0x10A20] =	vst v14;
	v12 =	vadd.s32 v5, v8;
	v13 =	vld.idx.msk [tilespmem:v15+s0+$0x0], $0xffff  }
0x5ab: {  	v14 =	vld.idx.msk [tilespmem:v16+s0+$0x0], $0xffff;
	v15 =	vadd.s32 v5, v9  }
0x5ac: {  	v16 =	vadd.s32 v2, v10;
	_ =	sdelay $0x1  }
0x5ad: {  	[tilespmem:s22+$0x10C20] =	vst v11  }
0x5ae: {  	[tilespmem:s2+$0x10C20] =	vst v13;
	v11 =	vld.idx.msk [tilespmem:v12+s0+$0x0], $0xffff  }
0x5af: {  	[tilespmem:s19+$0x10AA0] =	vst v14;
	v12 =	vadd.s32 v6, v8;
	v13 =	vld.idx.msk [tilespmem:v15+s0+$0x0], $0xffff  }
0x5b0: {  	v14 =	vld.idx.msk [tilespmem:v16+s0+$0x0], $0xffff;
	v15 =	vadd.s32 v6, v9  }
0x5b1: {  	v16 =	vadd.s32 v3, v10;
	_ =	sdelay $0x1  }
0x5b2: {  	[tilespmem:s22+$0x10CA0] =	vst v11  }
0x5b3: {  	[tilespmem:s2+$0x10CA0] =	vst v13;
	v11 =	vld.idx.msk [tilespmem:v12+s0+$0x0], $0xffff  }
0x5b4: {  	v8 =	vadd.s32 v7, v8;
	[tilespmem:s19+$0x10B20] =	vst v14;
	v12 =	vld.idx.msk [tilespmem:v15+s0+$0x0], $0xffff  }
0x5b5: {  	v9 =	vadd.s32 v7, v9;
	v13 =	vld.idx.msk [tilespmem:v16+s0+$0x0], $0xffff  }
0x5b6: {  	v14 =	vadd.s32 v4, v10;
	_ =	sdelay $0x1  }
0x5b7: {  	[tilespmem:s22+$0x10D20] =	vst v11  }
0x5b8: {  	[tilespmem:s2+$0x10D20] =	vst v12;
	v8 =	vld.idx.msk [tilespmem:v8+s0+$0x0], $0xffff  }
0x5b9: {  	[tilespmem:s19+$0x10BA0] =	vst v13;
	v9 =	vld.idx.msk [tilespmem:v9+s0+$0x0], $0xffff  }
0x5ba: {  	v11 =	vld.idx.msk [tilespmem:v14+s0+$0x0], $0xffff  }
0x5bb: {  	v12 =	vadd.s32 v5, v10;
	_ =	sdelay $0x1  }
0x5bc: {  	[tilespmem:s22+$0x10DA0] =	vst v8  }
0x5bd: {  	[tilespmem:s2+$0x10DA0] =	vst v9;
	v13 =	vld [tilespmem:s7+$0x9230]  }
0x5be: {  	[tilespmem:s19+$0x10C20] =	vst v11;
	v11 =	vld [tilespmem:s25+$0x9230]  }
0x5bf: {  	v8 =	vld.idx.msk [tilespmem:v12+s0+$0x0], $0xffff  }
0x5c0: {  	v9 =	vadd.s32 v6, v10;
	_ =	sdelay $0x1  }
0x5c1: {  	v12 =	vadd.s32 v0, v13  }
0x5c2: {  	v14 =	vadd.s32 v0, v11  }
0x5c3: {  	[tilespmem:s19+$0x10CA0] =	vst v8  }
0x5c4: {  	v8 =	vld.idx.msk [tilespmem:v9+s0+$0x0], $0xffff  }
0x5c5: {  	v9 =	vadd.s32 v7, v10  }
0x5c6: {  	v10 =	vld.idx.msk [tilespmem:v12+s0+$0x0], $0xffff  }
0x5c7: {  	v12 =	vadd.s32 v1, v13;
	v14 =	vld.idx.msk [tilespmem:v14+s0+$0x0], $0xffff  }
0x5c8: {  	v15 =	vadd.s32 v1, v11  }
0x5c9: {  	[tilespmem:s19+$0x10D20] =	vst v8  }
0x5ca: {  	v8 =	vld.idx.msk [tilespmem:v9+s0+$0x0], $0xffff  }
0x5cb: {  	[tilespmem:s22+$0x10A30] =	vst v10  }
0x5cc: {  	[tilespmem:s2+$0x10A30] =	vst v14;
	v9 =	vld.idx.msk [tilespmem:v12+s0+$0x0], $0xffff  }
0x5cd: {  	v10 =	vadd.s32 v2, v13;
	v12 =	vld.idx.msk [tilespmem:v15+s0+$0x0], $0xffff  }
0x5ce: {  	v14 =	vadd.s32 v2, v11  }
0x5cf: {  	s10 =	simm.s32 $0x200;
	[tilespmem:s19+$0x10DA0] =	vst v8  }
0x5d0: {  	s12 =	sand.u32 $0x3FFFFF80, s10;
	v15 =	vld [tilespmem:s14+$0x9230]  }
0x5d1: {  	[tilespmem:s22+$0x10AB0] =	vst v9;
	v9 =	vld [tilespmem:s12+$0x9200]  }
0x5d2: {  	s4 =	simm.s32 $0x280;
	[tilespmem:s2+$0x10AB0] =	vst v12;
	v8 =	vld.idx.msk [tilespmem:v10+s0+$0x0], $0xffff  }
0x5d3: {  	s6 =	sand.u32 $0x3FFFFF80, s4;
	v16 =	vadd.s32 v3, v13;
	v12 =	vld.idx.msk [tilespmem:v14+s0+$0x0], $0xffff  }
0x5d4: {  	v14 =	vadd.s32 v3, v11;
	v10 =	vld [tilespmem:s6+$0x9200]  }
0x5d5: {  	s11 =	simm.s32 $0x180  }
0x5d6: {  	s26 =	sand.u32 $0x3FFFFF80, s11;
	v17 =	vadd.s32 v0, v15  }
0x5d7: {  	[tilespmem:s22+$0x10B30] =	vst v8;
	v8 =	vld [tilespmem:s26+$0x9200]  }
0x5d8: {  	[tilespmem:s2+$0x10B30] =	vst v12;
	v12 =	vadd.s32 v0, v9;
	v16 =	vld.idx.msk [tilespmem:v16+s0+$0x0], $0xffff  }
0x5d9: {  	v19 =	vadd.s32 v0, v10;
	v14 =	vld.idx.msk [tilespmem:v14+s0+$0x0], $0xffff  }
0x5da: {  	v18 =	vadd.s32 v4, v13  }
0x5db: {  	v20 =	vadd.s32 v4, v11;
	v17 =	vld.idx.msk [tilespmem:v17+s0+$0x0], $0xffff;
	_ =	sdelay $0x1  }
0x5dc: {  	v21 =	vadd.s32 v1, v15;
	v12 =	vld.idx.msk [tilespmem:v12+s0+$0x0], $0xffff;
	[tilespmem:s22+$0x10BB0] =	vst v16  }
0x5dd: {  	v16 =	vadd.s32 v0, v8;
	[tilespmem:s2+$0x10BB0] =	vst v14;
	v14 =	vld.idx.msk [tilespmem:v19+s0+$0x0], $0xffff  }
0x5de: {  	v19 =	vadd.s32 v1, v9;
	v18 =	vld.idx.msk [tilespmem:v18+s0+$0x0], $0xffff  }
0x5df: {  	[tilespmem:s19+$0x10A30] =	vst v17;
	v17 =	vld.idx.msk [tilespmem:v20+s0+$0x0], $0xffff;
	v20 =	vadd.s32 v1, v10  }
0x5e0: {  	s15 =	simm.s32 $0x1000;
	v22 =	vadd.s32 v5, v13  }
0x5e1: {  	s16 =	simm.s32 $0x1400;
	s3 =	sand.u32 $0x3FFFFC00, s15;
	v23 =	vadd.s32 v5, v11;
	v21 =	vld.idx.msk [tilespmem:v21+s0+$0x0], $0xffff  }
0x5e2: {  	s11 =	sand.u32 $0x3FFFFC00, s16;
	v24 =	vadd.s32 v2, v15;
	[tilespmem:s3+$0x10A00] =	vst v12;
	v16 =	vld.idx.msk [tilespmem:v16+s0+$0x0], $0xffff  }
0x5e3: {  	v19 =	vld.idx.msk [tilespmem:v19+s0+$0x0], $0xffff;
	[tilespmem:s11+$0x10A00] =	vst v14  }
0x5e4: {  	[tilespmem:s22+$0x10C30] =	vst v18;
	v18 =	vadd.s32 v1, v8;
	v20 =	vld.idx.msk [tilespmem:v20+s0+$0x0], $0xffff  }
0x5e5: {  	s17 =	simm.s32 $0xC00;
	[tilespmem:s2+$0x10C30] =	vst v17;
	v17 =	vadd.s32 v2, v9;
	v12 =	vld.idx.msk [tilespmem:v22+s0+$0x0], $0xffff  }
0x5e6: {  	s16 =	sand.u32 $0x3FFFFC00, s17;
	[tilespmem:s19+$0x10AB0] =	vst v21;
	v21 =	vld.idx.msk [tilespmem:v23+s0+$0x0], $0xffff;
	v22 =	vadd.s32 v2, v10  }
0x5e7: {  	v14 =	vadd.s32 v6, v13;
	v23 =	vld.idx.msk [tilespmem:v24+s0+$0x0], $0xffff;
	[tilespmem:s16+$0x10A00] =	vst v16  }
0x5e8: {  	v41 =	vadd.s32 v3, v15;
	[tilespmem:s3+$0x10A80] =	vst v19  }
0x5e9: {  	v16 =	vadd.s32 v6, v11;
	v18 =	vld.idx.msk [tilespmem:v18+s0+$0x0], $0xffff;
	[tilespmem:s11+$0x10A80] =	vst v20  }
0x5ea: {  	v17 =	vld.idx.msk [tilespmem:v17+s0+$0x0], $0xffff;
	[tilespmem:s22+$0x10CB0] =	vst v12;
	v12 =	vadd.s32 v2, v8  }
0x5eb: {  	v20 =	vadd.s32 v3, v9;
	v19 =	vld.idx.msk [tilespmem:v22+s0+$0x0], $0xffff;
	[tilespmem:s2+$0x10CB0] =	vst v21  }
0x5ec: {  	[tilespmem:s19+$0x10B30] =	vst v23;
	v21 =	vadd.s32 v3, v10;
	v14 =	vld.idx.msk [tilespmem:v14+s0+$0x0], $0xffff  }
0x5ed: {  	v13 =	vadd.s32 v7, v13;
	v22 =	vld.idx.msk [tilespmem:v41+s0+$0x0], $0xffff  }
0x5ee: {  	v16 =	vld.idx.msk [tilespmem:v16+s0+$0x0], $0xffff;
	[tilespmem:s16+$0x10A80] =	vst v18  }
0x5ef: {  	v11 =	vadd.s32 v7, v11;
	[tilespmem:s3+$0x10B00] =	vst v17;
	v12 =	vld.idx.msk [tilespmem:v12+s0+$0x0], $0xffff  }
0x5f0: {  	v18 =	vadd.s32 v4, v15;
	v17 =	vld.idx.msk [tilespmem:v20+s0+$0x0], $0xffff;
	[tilespmem:s11+$0x10B00] =	vst v19  }
0x5f1: {  	[tilespmem:s22+$0x10D30] =	vst v14;
	v14 =	vadd.s32 v3, v8;
	v19 =	vld.idx.msk [tilespmem:v21+s0+$0x0], $0xffff  }
0x5f2: {  	v20 =	vadd.s32 v4, v10;
	v13 =	vld.idx.msk [tilespmem:v13+s0+$0x0], $0xffff  }
0x5f3: {  	[tilespmem:s2+$0x10D30] =	vst v16  }
0x5f4: {  	[tilespmem:s19+$0x10BB0] =	vst v22;
	v16 =	vadd.s32 v4, v9;
	v11 =	vld.idx.msk [tilespmem:v11+s0+$0x0], $0xffff  }
0x5f5: {  	v18 =	vld.idx.msk [tilespmem:v18+s0+$0x0], $0xffff;
	[tilespmem:s16+$0x10B00] =	vst v12  }
0x5f6: {  	v12 =	vadd.s32 v5, v15;
	v14 =	vld.idx.msk [tilespmem:v14+s0+$0x0], $0xffff;
	[tilespmem:s11+$0x10B80] =	vst v19  }
0x5f7: {  	[tilespmem:s22+$0x10DB0] =	vst v13;
	v19 =	vld.idx.msk [tilespmem:v20+s0+$0x0], $0xffff  }
0x5f8: {  	[tilespmem:s3+$0x10B80] =	vst v17;
	v17 =	vadd.s32 v4, v8;
	v13 =	vld [tilespmem:s7+$0x9240]  }
0x5f9: {  	v16 =	vld.idx.msk [tilespmem:v16+s0+$0x0], $0xffff;
	[tilespmem:s2+$0x10DB0] =	vst v11  }
0x5fa: {  	[tilespmem:s19+$0x10C30] =	vst v18;
	v11 =	vadd.s32 v5, v9;
	v18 =	vld [tilespmem:s25+$0x9240]  }
0x5fb: {  	v20 =	vadd.s32 v5, v10;
	v12 =	vld.idx.msk [tilespmem:v12+s0+$0x0], $0xffff  }
0x5fc: {  	v21 =	vadd.s32 v6, v15;
	[tilespmem:s16+$0x10B80] =	vst v14  }
0x5fd: {  	v14 =	vld.idx.msk [tilespmem:v17+s0+$0x0], $0xffff;
	v17 =	vadd.s32 v0, v13  }
0x5fe: {  	v22 =	vadd.s32 v5, v8;
	[tilespmem:s3+$0x10C00] =	vst v16  }
0x5ff: {  	[tilespmem:s11+$0x10C00] =	vst v19;
	v11 =	vld.idx.msk [tilespmem:v11+s0+$0x0], $0xffff;
	v16 =	vadd.s32 v0, v18  }
0x600: {  	v19 =	vadd.s32 v6, v9;
	[tilespmem:s19+$0x10CB0] =	vst v12;
	v12 =	vld.idx.msk [tilespmem:v20+s0+$0x0], $0xffff  }
0x601: {  	v20 =	vld.idx.msk [tilespmem:v21+s0+$0x0], $0xffff;
	v21 =	vadd.s32 v6, v10  }
0x602: {  	v15 =	vadd.s32 v7, v15;
	[tilespmem:s16+$0x10C00] =	vst v14;
	v17 =	vld.idx.msk [tilespmem:v17+s0+$0x0], $0xffff  }
0x603: {  	v14 =	vld.idx.msk [tilespmem:v22+s0+$0x0], $0xffff;
	v22 =	vadd.s32 v1, v13  }
0x604: {  	v23 =	vadd.s32 v6, v8;
	[tilespmem:s3+$0x10C80] =	vst v11;
	v16 =	vld.idx.msk [tilespmem:v16+s0+$0x0], $0xffff  }
0x605: {  	v11 =	vld.idx.msk [tilespmem:v19+s0+$0x0], $0xffff;
	[tilespmem:s11+$0x10C80] =	vst v12;
	v12 =	vadd.s32 v1, v18  }
0x606: {  	v9 =	vadd.s32 v7, v9;
	[tilespmem:s19+$0x10D30] =	vst v20;
	v19 =	vld.idx.msk [tilespmem:v21+s0+$0x0], $0xffff  }
0x607: {  	v10 =	vadd.s32 v7, v10;
	v15 =	vld.idx.msk [tilespmem:v15+s0+$0x0], $0xffff;
	[tilespmem:s22+$0x10A40] =	vst v17  }
0x608: {  	[tilespmem:s16+$0x10C80] =	vst v14;
	v17 =	vld.idx.msk [tilespmem:v22+s0+$0x0], $0xffff  }
0x609: {  	v20 =	vadd.s32 v2, v13;
	v14 =	vld.idx.msk [tilespmem:v23+s0+$0x0], $0xffff;
	[tilespmem:s2+$0x10A40] =	vst v16  }
0x60a: {  	v8 =	vadd.s32 v7, v8;
	[tilespmem:s3+$0x10D00] =	vst v11;
	v12 =	vld.idx.msk [tilespmem:v12+s0+$0x0], $0xffff  }
0x60b: {  	v11 =	vadd.s32 v2, v18;
	v9 =	vld.idx.msk [tilespmem:v9+s0+$0x0], $0xffff;
	[tilespmem:s11+$0x10D00] =	vst v19  }
0x60c: {  	[tilespmem:s19+$0x10DB0] =	vst v15;
	v10 =	vld.idx.msk [tilespmem:v10+s0+$0x0], $0xffff  }
0x60d: {  	v15 =	vld [tilespmem:s14+$0x9240];
	[tilespmem:s22+$0x10AC0] =	vst v17  }
0x60e: {  	[tilespmem:s16+$0x10D00] =	vst v14;
	v16 =	vld.idx.msk [tilespmem:v20+s0+$0x0], $0xffff  }
0x60f: {  	v14 =	vadd.s32 v3, v13;
	v8 =	vld.idx.msk [tilespmem:v8+s0+$0x0], $0xffff;
	[tilespmem:s2+$0x10AC0] =	vst v12  }
0x610: {  	[tilespmem:s3+$0x10D80] =	vst v9;
	v11 =	vld.idx.msk [tilespmem:v11+s0+$0x0], $0xffff  }
0x611: {  	v9 =	vld [tilespmem:s12+$0x9210];
	[tilespmem:s11+$0x10D80] =	vst v10  }
0x612: {  	v10 =	vadd.s32 v3, v18;
	v12 =	vld [tilespmem:s6+$0x9210]  }
0x613: {  	v17 =	vadd.s32 v0, v15;
	[tilespmem:s22+$0x10B40] =	vst v16  }
0x614: {  	[tilespmem:s16+$0x10D80] =	vst v8;
	v14 =	vld.idx.msk [tilespmem:v14+s0+$0x0], $0xffff  }
0x615: {  	v8 =	vadd.s32 v4, v13;
	v16 =	vld [tilespmem:s26+$0x9210]  }
0x616: {  	[tilespmem:s2+$0x10B40] =	vst v11;
	v11 =	vadd.s32 v0, v9  }
0x617: {  	v10 =	vld.idx.msk [tilespmem:v10+s0+$0x0], $0xffff;
	v19 =	vadd.s32 v0, v12  }
0x618: {  	v20 =	vadd.s32 v4, v18;
	v17 =	vld.idx.msk [tilespmem:v17+s0+$0x0], $0xffff  }
0x619: {  	v21 =	vadd.s32 v1, v15;
	[tilespmem:s22+$0x10BC0] =	vst v14  }
0x61a: {  	v14 =	vadd.s32 v0, v16;
	v8 =	vld.idx.msk [tilespmem:v8+s0+$0x0], $0xffff  }
0x61b: {  	v22 =	vadd.s32 v5, v13;
	v11 =	vld.idx.msk [tilespmem:v11+s0+$0x0], $0xffff  }
0x61c: {  	v19 =	vld.idx.msk [tilespmem:v19+s0+$0x0], $0xffff;
	[tilespmem:s2+$0x10BC0] =	vst v10;
	v10 =	vadd.s32 v1, v9  }
0x61d: {  	[tilespmem:s19+$0x10A40] =	vst v17;
	v17 =	vld.idx.msk [tilespmem:v20+s0+$0x0], $0xffff;
	v20 =	vadd.s32 v1, v12  }
0x61e: {  	v23 =	vadd.s32 v5, v18;
	v21 =	vld.idx.msk [tilespmem:v21+s0+$0x0], $0xffff  }
0x61f: {  	v42 =	vadd.s32 v2, v15;
	v14 =	vld.idx.msk [tilespmem:v14+s0+$0x0], $0xffff;
	[tilespmem:s22+$0x10C40] =	vst v8  }
0x620: {  	v8 =	vadd.s32 v1, v16;
	[tilespmem:s3+$0x10A10] =	vst v11;
	v11 =	vld.idx.msk [tilespmem:v22+s0+$0x0], $0xffff  }
0x621: {  	v10 =	vld.idx.msk [tilespmem:v10+s0+$0x0], $0xffff;
	[tilespmem:s11+$0x10A10] =	vst v19;
	v19 =	vadd.s32 v6, v13  }
0x622: {  	v20 =	vld.idx.msk [tilespmem:v20+s0+$0x0], $0xffff;
	[tilespmem:s2+$0x10C40] =	vst v17;
	v17 =	vadd.s32 v2, v9  }
0x623: {  	v22 =	vadd.s32 v2, v12;
	[tilespmem:s19+$0x10AC0] =	vst v21;
	v21 =	vld.idx.msk [tilespmem:v23+s0+$0x0], $0xffff  }
0x624: {  	v23 =	vld.idx.msk [tilespmem:v42+s0+$0x0], $0xffff;
	[tilespmem:s16+$0x10A10] =	vst v14;
	v14 =	vadd.s32 v6, v18  }
0x625: {  	v43 =	vadd.s32 v3, v15;
	v8 =	vld.idx.msk [tilespmem:v8+s0+$0x0], $0xffff;
	[tilespmem:s22+$0x10CC0] =	vst v11  }
0x626: {  	v11 =	vadd.s32 v2, v16;
	[tilespmem:s3+$0x10A90] =	vst v10;
	v10 =	vld.idx.msk [tilespmem:v19+s0+$0x0], $0xffff  }
0x627: {  	v13 =	vadd.s32 v7, v13;
	v17 =	vld.idx.msk [tilespmem:v17+s0+$0x0], $0xffff;
	[tilespmem:s11+$0x10A90] =	vst v20  }
0x628: {  	v20 =	vadd.s32 v3, v9;
	v19 =	vld.idx.msk [tilespmem:v22+s0+$0x0], $0xffff;
	[tilespmem:s2+$0x10CC0] =	vst v21  }
0x629: {  	[tilespmem:s19+$0x10B40] =	vst v23;
	v21 =	vadd.s32 v3, v12;
	v14 =	vld.idx.msk [tilespmem:v14+s0+$0x0], $0xffff  }
0x62a: {  	v22 =	vld.idx.msk [tilespmem:v43+s0+$0x0], $0xffff;
	[tilespmem:s16+$0x10A90] =	vst v8;
	v8 =	vadd.s32 v7, v18  }
0x62b: {  	v18 =	vadd.s32 v4, v15;
	v11 =	vld.idx.msk [tilespmem:v11+s0+$0x0], $0xffff;
	[tilespmem:s22+$0x10D40] =	vst v10  }
0x62c: {  	v10 =	vadd.s32 v3, v16;
	[tilespmem:s3+$0x10B10] =	vst v17;
	v13 =	vld.idx.msk [tilespmem:v13+s0+$0x0], $0xffff  }
0x62d: {  	v17 =	vld.idx.msk [tilespmem:v20+s0+$0x0], $0xffff;
	[tilespmem:s11+$0x10B10] =	vst v19  }
0x62e: {  	v19 =	vld.idx.msk [tilespmem:v21+s0+$0x0], $0xffff;
	[tilespmem:s2+$0x10D40] =	vst v14;
	v14 =	vadd.s32 v4, v9  }
0x62f: {  	v20 =	vadd.s32 v4, v12;
	[tilespmem:s19+$0x10BC0] =	vst v22;
	v8 =	vld.idx.msk [tilespmem:v8+s0+$0x0], $0xffff  }
0x630: {  	v18 =	vld.idx.msk [tilespmem:v18+s0+$0x0], $0xffff;
	[tilespmem:s16+$0x10B10] =	vst v11  }
0x631: {  	v10 =	vld.idx.msk [tilespmem:v10+s0+$0x0], $0xffff;
	[tilespmem:s22+$0x10DC0] =	vst v13  }
0x632: {  	v11 =	vadd.s32 v4, v16;
	[tilespmem:s3+$0x10B90] =	vst v17;
	v13 =	vld [tilespmem:s7+$0x9250]  }
0x633: {  	v17 =	vadd.s32 v5, v15;
	v14 =	vld.idx.msk [tilespmem:v14+s0+$0x0], $0xffff;
	[tilespmem:s11+$0x10B90] =	vst v19  }
0x634: {  	v19 =	vld.idx.msk [tilespmem:v20+s0+$0x0], $0xffff;
	[tilespmem:s2+$0x10DC0] =	vst v8  }
0x635: {  	v20 =	vadd.s32 v5, v9;
	v8 =	vld [tilespmem:s25+$0x9250]  }
0x636: {  	[tilespmem:s16+$0x10B90] =	vst v10;
	v10 =	vadd.s32 v5, v12  }
0x637: {  	[tilespmem:s19+$0x10C40] =	vst v18;
	v11 =	vld.idx.msk [tilespmem:v11+s0+$0x0], $0xffff;
	v18 =	vadd.s32 v0, v13  }
0x638: {  	v21 =	vadd.s32 v5, v16;
	v17 =	vld.idx.msk [tilespmem:v17+s0+$0x0], $0xffff  }
0x639: {  	v22 =	vadd.s32 v6, v15;
	[tilespmem:s3+$0x10C10] =	vst v14  }
0x63a: {  	v14 =	vld.idx.msk [tilespmem:v20+s0+$0x0], $0xffff;
	[tilespmem:s11+$0x10C10] =	vst v19;
	v19 =	vadd.s32 v0, v8  }
0x63b: {  	v20 =	vadd.s32 v6, v9;
	v10 =	vld.idx.msk [tilespmem:v10+s0+$0x0], $0xffff  }
0x63c: {  	[tilespmem:s16+$0x10C10] =	vst v11;
	v11 =	vadd.s32 v6, v12;
	v18 =	vld.idx.msk [tilespmem:v18+s0+$0x0], $0xffff  }
0x63d: {  	[tilespmem:s19+$0x10CC0] =	vst v17;
	v17 =	vld.idx.msk [tilespmem:v21+s0+$0x0], $0xffff;
	v21 =	vadd.s32 v1, v13  }
0x63e: {  	v23 =	vadd.s32 v6, v16;
	v22 =	vld.idx.msk [tilespmem:v22+s0+$0x0], $0xffff  }
0x63f: {  	v15 =	vadd.s32 v7, v15;
	[tilespmem:s3+$0x10C90] =	vst v14;
	v19 =	vld.idx.msk [tilespmem:v19+s0+$0x0], $0xffff  }
0x640: {  	v14 =	vld.idx.msk [tilespmem:v20+s0+$0x0], $0xffff;
	[tilespmem:s11+$0x10C90] =	vst v10;
	v10 =	vadd.s32 v1, v8  }
0x641: {  	v9 =	vadd.s32 v7, v9;
	v11 =	vld.idx.msk [tilespmem:v11+s0+$0x0], $0xffff;
	[tilespmem:s22+$0x10A50] =	vst v18  }
0x642: {  	v12 =	vadd.s32 v7, v12;
	[tilespmem:s16+$0x10C90] =	vst v17;
	v18 =	vld.idx.msk [tilespmem:v21+s0+$0x0], $0xffff  }
0x643: {  	v20 =	vadd.s32 v2, v13;
	[tilespmem:s19+$0x10D40] =	vst v22;
	v17 =	vld.idx.msk [tilespmem:v23+s0+$0x0], $0xffff  }
0x644: {  	v16 =	vadd.s32 v7, v16;
	v15 =	vld.idx.msk [tilespmem:v15+s0+$0x0], $0xffff;
	[tilespmem:s2+$0x10A50] =	vst v19  }
0x645: {  	[tilespmem:s3+$0x10D10] =	vst v14;
	v10 =	vld.idx.msk [tilespmem:v10+s0+$0x0], $0xffff  }
0x646: {  	v14 =	vld.idx.msk [tilespmem:v9+s0+$0x0], $0xffff;
	[tilespmem:s11+$0x10D10] =	vst v11;
	v11 =	vadd.s32 v2, v8  }
0x647: {  	v12 =	vld.idx.msk [tilespmem:v12+s0+$0x0], $0xffff;
	[tilespmem:s22+$0x10AD0] =	vst v18  }
0x648: {  	[tilespmem:s16+$0x10D10] =	vst v17;
	v18 =	vld.idx.msk [tilespmem:v20+s0+$0x0], $0xffff  }
0x649: {  	[tilespmem:s19+$0x10DC0] =	vst v15;
	v15 =	vld.idx.msk [tilespmem:v16+s0+$0x0], $0xffff;
	v16 =	vadd.s32 v3, v13  }
0x64a: {  	v9 =	vld [tilespmem:s14+$0x9250];
	[tilespmem:s2+$0x10AD0] =	vst v10  }
0x64b: {  	[tilespmem:s3+$0x10D90] =	vst v14;
	v10 =	vld.idx.msk [tilespmem:v11+s0+$0x0], $0xffff  }
0x64c: {  	v11 =	vld [tilespmem:s12+$0x9220];
	[tilespmem:s11+$0x10D90] =	vst v12  }
0x64d: {  	v12 =	vadd.s32 v3, v8;
	v14 =	vld [tilespmem:s6+$0x9220];
	[tilespmem:s22+$0x10B50] =	vst v18  }
0x64e: {  	[tilespmem:s16+$0x10D90] =	vst v15;
	v16 =	vld.idx.msk [tilespmem:v16+s0+$0x0], $0xffff  }
0x64f: {  	v15 =	vadd.s32 v0, v9;
	v17 =	vld [tilespmem:s26+$0x9220]  }
0x650: {  	v18 =	vadd.s32 v4, v13  }
0x651: {  	[tilespmem:s2+$0x10B50] =	vst v10;
	v10 =	vadd.s32 v0, v11  }
0x652: {  	v12 =	vld.idx.msk [tilespmem:v12+s0+$0x0], $0xffff;
	v19 =	vadd.s32 v0, v14  }
0x653: {  	v20 =	vadd.s32 v4, v8  }
0x654: {  	v15 =	vld.idx.msk [tilespmem:v15+s0+$0x0], $0xffff;
	[tilespmem:s22+$0x10BD0] =	vst v16;
	v16 =	vadd.s32 v0, v17  }
0x655: {  	v21 =	vadd.s32 v1, v9;
	v18 =	vld.idx.msk [tilespmem:v18+s0+$0x0], $0xffff  }
0x656: {  	v22 =	vadd.s32 v5, v13;
	v10 =	vld.idx.msk [tilespmem:v10+s0+$0x0], $0xffff  }
0x657: {  	[tilespmem:s2+$0x10BD0] =	vst v12;
	v12 =	vadd.s32 v1, v11;
	v19 =	vld.idx.msk [tilespmem:v19+s0+$0x0], $0xffff  }
0x658: {  	v23 =	vadd.s32 v1, v14;
	v20 =	vld.idx.msk [tilespmem:v20+s0+$0x0], $0xffff  }
0x659: {  	[tilespmem:s19+$0x10A50] =	vst v15;
	v15 =	vld.idx.msk [tilespmem:v16+s0+$0x0], $0xffff;
	v16 =	vadd.s32 v5, v8  }
0x65a: {  	v21 =	vld.idx.msk [tilespmem:v21+s0+$0x0], $0xffff;
	[tilespmem:s22+$0x10C50] =	vst v18;
	v18 =	vadd.s32 v1, v17  }
0x65b: {  	[tilespmem:s3+$0x10A20] =	vst v10;
	v10 =	vld.idx.msk [tilespmem:v22+s0+$0x0], $0xffff;
	v22 =	vadd.s32 v2, v9  }
0x65c: {  	v12 =	vld.idx.msk [tilespmem:v12+s0+$0x0], $0xffff;
	[tilespmem:s11+$0x10A20] =	vst v19;
	v19 =	vadd.s32 v6, v13  }
0x65d: {  	[tilespmem:s2+$0x10C50] =	vst v20;
	v20 =	vadd.s32 v2, v11;
	v23 =	vld.idx.msk [tilespmem:v23+s0+$0x0], $0xffff  }
0x65e: {  	v16 =	vld.idx.msk [tilespmem:v16+s0+$0x0], $0xffff;
	[tilespmem:s16+$0x10A20] =	vst v15  }
0x65f: {  	v15 =	vadd.s32 v2, v14;
	[tilespmem:s19+$0x10AD0] =	vst v21;
	v18 =	vld.idx.msk [tilespmem:v18+s0+$0x0], $0xffff  }
0x660: {  	v21 =	vadd.s32 v6, v8;
	v22 =	vld.idx.msk [tilespmem:v22+s0+$0x0], $0xffff;
	[tilespmem:s22+$0x10CD0] =	vst v10  }
0x661: {  	v10 =	vadd.s32 v2, v17;
	[tilespmem:s3+$0x10AA0] =	vst v12;
	v12 =	vld.idx.msk [tilespmem:v19+s0+$0x0], $0xffff  }
0x662: {  	v19 =	vld.idx.msk [tilespmem:v20+s0+$0x0], $0xffff;
	[tilespmem:s11+$0x10AA0] =	vst v23  }
0x663: {  	[tilespmem:s2+$0x10CD0] =	vst v16;
	v16 =	vadd.s32 v3, v11  }
0x664: {  	v15 =	vld.idx.msk [tilespmem:v15+s0+$0x0], $0xffff  }
0x665: {  	v20 =	vld.idx.msk [tilespmem:v21+s0+$0x0], $0xffff;
	[tilespmem:s16+$0x10AA0] =	vst v18;
	v18 =	vadd.s32 v3, v14  }
0x666: {  	v13 =	vadd.s32 v7, v13;
	v10 =	vld.idx.msk [tilespmem:v10+s0+$0x0], $0xffff;
	[tilespmem:s19+$0x10B50] =	vst v22  }
0x667: {  	v8 =	vadd.s32 v7, v8;
	[tilespmem:s3+$0x10B20] =	vst v19  }
0x668: {  	v19 =	vadd.s32 v3, v17;
	v16 =	vld.idx.msk [tilespmem:v16+s0+$0x0], $0xffff  }
0x669: {  	[tilespmem:s11+$0x10B20] =	vst v15;
	v15 =	vadd.s32 v4, v11  }
0x66a: {  	v21 =	vadd.s32 v3, v9;
	[tilespmem:s22+$0x10D50] =	vst v12;
	v18 =	vld.idx.msk [tilespmem:v18+s0+$0x0], $0xffff  }
0x66b: {  	v12 =	vadd.s32 v4, v14;
	v13 =	vld.idx.msk [tilespmem:v13+s0+$0x0], $0xffff;
	[tilespmem:s2+$0x10D50] =	vst v20  }
0x66c: {  	[tilespmem:s16+$0x10B20] =	vst v10;
	v8 =	vld.idx.msk [tilespmem:v8+s0+$0x0], $0xffff  }
0x66d: {  	v10 =	vld.idx.msk [tilespmem:v19+s0+$0x0], $0xffff;
	[tilespmem:s3+$0x10BA0] =	vst v16  }
0x66e: {  	v16 =	vadd.s32 v4, v17;
	v15 =	vld.idx.msk [tilespmem:v15+s0+$0x0], $0xffff  }
0x66f: {  	v19 =	vld.idx.msk [tilespmem:v21+s0+$0x0], $0xffff;
	v21 =	vadd.s32 v5, v11;
	[tilespmem:s11+$0x10BA0] =	vst v18  }
0x670: {  	v12 =	vld.idx.msk [tilespmem:v12+s0+$0x0], $0xffff  }
0x671: {  	[tilespmem:s22+$0x10DD0] =	vst v13;
	v13 =	vadd.s32 v5, v14  }
0x672: {  	v22 =	vadd.s32 v4, v9;
	v18 =	vld [tilespmem:s7+$0x9260];
	[tilespmem:s16+$0x10BA0] =	vst v10  }
0x673: {  	v10 =	vld.idx.msk [tilespmem:v16+s0+$0x0], $0xffff;
	[tilespmem:s3+$0x10C20] =	vst v15  }
0x674: {  	[tilespmem:s2+$0x10DD0] =	vst v8;
	v15 =	vadd.s32 v5, v17;
	v16 =	vld.idx.msk [tilespmem:v21+s0+$0x0], $0xffff  }
0x675: {  	v8 =	vld [tilespmem:s25+$0x9260];
	[tilespmem:s11+$0x10C20] =	vst v12;
	v12 =	vadd.s32 v6, v11  }
0x676: {  	[tilespmem:s19+$0x10BD0] =	vst v19;
	v13 =	vld.idx.msk [tilespmem:v13+s0+$0x0], $0xffff  }
0x677: {  	v20 =	vadd.s32 v6, v14;
	v19 =	vld.idx.msk [tilespmem:v22+s0+$0x0], $0xffff  }
0x678: {  	v21 =	vadd.s32 v5, v9;
	[tilespmem:s16+$0x10C20] =	vst v10  }
0x679: {  	v10 =	vld.idx.msk [tilespmem:v15+s0+$0x0], $0xffff;
	v15 =	vadd.s32 v0, v18;
	[tilespmem:s3+$0x10CA0] =	vst v16  }
0x67a: {  	v16 =	vadd.s32 v6, v17;
	v12 =	vld.idx.msk [tilespmem:v12+s0+$0x0], $0xffff  }
0x67b: {  	v11 =	vadd.s32 v7, v11;
	[tilespmem:s11+$0x10CA0] =	vst v13  }
0x67c: {  	[tilespmem:s19+$0x10C50] =	vst v19;
	v13 =	vadd.s32 v0, v8;
	v19 =	vld.idx.msk [tilespmem:v20+s0+$0x0], $0xffff  }
0x67d: {  	v14 =	vadd.s32 v7, v14;
	v20 =	vld.idx.msk [tilespmem:v21+s0+$0x0], $0xffff  }
0x67e: {  	v21 =	vadd.s32 v6, v9;
	v15 =	vld.idx.msk [tilespmem:v15+s0+$0x0], $0xffff;
	[tilespmem:s16+$0x10CA0] =	vst v10  }
0x67f: {  	v10 =	vld.idx.msk [tilespmem:v16+s0+$0x0], $0xffff;
	v16 =	vadd.s32 v1, v18;
	[tilespmem:s3+$0x10D20] =	vst v12  }
0x680: {  	v12 =	vadd.s32 v7, v17;
	v11 =	vld.idx.msk [tilespmem:v11+s0+$0x0], $0xffff  }
0x681: {  	v13 =	vld.idx.msk [tilespmem:v13+s0+$0x0], $0xffff;
	[tilespmem:s11+$0x10D20] =	vst v19  }
0x682: {  	[tilespmem:s19+$0x10CD0] =	vst v20;
	v19 =	vadd.s32 v1, v8;
	v14 =	vld.idx.msk [tilespmem:v14+s0+$0x0], $0xffff  }
0x683: {  	v20 =	vld.idx.msk [tilespmem:v21+s0+$0x0], $0xffff;
	[tilespmem:s22+$0x10A60] =	vst v15  }
0x684: {  	v9 =	vadd.s32 v7, v9;
	v15 =	vld.idx.msk [tilespmem:v16+s0+$0x0], $0xffff;
	[tilespmem:s16+$0x10D20] =	vst v10  }
0x685: {  	v10 =	vld.idx.msk [tilespmem:v12+s0+$0x0], $0xffff;
	v12 =	vadd.s32 v2, v18;
	[tilespmem:s3+$0x10DA0] =	vst v11  }
0x686: {  	[tilespmem:s2+$0x10A60] =	vst v13;
	v17 =	vld [tilespmem:s12+$0x9230]  }
0x687: {  	v11 =	vld.idx.msk [tilespmem:v19+s0+$0x0], $0xffff;
	[tilespmem:s11+$0x10DA0] =	vst v14  }
0x688: {  	v14 =	vadd.s32 v2, v8;
	[tilespmem:s19+$0x10D50] =	vst v20;
	v13 =	vld [tilespmem:s6+$0x9230]  }
0x689: {  	v9 =	vld.idx.msk [tilespmem:v9+s0+$0x0], $0xffff;
	[tilespmem:s22+$0x10AE0] =	vst v15  }
0x68a: {  	v15 =	vld.idx.msk [tilespmem:v12+s0+$0x0], $0xffff;
	[tilespmem:s16+$0x10DA0] =	vst v10  }
0x68b: {  	v12 =	vld [tilespmem:s26+$0x9230];
	v16 =	vadd.s32 v0, v17  }
0x68c: {  	[tilespmem:s2+$0x10AE0] =	vst v11;
	v11 =	vadd.s32 v3, v18  }
0x68d: {  	v14 =	vld.idx.msk [tilespmem:v14+s0+$0x0], $0xffff;
	v19 =	vadd.s32 v0, v13  }
0x68e: {  	v20 =	vadd.s32 v3, v8;
	[tilespmem:s19+$0x10DD0] =	vst v9  }
0x68f: {  	v10 =	vld [tilespmem:s14+$0x9260]  }
0x690: {  	[tilespmem:s22+$0x10B60] =	vst v15;
	v9 =	vadd.s32 v0, v12;
	v15 =	vld.idx.msk [tilespmem:v16+s0+$0x0], $0xffff  }
0x691: {  	v11 =	vld.idx.msk [tilespmem:v11+s0+$0x0], $0xffff;
	v16 =	vadd.s32 v1, v17  }
0x692: {  	[tilespmem:s2+$0x10B60] =	vst v14;
	v14 =	vld.idx.msk [tilespmem:v19+s0+$0x0], $0xffff;
	v19 =	vadd.s32 v4, v18  }
0x693: {  	v21 =	vadd.s32 v1, v13;
	v20 =	vld.idx.msk [tilespmem:v20+s0+$0x0], $0xffff  }
0x694: {  	v22 =	vadd.s32 v4, v8  }
0x695: {  	v23 =	vadd.s32 v0, v10;
	v9 =	vld.idx.msk [tilespmem:v9+s0+$0x0], $0xffff;
	[tilespmem:s3+$0x10A30] =	vst v15  }
0x696: {  	[tilespmem:s22+$0x10BE0] =	vst v11;
	v15 =	vadd.s32 v1, v12;
	v16 =	vld.idx.msk [tilespmem:v16+s0+$0x0], $0xffff  }
0x697: {  	v19 =	vld.idx.msk [tilespmem:v19+s0+$0x0], $0xffff;
	[tilespmem:s11+$0x10A30] =	vst v14  }
0x698: {  	v14 =	vadd.s32 v2, v17;
	[tilespmem:s2+$0x10BE0] =	vst v20;
	v20 =	vld.idx.msk [tilespmem:v21+s0+$0x0], $0xffff  }
0x699: {  	v11 =	vld.idx.msk [tilespmem:v22+s0+$0x0], $0xffff  }
0x69a: {  	s18 =	simm.s32 $0x380;
	v22 =	vadd.s32 v2, v13;
	v23 =	vld.idx.msk [tilespmem:v23+s0+$0x0], $0xffff;
	[tilespmem:s16+$0x10A30] =	vst v9  }
0x69b: {  	s17 =	sand.u32 $0x3FFFFF80, s18;
	v21 =	vadd.s32 v5, v18;
	v9 =	vld.idx.msk [tilespmem:v15+s0+$0x0], $0xffff  }
0x69c: {  	s5 =	simm.s32 $0x400;
	v44 =	vadd.s32 v1, v10;
	v15 =	vld [tilespmem:s17+$0x9200];
	[tilespmem:s3+$0x10AB0] =	vst v16  }
0x69d: {  	s10 =	sand.u32 $0x3FFFFF80, s5;
	v25 =	vadd.s32 v2, v12;
	[tilespmem:s22+$0x10C60] =	vst v19;
	v14 =	vld.idx.msk [tilespmem:v14+s0+$0x0], $0xffff  }
0x69e: {  	v19 =	vadd.s32 v3, v17;
	v16 =	vld [tilespmem:s10+$0x9200];
	[tilespmem:s11+$0x10AB0] =	vst v20  }
0x69f: {  	v20 =	vld.idx.msk [tilespmem:v22+s0+$0x0], $0xffff  }
0x6a0: {  	v21 =	vld.idx.msk [tilespmem:v21+s0+$0x0], $0xffff;
	[tilespmem:s19+$0x10A60] =	vst v23;
	v22 =	vadd.s32 v3, v13  }
0x6a1: {  	v23 =	vadd.s32 v6, v18;
	v24 =	vld.idx.msk [tilespmem:v44+s0+$0x0], $0xffff;
	[tilespmem:s16+$0x10AB0] =	vst v9  }
0x6a2: {  	s8 =	simm.s32 $0x300;
	v45 =	vld.idx.msk [tilespmem:v25+s0+$0x0], $0xffff;
	[tilespmem:s3+$0x10B30] =	vst v14  }
0x6a3: {  	s18 =	sand.u32 $0x3FFFFF80, s8;
	v26 =	vadd.s32 v2, v10;
	v19 =	vld.idx.msk [tilespmem:v19+s0+$0x0], $0xffff  }
0x6a4: {  	v14 =	vld [tilespmem:s18+$0x9200];
	[tilespmem:s11+$0x10B30] =	vst v20;
	v20 =	vadd.s32 v4, v17  }
0x6a5: {  	[tilespmem:s22+$0x10CE0] =	vst v21;
	v21 =	vld.idx.msk [tilespmem:v22+s0+$0x0], $0xffff;
	v22 =	vadd.s32 v0, v15  }
0x6a6: {  	v9 =	vld.idx.msk [tilespmem:v23+s0+$0x0], $0xffff;
	v23 =	vadd.s32 v0, v16  }
0x6a7: {  	v27 =	vadd.s32 v3, v12;
	[tilespmem:s19+$0x10AE0] =	vst v24  }
0x6a8: {  	v18 =	vadd.s32 v7, v18;
	v26 =	vld.idx.msk [tilespmem:v26+s0+$0x0], $0xffff;
	[tilespmem:s3+$0x10BB0] =	vst v19  }
0x6a9: {  	v46 =	vadd.s32 v4, v13;
	v20 =	vld.idx.msk [tilespmem:v20+s0+$0x0], $0xffff  }
0x6aa: {  	[tilespmem:s16+$0x10B30] =	vst v45;
	v19 =	vadd.s32 v0, v14;
	v22 =	vld.idx.msk [tilespmem:v22+s0+$0x0], $0xffff  }
0x6ab: {  	[tilespmem:s11+$0x10BB0] =	vst v21;
	v21 =	vld.idx.msk [tilespmem:v23+s0+$0x0], $0xffff;
	v23 =	vadd.s32 v5, v17  }
0x6ac: {  	v27 =	vld.idx.msk [tilespmem:v27+s0+$0x0], $0xffff;
	[tilespmem:s22+$0x10D60] =	vst v9;
	v9 =	vadd.s32 v1, v15  }
0x6ad: {  	v28 =	vadd.s32 v1, v16;
	v18 =	vld.idx.msk [tilespmem:v18+s0+$0x0], $0xffff  }
0x6ae: {  	s15 =	simm.s32 $0x1C00;
	v25 =	vld.idx.msk [tilespmem:v46+s0+$0x0], $0xffff  }
0x6af: {  	s28 =	sand.u32 $0x3FFFFC00, s15;
	s5 =	simm.s32 $0x2000;
	v47 =	vadd.s32 v5, v13;
	v19 =	vld.idx.msk [tilespmem:v19+s0+$0x0], $0xffff;
	[tilespmem:s3+$0x10C30] =	vst v20  }
0x6b0: {  	s15 =	sand.u32 $0x3FFFFC00, s5;
	v20 =	vadd.s32 v1, v14;
	[tilespmem:s28+$0x10A00] =	vst v22;
	v22 =	vld.idx.msk [tilespmem:v23+s0+$0x0], $0xffff  }
0x6b1: {  	[tilespmem:s15+$0x10A00] =	vst v21;
	v21 =	vadd.s32 v4, v12;
	v23 =	vld.idx.msk [tilespmem:v9+s0+$0x0], $0xffff  }
0x6b2: {  	s8 =	simm.s32 $0x1800;
	v29 =	vadd.s32 v6, v17;
	[tilespmem:s22+$0x10DE0] =	vst v18;
	v28 =	vld.idx.msk [tilespmem:v28+s0+$0x0], $0xffff  }
0x6b3: {  	s31 =	sand.u32 $0x3FFFFC00, s8;
	v48 =	vadd.s32 v2, v15;
	[tilespmem:s11+$0x10C30] =	vst v25;
	v9 =	vld [tilespmem:s7+$0x9270]  }
0x6b4: {  	v18 =	vadd.s32 v2, v16;
	v24 =	vld.idx.msk [tilespmem:v47+s0+$0x0], $0xffff;
	[tilespmem:s31+$0x10A00] =	vst v19  }
0x6b5: {  	[tilespmem:s16+$0x10BB0] =	vst v27;
	v19 =	vld.idx.msk [tilespmem:v20+s0+$0x0], $0xffff;
	v20 =	vadd.s32 v6, v13  }
0x6b6: {  	v21 =	vld.idx.msk [tilespmem:v21+s0+$0x0], $0xffff;
	[tilespmem:s3+$0x10CB0] =	vst v22;
	v22 =	vadd.s32 v3, v10  }
0x6b7: {  	v49 =	vadd.s32 v2, v14;
	[tilespmem:s28+$0x10A80] =	vst v23;
	v23 =	vld.idx.msk [tilespmem:v29+s0+$0x0], $0xffff  }
0x6b8: {  	v50 =	vadd.s32 v5, v12;
	[tilespmem:s15+$0x10A80] =	vst v28;
	v25 =	vld.idx.msk [tilespmem:v48+s0+$0x0], $0xffff  }
0x6b9: {  	v17 =	vadd.s32 v7, v17;
	v18 =	vld.idx.msk [tilespmem:v18+s0+$0x0], $0xffff;
	[tilespmem:s11+$0x10CB0] =	vst v24  }
0x6ba: {  	v51 =	vadd.s32 v3, v15;
	[tilespmem:s19+$0x10B60] =	vst v26;
	v20 =	vld.idx.msk [tilespmem:v20+s0+$0x0], $0xffff  }
0x6bb: {  	[tilespmem:s31+$0x10A80] =	vst v19;
	v19 =	vadd.s32 v3, v16;
	v22 =	vld.idx.msk [tilespmem:v22+s0+$0x0], $0xffff  }
0x6bc: {  	v13 =	vadd.s32 v7, v13;
	[tilespmem:s16+$0x10C30] =	vst v21;
	v52 =	vld.idx.msk [tilespmem:v49+s0+$0x0], $0xffff  }
0x6bd: {  	v21 =	vld.idx.msk [tilespmem:v50+s0+$0x0], $0xffff;
	[tilespmem:s3+$0x10D30] =	vst v23;
	v23 =	vadd.s32 v0, v9  }
0x6be: {  	v53 =	vadd.s32 v3, v14;
	[tilespmem:s28+$0x10B00] =	vst v25;
	v17 =	vld.idx.msk [tilespmem:v17+s0+$0x0], $0xffff  }
0x6bf: {  	[tilespmem:s15+$0x10B00] =	vst v18;
	v18 =	vadd.s32 v6, v12;
	v24 =	vld.idx.msk [tilespmem:v51+s0+$0x0], $0xffff  }
0x6c0: {  	v19 =	vld.idx.msk [tilespmem:v19+s0+$0x0], $0xffff;
	[tilespmem:s11+$0x10D30] =	vst v20  }
0x6c1: {  	v20 =	vadd.s32 v4, v15;
	v13 =	vld.idx.msk [tilespmem:v13+s0+$0x0], $0xffff  }
0x6c2: {  	v54 =	vadd.s32 v4, v16;
	[tilespmem:s31+$0x10B00] =	vst v52;
	v23 =	vld.idx.msk [tilespmem:v23+s0+$0x0], $0xffff  }
0x6c3: {  	[tilespmem:s16+$0x10CB0] =	vst v21;
	v26 =	vld.idx.msk [tilespmem:v53+s0+$0x0], $0xffff  }
0x6c4: {  	v55 =	vadd.s32 v1, v9;
	v21 =	vld.idx.msk [tilespmem:v18+s0+$0x0], $0xffff;
	[tilespmem:s3+$0x10DB0] =	vst v17  }
0x6c5: {  	v56 =	vadd.s32 v4, v14;
	[tilespmem:s28+$0x10B80] =	vst v24;
	v18 =	vld [tilespmem:s12+$0x9240]  }
0x6c6: {  	v12 =	vadd.s32 v7, v12;
	v20 =	vld.idx.msk [tilespmem:v20+s0+$0x0], $0xffff;
	[tilespmem:s15+$0x10B80] =	vst v19  }
0x6c7: {  	v19 =	vld.idx.msk [tilespmem:v54+s0+$0x0], $0xffff;
	[tilespmem:s11+$0x10DB0] =	vst v13;
	v13 =	vadd.s32 v4, v10  }
0x6c8: {  	v57 =	vadd.s32 v5, v15;
	v17 =	vld [tilespmem:s6+$0x9240];
	[tilespmem:s22+$0x10A70] =	vst v23  }
0x6c9: {  	[tilespmem:s31+$0x10B80] =	vst v26;
	v23 =	vadd.s32 v5, v16;
	v58 =	vld.idx.msk [tilespmem:v55+s0+$0x0], $0xffff  }
0x6ca: {  	[tilespmem:s16+$0x10D30] =	vst v21;
	v26 =	vld.idx.msk [tilespmem:v56+s0+$0x0], $0xffff;
	v21 =	vadd.s32 v0, v18  }
0x6cb: {  	[tilespmem:s19+$0x10BE0] =	vst v22;
	v22 =	vadd.s32 v2, v9;
	v12 =	vld.idx.msk [tilespmem:v12+s0+$0x0], $0xffff  }
0x6cc: {  	v59 =	vadd.s32 v5, v14;
	[tilespmem:s28+$0x10C00] =	vst v20;
	v20 =	vld.idx.msk [tilespmem:v13+s0+$0x0], $0xffff  }
0x6cd: {  	v13 =	vld.idx.msk [tilespmem:v57+s0+$0x0], $0xffff;
	[tilespmem:s15+$0x10C00] =	vst v19  }
0x6ce: {  	v19 =	vadd.s32 v0, v17;
	v23 =	vld.idx.msk [tilespmem:v23+s0+$0x0], $0xffff  }
0x6cf: {  	v60 =	vadd.s32 v6, v15;
	[tilespmem:s22+$0x10AF0] =	vst v58;
	v21 =	vld.idx.msk [tilespmem:v21+s0+$0x0], $0xffff  }
0x6d0: {  	v61 =	vadd.s32 v6, v16;
	[tilespmem:s31+$0x10C00] =	vst v26;
	v22 =	vld.idx.msk [tilespmem:v22+s0+$0x0], $0xffff  }
0x6d1: {  	v62 =	vadd.s32 v1, v18;
	[tilespmem:s16+$0x10DB0] =	vst v12;
	v26 =	vld.idx.msk [tilespmem:v59+s0+$0x0], $0xffff  }
0x6d2: {  	v63 =	vadd.s32 v6, v14;
	[tilespmem:s28+$0x10C80] =	vst v13;
	v13 =	vld [tilespmem:s26+$0x9240]  }
0x6d3: {  	[tilespmem:s2+$0x10C60] =	vst v11;
	v12 =	vld.idx.msk [tilespmem:v19+s0+$0x0], $0xffff;
	v19 =	vadd.s32 v3, v9  }
0x6d4: {  	v24 =	vld.idx.msk [tilespmem:v60+s0+$0x0], $0xffff;
	[tilespmem:s15+$0x10C80] =	vst v23;
	v23 =	vadd.s32 v1, v17  }
0x6d5: {  	v15 =	vadd.s32 v7, v15;
	v25 =	vld.idx.msk [tilespmem:v61+s0+$0x0], $0xffff;
	[tilespmem:s3+$0x10A40] =	vst v21  }
0x6d6: {  	v21 =	vadd.s32 v5, v10;
	[tilespmem:s31+$0x10C80] =	vst v26;
	v27 =	vld.idx.msk [tilespmem:v62+s0+$0x0], $0xffff  }
0x6d7: {  	v16 =	vadd.s32 v7, v16;
	[tilespmem:s22+$0x10B70] =	vst v22;
	v22 =	vld.idx.msk [tilespmem:v63+s0+$0x0], $0xffff  }
0x6d8: {  	v28 =	vadd.s32 v2, v18;
	v19 =	vld.idx.msk [tilespmem:v19+s0+$0x0], $0xffff;
	[tilespmem:s11+$0x10A40] =	vst v12  }
0x6d9: {  	v29 =	vadd.s32 v0, v13;
	[tilespmem:s28+$0x10D00] =	vst v24;
	v12 =	vld.idx.msk [tilespmem:v23+s0+$0x0], $0xffff  }
0x6da: {  	[tilespmem:s19+$0x10C60] =	vst v20;
	v20 =	vadd.s32 v4, v9;
	v15 =	vld.idx.msk [tilespmem:v15+s0+$0x0], $0xffff  }
0x6db: {  	v14 =	vadd.s32 v7, v14;
	[tilespmem:s15+$0x10D00] =	vst v25;
	v21 =	vld.idx.msk [tilespmem:v21+s0+$0x0], $0xffff  }
0x6dc: {  	v23 =	vadd.s32 v2, v17;
	v16 =	vld.idx.msk [tilespmem:v16+s0+$0x0], $0xffff;
	[tilespmem:s3+$0x10AC0] =	vst v27  }
0x6dd: {  	[tilespmem:s31+$0x10D00] =	vst v22;
	v30 =	vld.idx.msk [tilespmem:v28+s0+$0x0], $0xffff  }
0x6de: {  	v24 =	vld.idx.msk [tilespmem:v29+s0+$0x0], $0xffff;
	[tilespmem:s22+$0x10BF0] =	vst v19  }
0x6df: {  	v11 =	vadd.s32 v6, v10;
	v19 =	vld.idx.msk [tilespmem:v20+s0+$0x0], $0xffff;
	[tilespmem:s11+$0x10AC0] =	vst v12  }
0x6e0: {  	v22 =	vadd.s32 v3, v18;
	v20 =	vld.idx.msk [tilespmem:v14+s0+$0x0], $0xffff;
	[tilespmem:s28+$0x10D80] =	vst v15  }
0x6e1: {  	v23 =	vld.idx.msk [tilespmem:v23+s0+$0x0], $0xffff;
	[tilespmem:s15+$0x10D80] =	vst v16  }
0x6e2: {  	v33 =	vadd.s32 v1, v13;
	v14 =	vld [tilespmem:s17+$0x9210];
	[tilespmem:s19+$0x10CE0] =	vst v21  }
0x6e3: {  	v12 =	vadd.s32 v5, v8;
	v15 =	vld [tilespmem:s10+$0x9210];
	[tilespmem:s3+$0x10B40] =	vst v30  }
0x6e4: {  	v32 =	vadd.s32 v3, v17;
	v11 =	vld.idx.msk [tilespmem:v11+s0+$0x0], $0xffff;
	[tilespmem:s16+$0x10A40] =	vst v24  }
0x6e5: {  	v31 =	vadd.s32 v5, v9;
	v22 =	vld.idx.msk [tilespmem:v22+s0+$0x0], $0xffff;
	[tilespmem:s31+$0x10D80] =	vst v20  }
0x6e6: {  	[tilespmem:s22+$0x10C70] =	vst v19;
	v19 =	vadd.s32 v4, v18;
	v16 =	vld [tilespmem:s18+$0x9210]  }
0x6e7: {  	v21 =	vld.idx.msk [tilespmem:v33+s0+$0x0], $0xffff;
	[tilespmem:s11+$0x10B40] =	vst v23;
	v23 =	vadd.s32 v0, v14  }
0x6e8: {  	v37 =	vadd.s32 v2, v13;
	v12 =	vld.idx.msk [tilespmem:v12+s0+$0x0], $0xffff  }
0x6e9: {  	v34 =	vld.idx.msk [tilespmem:v32+s0+$0x0], $0xffff;
	v35 =	vadd.s32 v0, v15  }
0x6ea: {  	v36 =	vadd.s32 v4, v17;
	v20 =	vld.idx.msk [tilespmem:v31+s0+$0x0], $0xffff;
	[tilespmem:s3+$0x10BC0] =	vst v22  }
0x6eb: {  	v19 =	vld.idx.msk [tilespmem:v19+s0+$0x0], $0xffff;
	v22 =	vadd.s32 v0, v16  }
0x6ec: {  	v38 =	vadd.s32 v5, v18;
	[tilespmem:s16+$0x10AC0] =	vst v21;
	v23 =	vld.idx.msk [tilespmem:v23+s0+$0x0], $0xffff  }
0x6ed: {  	v10 =	vadd.s32 v7, v10;
	v27 =	vld.idx.msk [tilespmem:v37+s0+$0x0], $0xffff  }
0x6ee: {  	v39 =	vadd.s32 v1, v14;
	v26 =	vld.idx.msk [tilespmem:v35+s0+$0x0], $0xffff;
	[tilespmem:s11+$0x10BC0] =	vst v34  }
0x6ef: {  	v40 =	vadd.s32 v1, v15;
	[tilespmem:s19+$0x10D60] =	vst v11;
	v25 =	vld.idx.msk [tilespmem:v36+s0+$0x0], $0xffff  }
0x6f0: {  	[tilespmem:s3+$0x10C40] =	vst v19;
	v21 =	vld.idx.msk [tilespmem:v22+s0+$0x0], $0xffff;
	v22 =	vadd.s32 v5, v17  }
0x6f1: {  	v41 =	vadd.s32 v3, v13;
	[tilespmem:s28+$0x10A10] =	vst v23;
	v23 =	vld.idx.msk [tilespmem:v38+s0+$0x0], $0xffff  }
0x6f2: {  	v10 =	vld.idx.msk [tilespmem:v10+s0+$0x0], $0xffff;
	v19 =	vadd.s32 v1, v16;
	[tilespmem:s16+$0x10B40] =	vst v27  }
0x6f3: {  	v42 =	vadd.s32 v6, v18;
	v24 =	vld.idx.msk [tilespmem:v39+s0+$0x0], $0xffff;
	[tilespmem:s15+$0x10A10] =	vst v26  }
0x6f4: {  	v43 =	vadd.s32 v2, v14;
	v29 =	vld.idx.msk [tilespmem:v40+s0+$0x0], $0xffff;
	[tilespmem:s11+$0x10C40] =	vst v25  }
0x6f5: {  	v22 =	vld.idx.msk [tilespmem:v22+s0+$0x0], $0xffff;
	[tilespmem:s31+$0x10A10] =	vst v21;
	v21 =	vadd.s32 v2, v15  }
0x6f6: {  	v44 =	vadd.s32 v6, v17;
	[tilespmem:s3+$0x10CC0] =	vst v23;
	v23 =	vld.idx.msk [tilespmem:v41+s0+$0x0], $0xffff  }
0x6f7: {  	v46 =	vadd.s32 v4, v13;
	[tilespmem:s22+$0x10CF0] =	vst v20;
	v19 =	vld.idx.msk [tilespmem:v19+s0+$0x0], $0xffff  }
0x6f8: {  	v45 =	vadd.s32 v2, v16;
	[tilespmem:s28+$0x10A90] =	vst v24;
	v26 =	vld.idx.msk [tilespmem:v42+s0+$0x0], $0xffff  }
0x6f9: {  	v18 =	vadd.s32 v7, v18;
	v25 =	vld.idx.msk [tilespmem:v43+s0+$0x0], $0xffff;
	[tilespmem:s15+$0x10A90] =	vst v29  }
0x6fa: {  	v11 =	vadd.s32 v3, v14;
	v21 =	vld.idx.msk [tilespmem:v21+s0+$0x0], $0xffff;
	[tilespmem:s11+$0x10CC0] =	vst v22  }
0x6fb: {  	[tilespmem:s16+$0x10BC0] =	vst v23;
	v22 =	vld.idx.msk [tilespmem:v44+s0+$0x0], $0xffff  }
0x6fc: {  	[tilespmem:s31+$0x10A90] =	vst v19;
	v19 =	vadd.s32 v3, v15;
	v23 =	vld.idx.msk [tilespmem:v46+s0+$0x0], $0xffff  }
0x6fd: {  	v17 =	vadd.s32 v7, v17;
	[tilespmem:s3+$0x10D40] =	vst v26;
	v24 =	vld.idx.msk [tilespmem:v45+s0+$0x0], $0xffff  }
0x6fe: {  	v47 =	vadd.s32 v3, v16;
	[tilespmem:s28+$0x10B10] =	vst v25;
	v18 =	vld.idx.msk [tilespmem:v18+s0+$0x0], $0xffff  }
0x6ff: {  	[tilespmem:s19+$0x10DE0] =	vst v10;
	v25 =	vld.idx.msk [tilespmem:v11+s0+$0x0], $0xffff  }
0x700: {  	v11 =	vld [tilespmem:s14+$0x9270];
	[tilespmem:s15+$0x10B10] =	vst v21;
	v21 =	vadd.s32 v5, v13  }
0x701: {  	v19 =	vld.idx.msk [tilespmem:v19+s0+$0x0], $0xffff;
	[tilespmem:s11+$0x10D40] =	vst v22;
	v22 =	vadd.s32 v4, v14  }
0x702: {  	v48 =	vadd.s32 v4, v15;
	v17 =	vld.idx.msk [tilespmem:v17+s0+$0x0], $0xffff;
	[tilespmem:s31+$0x10B10] =	vst v24  }
0x703: {  	[tilespmem:s3+$0x10DC0] =	vst v18;
	v26 =	vld.idx.msk [tilespmem:v47+s0+$0x0], $0xffff  }
0x704: {  	[tilespmem:s16+$0x10C40] =	vst v23;
	v23 =	vadd.s32 v6, v9;
	v18 =	vld [tilespmem:s12+$0x9250]  }
0x705: {  	v49 =	vadd.s32 v4, v16;
	[tilespmem:s28+$0x10B90] =	vst v25;
	v21 =	vld.idx.msk [tilespmem:v21+s0+$0x0], $0xffff  }
0x706: {  	v50 =	vadd.s32 v6, v13;
	v22 =	vld.idx.msk [tilespmem:v22+s0+$0x0], $0xffff;
	[tilespmem:s15+$0x10B90] =	vst v19  }
0x707: {  	v20 =	vadd.s32 v5, v14;
	[tilespmem:s11+$0x10DC0] =	vst v17;
	v19 =	vld.idx.msk [tilespmem:v48+s0+$0x0], $0xffff  }
0x708: {  	v17 =	vadd.s32 v0, v11;
	v10 =	vld [tilespmem:s6+$0x9250]  }
0x709: {  	v51 =	vadd.s32 v5, v15;
	v23 =	vld.idx.msk [tilespmem:v23+s0+$0x0], $0xffff;
	[tilespmem:s31+$0x10B90] =	vst v26  }
0x70a: {  	v26 =	vld.idx.msk [tilespmem:v49+s0+$0x0], $0xffff;
	[tilespmem:s16+$0x10CC0] =	vst v21;
	v21 =	vadd.s32 v0, v18  }
0x70b: {  	v52 =	vadd.s32 v5, v16;
	v25 =	vld.idx.msk [tilespmem:v50+s0+$0x0], $0xffff;
	[tilespmem:s28+$0x10C10] =	vst v22  }
0x70c: {  	v13 =	vadd.s32 v7, v13;
	v20 =	vld.idx.msk [tilespmem:v20+s0+$0x0], $0xffff  }
0x70d: {  	v17 =	vld.idx.msk [tilespmem:v17+s0+$0x0], $0xffff;
	[tilespmem:s15+$0x10C10] =	vst v19;
	v22 =	vadd.s32 v0, v10  }
0x70e: {  	v53 =	vadd.s32 v6, v14;
	v19 =	vld.idx.msk [tilespmem:v51+s0+$0x0], $0xffff  }
0x70f: {  	v54 =	vadd.s32 v6, v15;
	[tilespmem:s31+$0x10C10] =	vst v26;
	v21 =	vld.idx.msk [tilespmem:v21+s0+$0x0], $0xffff  }
0x710: {  	v55 =	vadd.s32 v1, v18;
	v27 =	vld.idx.msk [tilespmem:v52+s0+$0x0], $0xffff;
	[tilespmem:s16+$0x10D40] =	vst v25  }
0x711: {  	[tilespmem:s28+$0x10C90] =	vst v20;
	v20 =	vadd.s32 v6, v16;
	v13 =	vld.idx.msk [tilespmem:v13+s0+$0x0], $0xffff  }
0x712: {  	[tilespmem:s19+$0x10A70] =	vst v17;
	v22 =	vld.idx.msk [tilespmem:v22+s0+$0x0], $0xffff  }
0x713: {  	v24 =	vld.idx.msk [tilespmem:v53+s0+$0x0], $0xffff;
	[tilespmem:s15+$0x10C90] =	vst v19;
	v19 =	vadd.s32 v1, v10  }
0x714: {  	v14 =	vadd.s32 v7, v14;
	v26 =	vld.idx.msk [tilespmem:v54+s0+$0x0], $0xffff;
	[tilespmem:s3+$0x10A50] =	vst v21  }
0x715: {  	v15 =	vadd.s32 v7, v15;
	[tilespmem:s31+$0x10C90] =	vst v27;
	v17 =	vld.idx.msk [tilespmem:v55+s0+$0x0], $0xffff  }
0x716: {  	v56 =	vadd.s32 v1, v11;
	v20 =	vld.idx.msk [tilespmem:v20+s0+$0x0], $0xffff;
	[tilespmem:s16+$0x10DC0] =	vst v13  }
0x717: {  	v57 =	vadd.s32 v2, v18;
	[tilespmem:s11+$0x10A50] =	vst v22;
	v13 =	vld [tilespmem:s26+$0x9250]  }
0x718: {  	v16 =	vadd.s32 v7, v16;
	[tilespmem:s28+$0x10D10] =	vst v24;
	v19 =	vld.idx.msk [tilespmem:v19+s0+$0x0], $0xffff  }
0x719: {  	v22 =	vadd.s32 v2, v10;
	v14 =	vld.idx.msk [tilespmem:v14+s0+$0x0], $0xffff;
	[tilespmem:s15+$0x10D10] =	vst v26  }
0x71a: {  	v15 =	vld.idx.msk [tilespmem:v15+s0+$0x0], $0xffff  }
0x71b: {  	v21 =	vld.idx.msk [tilespmem:v56+s0+$0x0], $0xffff;
	[tilespmem:s3+$0x10AD0] =	vst v17  }
0x71c: {  	v17 =	vadd.s32 v2, v11;
	v58 =	vld.idx.msk [tilespmem:v57+s0+$0x0], $0xffff;
	[tilespmem:s31+$0x10D10] =	vst v20  }
0x71d: {  	v20 =	vadd.s32 v3, v18;
	v16 =	vld.idx.msk [tilespmem:v16+s0+$0x0], $0xffff;
	[tilespmem:s11+$0x10AD0] =	vst v19  }
0x71e: {  	v60 =	vadd.s32 v0, v13;
	[tilespmem:s28+$0x10D90] =	vst v14;
	v19 =	vld.idx.msk [tilespmem:v22+s0+$0x0], $0xffff  }
0x71f: {  	v22 =	vadd.s32 v7, v9;
	v9 =	vld [tilespmem:s17+$0x9220];
	[tilespmem:s15+$0x10D90] =	vst v15  }
0x720: {  	[tilespmem:s19+$0x10AF0] =	vst v21;
	v14 =	vld [tilespmem:s10+$0x9220]  }
0x721: {  	v21 =	vadd.s32 v3, v10;
	v59 =	vld.idx.msk [tilespmem:v17+s0+$0x0], $0xffff;
	[tilespmem:s3+$0x10B50] =	vst v58  }
0x722: {  	v61 =	vadd.s32 v3, v11;
	[tilespmem:s22+$0x10D70] =	vst v23;
	v20 =	vld.idx.msk [tilespmem:v20+s0+$0x0], $0xffff  }
0x723: {  	[tilespmem:s31+$0x10D90] =	vst v16;
	v16 =	vadd.s32 v4, v18;
	v23 =	vld.idx.msk [tilespmem:v60+s0+$0x0], $0xffff  }
0x724: {  	v32 =	vadd.s32 v1, v13;
	v17 =	vld [tilespmem:s18+$0x9220]  }
0x725: {  	v15 =	vld.idx.msk [tilespmem:v22+s0+$0x0], $0xffff;
	[tilespmem:s11+$0x10B50] =	vst v19;
	v19 =	vadd.s32 v0, v9  }
0x726: {  	v21 =	vld.idx.msk [tilespmem:v21+s0+$0x0], $0xffff;
	v22 =	vadd.s32 v0, v14;
	[tilespmem:s19+$0x10B70] =	vst v59  }
0x727: {  	v62 =	vadd.s32 v4, v10;
	v24 =	vld.idx.msk [tilespmem:v61+s0+$0x0], $0xffff;
	[tilespmem:s3+$0x10BD0] =	vst v20  }
0x728: {  	v20 =	vadd.s32 v6, v8;
	[tilespmem:s16+$0x10A50] =	vst v23;
	v16 =	vld.idx.msk [tilespmem:v16+s0+$0x0], $0xffff  }
0x729: {  	v63 =	vadd.s32 v0, v17;
	v27 =	vld.idx.msk [tilespmem:v32+s0+$0x0], $0xffff  }
0x72a: {  	[tilespmem:s2+$0x10CE0] =	vst v12;
	v33 =	vadd.s32 v5, v18;
	v19 =	vld.idx.msk [tilespmem:v19+s0+$0x0], $0xffff  }
0x72b: {  	v12 =	vadd.s32 v1, v9;
	v22 =	vld.idx.msk [tilespmem:v22+s0+$0x0], $0xffff;
	[tilespmem:s11+$0x10BD0] =	vst v21  }
0x72c: {  	v34 =	vadd.s32 v1, v14;
	v21 =	vld.idx.msk [tilespmem:v62+s0+$0x0], $0xffff  }
0x72d: {  	v35 =	vadd.s32 v5, v10;
	v20 =	vld.idx.msk [tilespmem:v20+s0+$0x0], $0xffff  }
0x72e: {  	v8 =	vadd.s32 v7, v8;
	v23 =	vld.idx.msk [tilespmem:v63+s0+$0x0], $0xffff;
	[tilespmem:s3+$0x10C50] =	vst v16  }
0x72f: {  	v16 =	vadd.s32 v1, v17;
	[tilespmem:s28+$0x10A20] =	vst v19;
	v19 =	vld.idx.msk [tilespmem:v33+s0+$0x0], $0xffff  }
0x730: {  	v12 =	vld.idx.msk [tilespmem:v12+s0+$0x0], $0xffff;
	[tilespmem:s15+$0x10A20] =	vst v22;
	v22 =	vadd.s32 v2, v13  }
0x731: {  	v36 =	vadd.s32 v6, v18;
	v25 =	vld.idx.msk [tilespmem:v34+s0+$0x0], $0xffff;
	[tilespmem:s11+$0x10C50] =	vst v21  }
0x732: {  	v21 =	vadd.s32 v2, v9;
	v26 =	vld.idx.msk [tilespmem:v35+s0+$0x0], $0xffff;
	[tilespmem:s2+$0x10D60] =	vst v20  }
0x733: {  	v20 =	vadd.s32 v6, v10;
	[tilespmem:s31+$0x10A20] =	vst v23;
	v8 =	vld.idx.msk [tilespmem:v8+s0+$0x0], $0xffff  }
0x734: {  	[tilespmem:s16+$0x10AD0] =	vst v27;
	v23 =	vld.idx.msk [tilespmem:v16+s0+$0x0], $0xffff  }
0x735: {  	v37 =	vadd.s32 v2, v14;
	[tilespmem:s3+$0x10CD0] =	vst v19;
	v22 =	vld.idx.msk [tilespmem:v22+s0+$0x0], $0xffff  }
0x736: {  	v19 =	vadd.s32 v2, v17;
	[tilespmem:s28+$0x10AA0] =	vst v12;
	v12 =	vld.idx.msk [tilespmem:v36+s0+$0x0], $0xffff  }
0x737: {  	v38 =	vadd.s32 v3, v13;
	v21 =	vld.idx.msk [tilespmem:v21+s0+$0x0], $0xffff;
	[tilespmem:s11+$0x10CD0] =	vst v26  }
0x738: {  	v18 =	vadd.s32 v7, v18;
	v20 =	vld.idx.msk [tilespmem:v20+s0+$0x0], $0xffff;
	[tilespmem:s2+$0x10DE0] =	vst v8  }
0x739: {  	[tilespmem:s15+$0x10AA0] =	vst v25;
	v8 =	vadd.s32 v3, v9;
	v16 =	vld [tilespmem:s25+$0x9270]  }
0x73a: {  	v10 =	vadd.s32 v7, v10;
	v25 =	vld.idx.msk [tilespmem:v37+s0+$0x0], $0xffff;
	[tilespmem:s31+$0x10AA0] =	vst v23  }
0x73b: {  	v23 =	vadd.s32 v3, v14;
	v19 =	vld.idx.msk [tilespmem:v19+s0+$0x0], $0xffff;
	[tilespmem:s16+$0x10B50] =	vst v22  }
0x73c: {  	v39 =	vadd.s32 v3, v17;
	[tilespmem:s3+$0x10D50] =	vst v12;
	v22 =	vld.idx.msk [tilespmem:v38+s0+$0x0], $0xffff  }
0x73d: {  	v40 =	vadd.s32 v4, v13;
	[tilespmem:s28+$0x10B20] =	vst v21;
	v18 =	vld.idx.msk [tilespmem:v18+s0+$0x0], $0xffff  }
0x73e: {  	v8 =	vld.idx.msk [tilespmem:v8+s0+$0x0], $0xffff;
	[tilespmem:s11+$0x10D50] =	vst v20;
	v20 =	vadd.s32 v0, v16  }
0x73f: {  	v21 =	vadd.s32 v4, v9;
	[tilespmem:s15+$0x10B20] =	vst v25;
	v10 =	vld.idx.msk [tilespmem:v10+s0+$0x0], $0xffff  }
0x740: {  	v23 =	vld.idx.msk [tilespmem:v23+s0+$0x0], $0xffff;
	[tilespmem:s31+$0x10B20] =	vst v19  }
0x741: {  	v41 =	vld.idx.msk [tilespmem:v39+s0+$0x0], $0xffff;
	[tilespmem:s16+$0x10BD0] =	vst v22  }
0x742: {  	[tilespmem:s19+$0x10BF0] =	vst v24;
	v19 =	vadd.s32 v4, v14;
	v24 =	vld.idx.msk [tilespmem:v40+s0+$0x0], $0xffff  }
0x743: {  	v42 =	vadd.s32 v4, v17;
	[tilespmem:s28+$0x10BA0] =	vst v8;
	v20 =	vld.idx.msk [tilespmem:v20+s0+$0x0], $0xffff  }
0x744: {  	v12 =	vadd.s32 v4, v11;
	[tilespmem:s3+$0x10DD0] =	vst v18;
	v21 =	vld.idx.msk [tilespmem:v21+s0+$0x0], $0xffff  }
0x745: {  	v18 =	vadd.s32 v5, v13;
	[tilespmem:s11+$0x10DD0] =	vst v10;
	v10 =	vld [tilespmem:s12+$0x9260]  }
0x746: {  	[tilespmem:s15+$0x10BA0] =	vst v23;
	v23 =	vadd.s32 v1, v16;
	v8 =	vld [tilespmem:s6+$0x9260]  }
0x747: {  	v22 =	vadd.s32 v5, v9;
	v19 =	vld.idx.msk [tilespmem:v19+s0+$0x0], $0xffff;
	[tilespmem:s31+$0x10BA0] =	vst v41  }
0x748: {  	v43 =	vadd.s32 v5, v14;
	v26 =	vld.idx.msk [tilespmem:v42+s0+$0x0], $0xffff;
	[tilespmem:s16+$0x10C50] =	vst v24  }
0x749: {  	v12 =	vld.idx.msk [tilespmem:v12+s0+$0x0], $0xffff;
	[tilespmem:s2+$0x10A70] =	vst v20;
	v20 =	vadd.s32 v5, v17  }
0x74a: {  	v18 =	vld.idx.msk [tilespmem:v18+s0+$0x0], $0xffff;
	v47 =	vadd.s32 v0, v10  }
0x74b: {  	[tilespmem:s28+$0x10C20] =	vst v21;
	v21 =	vld.idx.msk [tilespmem:v23+s0+$0x0], $0xffff;
	v23 =	vadd.s32 v0, v8  }
0x74c: {  	v22 =	vld.idx.msk [tilespmem:v22+s0+$0x0], $0xffff;
	[tilespmem:s15+$0x10C20] =	vst v19;
	v19 =	vadd.s32 v2, v16  }
0x74d: {  	v45 =	vadd.s32 v6, v9;
	v44 =	vld.idx.msk [tilespmem:v43+s0+$0x0], $0xffff;
	[tilespmem:s31+$0x10C20] =	vst v26  }
0x74e: {  	v46 =	vadd.s32 v6, v14;
	v20 =	vld.idx.msk [tilespmem:v20+s0+$0x0], $0xffff  }
0x74f: {  	v48 =	vadd.s32 v6, v13;
	[tilespmem:s16+$0x10CD0] =	vst v18;
	v18 =	vld.idx.msk [tilespmem:v47+s0+$0x0], $0xffff  }
0x750: {  	v23 =	vld.idx.msk [tilespmem:v23+s0+$0x0], $0xffff;
	[tilespmem:s2+$0x10AF0] =	vst v21;
	v21 =	vadd.s32 v6, v17  }
0x751: {  	v49 =	vadd.s32 v1, v8;
	[tilespmem:s28+$0x10CA0] =	vst v22;
	v19 =	vld.idx.msk [tilespmem:v19+s0+$0x0], $0xffff  }
0x752: {  	v51 =	vadd.s32 v3, v16;
	v22 =	vld.idx.msk [tilespmem:v45+s0+$0x0], $0xffff;
	[tilespmem:s15+$0x10CA0] =	vst v44  }
0x753: {  	v9 =	vadd.s32 v7, v9;
	v50 =	vld.idx.msk [tilespmem:v46+s0+$0x0], $0xffff  }
0x754: {  	v14 =	vadd.s32 v7, v14;
	[tilespmem:s31+$0x10CA0] =	vst v20;
	v20 =	vld.idx.msk [tilespmem:v48+s0+$0x0], $0xffff  }
0x755: {  	v52 =	vadd.s32 v1, v10;
	v21 =	vld.idx.msk [tilespmem:v21+s0+$0x0], $0xffff;
	[tilespmem:s11+$0x10A60] =	vst v23  }
0x756: {  	v13 =	vadd.s32 v7, v13;
	v23 =	vld.idx.msk [tilespmem:v49+s0+$0x0], $0xffff;
	[tilespmem:s2+$0x10B70] =	vst v19  }
0x757: {  	v17 =	vadd.s32 v7, v17;
	[tilespmem:s28+$0x10D20] =	vst v22;
	v19 =	vld.idx.msk [tilespmem:v51+s0+$0x0], $0xffff  }
0x758: {  	v22 =	vadd.s32 v2, v8;
	v9 =	vld.idx.msk [tilespmem:v9+s0+$0x0], $0xffff;
	[tilespmem:s15+$0x10D20] =	vst v50  }
0x759: {  	[tilespmem:s3+$0x10A60] =	vst v18;
	v53 =	vld.idx.msk [tilespmem:v14+s0+$0x0], $0xffff;
	v14 =	vadd.s32 v4, v16  }
0x75a: {  	v18 =	vld.idx.msk [tilespmem:v52+s0+$0x0], $0xffff;
	[tilespmem:s16+$0x10D50] =	vst v20  }
0x75b: {  	[tilespmem:s31+$0x10D20] =	vst v21;
	v20 =	vld.idx.msk [tilespmem:v13+s0+$0x0], $0xffff  }
0x75c: {  	v21 =	vadd.s32 v5, v11;
	v17 =	vld.idx.msk [tilespmem:v17+s0+$0x0], $0xffff;
	[tilespmem:s11+$0x10AE0] =	vst v23  }
0x75d: {  	v23 =	vadd.s32 v2, v10;
	v22 =	vld.idx.msk [tilespmem:v22+s0+$0x0], $0xffff;
	[tilespmem:s2+$0x10BF0] =	vst v19  }
0x75e: {  	[tilespmem:s28+$0x10DA0] =	vst v9;
	v19 =	vld.idx.msk [tilespmem:v14+s0+$0x0], $0xffff  }
0x75f: {  	v14 =	vld [tilespmem:s17+$0x9230];
	[tilespmem:s15+$0x10DA0] =	vst v53  }
0x760: {  	[tilespmem:s19+$0x10C70] =	vst v12;
	v54 =	vadd.s32 v3, v8;
	v13 =	vld [tilespmem:s10+$0x9230]  }
0x761: {  	[tilespmem:s3+$0x10AE0] =	vst v18;
	v18 =	vadd.s32 v5, v16;
	v21 =	vld.idx.msk [tilespmem:v21+s0+$0x0], $0xffff  }
0x762: {  	v55 =	vadd.s32 v6, v11;
	[tilespmem:s16+$0x10DD0] =	vst v20;
	v23 =	vld.idx.msk [tilespmem:v23+s0+$0x0], $0xffff  }
0x763: {  	[tilespmem:s31+$0x10DA0] =	vst v17;
	v17 =	vadd.s32 v3, v10;
	v9 =	vld [tilespmem:s26+$0x9260]  }
0x764: {  	v12 =	vld [tilespmem:s18+$0x9230];
	[tilespmem:s11+$0x10B60] =	vst v22;
	v20 =	vadd.s32 v0, v14  }
0x765: {  	v22 =	vld.idx.msk [tilespmem:v54+s0+$0x0], $0xffff;
	[tilespmem:s2+$0x10C70] =	vst v19;
	v19 =	vadd.s32 v0, v13  }
0x766: {  	v18 =	vld.idx.msk [tilespmem:v18+s0+$0x0], $0xffff;
	[tilespmem:s19+$0x10CF0] =	vst v21;
	v21 =	vadd.s32 v4, v8  }
0x767: {  	v56 =	vld.idx.msk [tilespmem:v55+s0+$0x0], $0xffff;
	[tilespmem:s3+$0x10B60] =	vst v23;
	v23 =	vadd.s32 v6, v16  }
0x768: {  	v58 =	vadd.s32 v0, v9;
	v17 =	vld.idx.msk [tilespmem:v17+s0+$0x0], $0xffff  }
0x769: {  	v57 =	vadd.s32 v0, v12;
	v20 =	vld.idx.msk [tilespmem:v20+s0+$0x0], $0xffff  }
0x76a: {  	v59 =	vadd.s32 v4, v10;
	[tilespmem:s11+$0x10BE0] =	vst v22;
	v19 =	vld.idx.msk [tilespmem:v19+s0+$0x0], $0xffff  }
0x76b: {  	v22 =	vadd.s32 v1, v14;
	[tilespmem:s2+$0x10CF0] =	vst v18;
	v21 =	vld.idx.msk [tilespmem:v21+s0+$0x0], $0xffff  }
0x76c: {  	[tilespmem:s22+$0x10DF0] =	vst v15;
	v15 =	vadd.s32 v1, v13;
	v18 =	vld.idx.msk [tilespmem:v23+s0+$0x0], $0xffff  }
0x76d: {  	v11 =	vadd.s32 v7, v11;
	[tilespmem:s19+$0x10D70] =	vst v56;
	v60 =	vld.idx.msk [tilespmem:v58+s0+$0x0], $0xffff  }
0x76e: {  	v16 =	vadd.s32 v7, v16;
	v23 =	vld.idx.msk [tilespmem:v57+s0+$0x0], $0xffff;
	[tilespmem:s3+$0x10BE0] =	vst v17  }
0x76f: {  	v17 =	vadd.s32 v1, v12;
	[tilespmem:s28+$0x10A30] =	vst v20;
	v20 =	vld.idx.msk [tilespmem:v59+s0+$0x0], $0xffff  }
0x770: {  	v22 =	vld.idx.msk [tilespmem:v22+s0+$0x0], $0xffff;
	[tilespmem:s15+$0x10A30] =	vst v19;
	v19 =	vadd.s32 v1, v9  }
0x771: {  	v61 =	vld.idx.msk [tilespmem:v15+s0+$0x0], $0xffff;
	v15 =	vadd.s32 v5, v10;
	[tilespmem:s11+$0x10C60] =	vst v21  }
0x772: {  	v62 =	vadd.s32 v2, v14;
	v63 =	vld.idx.msk [tilespmem:v11+s0+$0x0], $0xffff;
	[tilespmem:s2+$0x10D70] =	vst v18  }
0x773: {  	[tilespmem:s31+$0x10A30] =	vst v23;
	v23 =	vadd.s32 v2, v13;
	v11 =	vld.idx.msk [tilespmem:v16+s0+$0x0], $0xffff  }
0x774: {  	[tilespmem:s16+$0x10A60] =	vst v60;
	v21 =	vld.idx.msk [tilespmem:v17+s0+$0x0], $0xffff  }
0x775: {  	v16 =	vadd.s32 v5, v8;
	[tilespmem:s3+$0x10C60] =	vst v20;
	v17 =	vld.idx.msk [tilespmem:v19+s0+$0x0], $0xffff  }
0x776: {  	[tilespmem:s28+$0x10AB0] =	vst v22;
	v15 =	vld.idx.msk [tilespmem:v15+s0+$0x0], $0xffff  }
0x777: {  	v19 =	vld.idx.msk [tilespmem:v62+s0+$0x0], $0xffff;
	[tilespmem:s15+$0x10AB0] =	vst v61  }
0x778: {  	s7 =	simm.s32 $0x9;
	v18 =	vadd.s32 v3, v14;
	[tilespmem:s19+$0x10DF0] =	vst v63;
	v20 =	vld.idx.msk [tilespmem:v23+s0+$0x0], $0xffff  }
.LBB2_11:
0x779: {  	s4 =	sshll.u32 s7, $0x7;
	s8 =	sadd.s32 $0x1, s7;
	s5 =	sadd.s32 $0x2, s7  }
0x77a: {  	v22 =	vld.idx.msk [tilespmem:v16+s0+$0x0], $0xffff;
	[tilespmem:s2+$0x10DF0] =	vst v11;
	s14 =	smov.u32 s7;
	s2 =	smov.u32 s11;
	s11 =	smov.u32 s15  }
0x77b: {  	s22 =	sand.u32 $0x3FFFFF80, s4;
	s4 =	sshll.u32 s8, $0x7;
	s15 =	sshll.u32 s5, $0x7;
	[tilespmem:s31+$0x10AB0] =	vst v21;
	v21 =	vadd.s32 v3, v13  }
0x77c: {  	p0 =	slt.u32 s7, $0x15;
	s7 =	sadd.s32 $0x3, s7;
	v11 =	vld [tilespmem:s22+$0x9200];
	s4 =	sand.u32 $0x3FFFFF80, s4;
	[tilespmem:s16+$0x10AE0] =	vst v17;
	v17 =	vadd.s32 v6, v10  }
0x77d: {  	v23 =	vadd.s32 v2, v12;
	s19 =	sand.u32 $0x3FFFFF80, s15;
	v16 =	vld [tilespmem:s4+$0x9200];
	[tilespmem:s3+$0x10CE0] =	vst v15  }
0x77e: {  	v15 =	vld [tilespmem:s19+$0x9200];
	[tilespmem:s28+$0x10B30] =	vst v19;
	v19 =	vadd.s32 v2, v9  }
0x77f: {  	v18 =	vld.idx.msk [tilespmem:v18+s0+$0x0], $0xffff;
	[tilespmem:s11+$0x10B30] =	vst v20  }
0x780: {  	v20 =	vld.idx.msk [tilespmem:v21+s0+$0x0], $0xffff;
	[tilespmem:s2+$0x10CE0] =	vst v22  }
0x781: {  	v21 =	vadd.s32 v4, v14;
	v17 =	vld.idx.msk [tilespmem:v17+s0+$0x0], $0xffff  }
0x782: {  	v22 =	vadd.s32 v0, v16;
	v23 =	vld.idx.msk [tilespmem:v23+s0+$0x0], $0xffff  }
0x783: {  	v24 =	vadd.s32 v0, v15;
	v19 =	vld.idx.msk [tilespmem:v19+s0+$0x0], $0xffff  }
0x784: {  	v25 =	vadd.s32 v4, v13  }
0x785: {  	v10 =	vadd.s32 v7, v10;
	[tilespmem:s28+$0x10BB0] =	vst v18  }
0x786: {  	v18 =	vadd.s32 v0, v11;
	v21 =	vld.idx.msk [tilespmem:v21+s0+$0x0], $0xffff;
	[tilespmem:s11+$0x10BB0] =	vst v20  }
0x787: {  	v20 =	vld.idx.msk [tilespmem:v22+s0+$0x0], $0xffff;
	v22 =	vadd.s32 v3, v12;
	[tilespmem:s3+$0x10D60] =	vst v17  }
0x788: {  	v17 =	vld.idx.msk [tilespmem:v24+s0+$0x0], $0xffff;
	[tilespmem:s31+$0x10B30] =	vst v23;
	v23 =	vadd.s32 v5, v14  }
0x789: {  	v24 =	vadd.s32 v1, v16;
	v25 =	vld.idx.msk [tilespmem:v25+s0+$0x0], $0xffff;
	[tilespmem:s16+$0x10B60] =	vst v19  }
0x78a: {  	v19 =	vadd.s32 v1, v15;
	v10 =	vld.idx.msk [tilespmem:v10+s0+$0x0], $0xffff  }
0x78b: {  	v26 =	vadd.s32 v5, v13;
	s8 =	sshll.u32 s8, $0xA;
	v18 =	vld.idx.msk [tilespmem:v18+s0+$0x0], $0xffff  }
0x78c: {  	s5 =	sshll.u32 s5, $0xA;
	s8 =	sand.u32 $0x3FFFFC00, s8;
	v22 =	vld.idx.msk [tilespmem:v22+s0+$0x0], $0xffff;
	[tilespmem:s28+$0x10C30] =	vst v21  }
0x78d: {  	s15 =	sand.u32 $0x3FFFFC00, s5;
	v21 =	vadd.s32 v1, v11;
	[tilespmem:s8+$0x10A00] =	vst v20;
	v20 =	vld.idx.msk [tilespmem:v23+s0+$0x0], $0xffff  }
0x78e: {  	v23 =	vld.idx.msk [tilespmem:v24+s0+$0x0], $0xffff;
	[tilespmem:s15+$0x10A00] =	vst v17;
	v17 =	vadd.s32 v4, v12  }
0x78f: {  	s5 =	sshll.u32 s14, $0xA;
	v24 =	vadd.s32 v6, v14;
	v19 =	vld.idx.msk [tilespmem:v19+s0+$0x0], $0xffff;
	[tilespmem:s11+$0x10C30] =	vst v25  }
0x790: {  	s14 =	sand.u32 $0x3FFFFC00, s5;
	v25 =	vadd.s32 v2, v16;
	v26 =	vld.idx.msk [tilespmem:v26+s0+$0x0], $0xffff;
	[tilespmem:s3+$0x10DE0] =	vst v10  }
0x791: {  	[tilespmem:s14+$0x10A00] =	vst v18;
	v18 =	vadd.s32 v2, v15;
	v10 =	vld [tilespmem:s12+$0x9270];
	s12 =	smov.u32 s17;
	s17 =	smov.u32 s4  }
0x792: {  	v21 =	vld.idx.msk [tilespmem:v21+s0+$0x0], $0xffff;
	[tilespmem:s31+$0x10BB0] =	vst v22;
	v22 =	vadd.s32 v6, v13  }
0x793: {  	v17 =	vld.idx.msk [tilespmem:v17+s0+$0x0], $0xffff;
	[tilespmem:s28+$0x10CB0] =	vst v20;
	v20 =	vadd.s32 v3, v9  }
0x794: {  	v27 =	vadd.s32 v2, v11;
	[tilespmem:s8+$0x10A80] =	vst v23;
	v23 =	vld.idx.msk [tilespmem:v24+s0+$0x0], $0xffff  }
0x795: {  	v24 =	vld.idx.msk [tilespmem:v25+s0+$0x0], $0xffff;
	[tilespmem:s15+$0x10A80] =	vst v19;
	v19 =	vadd.s32 v5, v12  }
0x796: {  	v14 =	vadd.s32 v7, v14;
	v18 =	vld.idx.msk [tilespmem:v18+s0+$0x0], $0xffff;
	[tilespmem:s11+$0x10CB0] =	vst v26  }
0x797: {  	v25 =	vadd.s32 v3, v16;
	v22 =	vld.idx.msk [tilespmem:v22+s0+$0x0], $0xffff  }
0x798: {  	[tilespmem:s14+$0x10A80] =	vst v21;
	v21 =	vadd.s32 v3, v15;
	v20 =	vld.idx.msk [tilespmem:v20+s0+$0x0], $0xffff  }
0x799: {  	v13 =	vadd.s32 v7, v13;
	v26 =	vld.idx.msk [tilespmem:v27+s0+$0x0], $0xffff;
	[tilespmem:s31+$0x10C30] =	vst v17  }
0x79a: {  	v17 =	vld.idx.msk [tilespmem:v19+s0+$0x0], $0xffff;
	[tilespmem:s28+$0x10D30] =	vst v23;
	v19 =	vadd.s32 v0, v10  }
0x79b: {  	v23 =	vadd.s32 v3, v11;
	[tilespmem:s8+$0x10B00] =	vst v24;
	v14 =	vld.idx.msk [tilespmem:v14+s0+$0x0], $0xffff  }
0x79c: {  	v24 =	vld.idx.msk [tilespmem:v25+s0+$0x0], $0xffff;
	[tilespmem:s15+$0x10B00] =	vst v18;
	v18 =	vadd.s32 v6, v12  }
0x79d: {  	v21 =	vld.idx.msk [tilespmem:v21+s0+$0x0], $0xffff;
	[tilespmem:s11+$0x10D30] =	vst v22  }
0x79e: {  	v22 =	vadd.s32 v4, v16;
	v13 =	vld.idx.msk [tilespmem:v13+s0+$0x0], $0xffff;
	[tilespmem:s16+$0x10BE0] =	vst v20  }
0x79f: {  	v20 =	vadd.s32 v4, v15;
	[tilespmem:s14+$0x10B00] =	vst v26;
	v19 =	vld.idx.msk [tilespmem:v19+s0+$0x0], $0xffff  }
0x7a0: {  	v23 =	vld.idx.msk [tilespmem:v23+s0+$0x0], $0xffff;
	[tilespmem:s31+$0x10CB0] =	vst v17  }
0x7a1: {  	v18 =	vld.idx.msk [tilespmem:v18+s0+$0x0], $0xffff;
	[tilespmem:s28+$0x10DB0] =	vst v14;
	v14 =	vadd.s32 v1, v10  }
0x7a2: {  	v25 =	vadd.s32 v4, v11;
	[tilespmem:s8+$0x10B80] =	vst v24;
	v17 =	vld [tilespmem:s12+$0x9240]  }
0x7a3: {  	v12 =	vadd.s32 v7, v12;
	v22 =	vld.idx.msk [tilespmem:v22+s0+$0x0], $0xffff;
	[tilespmem:s15+$0x10B80] =	vst v21  }
0x7a4: {  	v21 =	vadd.s32 v4, v9;
	v20 =	vld.idx.msk [tilespmem:v20+s0+$0x0], $0xffff;
	[tilespmem:s11+$0x10DB0] =	vst v13  }
0x7a5: {  	v24 =	vadd.s32 v5, v16;
	v13 =	vld [tilespmem:s10+$0x9240];
	[tilespmem:s3+$0x10A70] =	vst v19  }
0x7a6: {  	v19 =	vadd.s32 v5, v15;
	[tilespmem:s14+$0x10B80] =	vst v23;
	v14 =	vld.idx.msk [tilespmem:v14+s0+$0x0], $0xffff  }
0x7a7: {  	v23 =	vld.idx.msk [tilespmem:v25+s0+$0x0], $0xffff;
	[tilespmem:s31+$0x10D30] =	vst v18;
	v18 =	vadd.s32 v0, v17  }
0x7a8: {  	v25 =	vadd.s32 v2, v10;
	v12 =	vld.idx.msk [tilespmem:v12+s0+$0x0], $0xffff  }
0x7a9: {  	v26 =	vadd.s32 v5, v11;
	[tilespmem:s8+$0x10C00] =	vst v22;
	v21 =	vld.idx.msk [tilespmem:v21+s0+$0x0], $0xffff  }
0x7aa: {  	v22 =	vld.idx.msk [tilespmem:v24+s0+$0x0], $0xffff;
	[tilespmem:s15+$0x10C00] =	vst v20;
	v20 =	vadd.s32 v0, v13  }
0x7ab: {  	v19 =	vld.idx.msk [tilespmem:v19+s0+$0x0], $0xffff  }
0x7ac: {  	v24 =	vadd.s32 v6, v16;
	v18 =	vld.idx.msk [tilespmem:v18+s0+$0x0], $0xffff;
	[tilespmem:s3+$0x10AF0] =	vst v14  }
0x7ad: {  	v14 =	vadd.s32 v6, v15;
	[tilespmem:s14+$0x10C00] =	vst v23;
	v23 =	vld.idx.msk [tilespmem:v25+s0+$0x0], $0xffff  }
0x7ae: {  	v25 =	vld.idx.msk [tilespmem:v26+s0+$0x0], $0xffff;
	[tilespmem:s31+$0x10DB0] =	vst v12;
	v26 =	vadd.s32 v1, v17  }
0x7af: {  	v20 =	vld.idx.msk [tilespmem:v20+s0+$0x0], $0xffff;
	[tilespmem:s16+$0x10C60] =	vst v21;
	v21 =	vadd.s32 v3, v10  }
0x7b0: {  	v27 =	vadd.s32 v6, v11;
	[tilespmem:s8+$0x10C80] =	vst v22;
	v12 =	vld [tilespmem:s18+$0x9240]  }
0x7b1: {  	v22 =	vld.idx.msk [tilespmem:v24+s0+$0x0], $0xffff;
	[tilespmem:s15+$0x10C80] =	vst v19;
	v19 =	vadd.s32 v1, v13  }
0x7b2: {  	v14 =	vld.idx.msk [tilespmem:v14+s0+$0x0], $0xffff;
	[tilespmem:s28+$0x10A40] =	vst v18;
	v18 =	vadd.s32 v5, v9  }
0x7b3: {  	v16 =	vadd.s32 v7, v16;
	v24 =	vld.idx.msk [tilespmem:v26+s0+$0x0], $0xffff;
	[tilespmem:s3+$0x10B70] =	vst v23  }
0x7b4: {  	v15 =	vadd.s32 v7, v15;
	[tilespmem:s14+$0x10C80] =	vst v25;
	v21 =	vld.idx.msk [tilespmem:v21+s0+$0x0], $0xffff  }
0x7b5: {  	v25 =	vadd.s32 v2, v17;
	v23 =	vld.idx.msk [tilespmem:v27+s0+$0x0], $0xffff;
	[tilespmem:s11+$0x10A40] =	vst v20  }
0x7b6: {  	v20 =	vadd.s32 v4, v10;
	v19 =	vld.idx.msk [tilespmem:v19+s0+$0x0], $0xffff  }
0x7b7: {  	v11 =	vadd.s32 v7, v11;
	[tilespmem:s8+$0x10D00] =	vst v22;
	v18 =	vld.idx.msk [tilespmem:v18+s0+$0x0], $0xffff  }
0x7b8: {  	v16 =	vld.idx.msk [tilespmem:v16+s0+$0x0], $0xffff;
	[tilespmem:s15+$0x10D00] =	vst v14;
	v14 =	vadd.s32 v2, v13  }
0x7b9: {  	v22 =	vld.idx.msk [tilespmem:v15+s0+$0x0], $0xffff;
	v15 =	vadd.s32 v0, v12;
	[tilespmem:s28+$0x10AC0] =	vst v24  }
0x7ba: {  	v24 =	vld.idx.msk [tilespmem:v25+s0+$0x0], $0xffff;
	[tilespmem:s3+$0x10BF0] =	vst v21  }
0x7bb: {  	[tilespmem:s14+$0x10D00] =	vst v23;
	v20 =	vld.idx.msk [tilespmem:v20+s0+$0x0], $0xffff  }
0x7bc: {  	v21 =	vadd.s32 v3, v17;
	v11 =	vld.idx.msk [tilespmem:v11+s0+$0x0], $0xffff;
	[tilespmem:s11+$0x10AC0] =	vst v19  }
0x7bd: {  	v19 =	vld.idx.msk [tilespmem:v14+s0+$0x0], $0xffff;
	[tilespmem:s16+$0x10CE0] =	vst v18;
	v14 =	vadd.s32 v5, v10  }
0x7be: {  	[tilespmem:s8+$0x10D80] =	vst v16;
	v18 =	vld.idx.msk [tilespmem:v15+s0+$0x0], $0xffff  }
0x7bf: {  	v15 =	vld [tilespmem:s17+$0x9210];
	[tilespmem:s15+$0x10D80] =	vst v22;
	v22 =	vadd.s32 v3, v13  }
0x7c0: {  	v23 =	vadd.s32 v1, v12;
	v16 =	vld [tilespmem:s19+$0x9210];
	[tilespmem:s28+$0x10B40] =	vst v24  }
0x7c1: {  	v24 =	vadd.s32 v6, v9;
	v21 =	vld.idx.msk [tilespmem:v21+s0+$0x0], $0xffff;
	[tilespmem:s3+$0x10C70] =	vst v20  }
0x7c2: {  	[tilespmem:s14+$0x10D80] =	vst v11;
	v11 =	vld.idx.msk [tilespmem:v14+s0+$0x0], $0xffff  }
0x7c3: {  	v20 =	vadd.s32 v4, v17;
	v14 =	vld [tilespmem:s22+$0x9210];
	[tilespmem:s11+$0x10B40] =	vst v19  }
0x7c4: {  	v19 =	vadd.s32 v0, v15;
	[tilespmem:s31+$0x10A40] =	vst v18;
	v18 =	vld.idx.msk [tilespmem:v22+s0+$0x0], $0xffff  }
0x7c5: {  	v22 =	vadd.s32 v0, v16;
	v23 =	vld.idx.msk [tilespmem:v23+s0+$0x0], $0xffff  }
0x7c6: {  	v25 =	vadd.s32 v4, v13;
	v24 =	vld.idx.msk [tilespmem:v24+s0+$0x0], $0xffff  }
0x7c7: {  	[tilespmem:s28+$0x10BC0] =	vst v21;
	v21 =	vadd.s32 v6, v10  }
0x7c8: {  	v26 =	vadd.s32 v0, v14;
	v20 =	vld.idx.msk [tilespmem:v20+s0+$0x0], $0xffff;
	[tilespmem:s3+$0x10CF0] =	vst v11  }
0x7c9: {  	v11 =	vld.idx.msk [tilespmem:v19+s0+$0x0], $0xffff;
	v19 =	vadd.s32 v2, v12  }
0x7ca: {  	v27 =	vadd.s32 v5, v17;
	v22 =	vld.idx.msk [tilespmem:v22+s0+$0x0], $0xffff;
	[tilespmem:s11+$0x10BC0] =	vst v18  }
0x7cb: {  	v18 =	vadd.s32 v1, v15;
	[tilespmem:s31+$0x10AC0] =	vst v23;
	v23 =	vld.idx.msk [tilespmem:v25+s0+$0x0], $0xffff  }
0x7cc: {  	v25 =	vadd.s32 v1, v16;
	[tilespmem:s16+$0x10D60] =	vst v24;
	v21 =	vld.idx.msk [tilespmem:v21+s0+$0x0], $0xffff  }
0x7cd: {  	v24 =	vld.idx.msk [tilespmem:v26+s0+$0x0], $0xffff;
	v26 =	vadd.s32 v5, v13  }
0x7ce: {  	v10 =	vadd.s32 v7, v10;
	v19 =	vld.idx.msk [tilespmem:v19+s0+$0x0], $0xffff;
	[tilespmem:s28+$0x10C40] =	vst v20  }
0x7cf: {  	v20 =	vadd.s32 v1, v14;
	[tilespmem:s8+$0x10A10] =	vst v11;
	v11 =	vld.idx.msk [tilespmem:v27+s0+$0x0], $0xffff  }
0x7d0: {  	v18 =	vld.idx.msk [tilespmem:v18+s0+$0x0], $0xffff;
	[tilespmem:s15+$0x10A10] =	vst v22;
	v22 =	vadd.s32 v3, v12  }
0x7d1: {  	v27 =	vadd.s32 v6, v17;
	v25 =	vld.idx.msk [tilespmem:v25+s0+$0x0], $0xffff;
	[tilespmem:s11+$0x10C40] =	vst v23  }
0x7d2: {  	v23 =	vadd.s32 v2, v15;
	v26 =	vld.idx.msk [tilespmem:v26+s0+$0x0], $0xffff;
	[tilespmem:s3+$0x10D70] =	vst v21  }
0x7d3: {  	v21 =	vadd.s32 v2, v16;
	[tilespmem:s14+$0x10A10] =	vst v24;
	v10 =	vld.idx.msk [tilespmem:v10+s0+$0x0], $0xffff  }
0x7d4: {  	v20 =	vld.idx.msk [tilespmem:v20+s0+$0x0], $0xffff;
	[tilespmem:s31+$0x10B40] =	vst v19;
	v19 =	vadd.s32 v6, v13  }
0x7d5: {  	v9 =	vadd.s32 v7, v9;
	v22 =	vld.idx.msk [tilespmem:v22+s0+$0x0], $0xffff;
	[tilespmem:s28+$0x10CC0] =	vst v11  }
0x7d6: {  	v11 =	vadd.s32 v2, v14;
	[tilespmem:s8+$0x10A90] =	vst v18;
	v18 =	vld.idx.msk [tilespmem:v27+s0+$0x0], $0xffff  }
0x7d7: {  	v24 =	vadd.s32 v4, v12;
	v23 =	vld.idx.msk [tilespmem:v23+s0+$0x0], $0xffff;
	[tilespmem:s15+$0x10A90] =	vst v25  }
0x7d8: {  	v17 =	vadd.s32 v7, v17;
	v21 =	vld.idx.msk [tilespmem:v21+s0+$0x0], $0xffff;
	[tilespmem:s11+$0x10CC0] =	vst v26  }
0x7d9: {  	v25 =	vadd.s32 v3, v15;
	v19 =	vld.idx.msk [tilespmem:v19+s0+$0x0], $0xffff;
	[tilespmem:s3+$0x10DF0] =	vst v10;
	s3 =	smov.u32 s28;
	s28 =	smov.u32 s8  }
0x7da: {  	v10 =	vadd.s32 v3, v16;
	[tilespmem:s14+$0x10A90] =	vst v20;
	v9 =	vld.idx.msk [tilespmem:v9+s0+$0x0], $0xffff  }
0x7db: {  	v13 =	vadd.s32 v7, v13;
	v11 =	vld.idx.msk [tilespmem:v11+s0+$0x0], $0xffff;
	[tilespmem:s31+$0x10BC0] =	vst v22  }
0x7dc: {  	v20 =	vld.idx.msk [tilespmem:v24+s0+$0x0], $0xffff;
	[tilespmem:s3+$0x10D40] =	vst v18  }
0x7dd: {  	v18 =	vadd.s32 v3, v14;
	[tilespmem:s28+$0x10B10] =	vst v23;
	v17 =	vld.idx.msk [tilespmem:v17+s0+$0x0], $0xffff  }
0x7de: {  	v22 =	vld.idx.msk [tilespmem:v25+s0+$0x0], $0xffff;
	[tilespmem:s15+$0x10B10] =	vst v21;
	v21 =	vadd.s32 v5, v12  }
0x7df: {  	v10 =	vld.idx.msk [tilespmem:v10+s0+$0x0], $0xffff;
	[tilespmem:s11+$0x10D40] =	vst v19  }
0x7e0: {  	v19 =	vadd.s32 v4, v15;
	v13 =	vld.idx.msk [tilespmem:v13+s0+$0x0], $0xffff;
	[tilespmem:s16+$0x10DE0] =	vst v9  }
0x7e1: {  	v9 =	vadd.s32 v4, v16;
	[tilespmem:s14+$0x10B10] =	vst v11;
	v11 =	vld [tilespmem:s26+$0x9270];
	s26 =	smov.u32 s18;
	s18 =	smov.u32 s22  }
0x7e2: {  	v18 =	vld.idx.msk [tilespmem:v18+s0+$0x0], $0xffff;
	[tilespmem:s31+$0x10C40] =	vst v20  }
0x7e3: {  	v20 =	vld.idx.msk [tilespmem:v21+s0+$0x0], $0xffff;
	[tilespmem:s3+$0x10DC0] =	vst v17  }
0x7e4: {  	v21 =	vadd.s32 v4, v14;
	[tilespmem:s28+$0x10B90] =	vst v22;
	v17 =	vld [tilespmem:s12+$0x9250]  }
0x7e5: {  	v22 =	vadd.s32 v6, v12;
	v19 =	vld.idx.msk [tilespmem:v19+s0+$0x0], $0xffff;
	[tilespmem:s15+$0x10B90] =	vst v10  }
0x7e6: {  	v9 =	vld.idx.msk [tilespmem:v9+s0+$0x0], $0xffff;
	[tilespmem:s11+$0x10DC0] =	vst v13;
	v13 =	vadd.s32 v0, v11  }
0x7e7: {  	v23 =	vadd.s32 v5, v15;
	v10 =	vld [tilespmem:s10+$0x9250]  }
0x7e8: {  	[tilespmem:s14+$0x10B90] =	vst v18;
	v18 =	vadd.s32 v5, v16  }
0x7e9: {  	v21 =	vld.idx.msk [tilespmem:v21+s0+$0x0], $0xffff;
	[tilespmem:s31+$0x10CC0] =	vst v20;
	v20 =	vadd.s32 v0, v17  }
0x7ea: {  	v22 =	vld.idx.msk [tilespmem:v22+s0+$0x0], $0xffff  }
0x7eb: {  	v24 =	vadd.s32 v5, v14;
	[tilespmem:s28+$0x10C10] =	vst v19;
	v13 =	vld.idx.msk [tilespmem:v13+s0+$0x0], $0xffff  }
0x7ec: {  	v19 =	vld.idx.msk [tilespmem:v23+s0+$0x0], $0xffff;
	[tilespmem:s15+$0x10C10] =	vst v9;
	v9 =	vadd.s32 v0, v10  }
0x7ed: {  	v12 =	vadd.s32 v7, v12;
	v18 =	vld.idx.msk [tilespmem:v18+s0+$0x0], $0xffff  }
0x7ee: {  	v23 =	vadd.s32 v6, v15;
	v20 =	vld.idx.msk [tilespmem:v20+s0+$0x0], $0xffff  }
0x7ef: {  	[tilespmem:s14+$0x10C10] =	vst v21;
	v21 =	vadd.s32 v6, v16  }
0x7f0: {  	v24 =	vld.idx.msk [tilespmem:v24+s0+$0x0], $0xffff;
	[tilespmem:s31+$0x10D40] =	vst v22;
	v22 =	vadd.s32 v1, v17  }
0x7f1: {  	v9 =	vld.idx.msk [tilespmem:v9+s0+$0x0], $0xffff;
	[tilespmem:s16+$0x10A70] =	vst v13;
	v13 =	vadd.s32 v1, v11  }
0x7f2: {  	v25 =	vadd.s32 v6, v14;
	[tilespmem:s28+$0x10C90] =	vst v19;
	v12 =	vld.idx.msk [tilespmem:v12+s0+$0x0], $0xffff  }
0x7f3: {  	v19 =	vld.idx.msk [tilespmem:v23+s0+$0x0], $0xffff;
	[tilespmem:s15+$0x10C90] =	vst v18;
	v18 =	vadd.s32 v1, v10  }
0x7f4: {  	v21 =	vld.idx.msk [tilespmem:v21+s0+$0x0], $0xffff;
	[tilespmem:s3+$0x10A50] =	vst v20  }
0x7f5: {  	v15 =	vadd.s32 v7, v15;
	v20 =	vld.idx.msk [tilespmem:v22+s0+$0x0], $0xffff  }
0x7f6: {  	v16 =	vadd.s32 v7, v16;
	[tilespmem:s14+$0x10C90] =	vst v24;
	v13 =	vld.idx.msk [tilespmem:v13+s0+$0x0], $0xffff  }
0x7f7: {  	v23 =	vadd.s32 v2, v17;
	v22 =	vld.idx.msk [tilespmem:v25+s0+$0x0], $0xffff;
	[tilespmem:s11+$0x10A50] =	vst v9  }
0x7f8: {  	[tilespmem:s31+$0x10DC0] =	vst v12;
	v12 =	vld.idx.msk [tilespmem:v18+s0+$0x0], $0xffff;
	v18 =	vadd.s32 v2, v11  }
0x7f9: {  	v14 =	vadd.s32 v7, v14;
	[tilespmem:s28+$0x10D10] =	vst v19;
	v9 =	vld [tilespmem:s26+$0x9250]  }
0x7fa: {  	v19 =	vadd.s32 v2, v10;
	v15 =	vld.idx.msk [tilespmem:v15+s0+$0x0], $0xffff;
	[tilespmem:s15+$0x10D10] =	vst v21  }
0x7fb: {  	v16 =	vld.idx.msk [tilespmem:v16+s0+$0x0], $0xffff;
	[tilespmem:s3+$0x10AD0] =	vst v20  }
0x7fc: {  	v20 =	vld.idx.msk [tilespmem:v23+s0+$0x0], $0xffff;
	[tilespmem:s16+$0x10AF0] =	vst v13  }
0x7fd: {  	[tilespmem:s14+$0x10D10] =	vst v22;
	v18 =	vld.idx.msk [tilespmem:v18+s0+$0x0], $0xffff  }
0x7fe: {  	v22 =	vadd.s32 v3, v17;
	v21 =	vld.idx.msk [tilespmem:v14+s0+$0x0], $0xffff;
	[tilespmem:s11+$0x10AD0] =	vst v12  }
0x7ff: {  	v12 =	vadd.s32 v0, v9;
	v19 =	vld.idx.msk [tilespmem:v19+s0+$0x0], $0xffff  }
0x800: {  	[tilespmem:s28+$0x10D90] =	vst v15  }
0x801: {  	v15 =	vadd.s32 v3, v10;
	v13 =	vld [tilespmem:s17+$0x9220];
	[tilespmem:s15+$0x10D90] =	vst v16  }
0x802: {  	v16 =	vadd.s32 v3, v11;
	v14 =	vld [tilespmem:s19+$0x9220];
	[tilespmem:s3+$0x10B50] =	vst v20  }
0x803: {  	v20 =	vld.idx.msk [tilespmem:v22+s0+$0x0], $0xffff;
	[tilespmem:s16+$0x10B70] =	vst v18  }
0x804: {  	[tilespmem:s14+$0x10D90] =	vst v21;
	v18 =	vld.idx.msk [tilespmem:v12+s0+$0x0], $0xffff  }
0x805: {  	v21 =	vadd.s32 v4, v17;
	v12 =	vld [tilespmem:s18+$0x9220];
	[tilespmem:s11+$0x10B50] =	vst v19  }
0x806: {  	v19 =	vadd.s32 v0, v13;
	v15 =	vld.idx.msk [tilespmem:v15+s0+$0x0], $0xffff  }
0x807: {  	v22 =	vadd.s32 v0, v14;
	v16 =	vld.idx.msk [tilespmem:v16+s0+$0x0], $0xffff  }
0x808: {  	v23 =	vadd.s32 v4, v10  }
0x809: {  	[tilespmem:s3+$0x10BD0] =	vst v20;
	v20 =	vadd.s32 v6, v8  }
0x80a: {  	v24 =	vadd.s32 v0, v12;
	[tilespmem:s31+$0x10A50] =	vst v18;
	v18 =	vld.idx.msk [tilespmem:v21+s0+$0x0], $0xffff  }
0x80b: {  	v21 =	vadd.s32 v1, v9;
	v19 =	vld.idx.msk [tilespmem:v19+s0+$0x0], $0xffff  }
0x80c: {  	v25 =	vadd.s32 v5, v17;
	v22 =	vld.idx.msk [tilespmem:v22+s0+$0x0], $0xffff;
	[tilespmem:s11+$0x10BD0] =	vst v15  }
0x80d: {  	v15 =	vadd.s32 v1, v13;
	v23 =	vld.idx.msk [tilespmem:v23+s0+$0x0], $0xffff;
	[tilespmem:s16+$0x10BF0] =	vst v16  }
0x80e: {  	v16 =	vadd.s32 v1, v14;
	v20 =	vld.idx.msk [tilespmem:v20+s0+$0x0], $0xffff  }
0x80f: {  	v26 =	vadd.s32 v5, v10;
	v24 =	vld.idx.msk [tilespmem:v24+s0+$0x0], $0xffff  }
0x810: {  	v8 =	vadd.s32 v7, v8;
	v21 =	vld.idx.msk [tilespmem:v21+s0+$0x0], $0xffff;
	[tilespmem:s3+$0x10C50] =	vst v18  }
0x811: {  	v18 =	vadd.s32 v1, v12;
	[tilespmem:s28+$0x10A20] =	vst v19;
	v19 =	vld.idx.msk [tilespmem:v25+s0+$0x0], $0xffff  }
0x812: {  	v15 =	vld.idx.msk [tilespmem:v15+s0+$0x0], $0xffff;
	[tilespmem:s15+$0x10A20] =	vst v22;
	v22 =	vadd.s32 v2, v9  }
0x813: {  	v25 =	vadd.s32 v6, v17;
	v16 =	vld.idx.msk [tilespmem:v16+s0+$0x0], $0xffff;
	[tilespmem:s11+$0x10C50] =	vst v23  }
0x814: {  	v23 =	vadd.s32 v2, v13;
	v26 =	vld.idx.msk [tilespmem:v26+s0+$0x0], $0xffff;
	[tilespmem:s2+$0x10D60] =	vst v20  }
0x815: {  	v20 =	vadd.s32 v2, v14;
	[tilespmem:s14+$0x10A20] =	vst v24;
	v8 =	vld.idx.msk [tilespmem:v8+s0+$0x0], $0xffff  }
0x816: {  	v18 =	vld.idx.msk [tilespmem:v18+s0+$0x0], $0xffff;
	[tilespmem:s31+$0x10AD0] =	vst v21;
	v21 =	vadd.s32 v6, v10  }
0x817: {  	v22 =	vld.idx.msk [tilespmem:v22+s0+$0x0], $0xffff;
	[tilespmem:s3+$0x10CD0] =	vst v19  }
0x818: {  	v19 =	vadd.s32 v2, v12;
	[tilespmem:s28+$0x10AA0] =	vst v15;
	v24 =	vld.idx.msk [tilespmem:v25+s0+$0x0], $0xffff  }
0x819: {  	v23 =	vld.idx.msk [tilespmem:v23+s0+$0x0], $0xffff;
	[tilespmem:s15+$0x10AA0] =	vst v16;
	v16 =	vadd.s32 v3, v9  }
0x81a: {  	v17 =	vadd.s32 v7, v17;
	v20 =	vld.idx.msk [tilespmem:v20+s0+$0x0], $0xffff;
	[tilespmem:s11+$0x10CD0] =	vst v26  }
0x81b: {  	v25 =	vadd.s32 v3, v13;
	v21 =	vld.idx.msk [tilespmem:v21+s0+$0x0], $0xffff;
	[tilespmem:s2+$0x10DE0] =	vst v8  }
0x81c: {  	v8 =	vadd.s32 v3, v14;
	[tilespmem:s14+$0x10AA0] =	vst v18;
	v15 =	vld [tilespmem:s6+$0x9270];
	s6 =	smov.u32 s10;
	s10 =	smov.u32 s19  }
0x81d: {  	v10 =	vadd.s32 v7, v10;
	v18 =	vld.idx.msk [tilespmem:v19+s0+$0x0], $0xffff;
	[tilespmem:s31+$0x10B50] =	vst v22  }
0x81e: {  	v19 =	vadd.s32 v4, v11;
	v16 =	vld.idx.msk [tilespmem:v16+s0+$0x0], $0xffff;
	[tilespmem:s3+$0x10D50] =	vst v24  }
0x81f: {  	v22 =	vadd.s32 v3, v12;
	[tilespmem:s28+$0x10B20] =	vst v23;
	v17 =	vld.idx.msk [tilespmem:v17+s0+$0x0], $0xffff  }
0x820: {  	v23 =	vld.idx.msk [tilespmem:v25+s0+$0x0], $0xffff;
	[tilespmem:s15+$0x10B20] =	vst v20;
	v20 =	vadd.s32 v4, v9  }
0x821: {  	v8 =	vld.idx.msk [tilespmem:v8+s0+$0x0], $0xffff;
	[tilespmem:s11+$0x10D50] =	vst v21;
	v21 =	vadd.s32 v0, v15  }
0x822: {  	v24 =	vadd.s32 v4, v13;
	v10 =	vld.idx.msk [tilespmem:v10+s0+$0x0], $0xffff  }
0x823: {  	[tilespmem:s14+$0x10B20] =	vst v18;
	v18 =	vadd.s32 v4, v14;
	v19 =	vld.idx.msk [tilespmem:v19+s0+$0x0], $0xffff  }
0x824: {  	v22 =	vld.idx.msk [tilespmem:v22+s0+$0x0], $0xffff;
	[tilespmem:s31+$0x10BD0] =	vst v16  }
0x825: {  	v16 =	vld.idx.msk [tilespmem:v20+s0+$0x0], $0xffff;
	[tilespmem:s3+$0x10DD0] =	vst v17  }
0x826: {  	v17 =	vadd.s32 v4, v12;
	[tilespmem:s28+$0x10BA0] =	vst v23;
	v20 =	vld.idx.msk [tilespmem:v21+s0+$0x0], $0xffff  }
0x827: {  	v23 =	vadd.s32 v5, v9;
	v21 =	vld.idx.msk [tilespmem:v24+s0+$0x0], $0xffff;
	[tilespmem:s15+$0x10BA0] =	vst v8  }
0x828: {  	v24 =	vadd.s32 v1, v15;
	v18 =	vld.idx.msk [tilespmem:v18+s0+$0x0], $0xffff;
	[tilespmem:s11+$0x10DD0] =	vst v10  }
0x829: {  	v25 =	vadd.s32 v5, v13;
	v8 =	vld [tilespmem:s6+$0x9260];
	[tilespmem:s16+$0x10C70] =	vst v19  }
0x82a: {  	v19 =	vadd.s32 v5, v14;
	[tilespmem:s14+$0x10BA0] =	vst v22;
	v10 =	vld [tilespmem:s12+$0x9260]  }
0x82b: {  	v17 =	vld.idx.msk [tilespmem:v17+s0+$0x0], $0xffff;
	[tilespmem:s31+$0x10C50] =	vst v16;
	v16 =	vadd.s32 v5, v11  }
0x82c: {  	v22 =	vld.idx.msk [tilespmem:v23+s0+$0x0], $0xffff;
	[tilespmem:s2+$0x10A70] =	vst v20  }
0x82d: {  	v20 =	vadd.s32 v5, v12;
	[tilespmem:s28+$0x10C20] =	vst v21;
	v21 =	vld.idx.msk [tilespmem:v24+s0+$0x0], $0xffff  }
0x82e: {  	v23 =	vld.idx.msk [tilespmem:v25+s0+$0x0], $0xffff;
	[tilespmem:s15+$0x10C20] =	vst v18;
	v18 =	vadd.s32 v0, v8  }
0x82f: {  	v24 =	vadd.s32 v2, v15;
	v19 =	vld.idx.msk [tilespmem:v19+s0+$0x0], $0xffff  }
0x830: {  	v25 =	vadd.s32 v6, v13;
	v16 =	vld.idx.msk [tilespmem:v16+s0+$0x0], $0xffff  }
0x831: {  	[tilespmem:s14+$0x10C20] =	vst v17;
	v17 =	vadd.s32 v6, v14  }
0x832: {  	v20 =	vld.idx.msk [tilespmem:v20+s0+$0x0], $0xffff;
	[tilespmem:s31+$0x10CD0] =	vst v22;
	v22 =	vadd.s32 v0, v10  }
0x833: {  	v26 =	vadd.s32 v6, v9;
	v18 =	vld.idx.msk [tilespmem:v18+s0+$0x0], $0xffff;
	[tilespmem:s2+$0x10AF0] =	vst v21  }
0x834: {  	v21 =	vadd.s32 v6, v12;
	[tilespmem:s28+$0x10CA0] =	vst v23;
	v23 =	vld.idx.msk [tilespmem:v24+s0+$0x0], $0xffff  }
0x835: {  	v24 =	vld.idx.msk [tilespmem:v25+s0+$0x0], $0xffff;
	[tilespmem:s15+$0x10CA0] =	vst v19;
	v19 =	vadd.s32 v1, v8  }
0x836: {  	v17 =	vld.idx.msk [tilespmem:v17+s0+$0x0], $0xffff;
	[tilespmem:s16+$0x10CF0] =	vst v16;
	v16 =	vadd.s32 v3, v15  }
0x837: {  	v13 =	vadd.s32 v7, v13;
	v22 =	vld.idx.msk [tilespmem:v22+s0+$0x0], $0xffff  }
0x838: {  	v14 =	vadd.s32 v7, v14;
	[tilespmem:s14+$0x10CA0] =	vst v20;
	v20 =	vld.idx.msk [tilespmem:v26+s0+$0x0], $0xffff  }
0x839: {  	v25 =	vadd.s32 v1, v10;
	v21 =	vld.idx.msk [tilespmem:v21+s0+$0x0], $0xffff;
	[tilespmem:s11+$0x10A60] =	vst v18  }
0x83a: {  	v9 =	vadd.s32 v7, v9;
	v18 =	vld.idx.msk [tilespmem:v19+s0+$0x0], $0xffff;
	[tilespmem:s2+$0x10B70] =	vst v23  }
0x83b: {  	v12 =	vadd.s32 v7, v12;
	[tilespmem:s28+$0x10D20] =	vst v24;
	v16 =	vld.idx.msk [tilespmem:v16+s0+$0x0], $0xffff  }
0x83c: {  	v13 =	vld.idx.msk [tilespmem:v13+s0+$0x0], $0xffff;
	[tilespmem:s15+$0x10D20] =	vst v17;
	v17 =	vadd.s32 v2, v8  }
0x83d: {  	v19 =	vld.idx.msk [tilespmem:v14+s0+$0x0], $0xffff;
	[tilespmem:s3+$0x10A60] =	vst v22;
	v14 =	vadd.s32 v4, v15  }
0x83e: {  	[tilespmem:s31+$0x10D50] =	vst v20;
	v20 =	vld.idx.msk [tilespmem:v25+s0+$0x0], $0xffff  }
0x83f: {  	[tilespmem:s14+$0x10D20] =	vst v21;
	v9 =	vld.idx.msk [tilespmem:v9+s0+$0x0], $0xffff  }
0x840: {  	v21 =	vadd.s32 v2, v10;
	v12 =	vld.idx.msk [tilespmem:v12+s0+$0x0], $0xffff;
	[tilespmem:s11+$0x10AE0] =	vst v18  }
0x841: {  	v17 =	vld.idx.msk [tilespmem:v17+s0+$0x0], $0xffff;
	[tilespmem:s2+$0x10BF0] =	vst v16  }
0x842: {  	[tilespmem:s28+$0x10DA0] =	vst v13;
	v16 =	vld.idx.msk [tilespmem:v14+s0+$0x0], $0xffff  }
0x843: {  	v14 =	vld [tilespmem:s17+$0x9230];
	[tilespmem:s15+$0x10DA0] =	vst v19;
	v19 =	vadd.s32 v3, v8  }
0x844: {  	v13 =	vld [tilespmem:s10+$0x9230];
	[tilespmem:s3+$0x10AE0] =	vst v20;
	v20 =	vadd.s32 v5, v15  }
0x845: {  	v22 =	vadd.s32 v6, v11;
	[tilespmem:s31+$0x10DD0] =	vst v9;
	v21 =	vld.idx.msk [tilespmem:v21+s0+$0x0], $0xffff  }
0x846: {  	[tilespmem:s14+$0x10DA0] =	vst v12;
	v9 =	vld [tilespmem:s26+$0x9260]  }
0x847: {  	v23 =	vadd.s32 v3, v10;
	v12 =	vld [tilespmem:s18+$0x9230];
	[tilespmem:s11+$0x10B60] =	vst v17  }
0x848: {  	v17 =	vadd.s32 v0, v14;
	v18 =	vadd.s32 v3, v14;
	v19 =	vld.idx.msk [tilespmem:v19+s0+$0x0], $0xffff;
	[tilespmem:s2+$0x10C70] =	vst v16  }
0x849: {  	v16 =	vadd.s32 v0, v13;
	v20 =	vld.idx.msk [tilespmem:v20+s0+$0x0], $0xffff  }
0x84a: {  	v24 =	vadd.s32 v4, v8;
	v22 =	vld.idx.msk [tilespmem:v22+s0+$0x0], $0xffff  }
0x84b: {  	[tilespmem:s3+$0x10B60] =	vst v21;
	v21 =	vadd.s32 v6, v15  }
0x84c: {  	v25 =	vadd.s32 v0, v12;
	v23 =	vld.idx.msk [tilespmem:v23+s0+$0x0], $0xffff  }
0x84d: {  	v26 =	vadd.s32 v0, v9;
	v17 =	vld.idx.msk [tilespmem:v17+s0+$0x0], $0xffff  }
0x84e: {  	v28 =	vadd.s32 v4, v10;
	v27 =	vld.idx.msk [tilespmem:v16+s0+$0x0], $0xffff;
	[tilespmem:s11+$0x10BE0] =	vst v19  }
0x84f: {  	v19 =	vadd.s32 v1, v14;
	v24 =	vld.idx.msk [tilespmem:v24+s0+$0x0], $0xffff;
	[tilespmem:s2+$0x10CF0] =	vst v20  }
0x850: {  	v20 =	vadd.s32 v1, v13;
	[tilespmem:s16+$0x10D70] =	vst v22;
	v21 =	vld.idx.msk [tilespmem:v21+s0+$0x0], $0xffff  }
0x851: {  	v11 =	vadd.s32 v7, v11;
	v16 =	vadd.s32 v5, v8;
	v22 =	vld.idx.msk [tilespmem:v25+s0+$0x0], $0xffff  }
0x852: {  	v15 =	vadd.s32 v7, v15;
	v25 =	vld.idx.msk [tilespmem:v26+s0+$0x0], $0xffff;
	[tilespmem:s3+$0x10BE0] =	vst v23  }
0x853: {  	v23 =	vadd.s32 v1, v12;
	[tilespmem:s28+$0x10A30] =	vst v17;
	v26 =	vld.idx.msk [tilespmem:v28+s0+$0x0], $0xffff  }
0x854: {  	v17 =	vadd.s32 v1, v9;
	v19 =	vld.idx.msk [tilespmem:v19+s0+$0x0], $0xffff;
	[tilespmem:s15+$0x10A30] =	vst v27  }
0x855: {  	v27 =	vadd.s32 v5, v10;
	v20 =	vld.idx.msk [tilespmem:v20+s0+$0x0], $0xffff;
	[tilespmem:s11+$0x10C60] =	vst v24  }
0x856: {  	v24 =	vadd.s32 v2, v14;
	v28 =	vld.idx.msk [tilespmem:v11+s0+$0x0], $0xffff;
	[tilespmem:s2+$0x10D70] =	vst v21  }
0x857: {  	[tilespmem:s14+$0x10A30] =	vst v22;
	v22 =	vadd.s32 v2, v13;
	v11 =	vld.idx.msk [tilespmem:v15+s0+$0x0], $0xffff  }
.Ltmp5:
0x858: {  	v21 =	vld.idx.msk [tilespmem:v23+s0+$0x0], $0xffff;
	[tilespmem:s31+$0x10A60] =	vst v25;
	(pc) =	sbr.rel @p0 .LBB2_11-.Ltmp5, $4  }
0x859: {  	v17 =	vld.idx.msk [tilespmem:v17+s0+$0x0], $0xffff;
	[tilespmem:s3+$0x10C60] =	vst v26  }
0x85a: {  	[tilespmem:s28+$0x10AB0] =	vst v19;
	v15 =	vld.idx.msk [tilespmem:v27+s0+$0x0], $0xffff  }
0x85b: {  	v19 =	vld.idx.msk [tilespmem:v24+s0+$0x0], $0xffff;
	[tilespmem:s15+$0x10AB0] =	vst v20  }
0x85c: {  	v20 =	vld.idx.msk [tilespmem:v22+s0+$0x0], $0xffff;
	[tilespmem:s16+$0x10DF0] =	vst v28;
	s16 =	smov.u32 s31;
	s31 =	smov.u32 s14  }
0x85d: {  	v22 =	vadd.s32 v2, v12;
	_ =	sdelay $0x3  }
0x85e: {  	[tilespmem:s31+$0x10AB0] =	vst v21  }
0x85f: {  	v23 =	vadd.s32 v3, v13;
	v21 =	vld.idx.msk [tilespmem:v22+s0+$0x0], $0xffff  }
0x860: {  	v29 =	vadd.s32 v3, v12;
	_ =	sdelay $0x1  }
0x861: {  	[tilespmem:s28+$0x10B30] =	vst v19  }
0x862: {  	v18 =	vld.idx.msk [tilespmem:v18+s0+$0x0], $0xffff;
	[tilespmem:s15+$0x10B30] =	vst v20  }
0x863: {  	v30 =	vadd.s32 v4, v14;
	v32 =	vld.idx.msk [tilespmem:v23+s0+$0x0], $0xffff;
	[tilespmem:s31+$0x10B30] =	vst v21  }
0x864: {  	v34 =	vadd.s32 v4, v13;
	v31 =	vld.idx.msk [tilespmem:v29+s0+$0x0], $0xffff  }
0x865: {  	v33 =	vadd.s32 v4, v12;
	_ =	sdelay $0x1  }
0x866: {  	[tilespmem:s28+$0x10BB0] =	vst v18  }
0x867: {  	v18 =	vld.idx.msk [tilespmem:v30+s0+$0x0], $0xffff;
	[tilespmem:s15+$0x10BB0] =	vst v32  }
0x868: {  	v35 =	vadd.s32 v5, v14;
	v21 =	vld.idx.msk [tilespmem:v34+s0+$0x0], $0xffff;
	[tilespmem:s31+$0x10BB0] =	vst v31  }
0x869: {  	v37 =	vadd.s32 v5, v13;
	v20 =	vld.idx.msk [tilespmem:v33+s0+$0x0], $0xffff  }
0x86a: {  	v36 =	vadd.s32 v5, v12;
	_ =	sdelay $0x1  }
0x86b: {  	[tilespmem:s28+$0x10C30] =	vst v18  }
0x86c: {  	v18 =	vld.idx.msk [tilespmem:v35+s0+$0x0], $0xffff;
	[tilespmem:s15+$0x10C30] =	vst v21  }
0x86d: {  	v38 =	vadd.s32 v6, v14;
	v21 =	vld.idx.msk [tilespmem:v37+s0+$0x0], $0xffff;
	[tilespmem:s31+$0x10C30] =	vst v20  }
0x86e: {  	v40 =	vadd.s32 v6, v13;
	v20 =	vld.idx.msk [tilespmem:v36+s0+$0x0], $0xffff  }
0x86f: {  	v39 =	vadd.s32 v6, v12;
	_ =	sdelay $0x1  }
0x870: {  	[tilespmem:s28+$0x10CB0] =	vst v18  }
0x871: {  	v18 =	vld.idx.msk [tilespmem:v38+s0+$0x0], $0xffff;
	[tilespmem:s15+$0x10CB0] =	vst v21  }
0x872: {  	v41 =	vadd.s32 v7, v14;
	v43 =	vld.idx.msk [tilespmem:v40+s0+$0x0], $0xffff;
	[tilespmem:s31+$0x10CB0] =	vst v20  }
0x873: {  	v45 =	vadd.s32 v7, v13;
	v42 =	vld.idx.msk [tilespmem:v39+s0+$0x0], $0xffff  }
0x874: {  	v44 =	vadd.s32 v7, v12;
	_ =	sdelay $0x1  }
0x875: {  	[tilespmem:s28+$0x10D30] =	vst v18  }
0x876: {  	v14 =	vld.idx.msk [tilespmem:v41+s0+$0x0], $0xffff;
	[tilespmem:s15+$0x10D30] =	vst v43  }
0x877: {  	v13 =	vld.idx.msk [tilespmem:v45+s0+$0x0], $0xffff;
	[tilespmem:s31+$0x10D30] =	vst v42  }
0x878: {  	v12 =	vld.idx.msk [tilespmem:v44+s0+$0x0], $0xffff;
	_ =	sdelay $0x2  }
0x879: {  	[tilespmem:s28+$0x10DB0] =	vst v14  }
0x87a: {  	v14 =	vld [tilespmem:s17+$0x9240];
	[tilespmem:s15+$0x10DB0] =	vst v13  }
0x87b: {  	v13 =	vld [tilespmem:s10+$0x9240];
	[tilespmem:s31+$0x10DB0] =	vst v12  }
0x87c: {  	v12 =	vld [tilespmem:s18+$0x9240];
	_ =	sdelay $0x2  }
0x87d: {  	v46 =	vadd.s32 v0, v14  }
0x87e: {  	v48 =	vadd.s32 v0, v13  }
0x87f: {  	v47 =	vadd.s32 v0, v12;
	_ =	sdelay $0x2  }
0x880: {  	v18 =	vld.idx.msk [tilespmem:v46+s0+$0x0], $0xffff  }
0x881: {  	v49 =	vadd.s32 v1, v14;
	v20 =	vld.idx.msk [tilespmem:v48+s0+$0x0], $0xffff  }
0x882: {  	v51 =	vadd.s32 v1, v13;
	v19 =	vld.idx.msk [tilespmem:v47+s0+$0x0], $0xffff  }
0x883: {  	v50 =	vadd.s32 v1, v12;
	_ =	sdelay $0x1  }
0x884: {  	[tilespmem:s28+$0x10A40] =	vst v18  }
0x885: {  	v18 =	vld.idx.msk [tilespmem:v49+s0+$0x0], $0xffff;
	[tilespmem:s15+$0x10A40] =	vst v20  }
0x886: {  	v52 =	vadd.s32 v2, v14;
	v54 =	vld.idx.msk [tilespmem:v51+s0+$0x0], $0xffff;
	[tilespmem:s31+$0x10A40] =	vst v19  }
0x887: {  	v56 =	vadd.s32 v2, v13;
	v53 =	vld.idx.msk [tilespmem:v50+s0+$0x0], $0xffff  }
0x888: {  	v55 =	vadd.s32 v2, v12;
	_ =	sdelay $0x1  }
0x889: {  	[tilespmem:s28+$0x10AC0] =	vst v18  }
0x88a: {  	v18 =	vld.idx.msk [tilespmem:v52+s0+$0x0], $0xffff;
	[tilespmem:s15+$0x10AC0] =	vst v54  }
0x88b: {  	v57 =	vadd.s32 v3, v14;
	v21 =	vld.idx.msk [tilespmem:v56+s0+$0x0], $0xffff;
	[tilespmem:s31+$0x10AC0] =	vst v53  }
0x88c: {  	v59 =	vadd.s32 v3, v13;
	v20 =	vld.idx.msk [tilespmem:v55+s0+$0x0], $0xffff  }
0x88d: {  	v58 =	vadd.s32 v3, v12;
	_ =	sdelay $0x1  }
0x88e: {  	[tilespmem:s28+$0x10B40] =	vst v18  }
0x88f: {  	v18 =	vld.idx.msk [tilespmem:v57+s0+$0x0], $0xffff;
	[tilespmem:s15+$0x10B40] =	vst v21  }
0x890: {  	v60 =	vadd.s32 v4, v14;
	v21 =	vld.idx.msk [tilespmem:v59+s0+$0x0], $0xffff;
	[tilespmem:s31+$0x10B40] =	vst v20  }
0x891: {  	v62 =	vadd.s32 v4, v13;
	v20 =	vld.idx.msk [tilespmem:v58+s0+$0x0], $0xffff  }
0x892: {  	v61 =	vadd.s32 v4, v12;
	_ =	sdelay $0x1  }
0x893: {  	[tilespmem:s28+$0x10BC0] =	vst v18  }
0x894: {  	v18 =	vld.idx.msk [tilespmem:v60+s0+$0x0], $0xffff;
	[tilespmem:s15+$0x10BC0] =	vst v21  }
0x895: {  	v63 =	vadd.s32 v5, v14;
	v21 =	vld.idx.msk [tilespmem:v62+s0+$0x0], $0xffff;
	[tilespmem:s31+$0x10BC0] =	vst v20  }
0x896: {  	v25 =	vadd.s32 v5, v13;
	v20 =	vld.idx.msk [tilespmem:v61+s0+$0x0], $0xffff  }
0x897: {  	v24 =	vadd.s32 v5, v12;
	_ =	sdelay $0x1  }
0x898: {  	[tilespmem:s28+$0x10C40] =	vst v18  }
0x899: {  	v18 =	vld.idx.msk [tilespmem:v63+s0+$0x0], $0xffff;
	[tilespmem:s15+$0x10C40] =	vst v21  }
0x89a: {  	v26 =	vadd.s32 v6, v14;
	v21 =	vld.idx.msk [tilespmem:v25+s0+$0x0], $0xffff;
	[tilespmem:s31+$0x10C40] =	vst v20  }
0x89b: {  	v28 =	vadd.s32 v6, v13;
	v20 =	vld.idx.msk [tilespmem:v24+s0+$0x0], $0xffff  }
0x89c: {  	v27 =	vadd.s32 v6, v12;
	_ =	sdelay $0x1  }
0x89d: {  	[tilespmem:s28+$0x10CC0] =	vst v18  }
0x89e: {  	v18 =	vld.idx.msk [tilespmem:v26+s0+$0x0], $0xffff;
	[tilespmem:s15+$0x10CC0] =	vst v21  }
0x89f: {  	v14 =	vadd.s32 v7, v14;
	v30 =	vld.idx.msk [tilespmem:v28+s0+$0x0], $0xffff;
	[tilespmem:s31+$0x10CC0] =	vst v20  }
0x8a0: {  	v13 =	vadd.s32 v7, v13;
	v29 =	vld.idx.msk [tilespmem:v27+s0+$0x0], $0xffff  }
0x8a1: {  	v12 =	vadd.s32 v7, v12;
	_ =	sdelay $0x1  }
0x8a2: {  	[tilespmem:s28+$0x10D40] =	vst v18  }
0x8a3: {  	v14 =	vld.idx.msk [tilespmem:v14+s0+$0x0], $0xffff;
	[tilespmem:s15+$0x10D40] =	vst v30  }
0x8a4: {  	v13 =	vld.idx.msk [tilespmem:v13+s0+$0x0], $0xffff;
	[tilespmem:s31+$0x10D40] =	vst v29  }
0x8a5: {  	v12 =	vld.idx.msk [tilespmem:v12+s0+$0x0], $0xffff;
	_ =	sdelay $0x2  }
0x8a6: {  	[tilespmem:s28+$0x10DC0] =	vst v14  }
0x8a7: {  	v14 =	vld [tilespmem:s17+$0x9250];
	[tilespmem:s15+$0x10DC0] =	vst v13  }
0x8a8: {  	v13 =	vld [tilespmem:s10+$0x9250];
	[tilespmem:s31+$0x10DC0] =	vst v12  }
0x8a9: {  	v12 =	vld [tilespmem:s18+$0x9250];
	_ =	sdelay $0x2  }
0x8aa: {  	v31 =	vadd.s32 v0, v14  }
0x8ab: {  	v33 =	vadd.s32 v0, v13  }
0x8ac: {  	v32 =	vadd.s32 v0, v12;
	_ =	sdelay $0x2  }
0x8ad: {  	v18 =	vld.idx.msk [tilespmem:v31+s0+$0x0], $0xffff  }
0x8ae: {  	v34 =	vadd.s32 v1, v14;
	v20 =	vld.idx.msk [tilespmem:v33+s0+$0x0], $0xffff  }
0x8af: {  	v36 =	vadd.s32 v1, v13;
	v19 =	vld.idx.msk [tilespmem:v32+s0+$0x0], $0xffff  }
0x8b0: {  	v35 =	vadd.s32 v1, v12;
	_ =	sdelay $0x1  }
0x8b1: {  	[tilespmem:s28+$0x10A50] =	vst v18  }
0x8b2: {  	v18 =	vld.idx.msk [tilespmem:v34+s0+$0x0], $0xffff;
	[tilespmem:s15+$0x10A50] =	vst v20  }
0x8b3: {  	v37 =	vadd.s32 v2, v14;
	v39 =	vld.idx.msk [tilespmem:v36+s0+$0x0], $0xffff;
	[tilespmem:s31+$0x10A50] =	vst v19  }
0x8b4: {  	v41 =	vadd.s32 v2, v13;
	v38 =	vld.idx.msk [tilespmem:v35+s0+$0x0], $0xffff  }
0x8b5: {  	v40 =	vadd.s32 v2, v12;
	_ =	sdelay $0x1  }
0x8b6: {  	[tilespmem:s28+$0x10AD0] =	vst v18  }
0x8b7: {  	v18 =	vld.idx.msk [tilespmem:v37+s0+$0x0], $0xffff;
	[tilespmem:s15+$0x10AD0] =	vst v39  }
0x8b8: {  	v42 =	vadd.s32 v3, v14;
	v21 =	vld.idx.msk [tilespmem:v41+s0+$0x0], $0xffff;
	[tilespmem:s31+$0x10AD0] =	vst v38  }
0x8b9: {  	v44 =	vadd.s32 v3, v13;
	v20 =	vld.idx.msk [tilespmem:v40+s0+$0x0], $0xffff  }
0x8ba: {  	v43 =	vadd.s32 v3, v12;
	_ =	sdelay $0x1  }
0x8bb: {  	[tilespmem:s28+$0x10B50] =	vst v18  }
0x8bc: {  	v18 =	vld.idx.msk [tilespmem:v42+s0+$0x0], $0xffff;
	[tilespmem:s15+$0x10B50] =	vst v21  }
0x8bd: {  	v45 =	vadd.s32 v4, v14;
	v21 =	vld.idx.msk [tilespmem:v44+s0+$0x0], $0xffff;
	[tilespmem:s31+$0x10B50] =	vst v20  }
0x8be: {  	v47 =	vadd.s32 v4, v13;
	v20 =	vld.idx.msk [tilespmem:v43+s0+$0x0], $0xffff  }
0x8bf: {  	v46 =	vadd.s32 v4, v12;
	_ =	sdelay $0x1  }
0x8c0: {  	[tilespmem:s28+$0x10BD0] =	vst v18  }
0x8c1: {  	v18 =	vld.idx.msk [tilespmem:v45+s0+$0x0], $0xffff;
	[tilespmem:s15+$0x10BD0] =	vst v21  }
0x8c2: {  	v48 =	vadd.s32 v5, v14;
	v21 =	vld.idx.msk [tilespmem:v47+s0+$0x0], $0xffff;
	[tilespmem:s31+$0x10BD0] =	vst v20  }
0x8c3: {  	v50 =	vadd.s32 v5, v13;
	v20 =	vld.idx.msk [tilespmem:v46+s0+$0x0], $0xffff  }
0x8c4: {  	v49 =	vadd.s32 v5, v12;
	_ =	sdelay $0x1  }
0x8c5: {  	[tilespmem:s28+$0x10C50] =	vst v18  }
0x8c6: {  	v18 =	vld.idx.msk [tilespmem:v48+s0+$0x0], $0xffff;
	[tilespmem:s15+$0x10C50] =	vst v21  }
0x8c7: {  	v51 =	vadd.s32 v6, v14;
	v21 =	vld.idx.msk [tilespmem:v50+s0+$0x0], $0xffff;
	[tilespmem:s31+$0x10C50] =	vst v20  }
0x8c8: {  	v53 =	vadd.s32 v6, v13;
	v20 =	vld.idx.msk [tilespmem:v49+s0+$0x0], $0xffff  }
0x8c9: {  	v52 =	vadd.s32 v6, v12;
	_ =	sdelay $0x1  }
0x8ca: {  	[tilespmem:s28+$0x10CD0] =	vst v18  }
0x8cb: {  	v18 =	vld.idx.msk [tilespmem:v51+s0+$0x0], $0xffff;
	[tilespmem:s15+$0x10CD0] =	vst v21  }
0x8cc: {  	v14 =	vadd.s32 v7, v14;
	v55 =	vld.idx.msk [tilespmem:v53+s0+$0x0], $0xffff;
	[tilespmem:s31+$0x10CD0] =	vst v20  }
0x8cd: {  	v13 =	vadd.s32 v7, v13;
	v54 =	vld.idx.msk [tilespmem:v52+s0+$0x0], $0xffff  }
0x8ce: {  	v12 =	vadd.s32 v7, v12;
	_ =	sdelay $0x1  }
0x8cf: {  	[tilespmem:s28+$0x10D50] =	vst v18  }
0x8d0: {  	v14 =	vld.idx.msk [tilespmem:v14+s0+$0x0], $0xffff;
	[tilespmem:s15+$0x10D50] =	vst v55  }
0x8d1: {  	v13 =	vld.idx.msk [tilespmem:v13+s0+$0x0], $0xffff;
	[tilespmem:s31+$0x10D50] =	vst v54  }
0x8d2: {  	v12 =	vld.idx.msk [tilespmem:v12+s0+$0x0], $0xffff;
	_ =	sdelay $0x2  }
0x8d3: {  	[tilespmem:s28+$0x10DD0] =	vst v14  }
0x8d4: {  	v14 =	vld [tilespmem:s17+$0x9260];
	[tilespmem:s15+$0x10DD0] =	vst v13  }
0x8d5: {  	v13 =	vld [tilespmem:s10+$0x9260];
	[tilespmem:s31+$0x10DD0] =	vst v12  }
0x8d6: {  	v12 =	vld [tilespmem:s18+$0x9260];
	_ =	sdelay $0x2  }
0x8d7: {  	v56 =	vadd.s32 v0, v14  }
0x8d8: {  	v58 =	vadd.s32 v0, v13  }
0x8d9: {  	v57 =	vadd.s32 v0, v12;
	_ =	sdelay $0x2  }
0x8da: {  	v18 =	vld.idx.msk [tilespmem:v56+s0+$0x0], $0xffff  }
0x8db: {  	v59 =	vadd.s32 v1, v14;
	v20 =	vld.idx.msk [tilespmem:v58+s0+$0x0], $0xffff  }
0x8dc: {  	v61 =	vadd.s32 v1, v13;
	v19 =	vld.idx.msk [tilespmem:v57+s0+$0x0], $0xffff  }
0x8dd: {  	v60 =	vadd.s32 v1, v12;
	_ =	sdelay $0x1  }
0x8de: {  	v24 =	vadd.s32 v2, v9;
	[tilespmem:s28+$0x10A60] =	vst v18  }
0x8df: {  	v18 =	vld.idx.msk [tilespmem:v59+s0+$0x0], $0xffff;
	[tilespmem:s15+$0x10A60] =	vst v20  }
0x8e0: {  	v62 =	vadd.s32 v2, v14;
	v28 =	vld.idx.msk [tilespmem:v61+s0+$0x0], $0xffff;
	[tilespmem:s31+$0x10A60] =	vst v19  }
0x8e1: {  	v30 =	vadd.s32 v2, v13;
	v63 =	vld.idx.msk [tilespmem:v60+s0+$0x0], $0xffff  }
0x8e2: {  	[tilespmem:s16+$0x10AE0] =	vst v17;
	v29 =	vadd.s32 v2, v12  }
0x8e3: {  	v31 =	vld.idx.msk [tilespmem:v24+s0+$0x0], $0xffff  }
0x8e4: {  	v32 =	vadd.s32 v3, v9;
	[tilespmem:s28+$0x10AE0] =	vst v18  }
0x8e5: {  	v18 =	vld.idx.msk [tilespmem:v62+s0+$0x0], $0xffff;
	[tilespmem:s15+$0x10AE0] =	vst v28  }
0x8e6: {  	v33 =	vadd.s32 v3, v14;
	v17 =	vld.idx.msk [tilespmem:v30+s0+$0x0], $0xffff;
	[tilespmem:s31+$0x10AE0] =	vst v63  }
0x8e7: {  	v35 =	vadd.s32 v3, v13;
	v20 =	vld.idx.msk [tilespmem:v29+s0+$0x0], $0xffff  }
0x8e8: {  	[tilespmem:s16+$0x10B60] =	vst v31;
	v34 =	vadd.s32 v3, v12  }
0x8e9: {  	v23 =	vld.idx.msk [tilespmem:v32+s0+$0x0], $0xffff  }
0x8ea: {  	v36 =	vadd.s32 v4, v9;
	[tilespmem:s28+$0x10B60] =	vst v18  }
0x8eb: {  	v18 =	vld.idx.msk [tilespmem:v33+s0+$0x0], $0xffff;
	[tilespmem:s15+$0x10B60] =	vst v17  }
0x8ec: {  	v37 =	vadd.s32 v4, v14;
	v39 =	vld.idx.msk [tilespmem:v35+s0+$0x0], $0xffff;
	[tilespmem:s31+$0x10B60] =	vst v20  }
0x8ed: {  	v41 =	vadd.s32 v4, v13;
	v38 =	vld.idx.msk [tilespmem:v34+s0+$0x0], $0xffff  }
0x8ee: {  	[tilespmem:s16+$0x10BE0] =	vst v23;
	v40 =	vadd.s32 v4, v12  }
0x8ef: {  	v23 =	vld.idx.msk [tilespmem:v36+s0+$0x0], $0xffff  }
0x8f0: {  	v42 =	vadd.s32 v5, v9;
	[tilespmem:s28+$0x10BE0] =	vst v18  }
0x8f1: {  	v17 =	vld.idx.msk [tilespmem:v37+s0+$0x0], $0xffff;
	[tilespmem:s15+$0x10BE0] =	vst v39  }
0x8f2: {  	v43 =	vadd.s32 v5, v14;
	v20 =	vld.idx.msk [tilespmem:v41+s0+$0x0], $0xffff;
	[tilespmem:s31+$0x10BE0] =	vst v38  }
0x8f3: {  	v45 =	vadd.s32 v5, v13;
	v19 =	vld.idx.msk [tilespmem:v40+s0+$0x0], $0xffff  }
0x8f4: {  	[tilespmem:s16+$0x10C60] =	vst v23;
	v44 =	vadd.s32 v5, v12  }
0x8f5: {  	v24 =	vld.idx.msk [tilespmem:v42+s0+$0x0], $0xffff;
	v46 =	vadd.s32 v6, v10  }
0x8f6: {  	v16 =	vld.idx.msk [tilespmem:v16+s0+$0x0], $0xffff;
	v47 =	vadd.s32 v6, v9;
	[tilespmem:s28+$0x10C60] =	vst v17  }
0x8f7: {  	v48 =	vadd.s32 v6, v8;
	v18 =	vld.idx.msk [tilespmem:v43+s0+$0x0], $0xffff;
	[tilespmem:s15+$0x10C60] =	vst v20  }
0x8f8: {  	v49 =	vadd.s32 v6, v14;
	v50 =	vld.idx.msk [tilespmem:v45+s0+$0x0], $0xffff;
	[tilespmem:s31+$0x10C60] =	vst v19  }
0x8f9: {  	[tilespmem:s3+$0x10CE0] =	vst v15;
	v52 =	vadd.s32 v6, v13;
	v21 =	vld.idx.msk [tilespmem:v44+s0+$0x0], $0xffff  }
0x8fa: {  	[tilespmem:s16+$0x10CE0] =	vst v24;
	v23 =	vld.idx.msk [tilespmem:v46+s0+$0x0], $0xffff;
	v51 =	vadd.s32 v6, v12  }
0x8fb: {  	[tilespmem:s11+$0x10CE0] =	vst v16;
	v53 =	vadd.s32 v7, v10;
	v54 =	vld.idx.msk [tilespmem:v47+s0+$0x0], $0xffff  }
0x8fc: {  	v55 =	vadd.s32 v7, v9;
	v56 =	vld.idx.msk [tilespmem:v48+s0+$0x0], $0xffff;
	[tilespmem:s28+$0x10CE0] =	vst v18  }
0x8fd: {  	v8 =	vadd.s32 v7, v8;
	v18 =	vld.idx.msk [tilespmem:v49+s0+$0x0], $0xffff;
	[tilespmem:s15+$0x10CE0] =	vst v50  }
0x8fe: {  	v14 =	vadd.s32 v7, v14;
	v58 =	vld.idx.msk [tilespmem:v52+s0+$0x0], $0xffff;
	[tilespmem:s31+$0x10CE0] =	vst v21  }
0x8ff: {  	[tilespmem:s3+$0x10D60] =	vst v23;
	v13 =	vadd.s32 v7, v13;
	v57 =	vld.idx.msk [tilespmem:v51+s0+$0x0], $0xffff  }
0x900: {  	v10 =	vld.idx.msk [tilespmem:v53+s0+$0x0], $0xffff;
	[tilespmem:s16+$0x10D60] =	vst v54;
	v12 =	vadd.s32 v7, v12  }
0x901: {  	v9 =	vld.idx.msk [tilespmem:v55+s0+$0x0], $0xffff;
	[tilespmem:s11+$0x10D60] =	vst v56  }
0x902: {  	v8 =	vld.idx.msk [tilespmem:v8+s0+$0x0], $0xffff;
	[tilespmem:s28+$0x10D60] =	vst v18  }
0x903: {  	v14 =	vld.idx.msk [tilespmem:v14+s0+$0x0], $0xffff;
	[tilespmem:s15+$0x10D60] =	vst v58  }
0x904: {  	v59 =	vld.idx.msk [tilespmem:v13+s0+$0x0], $0xffff;
	[tilespmem:s31+$0x10D60] =	vst v57  }
0x905: {  	[tilespmem:s3+$0x10DE0] =	vst v10;
	v12 =	vld.idx.msk [tilespmem:v12+s0+$0x0], $0xffff  }
0x906: {  	[tilespmem:s16+$0x10DE0] =	vst v9;
	v13 =	vld [tilespmem:s12+$0x9270]  }
0x907: {  	v15 =	vld [tilespmem:s26+$0x9270];
	[tilespmem:s11+$0x10DE0] =	vst v8  }
0x908: {  	v16 =	vld [tilespmem:s6+$0x9270];
	[tilespmem:s28+$0x10DE0] =	vst v14  }
0x909: {  	v14 =	vld [tilespmem:s17+$0x9270];
	[tilespmem:s15+$0x10DE0] =	vst v59  }
0x90a: {  	v9 =	vld [tilespmem:s10+$0x9270];
	[tilespmem:s31+$0x10DE0] =	vst v12  }
0x90b: {  	v60 =	vadd.s32 v0, v13;
	v8 =	vld [tilespmem:s18+$0x9270]  }
0x90c: {  	v61 =	vadd.s32 v0, v15  }
0x90d: {  	v62 =	vadd.s32 v0, v16  }
0x90e: {  	v63 =	vadd.s32 v0, v14  }
0x90f: {  	v25 =	vadd.s32 v0, v9  }
0x910: {  	v10 =	vld.idx.msk [tilespmem:v60+s0+$0x0], $0xffff;
	v24 =	vadd.s32 v0, v8  }
0x911: {  	v26 =	vadd.s32 v1, v13;
	v12 =	vld.idx.msk [tilespmem:v61+s0+$0x0], $0xffff  }
0x912: {  	v27 =	vadd.s32 v1, v15;
	v17 =	vld.idx.msk [tilespmem:v62+s0+$0x0], $0xffff  }
0x913: {  	v28 =	vadd.s32 v1, v16;
	v18 =	vld.idx.msk [tilespmem:v63+s0+$0x0], $0xffff  }
0x914: {  	[tilespmem:s2+$0x10DF0] =	vst v11;
	v29 =	vadd.s32 v1, v14;
	v20 =	vld.idx.msk [tilespmem:v25+s0+$0x0], $0xffff  }
0x915: {  	v31 =	vadd.s32 v1, v9;
	[tilespmem:s3+$0x10A70] =	vst v10;
	v19 =	vld.idx.msk [tilespmem:v24+s0+$0x0], $0xffff  }
0x916: {  	v21 =	vld.idx.msk [tilespmem:v26+s0+$0x0], $0xffff;
	[tilespmem:s16+$0x10A70] =	vst v12;
	v30 =	vadd.s32 v1, v8  }
0x917: {  	[tilespmem:s11+$0x10A70] =	vst v17;
	v32 =	vadd.s32 v2, v13;
	v22 =	vld.idx.msk [tilespmem:v27+s0+$0x0], $0xffff  }
0x918: {  	v33 =	vadd.s32 v2, v15;
	v23 =	vld.idx.msk [tilespmem:v28+s0+$0x0], $0xffff;
	[tilespmem:s28+$0x10A70] =	vst v18  }
0x919: {  	v34 =	vadd.s32 v2, v16;
	v11 =	vld.idx.msk [tilespmem:v29+s0+$0x0], $0xffff;
	[tilespmem:s15+$0x10A70] =	vst v20  }
0x91a: {  	v35 =	vadd.s32 v2, v14;
	v12 =	vld.idx.msk [tilespmem:v31+s0+$0x0], $0xffff;
	[tilespmem:s31+$0x10A70] =	vst v19  }
0x91b: {  	v37 =	vadd.s32 v2, v9;
	[tilespmem:s3+$0x10AF0] =	vst v21;
	v10 =	vld.idx.msk [tilespmem:v30+s0+$0x0], $0xffff  }
0x91c: {  	v36 =	vadd.s32 v2, v8;
	v17 =	vld.idx.msk [tilespmem:v32+s0+$0x0], $0xffff;
	[tilespmem:s16+$0x10AF0] =	vst v22  }
0x91d: {  	[tilespmem:s11+$0x10AF0] =	vst v23;
	v38 =	vadd.s32 v3, v13;
	v18 =	vld.idx.msk [tilespmem:v33+s0+$0x0], $0xffff  }
0x91e: {  	v39 =	vadd.s32 v3, v15;
	[tilespmem:s28+$0x10AF0] =	vst v11;
	v19 =	vld.idx.msk [tilespmem:v34+s0+$0x0], $0xffff  }
0x91f: {  	v40 =	vadd.s32 v3, v16;
	v20 =	vld.idx.msk [tilespmem:v35+s0+$0x0], $0xffff;
	[tilespmem:s15+$0x10AF0] =	vst v12  }
0x920: {  	v41 =	vadd.s32 v3, v14;
	v22 =	vld.idx.msk [tilespmem:v37+s0+$0x0], $0xffff;
	[tilespmem:s31+$0x10AF0] =	vst v10  }
0x921: {  	v43 =	vadd.s32 v3, v9;
	[tilespmem:s3+$0x10B70] =	vst v17;
	v21 =	vld.idx.msk [tilespmem:v36+s0+$0x0], $0xffff  }
0x922: {  	v42 =	vadd.s32 v3, v8;
	v23 =	vld.idx.msk [tilespmem:v38+s0+$0x0], $0xffff;
	[tilespmem:s16+$0x10B70] =	vst v18  }
0x923: {  	v44 =	vadd.s32 v4, v13;
	v11 =	vld.idx.msk [tilespmem:v39+s0+$0x0], $0xffff;
	[tilespmem:s11+$0x10B70] =	vst v19  }
0x924: {  	v45 =	vadd.s32 v4, v15;
	[tilespmem:s28+$0x10B70] =	vst v20;
	v10 =	vld.idx.msk [tilespmem:v40+s0+$0x0], $0xffff  }
0x925: {  	v46 =	vadd.s32 v4, v16;
	v12 =	vld.idx.msk [tilespmem:v41+s0+$0x0], $0xffff;
	[tilespmem:s15+$0x10B70] =	vst v22  }
0x926: {  	v47 =	vadd.s32 v4, v14;
	v18 =	vld.idx.msk [tilespmem:v43+s0+$0x0], $0xffff;
	[tilespmem:s31+$0x10B70] =	vst v21  }
0x927: {  	v49 =	vadd.s32 v4, v9;
	[tilespmem:s3+$0x10BF0] =	vst v23;
	v17 =	vld.idx.msk [tilespmem:v42+s0+$0x0], $0xffff  }
0x928: {  	v48 =	vadd.s32 v4, v8;
	v19 =	vld.idx.msk [tilespmem:v44+s0+$0x0], $0xffff;
	[tilespmem:s16+$0x10BF0] =	vst v11  }
0x929: {  	v50 =	vadd.s32 v5, v13;
	v20 =	vld.idx.msk [tilespmem:v45+s0+$0x0], $0xffff;
	[tilespmem:s11+$0x10BF0] =	vst v10  }
0x92a: {  	v51 =	vadd.s32 v5, v15;
	[tilespmem:s28+$0x10BF0] =	vst v12;
	v21 =	vld.idx.msk [tilespmem:v46+s0+$0x0], $0xffff  }
0x92b: {  	v52 =	vadd.s32 v5, v16;
	v22 =	vld.idx.msk [tilespmem:v47+s0+$0x0], $0xffff;
	[tilespmem:s15+$0x10BF0] =	vst v18  }
0x92c: {  	v53 =	vadd.s32 v5, v14;
	v11 =	vld.idx.msk [tilespmem:v49+s0+$0x0], $0xffff;
	[tilespmem:s31+$0x10BF0] =	vst v17  }
0x92d: {  	v55 =	vadd.s32 v5, v9;
	[tilespmem:s3+$0x10C70] =	vst v19;
	v23 =	vld.idx.msk [tilespmem:v48+s0+$0x0], $0xffff  }
0x92e: {  	v54 =	vadd.s32 v5, v8;
	v10 =	vld.idx.msk [tilespmem:v50+s0+$0x0], $0xffff;
	[tilespmem:s16+$0x10C70] =	vst v20  }
0x92f: {  	v56 =	vadd.s32 v6, v13;
	v12 =	vld.idx.msk [tilespmem:v51+s0+$0x0], $0xffff;
	[tilespmem:s11+$0x10C70] =	vst v21  }
0x930: {  	v57 =	vadd.s32 v6, v15;
	[tilespmem:s28+$0x10C70] =	vst v22;
	v17 =	vld.idx.msk [tilespmem:v52+s0+$0x0], $0xffff  }
0x931: {  	v58 =	vadd.s32 v6, v16;
	v18 =	vld.idx.msk [tilespmem:v53+s0+$0x0], $0xffff;
	[tilespmem:s15+$0x10C70] =	vst v11  }
0x932: {  	v59 =	vadd.s32 v6, v14;
	v20 =	vld.idx.msk [tilespmem:v55+s0+$0x0], $0xffff;
	[tilespmem:s31+$0x10C70] =	vst v23  }
0x933: {  	v61 =	vadd.s32 v6, v9;
	[tilespmem:s3+$0x10CF0] =	vst v10;
	v19 =	vld.idx.msk [tilespmem:v54+s0+$0x0], $0xffff  }
0x934: {  	v60 =	vadd.s32 v6, v8;
	v21 =	vld.idx.msk [tilespmem:v56+s0+$0x0], $0xffff;
	[tilespmem:s16+$0x10CF0] =	vst v12  }
0x935: {  	v13 =	vadd.s32 v7, v13;
	v62 =	vld.idx.msk [tilespmem:v57+s0+$0x0], $0xffff;
	[tilespmem:s11+$0x10CF0] =	vst v17  }
0x936: {  	v15 =	vadd.s32 v7, v15;
	[tilespmem:s28+$0x10CF0] =	vst v18;
	v63 =	vld.idx.msk [tilespmem:v58+s0+$0x0], $0xffff  }
0x937: {  	v16 =	vadd.s32 v7, v16;
	v11 =	vld.idx.msk [tilespmem:v59+s0+$0x0], $0xffff;
	[tilespmem:s15+$0x10CF0] =	vst v20  }
0x938: {  	v14 =	vadd.s32 v7, v14;
	v12 =	vld.idx.msk [tilespmem:v61+s0+$0x0], $0xffff;
	[tilespmem:s31+$0x10CF0] =	vst v19  }
0x939: {  	v9 =	vadd.s32 v7, v9;
	[tilespmem:s3+$0x10D70] =	vst v21;
	v10 =	vld.idx.msk [tilespmem:v60+s0+$0x0], $0xffff  }
0x93a: {  	v8 =	vadd.s32 v7, v8;
	v13 =	vld.idx.msk [tilespmem:v13+s0+$0x0], $0xffff;
	[tilespmem:s16+$0x10D70] =	vst v62  }
0x93b: {  	v15 =	vld.idx.msk [tilespmem:v15+s0+$0x0], $0xffff;
	[tilespmem:s11+$0x10D70] =	vst v63  }
0x93c: {  	[tilespmem:s28+$0x10D70] =	vst v11;
	v16 =	vld.idx.msk [tilespmem:v16+s0+$0x0], $0xffff  }
0x93d: {  	v11 =	vld.idx.msk [tilespmem:v14+s0+$0x0], $0xffff;
	[tilespmem:s15+$0x10D70] =	vst v12  }
0x93e: {  	v9 =	vld.idx.msk [tilespmem:v9+s0+$0x0], $0xffff;
	[tilespmem:s31+$0x10D70] =	vst v10  }
0x93f: {  	[tilespmem:s3+$0x10DF0] =	vst v13;
	v8 =	vld.idx.msk [tilespmem:v8+s0+$0x0], $0xffff  }
0x940: {  	[tilespmem:s16+$0x10DF0] =	vst v15  }
0x941: {  	[tilespmem:s11+$0x10DF0] =	vst v16  }
0x942: {  	[tilespmem:s28+$0x10DF0] =	vst v11  }
0x943: {  	[tilespmem:s15+$0x10DF0] =	vst v9  }
0x944: {  	s2 =	simm.s32 $0x9E70;
	[tilespmem:s31+$0x10DF0] =	vst v8  }
.LBB2_13:
0x945: {  	v8 =	vld [tilespmem:s2+$0xFFFFFF90];
	_ =	sdelay $0x4  }
0x946: {  	v9 =	vadd.s32 v0, v8;
	_ =	sdelay $0x4  }
0x947: {  	v9 =	vld.idx.msk [tilespmem:v9+s1+$0x0], $0xffff  }
0x948: {  	v10 =	vadd.s32 v1, v8;
	_ =	sdelay $0x2  }
0x949: {  	s3 =	sshra.s32 s0, $0x2  }
0x94a: {  	[tilespmem:s3+$0x16A00] =	vst v9  }
0x94b: {  	v9 =	vld.idx.msk [tilespmem:v10+s1+$0x0], $0xffff  }
0x94c: {  	v62 =	vadd.s32 v2, v8;
	_ =	sdelay $0x3  }
0x94d: {  	[tilespmem:s3+$0x16A80] =	vst v9  }
0x94e: {  	v9 =	vld.idx.msk [tilespmem:v62+s1+$0x0], $0xffff  }
0x94f: {  	v63 =	vadd.s32 v3, v8;
	_ =	sdelay $0x3  }
0x950: {  	[tilespmem:s3+$0x16B00] =	vst v9  }
0x951: {  	v9 =	vld.idx.msk [tilespmem:v63+s1+$0x0], $0xffff  }
0x952: {  	v12 =	vadd.s32 v4, v8;
	_ =	sdelay $0x3  }
0x953: {  	[tilespmem:s3+$0x16B80] =	vst v9  }
0x954: {  	v9 =	vld.idx.msk [tilespmem:v12+s1+$0x0], $0xffff  }
0x955: {  	v13 =	vadd.s32 v5, v8;
	_ =	sdelay $0x3  }
0x956: {  	[tilespmem:s3+$0x16C00] =	vst v9  }
0x957: {  	v9 =	vld.idx.msk [tilespmem:v13+s1+$0x0], $0xffff  }
0x958: {  	v14 =	vadd.s32 v6, v8;
	_ =	sdelay $0x3  }
0x959: {  	[tilespmem:s3+$0x16C80] =	vst v9  }
0x95a: {  	v9 =	vld.idx.msk [tilespmem:v14+s1+$0x0], $0xffff  }
0x95b: {  	v8 =	vadd.s32 v7, v8;
	_ =	sdelay $0x3  }
0x95c: {  	[tilespmem:s3+$0x16D00] =	vst v9  }
0x95d: {  	v8 =	vld.idx.msk [tilespmem:v8+s1+$0x0], $0xffff;
	_ =	sdelay $0x4  }
0x95e: {  	[tilespmem:s3+$0x16D80] =	vst v8  }
0x95f: {  	v8 =	vld [tilespmem:s2+$0xFFFFFFA0];
	_ =	sdelay $0x4  }
0x960: {  	v15 =	vadd.s32 v0, v8;
	_ =	sdelay $0x4  }
0x961: {  	v9 =	vld.idx.msk [tilespmem:v15+s1+$0x0], $0xffff  }
0x962: {  	v16 =	vadd.s32 v1, v8;
	_ =	sdelay $0x3  }
0x963: {  	[tilespmem:s3+$0x16A10] =	vst v9  }
0x964: {  	v9 =	vld.idx.msk [tilespmem:v16+s1+$0x0], $0xffff  }
0x965: {  	v17 =	vadd.s32 v2, v8;
	_ =	sdelay $0x3  }
0x966: {  	[tilespmem:s3+$0x16A90] =	vst v9  }
0x967: {  	v9 =	vld.idx.msk [tilespmem:v17+s1+$0x0], $0xffff  }
0x968: {  	v18 =	vadd.s32 v3, v8;
	_ =	sdelay $0x3  }
0x969: {  	[tilespmem:s3+$0x16B10] =	vst v9  }
0x96a: {  	v9 =	vld.idx.msk [tilespmem:v18+s1+$0x0], $0xffff  }
0x96b: {  	v19 =	vadd.s32 v4, v8;
	_ =	sdelay $0x3  }
0x96c: {  	[tilespmem:s3+$0x16B90] =	vst v9  }
0x96d: {  	v9 =	vld.idx.msk [tilespmem:v19+s1+$0x0], $0xffff  }
0x96e: {  	v20 =	vadd.s32 v5, v8;
	_ =	sdelay $0x3  }
0x96f: {  	[tilespmem:s3+$0x16C10] =	vst v9  }
0x970: {  	v9 =	vld.idx.msk [tilespmem:v20+s1+$0x0], $0xffff  }
0x971: {  	v21 =	vadd.s32 v6, v8;
	_ =	sdelay $0x3  }
0x972: {  	[tilespmem:s3+$0x16C90] =	vst v9  }
0x973: {  	v9 =	vld.idx.msk [tilespmem:v21+s1+$0x0], $0xffff  }
0x974: {  	v8 =	vadd.s32 v7, v8;
	_ =	sdelay $0x3  }
0x975: {  	[tilespmem:s3+$0x16D10] =	vst v9  }
0x976: {  	v8 =	vld.idx.msk [tilespmem:v8+s1+$0x0], $0xffff;
	_ =	sdelay $0x4  }
0x977: {  	[tilespmem:s3+$0x16D90] =	vst v8  }
0x978: {  	v8 =	vld [tilespmem:s2+$0xFFFFFFB0];
	_ =	sdelay $0x4  }
0x979: {  	v22 =	vadd.s32 v0, v8;
	_ =	sdelay $0x4  }
0x97a: {  	v9 =	vld.idx.msk [tilespmem:v22+s1+$0x0], $0xffff  }
0x97b: {  	v23 =	vadd.s32 v1, v8;
	_ =	sdelay $0x3  }
0x97c: {  	[tilespmem:s3+$0x16A20] =	vst v9  }
0x97d: {  	v9 =	vld.idx.msk [tilespmem:v23+s1+$0x0], $0xffff  }
0x97e: {  	v24 =	vadd.s32 v2, v8;
	_ =	sdelay $0x3  }
0x97f: {  	[tilespmem:s3+$0x16AA0] =	vst v9  }
0x980: {  	v9 =	vld.idx.msk [tilespmem:v24+s1+$0x0], $0xffff  }
0x981: {  	v25 =	vadd.s32 v3, v8;
	_ =	sdelay $0x3  }
0x982: {  	[tilespmem:s3+$0x16B20] =	vst v9  }
0x983: {  	v9 =	vld.idx.msk [tilespmem:v25+s1+$0x0], $0xffff  }
0x984: {  	v26 =	vadd.s32 v4, v8;
	_ =	sdelay $0x3  }
0x985: {  	[tilespmem:s3+$0x16BA0] =	vst v9  }
0x986: {  	v9 =	vld.idx.msk [tilespmem:v26+s1+$0x0], $0xffff  }
0x987: {  	v27 =	vadd.s32 v5, v8;
	_ =	sdelay $0x3  }
0x988: {  	[tilespmem:s3+$0x16C20] =	vst v9  }
0x989: {  	v9 =	vld.idx.msk [tilespmem:v27+s1+$0x0], $0xffff  }
0x98a: {  	v28 =	vadd.s32 v6, v8;
	_ =	sdelay $0x3  }
0x98b: {  	[tilespmem:s3+$0x16CA0] =	vst v9  }
0x98c: {  	v9 =	vld.idx.msk [tilespmem:v28+s1+$0x0], $0xffff  }
0x98d: {  	v8 =	vadd.s32 v7, v8;
	_ =	sdelay $0x3  }
0x98e: {  	[tilespmem:s3+$0x16D20] =	vst v9  }
0x98f: {  	v8 =	vld.idx.msk [tilespmem:v8+s1+$0x0], $0xffff;
	_ =	sdelay $0x4  }
0x990: {  	[tilespmem:s3+$0x16DA0] =	vst v8  }
0x991: {  	v8 =	vld [tilespmem:s2+$0xFFFFFFC0];
	_ =	sdelay $0x4  }
0x992: {  	v29 =	vadd.s32 v0, v8;
	_ =	sdelay $0x4  }
0x993: {  	v9 =	vld.idx.msk [tilespmem:v29+s1+$0x0], $0xffff  }
0x994: {  	v30 =	vadd.s32 v1, v8;
	_ =	sdelay $0x3  }
0x995: {  	[tilespmem:s3+$0x16A30] =	vst v9  }
0x996: {  	v9 =	vld.idx.msk [tilespmem:v30+s1+$0x0], $0xffff  }
0x997: {  	v31 =	vadd.s32 v2, v8;
	_ =	sdelay $0x3  }
0x998: {  	[tilespmem:s3+$0x16AB0] =	vst v9  }
0x999: {  	v9 =	vld.idx.msk [tilespmem:v31+s1+$0x0], $0xffff  }
0x99a: {  	v32 =	vadd.s32 v3, v8;
	_ =	sdelay $0x3  }
0x99b: {  	[tilespmem:s3+$0x16B30] =	vst v9  }
0x99c: {  	v9 =	vld.idx.msk [tilespmem:v32+s1+$0x0], $0xffff  }
0x99d: {  	v33 =	vadd.s32 v4, v8;
	_ =	sdelay $0x3  }
0x99e: {  	[tilespmem:s3+$0x16BB0] =	vst v9  }
0x99f: {  	v9 =	vld.idx.msk [tilespmem:v33+s1+$0x0], $0xffff  }
0x9a0: {  	v34 =	vadd.s32 v5, v8;
	_ =	sdelay $0x3  }
0x9a1: {  	[tilespmem:s3+$0x16C30] =	vst v9  }
0x9a2: {  	v9 =	vld.idx.msk [tilespmem:v34+s1+$0x0], $0xffff  }
0x9a3: {  	v35 =	vadd.s32 v6, v8;
	_ =	sdelay $0x3  }
0x9a4: {  	[tilespmem:s3+$0x16CB0] =	vst v9  }
0x9a5: {  	v9 =	vld.idx.msk [tilespmem:v35+s1+$0x0], $0xffff  }
0x9a6: {  	v8 =	vadd.s32 v7, v8;
	_ =	sdelay $0x3  }
0x9a7: {  	[tilespmem:s3+$0x16D30] =	vst v9  }
0x9a8: {  	v8 =	vld.idx.msk [tilespmem:v8+s1+$0x0], $0xffff;
	_ =	sdelay $0x4  }
0x9a9: {  	[tilespmem:s3+$0x16DB0] =	vst v8  }
0x9aa: {  	v8 =	vld [tilespmem:s2+$0xFFFFFFD0];
	_ =	sdelay $0x4  }
0x9ab: {  	v36 =	vadd.s32 v0, v8;
	_ =	sdelay $0x4  }
0x9ac: {  	v9 =	vld.idx.msk [tilespmem:v36+s1+$0x0], $0xffff  }
0x9ad: {  	v37 =	vadd.s32 v1, v8;
	_ =	sdelay $0x3  }
0x9ae: {  	[tilespmem:s3+$0x16A40] =	vst v9  }
0x9af: {  	v9 =	vld.idx.msk [tilespmem:v37+s1+$0x0], $0xffff  }
0x9b0: {  	v38 =	vadd.s32 v2, v8;
	_ =	sdelay $0x3  }
0x9b1: {  	[tilespmem:s3+$0x16AC0] =	vst v9  }
0x9b2: {  	v9 =	vld.idx.msk [tilespmem:v38+s1+$0x0], $0xffff  }
0x9b3: {  	v39 =	vadd.s32 v3, v8;
	_ =	sdelay $0x3  }
0x9b4: {  	[tilespmem:s3+$0x16B40] =	vst v9  }
0x9b5: {  	v9 =	vld.idx.msk [tilespmem:v39+s1+$0x0], $0xffff  }
0x9b6: {  	v40 =	vadd.s32 v4, v8;
	_ =	sdelay $0x3  }
0x9b7: {  	[tilespmem:s3+$0x16BC0] =	vst v9  }
0x9b8: {  	v9 =	vld.idx.msk [tilespmem:v40+s1+$0x0], $0xffff  }
0x9b9: {  	v41 =	vadd.s32 v5, v8;
	_ =	sdelay $0x3  }
0x9ba: {  	[tilespmem:s3+$0x16C40] =	vst v9  }
0x9bb: {  	v9 =	vld.idx.msk [tilespmem:v41+s1+$0x0], $0xffff  }
0x9bc: {  	v42 =	vadd.s32 v6, v8;
	_ =	sdelay $0x3  }
0x9bd: {  	[tilespmem:s3+$0x16CC0] =	vst v9  }
0x9be: {  	v9 =	vld.idx.msk [tilespmem:v42+s1+$0x0], $0xffff  }
0x9bf: {  	v8 =	vadd.s32 v7, v8;
	_ =	sdelay $0x3  }
0x9c0: {  	[tilespmem:s3+$0x16D40] =	vst v9  }
0x9c1: {  	v8 =	vld.idx.msk [tilespmem:v8+s1+$0x0], $0xffff;
	_ =	sdelay $0x4  }
0x9c2: {  	[tilespmem:s3+$0x16DC0] =	vst v8  }
0x9c3: {  	v8 =	vld [tilespmem:s2+$0xFFFFFFE0];
	_ =	sdelay $0x4  }
0x9c4: {  	v43 =	vadd.s32 v0, v8;
	_ =	sdelay $0x4  }
0x9c5: {  	v9 =	vld.idx.msk [tilespmem:v43+s1+$0x0], $0xffff  }
0x9c6: {  	v44 =	vadd.s32 v1, v8;
	_ =	sdelay $0x3  }
0x9c7: {  	[tilespmem:s3+$0x16A50] =	vst v9  }
0x9c8: {  	v9 =	vld.idx.msk [tilespmem:v44+s1+$0x0], $0xffff  }
0x9c9: {  	v45 =	vadd.s32 v2, v8;
	_ =	sdelay $0x3  }
0x9ca: {  	[tilespmem:s3+$0x16AD0] =	vst v9  }
0x9cb: {  	v9 =	vld.idx.msk [tilespmem:v45+s1+$0x0], $0xffff  }
0x9cc: {  	v46 =	vadd.s32 v3, v8;
	_ =	sdelay $0x3  }
0x9cd: {  	[tilespmem:s3+$0x16B50] =	vst v9  }
0x9ce: {  	v9 =	vld.idx.msk [tilespmem:v46+s1+$0x0], $0xffff  }
0x9cf: {  	v47 =	vadd.s32 v4, v8;
	_ =	sdelay $0x3  }
0x9d0: {  	[tilespmem:s3+$0x16BD0] =	vst v9  }
0x9d1: {  	v9 =	vld.idx.msk [tilespmem:v47+s1+$0x0], $0xffff  }
0x9d2: {  	v48 =	vadd.s32 v5, v8;
	_ =	sdelay $0x3  }
0x9d3: {  	[tilespmem:s3+$0x16C50] =	vst v9  }
0x9d4: {  	v9 =	vld.idx.msk [tilespmem:v48+s1+$0x0], $0xffff  }
0x9d5: {  	v49 =	vadd.s32 v6, v8;
	_ =	sdelay $0x3  }
0x9d6: {  	[tilespmem:s3+$0x16CD0] =	vst v9  }
0x9d7: {  	v9 =	vld.idx.msk [tilespmem:v49+s1+$0x0], $0xffff  }
0x9d8: {  	v8 =	vadd.s32 v7, v8;
	_ =	sdelay $0x3  }
0x9d9: {  	[tilespmem:s3+$0x16D50] =	vst v9  }
0x9da: {  	v8 =	vld.idx.msk [tilespmem:v8+s1+$0x0], $0xffff;
	_ =	sdelay $0x4  }
0x9db: {  	[tilespmem:s3+$0x16DD0] =	vst v8  }
0x9dc: {  	v8 =	vld [tilespmem:s2+$0xFFFFFFF0];
	_ =	sdelay $0x4  }
0x9dd: {  	v50 =	vadd.s32 v0, v8;
	_ =	sdelay $0x4  }
0x9de: {  	v9 =	vld.idx.msk [tilespmem:v50+s1+$0x0], $0xffff  }
0x9df: {  	v51 =	vadd.s32 v1, v8;
	_ =	sdelay $0x3  }
0x9e0: {  	[tilespmem:s3+$0x16A60] =	vst v9  }
0x9e1: {  	v9 =	vld.idx.msk [tilespmem:v51+s1+$0x0], $0xffff  }
0x9e2: {  	v52 =	vadd.s32 v2, v8;
	_ =	sdelay $0x3  }
0x9e3: {  	[tilespmem:s3+$0x16AE0] =	vst v9  }
0x9e4: {  	v9 =	vld.idx.msk [tilespmem:v52+s1+$0x0], $0xffff  }
0x9e5: {  	v53 =	vadd.s32 v3, v8;
	_ =	sdelay $0x3  }
0x9e6: {  	[tilespmem:s3+$0x16B60] =	vst v9  }
0x9e7: {  	v9 =	vld.idx.msk [tilespmem:v53+s1+$0x0], $0xffff  }
0x9e8: {  	v54 =	vadd.s32 v4, v8;
	_ =	sdelay $0x3  }
0x9e9: {  	[tilespmem:s3+$0x16BE0] =	vst v9  }
0x9ea: {  	v9 =	vld.idx.msk [tilespmem:v54+s1+$0x0], $0xffff  }
0x9eb: {  	v55 =	vadd.s32 v5, v8;
	_ =	sdelay $0x3  }
0x9ec: {  	[tilespmem:s3+$0x16C60] =	vst v9  }
0x9ed: {  	v9 =	vld.idx.msk [tilespmem:v55+s1+$0x0], $0xffff  }
0x9ee: {  	v56 =	vadd.s32 v6, v8;
	_ =	sdelay $0x3  }
0x9ef: {  	[tilespmem:s3+$0x16CE0] =	vst v9  }
0x9f0: {  	v9 =	vld.idx.msk [tilespmem:v56+s1+$0x0], $0xffff  }
0x9f1: {  	v8 =	vadd.s32 v7, v8;
	_ =	sdelay $0x3  }
0x9f2: {  	[tilespmem:s3+$0x16D60] =	vst v9  }
0x9f3: {  	v8 =	vld.idx.msk [tilespmem:v8+s1+$0x0], $0xffff;
	_ =	sdelay $0x4  }
0x9f4: {  	[tilespmem:s3+$0x16DE0] =	vst v8  }
0x9f5: {  	v8 =	vld [tilespmem:s2+$0x0];
	_ =	sdelay $0x4  }
0x9f6: {  	v57 =	vadd.s32 v0, v8;
	_ =	sdelay $0x4  }
0x9f7: {  	v9 =	vld.idx.msk [tilespmem:v57+s1+$0x0], $0xffff  }
0x9f8: {  	v58 =	vadd.s32 v1, v8;
	_ =	sdelay $0x3  }
0x9f9: {  	[tilespmem:s3+$0x16A70] =	vst v9  }
0x9fa: {  	v9 =	vld.idx.msk [tilespmem:v58+s1+$0x0], $0xffff  }
0x9fb: {  	v59 =	vadd.s32 v2, v8;
	_ =	sdelay $0x3  }
0x9fc: {  	[tilespmem:s3+$0x16AF0] =	vst v9  }
0x9fd: {  	v9 =	vld.idx.msk [tilespmem:v59+s1+$0x0], $0xffff  }
0x9fe: {  	v60 =	vadd.s32 v3, v8;
	_ =	sdelay $0x3  }
0x9ff: {  	[tilespmem:s3+$0x16B70] =	vst v9  }
0xa00: {  	v9 =	vld.idx.msk [tilespmem:v60+s1+$0x0], $0xffff  }
0xa01: {  	v61 =	vadd.s32 v4, v8;
	_ =	sdelay $0x3  }
0xa02: {  	[tilespmem:s3+$0x16BF0] =	vst v9  }
0xa03: {  	v9 =	vld.idx.msk [tilespmem:v61+s1+$0x0], $0xffff  }
0xa04: {  	v62 =	vadd.s32 v5, v8;
	_ =	sdelay $0x3  }
0xa05: {  	[tilespmem:s3+$0x16C70] =	vst v9  }
0xa06: {  	v9 =	vld.idx.msk [tilespmem:v62+s1+$0x0], $0xffff  }
0xa07: {  	v63 =	vadd.s32 v6, v8;
	_ =	sdelay $0x3  }
0xa08: {  	[tilespmem:s3+$0x16CF0] =	vst v9  }
0xa09: {  	v9 =	vld.idx.msk [tilespmem:v63+s1+$0x0], $0xffff  }
0xa0a: {  	v8 =	vadd.s32 v7, v8;
	_ =	sdelay $0x3  }
0xa0b: {  	[tilespmem:s3+$0x16D70] =	vst v9  }
0xa0c: {  	p0 =	sne.s32 s0, $0x1000;
	v8 =	vld.idx.msk [tilespmem:v8+s1+$0x0], $0xffff  }
.Ltmp6:
0xa0d: {  	_ = 	snop;
	(pc) =	sbr.rel @p0 .LBB2_13-.Ltmp6, $2  }
0xa0e: {  	_ =	sdelay $0x2  }
0xa0f: {  	s0 =	sadd.s32 $0x1000, s0;
	s2 =	sadd.s32 $0x80, s2;
	[tilespmem:s3+$0x16DF0] =	vst v8  }
0xa10: {  	s29 =	sadd.s32 $0x1, s29  }
0xa11: {  	p0 =	sne.s32 s29, $0x10  }
.Ltmp7:
0xa12: {  	_ = 	snop;
	(pc) =	sbr.rel @p0 .LBB2_2-.Ltmp7, $4  }
0xa13: {  	_ = 	snop  }
0xa14: {  	s0 =	sor.u32 s30, s21  }
0xa15: {  	s2 =	simm.s32 $0x100000;
	s3 =	simm.s32 $0x10A00;
	s0 =	sadd.s32 s0, s9  }
0xa16: {  	[hbm4b:s0+s13] =	stream.strided.scatter [tilespmem:s3], [sflag:$0x4], $0x6800, s2, s13, $0x38;
	[tilespmem:$0x17200] =	vst v63  }
0xa17: {  	s0 =	simm.s32 $0x3  }
0xa18: {  	_ =	swait.ge [sflag:s0], $0x6800  }
0xa19: {  	[sflag:s0] =	ssyncset.done $0x0  }
0xa1a: {  	[sflag:s0] =	ssyncadd.s32 $0xFFFF9800  }
0xa1b: {  	_ =	swait.ge [sflag:s24], $0x6800  }
0xa1c: {  	s2 =	rddreg [dreg:$0xb]  }
0xa1d: {  	s31 =	rddreg [dreg:$0x9];
	s2 =	sadd.s32 $0x1, s2  }
0xa1e: {  	p0 =	sne.s32 s2, s31  }
.Ltmp8:
0xa1f: {  	_ = 	snop;
	(pc) =	sbr.rel @p0 .LBB2_1-.Ltmp8, $3  }
0xa20: {  	_ =	sdelay $0x1  }
0xa21: {  	[sflag:s24] =	ssyncset.done $0x0  }
0xa22: {  	[sflag:s24] =	ssyncadd.s32 $0xFFFF9800  }
0xa23: {  	_ =	sfence.sel $0x180000  }
0xa24: {  	[bflag:$0x0] =	sbarrier.arrive $0xFFFF  }
0xa25: {  	_ =	strace $0x90000047  }
0xa26: {  	s0 =	stileid.u32;
	[bflag:$0x2] =	sbarrier.arrive $0xFFFF  }
0xa27: {  	p0 =	sne.s32 s0, $0x0;
	s0 =	rddreg [dreg:$0x2]  }
0xa28: {  	s0 =	sadd.s32 @!p0 $0x100000, s0  }
0xa29: {  	[sflag:s0] =	ssyncadd.tile.s32 @!p0 $0x1;
	_ =	shalt  }
.Lfunc_end2:
_tile_overlayer_lowered:
.L_overlay_start_2:
0xa2a: {  	(tag) =	ssettag $0x2  }
0xa2b: {  	s0 =	rddreg [dreg:$0x0];
	s2 =	stileid.u32  }
0xa2c: {  	s1 =	rddreg [dreg:$0x1];
	p0 =	sne.s32 s2, $0x0  }
0xa2d: {  	s3 =	rddreg [dreg:$0x2];
	[bflag:$0x3] =	sbarrier.arrive $0xFFFF;
	s2 =	simm.s32 @!p0 $0x1C06  }
0xa2e: {  	[timem:s3], [sflag:s2] =	dma.local @!p0 [hbm:s0], s1  }
0xa2f: {  	s0 =	simm.s32 @!p0 $0x6  }
0xa30: {  	_ =	swait.ge @!p0 [sflag:s0], s1  }
0xa31: {  	s1 =	ssub.s32 @!p0 $0x0, s1;
	[sflag:s0] =	ssyncset.done @!p0 $0x0  }
0xa32: {  	[sflag:s0] =	ssyncadd.s32 @!p0 s1  }
0xa33: {  	[bflag:$0x3] =	sbarrier.arrive $0xFFFF  }
0xa34: {  	_ =	shalt  }

</sc_bundles>
